<compile_context>
chip_gen: v7x
topology: tpu7x:2x2x1
jax: 0.10.2.dev20260603
libtpu: 0.0.44.dev20260713+nightly
codegen_flags: <defaults>
</compile_context>

<pallas_src>
import functools

import jax
import jax.numpy as jnp
from jax import lax
from jax.experimental import pallas as pl
from jax.experimental.pallas import tpu as pltpu
from jax.experimental.pallas import tpu_sc as plsc

_K = 16
_HI = jax.lax.Precision.HIGHEST

_NC = 2
_NS = 16
_L = 16
_NW = _NC * _NS
_NODES = 8 * 256
_NPW = _NODES // _NW
_IPW = _NPW * _K
_CHUNK_ROWS = 128
_CHUNK_NODES = _CHUNK_ROWS // _K
_NCHUNKS = _NPW // _CHUNK_NODES
_CC = 128 // _L


def _tc_body(x_ref, wnT_ref, wcT_ref, b_ref, yn_ref, yc_ref, idx_ref, w_ref,
             tbl_ref):
    for bb in range(x_ref.shape[0]):
        _tc_batch(x_ref, wnT_ref, wcT_ref, b_ref, yn_ref, yc_ref, idx_ref,
                  w_ref, tbl_ref, bb)


def _tc_batch(x_ref, wnT_ref, wcT_ref, b_ref, yn_ref, yc_ref, idx_ref, w_ref,
              tbl_ref, bb):
    x = x_ref[bb]
    N = x.shape[0]
    G = jax.lax.dot_general(x, x, (((1,), (1,)), ((), ())), precision=_HI)
    sq_col = jnp.sum(x * x, axis=1, keepdims=True)
    ii = jax.lax.broadcasted_iota(jnp.int32, (N, N), 0)
    jj = jax.lax.broadcasted_iota(jnp.int32, (N, N), 1)
    eye = ii == jj
    sq_row = jnp.sum(jnp.where(eye, G, 0.0), axis=0, keepdims=True)

    yn_ref[bb] = jnp.dot(x, wnT_ref[...], precision=_HI)
    yc_ref[bb] = jnp.dot(x, wcT_ref[...], precision=_HI) + b_ref[...]

    neg = 2.0 * G - sq_col - sq_row
    inv_ri = 1.0 / jnp.sqrt(sq_row)
    big = jnp.int32(1 << 30)
    idx_rows = []
    w_rows = []
    for _ in range(_K):
        m = jnp.max(neg, axis=0, keepdims=True)
        ism = neg == m
        jsel = jnp.min(jnp.where(ism, ii, big), axis=0, keepdims=True)
        w_rows.append((m + sq_row) * inv_ri)
        idx_rows.append(jsel)
        neg = jnp.where(ism, -jnp.inf, neg)
    idx_ref[bb] = jnp.concatenate(idx_rows, axis=0)
    w_ref[bb] = jnp.concatenate(w_rows, axis=0)
    zrow = jnp.zeros_like(sq_row)
    tbl_ref[bb] = jnp.concatenate(
        [sq_row, inv_ri, zrow, zrow, zrow, zrow, zrow, zrow], axis=0)


def _sc_body(yn_hbm, yc_hbm, idx_hbm, w_hbm, tbl_hbm, out_hbm,
             idx_v, w_v, yc_v, out_v, ynl, sq_t, rsq_t, sem, sem2):
    wid = lax.axis_index("s") * _NC + lax.axis_index("c")
    base = wid * _NPW
    batch = wid // (256 // _NPW)
    h = pltpu.async_copy(yn_hbm.at[pl.ds(batch * 256, 256)], ynl, sem)
    h1 = pltpu.async_copy(idx_hbm.at[pl.ds(base * _K, _IPW)], idx_v, sem2)
    h2 = pltpu.async_copy(w_hbm.at[pl.ds(base * _K, _IPW)], w_v, sem2)
    h3 = pltpu.async_copy(yc_hbm.at[pl.ds(base, _NPW)], yc_v, sem2)
    h4 = pltpu.async_copy(tbl_hbm.at[pl.ds(batch * (8 * 256), 256)],
                          sq_t.at[pl.ds(0, 256)], sem2)
    h5 = pltpu.async_copy(tbl_hbm.at[pl.ds(batch * (8 * 256) + 256, 256)],
                          rsq_t.at[pl.ds(0, 256)], sem2)
    h1.wait()
    h2.wait()
    h3.wait()
    h4.wait()
    h5.wait()
    h.wait()

    @plsc.parallel_loop(0, _NPW, unroll=2)
    def node_body(n):
        jvec = idx_v[pl.ds(n * _K, _K)]
        a_vec = w_v[pl.ds(n * _K, _K)]
        iloc = base + n - batch * 256
        invri = rsq_t[pl.ds(iloc, _L)][0]
        yc_vecs = [yc_v[n, pl.ds(cc * _L, _L)] for cc in range(_CC)]
        accs = [jnp.zeros((_L,), jnp.float32) for _ in range(_CC)]
        for k in range(_K):
            j = jvec[k]
            wk = (a_vec[k] + sq_t[pl.ds(j, _L)][0] * invri) \
                * rsq_t[pl.ds(j, _L)][0] * 0.5
            for cc in range(_CC):
                accs[cc] = jnp.maximum(
                    accs[cc],
                    (ynl[j, pl.ds(cc * _L, _L)] + yc_vecs[cc]) * wk)
        for cc in range(_CC):
            out_v[n, pl.ds(cc * _L, _L)] = accs[cc]
    pltpu.sync_copy(out_v, out_hbm.at[pl.ds(base, _NPW)])


@functools.partial(
    pl.kernel,
    out_type=jax.ShapeDtypeStruct((_NODES, 128), jnp.float32),
    mesh=plsc.VectorSubcoreMesh(core_axis_name="c", subcore_axis_name="s",
                                num_cores=_NC, num_subcores=_NS),
    scratch_types=[
        pltpu.VMEM((_IPW,), jnp.int32),
        pltpu.VMEM((_IPW,), jnp.float32),
        pltpu.VMEM((_NPW, 128), jnp.float32),
        pltpu.VMEM((_NPW, 128), jnp.float32),
        pltpu.VMEM((256, 128), jnp.float32),
        pltpu.VMEM((272,), jnp.float32),
        pltpu.VMEM((272,), jnp.float32),
        pltpu.SemaphoreType.DMA,
        pltpu.SemaphoreType.DMA,
    ],
)
def _sc_agg(*args):
    _sc_body(*args)


def kernel(x, W, b):
    B, N, C = x.shape
    wnT = W[:, :C].T
    wcT = W[:, C:].T
    b2 = b.reshape(1, C)
    yn, yc, idx, w, tbl = pl.pallas_call(
        _tc_body,
        grid=(B // 2,),
        in_specs=[
            pl.BlockSpec((2, N, C), lambda i: (i, 0, 0)),
            pl.BlockSpec((C, C), lambda i: (0, 0)),
            pl.BlockSpec((C, C), lambda i: (0, 0)),
            pl.BlockSpec((1, C), lambda i: (0, 0)),
        ],
        out_specs=[
            pl.BlockSpec((2, N, C), lambda i: (i, 0, 0)),
            pl.BlockSpec((2, N, C), lambda i: (i, 0, 0)),
            pl.BlockSpec((2, _K, N), lambda i: (i, 0, 0)),
            pl.BlockSpec((2, _K, N), lambda i: (i, 0, 0)),
            pl.BlockSpec((2, 8, N), lambda i: (i, 0, 0)),
        ],
        out_shape=[
            jax.ShapeDtypeStruct((B, N, C), jnp.float32),
            jax.ShapeDtypeStruct((B, N, C), jnp.float32),
            jax.ShapeDtypeStruct((B, _K, N), jnp.int32),
            jax.ShapeDtypeStruct((B, _K, N), jnp.float32),
            jax.ShapeDtypeStruct((B, 8, N), jnp.float32),
        ],
    )(x, wnT, wcT, b2)
    idx_nm = jnp.swapaxes(idx, 1, 2).reshape(-1)
    w_nm = jnp.swapaxes(w, 1, 2).reshape(-1)
    out = _sc_agg(yn.reshape(_NODES, C), yc.reshape(_NODES, C), idx_nm, w_nm,
                  tbl.reshape(-1))
    return out.reshape(B, N, C)

# --- scband reference (transcript-rebuilt; emitter-appended) ---
"""Pipeline reference for scband-graph-net-seq-76158360093088 (READ-ONLY COPY).

The authoritative reference and input builder live on the scoring server;
editing this copy changes nothing except your own understanding.
"""

import jax, jax.numpy as jnp
import numpy as np

K = 16

def setup_inputs(seed: int = 0) -> dict:
    key = jax.random.key(seed)
    k1, k2, k3 = jax.random.split(key, 3)
    x = jax.random.normal(k1, (8, 256, 128), dtype=jnp.float32)
    # mlp: Linear(in_features*2=256, out_features=128)
    W = jax.random.normal(k2, (128, 256), dtype=jnp.float32) * (1.0 / np.sqrt(256.0))
    b = jax.random.normal(k3, (128,), dtype=jnp.float32) * 0.01
    return {"x": x, "W": W, "b": b}

def _forward(x, W, b):
    B, N, C = x.shape
    # knn: pairwise squared distances, take k smallest
    dif = jnp.sum((x[:, :, None, :] - x[:, None, :, :]) ** 2, axis=-1)  # [B,N,N]
    idx = jax.lax.top_k(-dif, K)[1]  # [B,N,K] smallest distances
    shift = (jnp.arange(B, dtype=jnp.int32) * N)[:, None, None]
    neigh_idx = (idx + shift).reshape(-1)  # [B*N*K]
    feat_prop = x.reshape(-1, C)  # [B*N, C]
    # NeighConv forward
    feat_neigh = feat_prop[neigh_idx]  # gather [B*N*K, C]
    f_neigh_temp = feat_neigh.reshape(-1, K, C)  # [BN, K, C]
    weight = jnp.matmul(f_neigh_temp, feat_prop[:, :, None])  # [BN, K, 1]
    d1 = jnp.sqrt(jnp.sum(f_neigh_temp * f_neigh_temp, axis=2, keepdims=True))  # [BN,K,1]
    d2 = jnp.sqrt(jnp.sum(feat_prop[:, :, None] * feat_prop[:, :, None], axis=1, keepdims=True))  # [BN,1,1]
    weight = (weight / jnp.matmul(d1, d2))[:, :, 0]  # cosine sim [BN, K]
    # nfeat_mode == 'feat_ctr'
    feat_ctr = jnp.broadcast_to(feat_prop[:, None, :], (feat_prop.shape[0], K, C))
    feat_cat = jnp.concatenate([f_neigh_temp, feat_ctr], axis=-1)  # [BN, K, 2C]
    out = jnp.einsum('nkf,of->nko', feat_cat, W) + b  # mlp
    # edge_weight == 'true'
    out = out * weight[:, :, None]
    # agg_type == 'max'
    out = jnp.max(out, axis=1)  # [BN, out_feat]
    out = jax.nn.relu(out)
    return out.reshape(B, N, -1)

def reference(x, W, b):
    return _forward(x, W, b)

if __name__ == "__main__":
    import jax
    _d = setup_inputs()
    print(jax.jit(kernel)(*tuple(_d.values())))

</pallas_src>

<mosaic_0001>
#map = affine_map<(d0, d1) -> (0, 0)>
#map1 = affine_map<(d0, d1) -> (0)>
module attributes {stable_mosaic.version = 14 : i64} {
  func.func @_sc_agg(%arg0: i32, %arg1: i32, %arg2: memref<2048x128xf32, #tpu.memory_space<hbm>>, %arg3: memref<2048x128xf32, #tpu.memory_space<hbm>>, %arg4: memref<32768xi32, #tpu.memory_space<hbm>>, %arg5: memref<32768xf32, #tpu.memory_space<hbm>>, %arg6: memref<16384xf32, #tpu.memory_space<hbm>>, %arg7: memref<2048x128xf32, #tpu.memory_space<hbm>>, %arg8: memref<1024xi32, #tpu.memory_space<vmem>>, %arg9: memref<1024xf32, #tpu.memory_space<vmem>>, %arg10: memref<64x128xf32, #tpu.memory_space<vmem>>, %arg11: memref<64x128xf32, #tpu.memory_space<vmem>>, %arg12: memref<256x128xf32, #tpu.memory_space<vmem>>, %arg13: memref<272xf32, #tpu.memory_space<vmem>>, %arg14: memref<272xf32, #tpu.memory_space<vmem>>, %arg15: memref<!tpu.dma_semaphore, #tpu.memory_space<semaphore_mem>>, %arg16: memref<!tpu.dma_semaphore, #tpu.memory_space<semaphore_mem>>) attributes {dimension_semantics = [#tpu.dimension_semantics<core_parallel>, #tpu.dimension_semantics<subcore_parallel>], iteration_bounds = array<i64: 2, 16>, scalar_prefetch = 0 : i64, scratch_operands = 9 : i64, tpu.core_type = #tpu.core_type<sc_vector_subcore>, window_params = [{transform_indices = #map}, {transform_indices = #map}, {transform_indices = #map1}, {transform_indices = #map1}, {transform_indices = #map1}, {transform_indices = #map}]} {
    %mul3A = arith.constant 2 : i32
    %mul3A_0 = arith.muli %arg1, %mul3A : i32
    %add3A = arith.addi %mul3A_0, %arg0 : i32
    %mul3A_1 = arith.constant 64 : i32
    %mul3A_2 = arith.muli %add3A, %mul3A_1 : i32
    %jit3A = arith.constant 4 : i32
    %div3A = arith.divsi %add3A, %jit3A : i32
    %sign3A = arith.constant 0 : i32
    %sign3A_3 = arith.cmpi sgt, %add3A, %sign3A : i32
    %sign3A_4 = arith.extui %sign3A_3 : i1 to i32
    %sign3A_5 = arith.constant 0 : i32
    %sign3A_6 = arith.cmpi slt, %add3A, %sign3A_5 : i32
    %sign3A_7 = arith.extui %sign3A_6 : i1 to i32
    %sign3A_8 = arith.subi %sign3A_4, %sign3A_7 : i32
    %sign3A_9 = arith.constant 0 : i32
    %sign3A_10 = arith.cmpi sgt, %jit3A, %sign3A_9 : i32
    %sign3A_11 = arith.extui %sign3A_10 : i1 to i32
    %sign3A_12 = arith.constant 0 : i32
    %sign3A_13 = arith.cmpi slt, %jit3A, %sign3A_12 : i32
    %sign3A_14 = arith.extui %sign3A_13 : i1 to i32
    %sign3A_15 = arith.subi %sign3A_11, %sign3A_14 : i32
    %ne3A = arith.cmpi ne, %sign3A_8, %sign3A_15 : i32
    %rem3A = arith.remsi %add3A, %jit3A : i32
    %ne3A_16 = arith.constant 0 : i32
    %ne3A_17 = arith.cmpi ne, %rem3A, %ne3A_16 : i32
    %and3A = arith.andi %ne3A, %ne3A_17 : i1
    %sub3A = arith.constant 1 : i32
    %sub3A_18 = arith.subi %div3A, %sub3A : i32
    %select_n3A = arith.select %and3A, %sub3A_18, %div3A : i32
    %mul3A_19 = arith.constant 256 : i32
    %mul3A_20 = arith.muli %select_n3A, %mul3A_19 : i32
    %dma_start3A = arith.constant 0 : i32
    %dma_start3A_21 = tpu.memref_slice %arg2[%mul3A_20, %dma_start3A] : memref<2048x128xf32, #tpu.memory_space<hbm>> -> memref<256x128xf32, #tpu.memory_space<hbm>>
    %dma_start3A_22 = arith.constant 0 : i32
    %dma_start3A_23 = tpu.memref_slice %arg2[%mul3A_20, %dma_start3A_22] : memref<2048x128xf32, #tpu.memory_space<hbm>> -> memref<256x128xf32, #tpu.memory_space<hbm>>
    tpu.enqueue_dma source(%dma_start3A_23 : memref<256x128xf32, #tpu.memory_space<hbm>>) target(%arg12 : memref<256x128xf32, #tpu.memory_space<vmem>>) target_semaphore(%arg15 : memref<!tpu.dma_semaphore, #tpu.memory_space<semaphore_mem>>)
    %mul3A_24 = arith.constant 16 : i32
    %mul3A_25 = arith.muli %mul3A_2, %mul3A_24 : i32
    %dma_start3A_26 = tpu.memref_slice %arg4[%mul3A_25] : memref<32768xi32, #tpu.memory_space<hbm>> -> memref<1024xi32, #tpu.memory_space<hbm>>
    %dma_start3A_27 = tpu.memref_slice %arg4[%mul3A_25] : memref<32768xi32, #tpu.memory_space<hbm>> -> memref<1024xi32, #tpu.memory_space<hbm>>
    tpu.enqueue_dma source(%dma_start3A_27 : memref<1024xi32, #tpu.memory_space<hbm>>) target(%arg8 : memref<1024xi32, #tpu.memory_space<vmem>>) target_semaphore(%arg16 : memref<!tpu.dma_semaphore, #tpu.memory_space<semaphore_mem>>)
    %mul3A_28 = arith.constant 16 : i32
    %mul3A_29 = arith.muli %mul3A_2, %mul3A_28 : i32
    %dma_start3A_30 = tpu.memref_slice %arg5[%mul3A_29] : memref<32768xf32, #tpu.memory_space<hbm>> -> memref<1024xf32, #tpu.memory_space<hbm>>
    %dma_start3A_31 = tpu.memref_slice %arg5[%mul3A_29] : memref<32768xf32, #tpu.memory_space<hbm>> -> memref<1024xf32, #tpu.memory_space<hbm>>
    tpu.enqueue_dma source(%dma_start3A_31 : memref<1024xf32, #tpu.memory_space<hbm>>) target(%arg9 : memref<1024xf32, #tpu.memory_space<vmem>>) target_semaphore(%arg16 : memref<!tpu.dma_semaphore, #tpu.memory_space<semaphore_mem>>)
    %dma_start3A_32 = arith.constant 0 : i32
    %dma_start3A_33 = tpu.memref_slice %arg3[%mul3A_2, %dma_start3A_32] : memref<2048x128xf32, #tpu.memory_space<hbm>> -> memref<64x128xf32, #tpu.memory_space<hbm>>
    %dma_start3A_34 = arith.constant 0 : i32
    %dma_start3A_35 = tpu.memref_slice %arg3[%mul3A_2, %dma_start3A_34] : memref<2048x128xf32, #tpu.memory_space<hbm>> -> memref<64x128xf32, #tpu.memory_space<hbm>>
    tpu.enqueue_dma source(%dma_start3A_35 : memref<64x128xf32, #tpu.memory_space<hbm>>) target(%arg10 : memref<64x128xf32, #tpu.memory_space<vmem>>) target_semaphore(%arg16 : memref<!tpu.dma_semaphore, #tpu.memory_space<semaphore_mem>>)
    %mul3A_36 = arith.constant 2048 : i32
    %mul3A_37 = arith.muli %select_n3A, %mul3A_36 : i32
    %dma_start3A_38 = arith.constant 0 : i32
    %dma_start3A_39 = tpu.memref_slice %arg13[%dma_start3A_38] : memref<272xf32, #tpu.memory_space<vmem>> -> memref<256xf32, #tpu.memory_space<vmem>>
    %dma_start3A_40 = tpu.memref_slice %arg6[%mul3A_37] : memref<16384xf32, #tpu.memory_space<hbm>> -> memref<256xf32, #tpu.memory_space<hbm>>
    %dma_start3A_41 = arith.constant 0 : i32
    %dma_start3A_42 = tpu.memref_slice %arg13[%dma_start3A_41] : memref<272xf32, #tpu.memory_space<vmem>> -> memref<256xf32, #tpu.memory_space<vmem>>
    %dma_start3A_43 = tpu.memref_slice %arg6[%mul3A_37] : memref<16384xf32, #tpu.memory_space<hbm>> -> memref<256xf32, #tpu.memory_space<hbm>>
    tpu.enqueue_dma source(%dma_start3A_43 : memref<256xf32, #tpu.memory_space<hbm>>) target(%dma_start3A_42 : memref<256xf32, #tpu.memory_space<vmem>>) target_semaphore(%arg16 : memref<!tpu.dma_semaphore, #tpu.memory_space<semaphore_mem>>)
    %mul3A_44 = arith.constant 2048 : i32
    %mul3A_45 = arith.muli %select_n3A, %mul3A_44 : i32
    %add3A_46 = arith.constant 256 : i32
    %add3A_47 = arith.addi %mul3A_45, %add3A_46 : i32
    %dma_start3A_48 = arith.constant 0 : i32
    %dma_start3A_49 = tpu.memref_slice %arg14[%dma_start3A_48] : memref<272xf32, #tpu.memory_space<vmem>> -> memref<256xf32, #tpu.memory_space<vmem>>
    %dma_start3A_50 = tpu.memref_slice %arg6[%add3A_47] : memref<16384xf32, #tpu.memory_space<hbm>> -> memref<256xf32, #tpu.memory_space<hbm>>
    %dma_start3A_51 = arith.constant 0 : i32
    %dma_start3A_52 = tpu.memref_slice %arg14[%dma_start3A_51] : memref<272xf32, #tpu.memory_space<vmem>> -> memref<256xf32, #tpu.memory_space<vmem>>
    %dma_start3A_53 = tpu.memref_slice %arg6[%add3A_47] : memref<16384xf32, #tpu.memory_space<hbm>> -> memref<256xf32, #tpu.memory_space<hbm>>
    tpu.enqueue_dma source(%dma_start3A_53 : memref<256xf32, #tpu.memory_space<hbm>>) target(%dma_start3A_52 : memref<256xf32, #tpu.memory_space<vmem>>) target_semaphore(%arg16 : memref<!tpu.dma_semaphore, #tpu.memory_space<semaphore_mem>>)
    %dma_wait3A = tpu.memref_slice %arg4[%mul3A_25] : memref<32768xi32, #tpu.memory_space<hbm>> -> memref<1024xi32, #tpu.memory_space<hbm>>
    %dma_wait3A_54 = tpu.memref_slice %arg4[%mul3A_25] : memref<32768xi32, #tpu.memory_space<hbm>> -> memref<1024xi32, #tpu.memory_space<hbm>>
    tpu.wait_dma2 semaphore(%arg16 : memref<!tpu.dma_semaphore, #tpu.memory_space<semaphore_mem>>) src(%dma_wait3A_54 : memref<1024xi32, #tpu.memory_space<hbm>>) dst(%arg8 : memref<1024xi32, #tpu.memory_space<vmem>>)
    %dma_wait3A_55 = tpu.memref_slice %arg5[%mul3A_29] : memref<32768xf32, #tpu.memory_space<hbm>> -> memref<1024xf32, #tpu.memory_space<hbm>>
    %dma_wait3A_56 = tpu.memref_slice %arg5[%mul3A_29] : memref<32768xf32, #tpu.memory_space<hbm>> -> memref<1024xf32, #tpu.memory_space<hbm>>
    tpu.wait_dma2 semaphore(%arg16 : memref<!tpu.dma_semaphore, #tpu.memory_space<semaphore_mem>>) src(%dma_wait3A_56 : memref<1024xf32, #tpu.memory_space<hbm>>) dst(%arg9 : memref<1024xf32, #tpu.memory_space<vmem>>)
    %dma_wait3A_57 = arith.constant 0 : i32
    %dma_wait3A_58 = tpu.memref_slice %arg3[%mul3A_2, %dma_wait3A_57] : memref<2048x128xf32, #tpu.memory_space<hbm>> -> memref<64x128xf32, #tpu.memory_space<hbm>>
    %dma_wait3A_59 = arith.constant 0 : i32
    %dma_wait3A_60 = tpu.memref_slice %arg3[%mul3A_2, %dma_wait3A_59] : memref<2048x128xf32, #tpu.memory_space<hbm>> -> memref<64x128xf32, #tpu.memory_space<hbm>>
    tpu.wait_dma2 semaphore(%arg16 : memref<!tpu.dma_semaphore, #tpu.memory_space<semaphore_mem>>) src(%dma_wait3A_60 : memref<64x128xf32, #tpu.memory_space<hbm>>) dst(%arg10 : memref<64x128xf32, #tpu.memory_space<vmem>>)
    %dma_wait3A_61 = arith.constant 0 : i32
    %dma_wait3A_62 = tpu.memref_slice %arg13[%dma_wait3A_61] : memref<272xf32, #tpu.memory_space<vmem>> -> memref<256xf32, #tpu.memory_space<vmem>>
    %dma_wait3A_63 = tpu.memref_slice %arg6[%mul3A_37] : memref<16384xf32, #tpu.memory_space<hbm>> -> memref<256xf32, #tpu.memory_space<hbm>>
    %dma_wait3A_64 = arith.constant 0 : i32
    %dma_wait3A_65 = tpu.memref_slice %arg13[%dma_wait3A_64] : memref<272xf32, #tpu.memory_space<vmem>> -> memref<256xf32, #tpu.memory_space<vmem>>
    %dma_wait3A_66 = tpu.memref_slice %arg6[%mul3A_37] : memref<16384xf32, #tpu.memory_space<hbm>> -> memref<256xf32, #tpu.memory_space<hbm>>
    tpu.wait_dma2 semaphore(%arg16 : memref<!tpu.dma_semaphore, #tpu.memory_space<semaphore_mem>>) src(%dma_wait3A_66 : memref<256xf32, #tpu.memory_space<hbm>>) dst(%dma_wait3A_65 : memref<256xf32, #tpu.memory_space<vmem>>)
    %dma_wait3A_67 = arith.constant 0 : i32
    %dma_wait3A_68 = tpu.memref_slice %arg14[%dma_wait3A_67] : memref<272xf32, #tpu.memory_space<vmem>> -> memref<256xf32, #tpu.memory_space<vmem>>
    %dma_wait3A_69 = tpu.memref_slice %arg6[%add3A_47] : memref<16384xf32, #tpu.memory_space<hbm>> -> memref<256xf32, #tpu.memory_space<hbm>>
    %dma_wait3A_70 = arith.constant 0 : i32
    %dma_wait3A_71 = tpu.memref_slice %arg14[%dma_wait3A_70] : memref<272xf32, #tpu.memory_space<vmem>> -> memref<256xf32, #tpu.memory_space<vmem>>
    %dma_wait3A_72 = tpu.memref_slice %arg6[%add3A_47] : memref<16384xf32, #tpu.memory_space<hbm>> -> memref<256xf32, #tpu.memory_space<hbm>>
    tpu.wait_dma2 semaphore(%arg16 : memref<!tpu.dma_semaphore, #tpu.memory_space<semaphore_mem>>) src(%dma_wait3A_72 : memref<256xf32, #tpu.memory_space<hbm>>) dst(%dma_wait3A_71 : memref<256xf32, #tpu.memory_space<vmem>>)
    %dma_wait3A_73 = arith.constant 0 : i32
    %dma_wait3A_74 = tpu.memref_slice %arg2[%mul3A_20, %dma_wait3A_73] : memref<2048x128xf32, #tpu.memory_space<hbm>> -> memref<256x128xf32, #tpu.memory_space<hbm>>
    %dma_wait3A_75 = arith.constant 0 : i32
    %dma_wait3A_76 = tpu.memref_slice %arg2[%mul3A_20, %dma_wait3A_75] : memref<2048x128xf32, #tpu.memory_space<hbm>> -> memref<256x128xf32, #tpu.memory_space<hbm>>
    tpu.wait_dma2 semaphore(%arg15 : memref<!tpu.dma_semaphore, #tpu.memory_space<semaphore_mem>>) src(%dma_wait3A_76 : memref<256x128xf32, #tpu.memory_space<hbm>>) dst(%arg12 : memref<256x128xf32, #tpu.memory_space<vmem>>)
    %parallel_loop3A = arith.constant 0 : i32
    %parallel_loop3A_77 = arith.constant 64 : i32
    %parallel_loop3A_78 = arith.constant 1 : i32
    scf.for %parallel_loop3A_79 = %parallel_loop3A to %parallel_loop3A_77 step %parallel_loop3A_78  : i32 {
      %parallel_loop3A_80 = arith.constant 16 : i32
      %parallel_loop3A_81 = arith.muli %parallel_loop3A_79, %parallel_loop3A_80 : i32
      %parallel_loop3A_82 = arith.index_cast %parallel_loop3A_81 : i32 to index
      %parallel_loop3A_83 = tpu.vector_load %arg8[%parallel_loop3A_82] {strides = array<i32>} : memref<1024xi32, #tpu.memory_space<vmem>>, vector<16xi32>,
      %parallel_loop3A_84 = vector.shape_cast %parallel_loop3A_83 : vector<16xi32> to vector<16xi32>
      %parallel_loop3A_85 = arith.constant 16 : i32
      %parallel_loop3A_86 = arith.muli %parallel_loop3A_79, %parallel_loop3A_85 : i32
      %parallel_loop3A_87 = arith.index_cast %parallel_loop3A_86 : i32 to index
      %parallel_loop3A_88 = tpu.vector_load %arg9[%parallel_loop3A_87] {strides = array<i32>} : memref<1024xf32, #tpu.memory_space<vmem>>, vector<16xf32>,
      %parallel_loop3A_89 = vector.shape_cast %parallel_loop3A_88 : vector<16xf32> to vector<16xf32>
      %parallel_loop3A_90 = arith.addi %mul3A_2, %parallel_loop3A_79 : i32
      %parallel_loop3A_91 = arith.constant 256 : i32
      %parallel_loop3A_92 = arith.muli %select_n3A, %parallel_loop3A_91 : i32
      %parallel_loop3A_93 = arith.subi %parallel_loop3A_90, %parallel_loop3A_92 : i32
      %parallel_loop3A_94 = arith.index_cast %parallel_loop3A_93 : i32 to index
      %parallel_loop3A_95 = tpu.vector_load %arg14[%parallel_loop3A_94] {strides = array<i32>} : memref<272xf32, #tpu.memory_space<vmem>>, vector<16xf32>,
      %parallel_loop3A_96 = vector.shape_cast %parallel_loop3A_95 : vector<16xf32> to vector<16xf32>
      %parallel_loop3A_97 = vector.extract_strided_slice %parallel_loop3A_96 {offsets = [0], sizes = [1], strides = [1]} : vector<16xf32> to vector<1xf32>
      %parallel_loop3A_98 = vector.extract %parallel_loop3A_97[0] : f32 from vector<1xf32>
      %parallel_loop3A_99 = arith.index_cast %parallel_loop3A_79 : i32 to index
      %parallel_loop3A_100 = arith.constant 0 : index
      %parallel_loop3A_101 = tpu.vector_load %arg10[%parallel_loop3A_99, %parallel_loop3A_100] {strides = array<i32>} : memref<64x128xf32, #tpu.memory_space<vmem>>, vector<1x16xf32>,
      %parallel_loop3A_102 = vector.shape_cast %parallel_loop3A_101 : vector<1x16xf32> to vector<16xf32>
      %parallel_loop3A_103 = arith.index_cast %parallel_loop3A_79 : i32 to index
      %parallel_loop3A_104 = arith.constant 16 : index
      %parallel_loop3A_105 = tpu.vector_load %arg10[%parallel_loop3A_103, %parallel_loop3A_104] {strides = array<i32>} : memref<64x128xf32, #tpu.memory_space<vmem>>, vector<1x16xf32>,
      %parallel_loop3A_106 = vector.shape_cast %parallel_loop3A_105 : vector<1x16xf32> to vector<16xf32>
      %parallel_loop3A_107 = arith.index_cast %parallel_loop3A_79 : i32 to index
      %parallel_loop3A_108 = arith.constant 32 : index
      %parallel_loop3A_109 = tpu.vector_load %arg10[%parallel_loop3A_107, %parallel_loop3A_108] {strides = array<i32>} : memref<64x128xf32, #tpu.memory_space<vmem>>, vector<1x16xf32>,
      %parallel_loop3A_110 = vector.shape_cast %parallel_loop3A_109 : vector<1x16xf32> to vector<16xf32>
      %parallel_loop3A_111 = arith.index_cast %parallel_loop3A_79 : i32 to index
      %parallel_loop3A_112 = arith.constant 48 : index
      %parallel_loop3A_113 = tpu.vector_load %arg10[%parallel_loop3A_111, %parallel_loop3A_112] {strides = array<i32>} : memref<64x128xf32, #tpu.memory_space<vmem>>, vector<1x16xf32>,
      %parallel_loop3A_114 = vector.shape_cast %parallel_loop3A_113 : vector<1x16xf32> to vector<16xf32>
      %parallel_loop3A_115 = arith.index_cast %parallel_loop3A_79 : i32 to index
      %parallel_loop3A_116 = arith.constant 64 : index
      %parallel_loop3A_117 = tpu.vector_load %arg10[%parallel_loop3A_115, %parallel_loop3A_116] {strides = array<i32>} : memref<64x128xf32, #tpu.memory_space<vmem>>, vector<1x16xf32>,
      %parallel_loop3A_118 = vector.shape_cast %parallel_loop3A_117 : vector<1x16xf32> to vector<16xf32>
      %parallel_loop3A_119 = arith.index_cast %parallel_loop3A_79 : i32 to index
      %parallel_loop3A_120 = arith.constant 80 : index
      %parallel_loop3A_121 = tpu.vector_load %arg10[%parallel_loop3A_119, %parallel_loop3A_120] {strides = array<i32>} : memref<64x128xf32, #tpu.memory_space<vmem>>, vector<1x16xf32>,
      %parallel_loop3A_122 = vector.shape_cast %parallel_loop3A_121 : vector<1x16xf32> to vector<16xf32>
      %parallel_loop3A_123 = arith.index_cast %parallel_loop3A_79 : i32 to index
      %parallel_loop3A_124 = arith.constant 96 : index
      %parallel_loop3A_125 = tpu.vector_load %arg10[%parallel_loop3A_123, %parallel_loop3A_124] {strides = array<i32>} : memref<64x128xf32, #tpu.memory_space<vmem>>, vector<1x16xf32>,
      %parallel_loop3A_126 = vector.shape_cast %parallel_loop3A_125 : vector<1x16xf32> to vector<16xf32>
      %parallel_loop3A_127 = arith.index_cast %parallel_loop3A_79 : i32 to index
      %parallel_loop3A_128 = arith.constant 112 : index
      %parallel_loop3A_129 = tpu.vector_load %arg10[%parallel_loop3A_127, %parallel_loop3A_128] {strides = array<i32>} : memref<64x128xf32, #tpu.memory_space<vmem>>, vector<1x16xf32>,
      %parallel_loop3A_130 = vector.shape_cast %parallel_loop3A_129 : vector<1x16xf32> to vector<16xf32>
      %parallel_loop3A_131 = arith.constant 0.000000e+00 : f32
      %parallel_loop3A_132 = vector.broadcast %parallel_loop3A_131 : f32 to vector<16xf32>
      %parallel_loop3A_133 = arith.constant 0.000000e+00 : f32
      %parallel_loop3A_134 = vector.broadcast %parallel_loop3A_133 : f32 to vector<16xf32>
      %parallel_loop3A_135 = arith.constant 0.000000e+00 : f32
      %parallel_loop3A_136 = vector.broadcast %parallel_loop3A_135 : f32 to vector<16xf32>
      %parallel_loop3A_137 = arith.constant 0.000000e+00 : f32
      %parallel_loop3A_138 = vector.broadcast %parallel_loop3A_137 : f32 to vector<16xf32>
      %parallel_loop3A_139 = arith.constant 0.000000e+00 : f32
      %parallel_loop3A_140 = vector.broadcast %parallel_loop3A_139 : f32 to vector<16xf32>
      %parallel_loop3A_141 = arith.constant 0.000000e+00 : f32
      %parallel_loop3A_142 = vector.broadcast %parallel_loop3A_141 : f32 to vector<16xf32>
      %parallel_loop3A_143 = arith.constant 0.000000e+00 : f32
      %parallel_loop3A_144 = vector.broadcast %parallel_loop3A_143 : f32 to vector<16xf32>
      %parallel_loop3A_145 = arith.constant 0.000000e+00 : f32
      %parallel_loop3A_146 = vector.broadcast %parallel_loop3A_145 : f32 to vector<16xf32>
      %parallel_loop3A_147 = vector.extract_strided_slice %parallel_loop3A_84 {offsets = [0], sizes = [1], strides = [1]} : vector<16xi32> to vector<1xi32>
      %parallel_loop3A_148 = vector.extract %parallel_loop3A_147[0] : i32 from vector<1xi32>
      %parallel_loop3A_149 = vector.extract_strided_slice %parallel_loop3A_89 {offsets = [0], sizes = [1], strides = [1]} : vector<16xf32> to vector<1xf32>
      %parallel_loop3A_150 = vector.extract %parallel_loop3A_149[0] : f32 from vector<1xf32>
      %parallel_loop3A_151 = arith.index_cast %parallel_loop3A_148 : i32 to index
      %parallel_loop3A_152 = tpu.vector_load %arg13[%parallel_loop3A_151] {strides = array<i32>} : memref<272xf32, #tpu.memory_space<vmem>>, vector<16xf32>,
      %parallel_loop3A_153 = vector.shape_cast %parallel_loop3A_152 : vector<16xf32> to vector<16xf32>
      %parallel_loop3A_154 = vector.extract_strided_slice %parallel_loop3A_153 {offsets = [0], sizes = [1], strides = [1]} : vector<16xf32> to vector<1xf32>
      %parallel_loop3A_155 = vector.extract %parallel_loop3A_154[0] : f32 from vector<1xf32>
      %parallel_loop3A_156 = arith.mulf %parallel_loop3A_155, %parallel_loop3A_98 : f32
      %parallel_loop3A_157 = arith.addf %parallel_loop3A_150, %parallel_loop3A_156 : f32
      %parallel_loop3A_158 = arith.index_cast %parallel_loop3A_148 : i32 to index
      %parallel_loop3A_159 = tpu.vector_load %arg14[%parallel_loop3A_158] {strides = array<i32>} : memref<272xf32, #tpu.memory_space<vmem>>, vector<16xf32>,
      %parallel_loop3A_160 = vector.shape_cast %parallel_loop3A_159 : vector<16xf32> to vector<16xf32>
      %parallel_loop3A_161 = vector.extract_strided_slice %parallel_loop3A_160 {offsets = [0], sizes = [1], strides = [1]} : vector<16xf32> to vector<1xf32>
      %parallel_loop3A_162 = vector.extract %parallel_loop3A_161[0] : f32 from vector<1xf32>
      %parallel_loop3A_163 = arith.mulf %parallel_loop3A_157, %parallel_loop3A_162 : f32
      %parallel_loop3A_164 = arith.constant 5.000000e-01 : f32
      %parallel_loop3A_165 = arith.mulf %parallel_loop3A_163, %parallel_loop3A_164 : f32
      %parallel_loop3A_166 = arith.index_cast %parallel_loop3A_148 : i32 to index
      %parallel_loop3A_167 = arith.constant 0 : index
      %parallel_loop3A_168 = tpu.vector_load %arg12[%parallel_loop3A_166, %parallel_loop3A_167] {strides = array<i32>} : memref<256x128xf32, #tpu.memory_space<vmem>>, vector<1x16xf32>,
      %parallel_loop3A_169 = vector.shape_cast %parallel_loop3A_168 : vector<1x16xf32> to vector<16xf32>
      %parallel_loop3A_170 = arith.addf %parallel_loop3A_169, %parallel_loop3A_102 : vector<16xf32>
      %parallel_loop3A_171 = vector.broadcast %parallel_loop3A_165 : f32 to vector<16xf32>
      %parallel_loop3A_172 = arith.mulf %parallel_loop3A_170, %parallel_loop3A_171 : vector<16xf32>
      %parallel_loop3A_173 = arith.maximumf %parallel_loop3A_132, %parallel_loop3A_172 : vector<16xf32>
      %parallel_loop3A_174 = arith.index_cast %parallel_loop3A_148 : i32 to index
      %parallel_loop3A_175 = arith.constant 16 : index
      %parallel_loop3A_176 = tpu.vector_load %arg12[%parallel_loop3A_174, %parallel_loop3A_175] {strides = array<i32>} : memref<256x128xf32, #tpu.memory_space<vmem>>, vector<1x16xf32>,
      %parallel_loop3A_177 = vector.shape_cast %parallel_loop3A_176 : vector<1x16xf32> to vector<16xf32>
      %parallel_loop3A_178 = arith.addf %parallel_loop3A_177, %parallel_loop3A_106 : vector<16xf32>
      %parallel_loop3A_179 = vector.broadcast %parallel_loop3A_165 : f32 to vector<16xf32>
      %parallel_loop3A_180 = arith.mulf %parallel_loop3A_178, %parallel_loop3A_179 : vector<16xf32>
      %parallel_loop3A_181 = arith.maximumf %parallel_loop3A_134, %parallel_loop3A_180 : vector<16xf32>
      %parallel_loop3A_182 = arith.index_cast %parallel_loop3A_148 : i32 to index
      %parallel_loop3A_183 = arith.constant 32 : index
      %parallel_loop3A_184 = tpu.vector_load %arg12[%parallel_loop3A_182, %parallel_loop3A_183] {strides = array<i32>} : memref<256x128xf32, #tpu.memory_space<vmem>>, vector<1x16xf32>,
      %parallel_loop3A_185 = vector.shape_cast %parallel_loop3A_184 : vector<1x16xf32> to vector<16xf32>
      %parallel_loop3A_186 = arith.addf %parallel_loop3A_185, %parallel_loop3A_110 : vector<16xf32>
      %parallel_loop3A_187 = vector.broadcast %parallel_loop3A_165 : f32 to vector<16xf32>
      %parallel_loop3A_188 = arith.mulf %parallel_loop3A_186, %parallel_loop3A_187 : vector<16xf32>
      %parallel_loop3A_189 = arith.maximumf %parallel_loop3A_136, %parallel_loop3A_188 : vector<16xf32>
      %parallel_loop3A_190 = arith.index_cast %parallel_loop3A_148 : i32 to index
      %parallel_loop3A_191 = arith.constant 48 : index
      %parallel_loop3A_192 = tpu.vector_load %arg12[%parallel_loop3A_190, %parallel_loop3A_191] {strides = array<i32>} : memref<256x128xf32, #tpu.memory_space<vmem>>, vector<1x16xf32>,
      %parallel_loop3A_193 = vector.shape_cast %parallel_loop3A_192 : vector<1x16xf32> to vector<16xf32>
      %parallel_loop3A_194 = arith.addf %parallel_loop3A_193, %parallel_loop3A_114 : vector<16xf32>
      %parallel_loop3A_195 = vector.broadcast %parallel_loop3A_165 : f32 to vector<16xf32>
      %parallel_loop3A_196 = arith.mulf %parallel_loop3A_194, %parallel_loop3A_195 : vector<16xf32>
      %parallel_loop3A_197 = arith.maximumf %parallel_loop3A_138, %parallel_loop3A_196 : vector<16xf32>
      %parallel_loop3A_198 = arith.index_cast %parallel_loop3A_148 : i32 to index
      %parallel_loop3A_199 = arith.constant 64 : index
      %parallel_loop3A_200 = tpu.vector_load %arg12[%parallel_loop3A_198, %parallel_loop3A_199] {strides = array<i32>} : memref<256x128xf32, #tpu.memory_space<vmem>>, vector<1x16xf32>,
      %parallel_loop3A_201 = vector.shape_cast %parallel_loop3A_200 : vector<1x16xf32> to vector<16xf32>
      %parallel_loop3A_202 = arith.addf %parallel_loop3A_201, %parallel_loop3A_118 : vector<16xf32>
      %parallel_loop3A_203 = vector.broadcast %parallel_loop3A_165 : f32 to vector<16xf32>
      %parallel_loop3A_204 = arith.mulf %parallel_loop3A_202, %parallel_loop3A_203 : vector<16xf32>
      %parallel_loop3A_205 = arith.maximumf %parallel_loop3A_140, %parallel_loop3A_204 : vector<16xf32>
      %parallel_loop3A_206 = arith.index_cast %parallel_loop3A_148 : i32 to index
      %parallel_loop3A_207 = arith.constant 80 : index
      %parallel_loop3A_208 = tpu.vector_load %arg12[%parallel_loop3A_206, %parallel_loop3A_207] {strides = array<i32>} : memref<256x128xf32, #tpu.memory_space<vmem>>, vector<1x16xf32>,
      %parallel_loop3A_209 = vector.shape_cast %parallel_loop3A_208 : vector<1x16xf32> to vector<16xf32>
      %parallel_loop3A_210 = arith.addf %parallel_loop3A_209, %parallel_loop3A_122 : vector<16xf32>
      %parallel_loop3A_211 = vector.broadcast %parallel_loop3A_165 : f32 to vector<16xf32>
      %parallel_loop3A_212 = arith.mulf %parallel_loop3A_210, %parallel_loop3A_211 : vector<16xf32>
      %parallel_loop3A_213 = arith.maximumf %parallel_loop3A_142, %parallel_loop3A_212 : vector<16xf32>
      %parallel_loop3A_214 = arith.index_cast %parallel_loop3A_148 : i32 to index
      %parallel_loop3A_215 = arith.constant 96 : index
      %parallel_loop3A_216 = tpu.vector_load %arg12[%parallel_loop3A_214, %parallel_loop3A_215] {strides = array<i32>} : memref<256x128xf32, #tpu.memory_space<vmem>>, vector<1x16xf32>,
      %parallel_loop3A_217 = vector.shape_cast %parallel_loop3A_216 : vector<1x16xf32> to vector<16xf32>
      %parallel_loop3A_218 = arith.addf %parallel_loop3A_217, %parallel_loop3A_126 : vector<16xf32>
      %parallel_loop3A_219 = vector.broadcast %parallel_loop3A_165 : f32 to vector<16xf32>
      %parallel_loop3A_220 = arith.mulf %parallel_loop3A_218, %parallel_loop3A_219 : vector<16xf32>
      %parallel_loop3A_221 = arith.maximumf %parallel_loop3A_144, %parallel_loop3A_220 : vector<16xf32>
      %parallel_loop3A_222 = arith.index_cast %parallel_loop3A_148 : i32 to index
      %parallel_loop3A_223 = arith.constant 112 : index
      %parallel_loop3A_224 = tpu.vector_load %arg12[%parallel_loop3A_222, %parallel_loop3A_223] {strides = array<i32>} : memref<256x128xf32, #tpu.memory_space<vmem>>, vector<1x16xf32>,
      %parallel_loop3A_225 = vector.shape_cast %parallel_loop3A_224 : vector<1x16xf32> to vector<16xf32>
      %parallel_loop3A_226 = arith.addf %parallel_loop3A_225, %parallel_loop3A_130 : vector<16xf32>
      %parallel_loop3A_227 = vector.broadcast %parallel_loop3A_165 : f32 to vector<16xf32>
      %parallel_loop3A_228 = arith.mulf %parallel_loop3A_226, %parallel_loop3A_227 : vector<16xf32>
      %parallel_loop3A_229 = arith.maximumf %parallel_loop3A_146, %parallel_loop3A_228 : vector<16xf32>
      %parallel_loop3A_230 = vector.extract_strided_slice %parallel_loop3A_84 {offsets = [1], sizes = [1], strides = [1]} : vector<16xi32> to vector<1xi32>
      %parallel_loop3A_231 = vector.extract %parallel_loop3A_230[0] : i32 from vector<1xi32>
      %parallel_loop3A_232 = vector.extract_strided_slice %parallel_loop3A_89 {offsets = [1], sizes = [1], strides = [1]} : vector<16xf32> to vector<1xf32>
      %parallel_loop3A_233 = vector.extract %parallel_loop3A_232[0] : f32 from vector<1xf32>
      %parallel_loop3A_234 = arith.index_cast %parallel_loop3A_231 : i32 to index
      %parallel_loop3A_235 = tpu.vector_load %arg13[%parallel_loop3A_234] {strides = array<i32>} : memref<272xf32, #tpu.memory_space<vmem>>, vector<16xf32>,
      %parallel_loop3A_236 = vector.shape_cast %parallel_loop3A_235 : vector<16xf32> to vector<16xf32>
      %parallel_loop3A_237 = vector.extract_strided_slice %parallel_loop3A_236 {offsets = [0], sizes = [1], strides = [1]} : vector<16xf32> to vector<1xf32>
      %parallel_loop3A_238 = vector.extract %parallel_loop3A_237[0] : f32 from vector<1xf32>
      %parallel_loop3A_239 = arith.mulf %parallel_loop3A_238, %parallel_loop3A_98 : f32
      %parallel_loop3A_240 = arith.addf %parallel_loop3A_233, %parallel_loop3A_239 : f32
      %parallel_loop3A_241 = arith.index_cast %parallel_loop3A_231 : i32 to index
      %parallel_loop3A_242 = tpu.vector_load %arg14[%parallel_loop3A_241] {strides = array<i32>} : memref<272xf32, #tpu.memory_space<vmem>>, vector<16xf32>,
      %parallel_loop3A_243 = vector.shape_cast %parallel_loop3A_242 : vector<16xf32> to vector<16xf32>
      %parallel_loop3A_244 = vector.extract_strided_slice %parallel_loop3A_243 {offsets = [0], sizes = [1], strides = [1]} : vector<16xf32> to vector<1xf32>
      %parallel_loop3A_245 = vector.extract %parallel_loop3A_244[0] : f32 from vector<1xf32>
      %parallel_loop3A_246 = arith.mulf %parallel_loop3A_240, %parallel_loop3A_245 : f32
      %parallel_loop3A_247 = arith.constant 5.000000e-01 : f32
      %parallel_loop3A_248 = arith.mulf %parallel_loop3A_246, %parallel_loop3A_247 : f32
      %parallel_loop3A_249 = arith.index_cast %parallel_loop3A_231 : i32 to index
      %parallel_loop3A_250 = arith.constant 0 : index
      %parallel_loop3A_251 = tpu.vector_load %arg12[%parallel_loop3A_249, %parallel_loop3A_250] {strides = array<i32>} : memref<256x128xf32, #tpu.memory_space<vmem>>, vector<1x16xf32>,
      %parallel_loop3A_252 = vector.shape_cast %parallel_loop3A_251 : vector<1x16xf32> to vector<16xf32>
      %parallel_loop3A_253 = arith.addf %parallel_loop3A_252, %parallel_loop3A_102 : vector<16xf32>
      %parallel_loop3A_254 = vector.broadcast %parallel_loop3A_248 : f32 to vector<16xf32>
      %parallel_loop3A_255 = arith.mulf %parallel_loop3A_253, %parallel_loop3A_254 : vector<16xf32>
      %parallel_loop3A_256 = arith.maximumf %parallel_loop3A_173, %parallel_loop3A_255 : vector<16xf32>
      %parallel_loop3A_257 = arith.index_cast %parallel_loop3A_231 : i32 to index
      %parallel_loop3A_258 = arith.constant 16 : index
      %parallel_loop3A_259 = tpu.vector_load %arg12[%parallel_loop3A_257, %parallel_loop3A_258] {strides = array<i32>} : memref<256x128xf32, #tpu.memory_space<vmem>>, vector<1x16xf32>,
      %parallel_loop3A_260 = vector.shape_cast %parallel_loop3A_259 : vector<1x16xf32> to vector<16xf32>
      %parallel_loop3A_261 = arith.addf %parallel_loop3A_260, %parallel_loop3A_106 : vector<16xf32>
      %parallel_loop3A_262 = vector.broadcast %parallel_loop3A_248 : f32 to vector<16xf32>
      %parallel_loop3A_263 = arith.mulf %parallel_loop3A_261, %parallel_loop3A_262 : vector<16xf32>
      %parallel_loop3A_264 = arith.maximumf %parallel_loop3A_181, %parallel_loop3A_263 : vector<16xf32>
      %parallel_loop3A_265 = arith.index_cast %parallel_loop3A_231 : i32 to index
      %parallel_loop3A_266 = arith.constant 32 : index
      %parallel_loop3A_267 = tpu.vector_load %arg12[%parallel_loop3A_265, %parallel_loop3A_266] {strides = array<i32>} : memref<256x128xf32, #tpu.memory_space<vmem>>, vector<1x16xf32>,
      %parallel_loop3A_268 = vector.shape_cast %parallel_loop3A_267 : vector<1x16xf32> to vector<16xf32>
      %parallel_loop3A_269 = arith.addf %parallel_loop3A_268, %parallel_loop3A_110 : vector<16xf32>
      %parallel_loop3A_270 = vector.broadcast %parallel_loop3A_248 : f32 to vector<16xf32>
      %parallel_loop3A_271 = arith.mulf %parallel_loop3A_269, %parallel_loop3A_270 : vector<16xf32>
      %parallel_loop3A_272 = arith.maximumf %parallel_loop3A_189, %parallel_loop3A_271 : vector<16xf32>
      %parallel_loop3A_273 = arith.index_cast %parallel_loop3A_231 : i32 to index
      %parallel_loop3A_274 = arith.constant 48 : index
      %parallel_loop3A_275 = tpu.vector_load %arg12[%parallel_loop3A_273, %parallel_loop3A_274] {strides = array<i32>} : memref<256x128xf32, #tpu.memory_space<vmem>>, vector<1x16xf32>,
      %parallel_loop3A_276 = vector.shape_cast %parallel_loop3A_275 : vector<1x16xf32> to vector<16xf32>
      %parallel_loop3A_277 = arith.addf %parallel_loop3A_276, %parallel_loop3A_114 : vector<16xf32>
      %parallel_loop3A_278 = vector.broadcast %parallel_loop3A_248 : f32 to vector<16xf32>
      %parallel_loop3A_279 = arith.mulf %parallel_loop3A_277, %parallel_loop3A_278 : vector<16xf32>
      %parallel_loop3A_280 = arith.maximumf %parallel_loop3A_197, %parallel_loop3A_279 : vector<16xf32>
      %parallel_loop3A_281 = arith.index_cast %parallel_loop3A_231 : i32 to index
      %parallel_loop3A_282 = arith.constant 64 : index
      %parallel_loop3A_283 = tpu.vector_load %arg12[%parallel_loop3A_281, %parallel_loop3A_282] {strides = array<i32>} : memref<256x128xf32, #tpu.memory_space<vmem>>, vector<1x16xf32>,
      %parallel_loop3A_284 = vector.shape_cast %parallel_loop3A_283 : vector<1x16xf32> to vector<16xf32>
      %parallel_loop3A_285 = arith.addf %parallel_loop3A_284, %parallel_loop3A_118 : vector<16xf32>
      %parallel_loop3A_286 = vector.broadcast %parallel_loop3A_248 : f32 to vector<16xf32>
      %parallel_loop3A_287 = arith.mulf %parallel_loop3A_285, %parallel_loop3A_286 : vector<16xf32>
      %parallel_loop3A_288 = arith.maximumf %parallel_loop3A_205, %parallel_loop3A_287 : vector<16xf32>
      %parallel_loop3A_289 = arith.index_cast %parallel_loop3A_231 : i32 to index
      %parallel_loop3A_290 = arith.constant 80 : index
      %parallel_loop3A_291 = tpu.vector_load %arg12[%parallel_loop3A_289, %parallel_loop3A_290] {strides = array<i32>} : memref<256x128xf32, #tpu.memory_space<vmem>>, vector<1x16xf32>,
      %parallel_loop3A_292 = vector.shape_cast %parallel_loop3A_291 : vector<1x16xf32> to vector<16xf32>
      %parallel_loop3A_293 = arith.addf %parallel_loop3A_292, %parallel_loop3A_122 : vector<16xf32>
      %parallel_loop3A_294 = vector.broadcast %parallel_loop3A_248 : f32 to vector<16xf32>
      %parallel_loop3A_295 = arith.mulf %parallel_loop3A_293, %parallel_loop3A_294 : vector<16xf32>
      %parallel_loop3A_296 = arith.maximumf %parallel_loop3A_213, %parallel_loop3A_295 : vector<16xf32>
      %parallel_loop3A_297 = arith.index_cast %parallel_loop3A_231 : i32 to index
      %parallel_loop3A_298 = arith.constant 96 : index
      %parallel_loop3A_299 = tpu.vector_load %arg12[%parallel_loop3A_297, %parallel_loop3A_298] {strides = array<i32>} : memref<256x128xf32, #tpu.memory_space<vmem>>, vector<1x16xf32>,
      %parallel_loop3A_300 = vector.shape_cast %parallel_loop3A_299 : vector<1x16xf32> to vector<16xf32>
      %parallel_loop3A_301 = arith.addf %parallel_loop3A_300, %parallel_loop3A_126 : vector<16xf32>
      %parallel_loop3A_302 = vector.broadcast %parallel_loop3A_248 : f32 to vector<16xf32>
      %parallel_loop3A_303 = arith.mulf %parallel_loop3A_301, %parallel_loop3A_302 : vector<16xf32>
      %parallel_loop3A_304 = arith.maximumf %parallel_loop3A_221, %parallel_loop3A_303 : vector<16xf32>
      %parallel_loop3A_305 = arith.index_cast %parallel_loop3A_231 : i32 to index
      %parallel_loop3A_306 = arith.constant 112 : index
      %parallel_loop3A_307 = tpu.vector_load %arg12[%parallel_loop3A_305, %parallel_loop3A_306] {strides = array<i32>} : memref<256x128xf32, #tpu.memory_space<vmem>>, vector<1x16xf32>,
      %parallel_loop3A_308 = vector.shape_cast %parallel_loop3A_307 : vector<1x16xf32> to vector<16xf32>
      %parallel_loop3A_309 = arith.addf %parallel_loop3A_308, %parallel_loop3A_130 : vector<16xf32>
      %parallel_loop3A_310 = vector.broadcast %parallel_loop3A_248 : f32 to vector<16xf32>
      %parallel_loop3A_311 = arith.mulf %parallel_loop3A_309, %parallel_loop3A_310 : vector<16xf32>
      %parallel_loop3A_312 = arith.maximumf %parallel_loop3A_229, %parallel_loop3A_311 : vector<16xf32>
      %parallel_loop3A_313 = vector.extract_strided_slice %parallel_loop3A_84 {offsets = [2], sizes = [1], strides = [1]} : vector<16xi32> to vector<1xi32>
      %parallel_loop3A_314 = vector.extract %parallel_loop3A_313[0] : i32 from vector<1xi32>
      %parallel_loop3A_315 = vector.extract_strided_slice %parallel_loop3A_89 {offsets = [2], sizes = [1], strides = [1]} : vector<16xf32> to vector<1xf32>
      %parallel_loop3A_316 = vector.extract %parallel_loop3A_315[0] : f32 from vector<1xf32>
      %parallel_loop3A_317 = arith.index_cast %parallel_loop3A_314 : i32 to index
      %parallel_loop3A_318 = tpu.vector_load %arg13[%parallel_loop3A_317] {strides = array<i32>} : memref<272xf32, #tpu.memory_space<vmem>>, vector<16xf32>,
      %parallel_loop3A_319 = vector.shape_cast %parallel_loop3A_318 : vector<16xf32> to vector<16xf32>
      %parallel_loop3A_320 = vector.extract_strided_slice %parallel_loop3A_319 {offsets = [0], sizes = [1], strides = [1]} : vector<16xf32> to vector<1xf32>
      %parallel_loop3A_321 = vector.extract %parallel_loop3A_320[0] : f32 from vector<1xf32>
      %parallel_loop3A_322 = arith.mulf %parallel_loop3A_321, %parallel_loop3A_98 : f32
      %parallel_loop3A_323 = arith.addf %parallel_loop3A_316, %parallel_loop3A_322 : f32
      %parallel_loop3A_324 = arith.index_cast %parallel_loop3A_314 : i32 to index
      %parallel_loop3A_325 = tpu.vector_load %arg14[%parallel_loop3A_324] {strides = array<i32>} : memref<272xf32, #tpu.memory_space<vmem>>, vector<16xf32>,
      %parallel_loop3A_326 = vector.shape_cast %parallel_loop3A_325 : vector<16xf32> to vector<16xf32>
      %parallel_loop3A_327 = vector.extract_strided_slice %parallel_loop3A_326 {offsets = [0], sizes = [1], strides = [1]} : vector<16xf32> to vector<1xf32>
      %parallel_loop3A_328 = vector.extract %parallel_loop3A_327[0] : f32 from vector<1xf32>
      %parallel_loop3A_329 = arith.mulf %parallel_loop3A_323, %parallel_loop3A_328 : f32
      %parallel_loop3A_330 = arith.constant 5.000000e-01 : f32
      %parallel_loop3A_331 = arith.mulf %parallel_loop3A_329, %parallel_loop3A_330 : f32
      %parallel_loop3A_332 = arith.index_cast %parallel_loop3A_314 : i32 to index
      %parallel_loop3A_333 = arith.constant 0 : index
      %parallel_loop3A_334 = tpu.vector_load %arg12[%parallel_loop3A_332, %parallel_loop3A_333] {strides = array<i32>} : memref<256x128xf32, #tpu.memory_space<vmem>>, vector<1x16xf32>,
      %parallel_loop3A_335 = vector.shape_cast %parallel_loop3A_334 : vector<1x16xf32> to vector<16xf32>
      %parallel_loop3A_336 = arith.addf %parallel_loop3A_335, %parallel_loop3A_102 : vector<16xf32>
      %parallel_loop3A_337 = vector.broadcast %parallel_loop3A_331 : f32 to vector<16xf32>
      %parallel_loop3A_338 = arith.mulf %parallel_loop3A_336, %parallel_loop3A_337 : vector<16xf32>
      %parallel_loop3A_339 = arith.maximumf %parallel_loop3A_256, %parallel_loop3A_338 : vector<16xf32>
      %parallel_loop3A_340 = arith.index_cast %parallel_loop3A_314 : i32 to index
      %parallel_loop3A_341 = arith.constant 16 : index
      %parallel_loop3A_342 = tpu.vector_load %arg12[%parallel_loop3A_340, %parallel_loop3A_341] {strides = array<i32>} : memref<256x128xf32, #tpu.memory_space<vmem>>, vector<1x16xf32>,
      %parallel_loop3A_343 = vector.shape_cast %parallel_loop3A_342 : vector<1x16xf32> to vector<16xf32>
      %parallel_loop3A_344 = arith.addf %parallel_loop3A_343, %parallel_loop3A_106 : vector<16xf32>
      %parallel_loop3A_345 = vector.broadcast %parallel_loop3A_331 : f32 to vector<16xf32>
      %parallel_loop3A_346 = arith.mulf %parallel_loop3A_344, %parallel_loop3A_345 : vector<16xf32>
      %parallel_loop3A_347 = arith.maximumf %parallel_loop3A_264, %parallel_loop3A_346 : vector<16xf32>
      %parallel_loop3A_348 = arith.index_cast %parallel_loop3A_314 : i32 to index
      %parallel_loop3A_349 = arith.constant 32 : index
      %parallel_loop3A_350 = tpu.vector_load %arg12[%parallel_loop3A_348, %parallel_loop3A_349] {strides = array<i32>} : memref<256x128xf32, #tpu.memory_space<vmem>>, vector<1x16xf32>,
      %parallel_loop3A_351 = vector.shape_cast %parallel_loop3A_350 : vector<1x16xf32> to vector<16xf32>
      %parallel_loop3A_352 = arith.addf %parallel_loop3A_351, %parallel_loop3A_110 : vector<16xf32>
      %parallel_loop3A_353 = vector.broadcast %parallel_loop3A_331 : f32 to vector<16xf32>
      %parallel_loop3A_354 = arith.mulf %parallel_loop3A_352, %parallel_loop3A_353 : vector<16xf32>
      %parallel_loop3A_355 = arith.maximumf %parallel_loop3A_272, %parallel_loop3A_354 : vector<16xf32>
      %parallel_loop3A_356 = arith.index_cast %parallel_loop3A_314 : i32 to index
      %parallel_loop3A_357 = arith.constant 48 : index
      %parallel_loop3A_358 = tpu.vector_load %arg12[%parallel_loop3A_356, %parallel_loop3A_357] {strides = array<i32>} : memref<256x128xf32, #tpu.memory_space<vmem>>, vector<1x16xf32>,
      %parallel_loop3A_359 = vector.shape_cast %parallel_loop3A_358 : vector<1x16xf32> to vector<16xf32>
      %parallel_loop3A_360 = arith.addf %parallel_loop3A_359, %parallel_loop3A_114 : vector<16xf32>
      %parallel_loop3A_361 = vector.broadcast %parallel_loop3A_331 : f32 to vector<16xf32>
      %parallel_loop3A_362 = arith.mulf %parallel_loop3A_360, %parallel_loop3A_361 : vector<16xf32>
      %parallel_loop3A_363 = arith.maximumf %parallel_loop3A_280, %parallel_loop3A_362 : vector<16xf32>
      %parallel_loop3A_364 = arith.index_cast %parallel_loop3A_314 : i32 to index
      %parallel_loop3A_365 = arith.constant 64 : index
      %parallel_loop3A_366 = tpu.vector_load %arg12[%parallel_loop3A_364, %parallel_loop3A_365] {strides = array<i32>} : memref<256x128xf32, #tpu.memory_space<vmem>>, vector<1x16xf32>,
      %parallel_loop3A_367 = vector.shape_cast %parallel_loop3A_366 : vector<1x16xf32> to vector<16xf32>
      %parallel_loop3A_368 = arith.addf %parallel_loop3A_367, %parallel_loop3A_118 : vector<16xf32>
      %parallel_loop3A_369 = vector.broadcast %parallel_loop3A_331 : f32 to vector<16xf32>
      %parallel_loop3A_370 = arith.mulf %parallel_loop3A_368, %parallel_loop3A_369 : vector<16xf32>
      %parallel_loop3A_371 = arith.maximumf %parallel_loop3A_288, %parallel_loop3A_370 : vector<16xf32>
      %parallel_loop3A_372 = arith.index_cast %parallel_loop3A_314 : i32 to index
      %parallel_loop3A_373 = arith.constant 80 : index
      %parallel_loop3A_374 = tpu.vector_load %arg12[%parallel_loop3A_372, %parallel_loop3A_373] {strides = array<i32>} : memref<256x128xf32, #tpu.memory_space<vmem>>, vector<1x16xf32>,
      %parallel_loop3A_375 = vector.shape_cast %parallel_loop3A_374 : vector<1x16xf32> to vector<16xf32>
      %parallel_loop3A_376 = arith.addf %parallel_loop3A_375, %parallel_loop3A_122 : vector<16xf32>
      %parallel_loop3A_377 = vector.broadcast %parallel_loop3A_331 : f32 to vector<16xf32>
      %parallel_loop3A_378 = arith.mulf %parallel_loop3A_376, %parallel_loop3A_377 : vector<16xf32>
      %parallel_loop3A_379 = arith.maximumf %parallel_loop3A_296, %parallel_loop3A_378 : vector<16xf32>
      %parallel_loop3A_380 = arith.index_cast %parallel_loop3A_314 : i32 to index
      %parallel_loop3A_381 = arith.constant 96 : index
      %parallel_loop3A_382 = tpu.vector_load %arg12[%parallel_loop3A_380, %parallel_loop3A_381] {strides = array<i32>} : memref<256x128xf32, #tpu.memory_space<vmem>>, vector<1x16xf32>,
      %parallel_loop3A_383 = vector.shape_cast %parallel_loop3A_382 : vector<1x16xf32> to vector<16xf32>
      %parallel_loop3A_384 = arith.addf %parallel_loop3A_383, %parallel_loop3A_126 : vector<16xf32>
      %parallel_loop3A_385 = vector.broadcast %parallel_loop3A_331 : f32 to vector<16xf32>
      %parallel_loop3A_386 = arith.mulf %parallel_loop3A_384, %parallel_loop3A_385 : vector<16xf32>
      %parallel_loop3A_387 = arith.maximumf %parallel_loop3A_304, %parallel_loop3A_386 : vector<16xf32>
      %parallel_loop3A_388 = arith.index_cast %parallel_loop3A_314 : i32 to index
      %parallel_loop3A_389 = arith.constant 112 : index
      %parallel_loop3A_390 = tpu.vector_load %arg12[%parallel_loop3A_388, %parallel_loop3A_389] {strides = array<i32>} : memref<256x128xf32, #tpu.memory_space<vmem>>, vector<1x16xf32>,
      %parallel_loop3A_391 = vector.shape_cast %parallel_loop3A_390 : vector<1x16xf32> to vector<16xf32>
      %parallel_loop3A_392 = arith.addf %parallel_loop3A_391, %parallel_loop3A_130 : vector<16xf32>
      %parallel_loop3A_393 = vector.broadcast %parallel_loop3A_331 : f32 to vector<16xf32>
      %parallel_loop3A_394 = arith.mulf %parallel_loop3A_392, %parallel_loop3A_393 : vector<16xf32>
      %parallel_loop3A_395 = arith.maximumf %parallel_loop3A_312, %parallel_loop3A_394 : vector<16xf32>
      %parallel_loop3A_396 = vector.extract_strided_slice %parallel_loop3A_84 {offsets = [3], sizes = [1], strides = [1]} : vector<16xi32> to vector<1xi32>
      %parallel_loop3A_397 = vector.extract %parallel_loop3A_396[0] : i32 from vector<1xi32>
      %parallel_loop3A_398 = vector.extract_strided_slice %parallel_loop3A_89 {offsets = [3], sizes = [1], strides = [1]} : vector<16xf32> to vector<1xf32>
      %parallel_loop3A_399 = vector.extract %parallel_loop3A_398[0] : f32 from vector<1xf32>
      %parallel_loop3A_400 = arith.index_cast %parallel_loop3A_397 : i32 to index
      %parallel_loop3A_401 = tpu.vector_load %arg13[%parallel_loop3A_400] {strides = array<i32>} : memref<272xf32, #tpu.memory_space<vmem>>, vector<16xf32>,
      %parallel_loop3A_402 = vector.shape_cast %parallel_loop3A_401 : vector<16xf32> to vector<16xf32>
      %parallel_loop3A_403 = vector.extract_strided_slice %parallel_loop3A_402 {offsets = [0], sizes = [1], strides = [1]} : vector<16xf32> to vector<1xf32>
      %parallel_loop3A_404 = vector.extract %parallel_loop3A_403[0] : f32 from vector<1xf32>
      %parallel_loop3A_405 = arith.mulf %parallel_loop3A_404, %parallel_loop3A_98 : f32
      %parallel_loop3A_406 = arith.addf %parallel_loop3A_399, %parallel_loop3A_405 : f32
      %parallel_loop3A_407 = arith.index_cast %parallel_loop3A_397 : i32 to index
      %parallel_loop3A_408 = tpu.vector_load %arg14[%parallel_loop3A_407] {strides = array<i32>} : memref<272xf32, #tpu.memory_space<vmem>>, vector<16xf32>,
      %parallel_loop3A_409 = vector.shape_cast %parallel_loop3A_408 : vector<16xf32> to vector<16xf32>
      %parallel_loop3A_410 = vector.extract_strided_slice %parallel_loop3A_409 {offsets = [0], sizes = [1], strides = [1]} : vector<16xf32> to vector<1xf32>
      %parallel_loop3A_411 = vector.extract %parallel_loop3A_410[0] : f32 from vector<1xf32>
      %parallel_loop3A_412 = arith.mulf %parallel_loop3A_406, %parallel_loop3A_411 : f32
      %parallel_loop3A_413 = arith.constant 5.000000e-01 : f32
      %parallel_loop3A_414 = arith.mulf %parallel_loop3A_412, %parallel_loop3A_413 : f32
      %parallel_loop3A_415 = arith.index_cast %parallel_loop3A_397 : i32 to index
      %parallel_loop3A_416 = arith.constant 0 : index
      %parallel_loop3A_417 = tpu.vector_load %arg12[%parallel_loop3A_415, %parallel_loop3A_416] {strides = array<i32>} : memref<256x128xf32, #tpu.memory_space<vmem>>, vector<1x16xf32>,
      %parallel_loop3A_418 = vector.shape_cast %parallel_loop3A_417 : vector<1x16xf32> to vector<16xf32>
      %parallel_loop3A_419 = arith.addf %parallel_loop3A_418, %parallel_loop3A_102 : vector<16xf32>
      %parallel_loop3A_420 = vector.broadcast %parallel_loop3A_414 : f32 to vector<16xf32>
      %parallel_loop3A_421 = arith.mulf %parallel_loop3A_419, %parallel_loop3A_420 : vector<16xf32>
      %parallel_loop3A_422 = arith.maximumf %parallel_loop3A_339, %parallel_loop3A_421 : vector<16xf32>
      %parallel_loop3A_423 = arith.index_cast %parallel_loop3A_397 : i32 to index
      %parallel_loop3A_424 = arith.constant 16 : index
      %parallel_loop3A_425 = tpu.vector_load %arg12[%parallel_loop3A_423, %parallel_loop3A_424] {strides = array<i32>} : memref<256x128xf32, #tpu.memory_space<vmem>>, vector<1x16xf32>,
      %parallel_loop3A_426 = vector.shape_cast %parallel_loop3A_425 : vector<1x16xf32> to vector<16xf32>
      %parallel_loop3A_427 = arith.addf %parallel_loop3A_426, %parallel_loop3A_106 : vector<16xf32>
      %parallel_loop3A_428 = vector.broadcast %parallel_loop3A_414 : f32 to vector<16xf32>
      %parallel_loop3A_429 = arith.mulf %parallel_loop3A_427, %parallel_loop3A_428 : vector<16xf32>
      %parallel_loop3A_430 = arith.maximumf %parallel_loop3A_347, %parallel_loop3A_429 : vector<16xf32>
      %parallel_loop3A_431 = arith.index_cast %parallel_loop3A_397 : i32 to index
      %parallel_loop3A_432 = arith.constant 32 : index
      %parallel_loop3A_433 = tpu.vector_load %arg12[%parallel_loop3A_431, %parallel_loop3A_432] {strides = array<i32>} : memref<256x128xf32, #tpu.memory_space<vmem>>, vector<1x16xf32>,
      %parallel_loop3A_434 = vector.shape_cast %parallel_loop3A_433 : vector<1x16xf32> to vector<16xf32>
      %parallel_loop3A_435 = arith.addf %parallel_loop3A_434, %parallel_loop3A_110 : vector<16xf32>
      %parallel_loop3A_436 = vector.broadcast %parallel_loop3A_414 : f32 to vector<16xf32>
      %parallel_loop3A_437 = arith.mulf %parallel_loop3A_435, %parallel_loop3A_436 : vector<16xf32>
      %parallel_loop3A_438 = arith.maximumf %parallel_loop3A_355, %parallel_loop3A_437 : vector<16xf32>
      %parallel_loop3A_439 = arith.index_cast %parallel_loop3A_397 : i32 to index
      %parallel_loop3A_440 = arith.constant 48 : index
      %parallel_loop3A_441 = tpu.vector_load %arg12[%parallel_loop3A_439, %parallel_loop3A_440] {strides = array<i32>} : memref<256x128xf32, #tpu.memory_space<vmem>>, vector<1x16xf32>,
      %parallel_loop3A_442 = vector.shape_cast %parallel_loop3A_441 : vector<1x16xf32> to vector<16xf32>
      %parallel_loop3A_443 = arith.addf %parallel_loop3A_442, %parallel_loop3A_114 : vector<16xf32>
      %parallel_loop3A_444 = vector.broadcast %parallel_loop3A_414 : f32 to vector<16xf32>
      %parallel_loop3A_445 = arith.mulf %parallel_loop3A_443, %parallel_loop3A_444 : vector<16xf32>
      %parallel_loop3A_446 = arith.maximumf %parallel_loop3A_363, %parallel_loop3A_445 : vector<16xf32>
      %parallel_loop3A_447 = arith.index_cast %parallel_loop3A_397 : i32 to index
      %parallel_loop3A_448 = arith.constant 64 : index
      %parallel_loop3A_449 = tpu.vector_load %arg12[%parallel_loop3A_447, %parallel_loop3A_448] {strides = array<i32>} : memref<256x128xf32, #tpu.memory_space<vmem>>, vector<1x16xf32>,
      %parallel_loop3A_450 = vector.shape_cast %parallel_loop3A_449 : vector<1x16xf32> to vector<16xf32>
      %parallel_loop3A_451 = arith.addf %parallel_loop3A_450, %parallel_loop3A_118 : vector<16xf32>
      %parallel_loop3A_452 = vector.broadcast %parallel_loop3A_414 : f32 to vector<16xf32>
      %parallel_loop3A_453 = arith.mulf %parallel_loop3A_451, %parallel_loop3A_452 : vector<16xf32>
      %parallel_loop3A_454 = arith.maximumf %parallel_loop3A_371, %parallel_loop3A_453 : vector<16xf32>
      %parallel_loop3A_455 = arith.index_cast %parallel_loop3A_397 : i32 to index
      %parallel_loop3A_456 = arith.constant 80 : index
      %parallel_loop3A_457 = tpu.vector_load %arg12[%parallel_loop3A_455, %parallel_loop3A_456] {strides = array<i32>} : memref<256x128xf32, #tpu.memory_space<vmem>>, vector<1x16xf32>,
      %parallel_loop3A_458 = vector.shape_cast %parallel_loop3A_457 : vector<1x16xf32> to vector<16xf32>
      %parallel_loop3A_459 = arith.addf %parallel_loop3A_458, %parallel_loop3A_122 : vector<16xf32>
      %parallel_loop3A_460 = vector.broadcast %parallel_loop3A_414 : f32 to vector<16xf32>
      %parallel_loop3A_461 = arith.mulf %parallel_loop3A_459, %parallel_loop3A_460 : vector<16xf32>
      %parallel_loop3A_462 = arith.maximumf %parallel_loop3A_379, %parallel_loop3A_461 : vector<16xf32>
      %parallel_loop3A_463 = arith.index_cast %parallel_loop3A_397 : i32 to index
      %parallel_loop3A_464 = arith.constant 96 : index
      %parallel_loop3A_465 = tpu.vector_load %arg12[%parallel_loop3A_463, %parallel_loop3A_464] {strides = array<i32>} : memref<256x128xf32, #tpu.memory_space<vmem>>, vector<1x16xf32>,
      %parallel_loop3A_466 = vector.shape_cast %parallel_loop3A_465 : vector<1x16xf32> to vector<16xf32>
      %parallel_loop3A_467 = arith.addf %parallel_loop3A_466, %parallel_loop3A_126 : vector<16xf32>
      %parallel_loop3A_468 = vector.broadcast %parallel_loop3A_414 : f32 to vector<16xf32>
      %parallel_loop3A_469 = arith.mulf %parallel_loop3A_467, %parallel_loop3A_468 : vector<16xf32>
      %parallel_loop3A_470 = arith.maximumf %parallel_loop3A_387, %parallel_loop3A_469 : vector<16xf32>
      %parallel_loop3A_471 = arith.index_cast %parallel_loop3A_397 : i32 to index
      %parallel_loop3A_472 = arith.constant 112 : index
      %parallel_loop3A_473 = tpu.vector_load %arg12[%parallel_loop3A_471, %parallel_loop3A_472] {strides = array<i32>} : memref<256x128xf32, #tpu.memory_space<vmem>>, vector<1x16xf32>,
      %parallel_loop3A_474 = vector.shape_cast %parallel_loop3A_473 : vector<1x16xf32> to vector<16xf32>
      %parallel_loop3A_475 = arith.addf %parallel_loop3A_474, %parallel_loop3A_130 : vector<16xf32>
      %parallel_loop3A_476 = vector.broadcast %parallel_loop3A_414 : f32 to vector<16xf32>
      %parallel_loop3A_477 = arith.mulf %parallel_loop3A_475, %parallel_loop3A_476 : vector<16xf32>
      %parallel_loop3A_478 = arith.maximumf %parallel_loop3A_395, %parallel_loop3A_477 : vector<16xf32>
      %parallel_loop3A_479 = vector.extract_strided_slice %parallel_loop3A_84 {offsets = [4], sizes = [1], strides = [1]} : vector<16xi32> to vector<1xi32>
      %parallel_loop3A_480 = vector.extract %parallel_loop3A_479[0] : i32 from vector<1xi32>
      %parallel_loop3A_481 = vector.extract_strided_slice %parallel_loop3A_89 {offsets = [4], sizes = [1], strides = [1]} : vector<16xf32> to vector<1xf32>
      %parallel_loop3A_482 = vector.extract %parallel_loop3A_481[0] : f32 from vector<1xf32>
      %parallel_loop3A_483 = arith.index_cast %parallel_loop3A_480 : i32 to index
      %parallel_loop3A_484 = tpu.vector_load %arg13[%parallel_loop3A_483] {strides = array<i32>} : memref<272xf32, #tpu.memory_space<vmem>>, vector<16xf32>,
      %parallel_loop3A_485 = vector.shape_cast %parallel_loop3A_484 : vector<16xf32> to vector<16xf32>
      %parallel_loop3A_486 = vector.extract_strided_slice %parallel_loop3A_485 {offsets = [0], sizes = [1], strides = [1]} : vector<16xf32> to vector<1xf32>
      %parallel_loop3A_487 = vector.extract %parallel_loop3A_486[0] : f32 from vector<1xf32>
      %parallel_loop3A_488 = arith.mulf %parallel_loop3A_487, %parallel_loop3A_98 : f32
      %parallel_loop3A_489 = arith.addf %parallel_loop3A_482, %parallel_loop3A_488 : f32
      %parallel_loop3A_490 = arith.index_cast %parallel_loop3A_480 : i32 to index
      %parallel_loop3A_491 = tpu.vector_load %arg14[%parallel_loop3A_490] {strides = array<i32>} : memref<272xf32, #tpu.memory_space<vmem>>, vector<16xf32>,
      %parallel_loop3A_492 = vector.shape_cast %parallel_loop3A_491 : vector<16xf32> to vector<16xf32>
      %parallel_loop3A_493 = vector.extract_strided_slice %parallel_loop3A_492 {offsets = [0], sizes = [1], strides = [1]} : vector<16xf32> to vector<1xf32>
      %parallel_loop3A_494 = vector.extract %parallel_loop3A_493[0] : f32 from vector<1xf32>
      %parallel_loop3A_495 = arith.mulf %parallel_loop3A_489, %parallel_loop3A_494 : f32
      %parallel_loop3A_496 = arith.constant 5.000000e-01 : f32
      %parallel_loop3A_497 = arith.mulf %parallel_loop3A_495, %parallel_loop3A_496 : f32
      %parallel_loop3A_498 = arith.index_cast %parallel_loop3A_480 : i32 to index
      %parallel_loop3A_499 = arith.constant 0 : index
      %parallel_loop3A_500 = tpu.vector_load %arg12[%parallel_loop3A_498, %parallel_loop3A_499] {strides = array<i32>} : memref<256x128xf32, #tpu.memory_space<vmem>>, vector<1x16xf32>,
      %parallel_loop3A_501 = vector.shape_cast %parallel_loop3A_500 : vector<1x16xf32> to vector<16xf32>
      %parallel_loop3A_502 = arith.addf %parallel_loop3A_501, %parallel_loop3A_102 : vector<16xf32>
      %parallel_loop3A_503 = vector.broadcast %parallel_loop3A_497 : f32 to vector<16xf32>
      %parallel_loop3A_504 = arith.mulf %parallel_loop3A_502, %parallel_loop3A_503 : vector<16xf32>
      %parallel_loop3A_505 = arith.maximumf %parallel_loop3A_422, %parallel_loop3A_504 : vector<16xf32>
      %parallel_loop3A_506 = arith.index_cast %parallel_loop3A_480 : i32 to index
      %parallel_loop3A_507 = arith.constant 16 : index
      %parallel_loop3A_508 = tpu.vector_load %arg12[%parallel_loop3A_506, %parallel_loop3A_507] {strides = array<i32>} : memref<256x128xf32, #tpu.memory_space<vmem>>, vector<1x16xf32>,
      %parallel_loop3A_509 = vector.shape_cast %parallel_loop3A_508 : vector<1x16xf32> to vector<16xf32>
      %parallel_loop3A_510 = arith.addf %parallel_loop3A_509, %parallel_loop3A_106 : vector<16xf32>
      %parallel_loop3A_511 = vector.broadcast %parallel_loop3A_497 : f32 to vector<16xf32>
      %parallel_loop3A_512 = arith.mulf %parallel_loop3A_510, %parallel_loop3A_511 : vector<16xf32>
      %parallel_loop3A_513 = arith.maximumf %parallel_loop3A_430, %parallel_loop3A_512 : vector<16xf32>
      %parallel_loop3A_514 = arith.index_cast %parallel_loop3A_480 : i32 to index
      %parallel_loop3A_515 = arith.constant 32 : index
      %parallel_loop3A_516 = tpu.vector_load %arg12[%parallel_loop3A_514, %parallel_loop3A_515] {strides = array<i32>} : memref<256x128xf32, #tpu.memory_space<vmem>>, vector<1x16xf32>,
      %parallel_loop3A_517 = vector.shape_cast %parallel_loop3A_516 : vector<1x16xf32> to vector<16xf32>
      %parallel_loop3A_518 = arith.addf %parallel_loop3A_517, %parallel_loop3A_110 : vector<16xf32>
      %parallel_loop3A_519 = vector.broadcast %parallel_loop3A_497 : f32 to vector<16xf32>
      %parallel_loop3A_520 = arith.mulf %parallel_loop3A_518, %parallel_loop3A_519 : vector<16xf32>
      %parallel_loop3A_521 = arith.maximumf %parallel_loop3A_438, %parallel_loop3A_520 : vector<16xf32>
      %parallel_loop3A_522 = arith.index_cast %parallel_loop3A_480 : i32 to index
      %parallel_loop3A_523 = arith.constant 48 : index
      %parallel_loop3A_524 = tpu.vector_load %arg12[%parallel_loop3A_522, %parallel_loop3A_523] {strides = array<i32>} : memref<256x128xf32, #tpu.memory_space<vmem>>, vector<1x16xf32>,
      %parallel_loop3A_525 = vector.shape_cast %parallel_loop3A_524 : vector<1x16xf32> to vector<16xf32>
      %parallel_loop3A_526 = arith.addf %parallel_loop3A_525, %parallel_loop3A_114 : vector<16xf32>
      %parallel_loop3A_527 = vector.broadcast %parallel_loop3A_497 : f32 to vector<16xf32>
      %parallel_loop3A_528 = arith.mulf %parallel_loop3A_526, %parallel_loop3A_527 : vector<16xf32>
      %parallel_loop3A_529 = arith.maximumf %parallel_loop3A_446, %parallel_loop3A_528 : vector<16xf32>
      %parallel_loop3A_530 = arith.index_cast %parallel_loop3A_480 : i32 to index
      %parallel_loop3A_531 = arith.constant 64 : index
      %parallel_loop3A_532 = tpu.vector_load %arg12[%parallel_loop3A_530, %parallel_loop3A_531] {strides = array<i32>} : memref<256x128xf32, #tpu.memory_space<vmem>>, vector<1x16xf32>,
      %parallel_loop3A_533 = vector.shape_cast %parallel_loop3A_532 : vector<1x16xf32> to vector<16xf32>
      %parallel_loop3A_534 = arith.addf %parallel_loop3A_533, %parallel_loop3A_118 : vector<16xf32>
      %parallel_loop3A_535 = vector.broadcast %parallel_loop3A_497 : f32 to vector<16xf32>
      %parallel_loop3A_536 = arith.mulf %parallel_loop3A_534, %parallel_loop3A_535 : vector<16xf32>
      %parallel_loop3A_537 = arith.maximumf %parallel_loop3A_454, %parallel_loop3A_536 : vector<16xf32>
      %parallel_loop3A_538 = arith.index_cast %parallel_loop3A_480 : i32 to index
      %parallel_loop3A_539 = arith.constant 80 : index
      %parallel_loop3A_540 = tpu.vector_load %arg12[%parallel_loop3A_538, %parallel_loop3A_539] {strides = array<i32>} : memref<256x128xf32, #tpu.memory_space<vmem>>, vector<1x16xf32>,
      %parallel_loop3A_541 = vector.shape_cast %parallel_loop3A_540 : vector<1x16xf32> to vector<16xf32>
      %parallel_loop3A_542 = arith.addf %parallel_loop3A_541, %parallel_loop3A_122 : vector<16xf32>
      %parallel_loop3A_543 = vector.broadcast %parallel_loop3A_497 : f32 to vector<16xf32>
      %parallel_loop3A_544 = arith.mulf %parallel_loop3A_542, %parallel_loop3A_543 : vector<16xf32>
      %parallel_loop3A_545 = arith.maximumf %parallel_loop3A_462, %parallel_loop3A_544 : vector<16xf32>
      %parallel_loop3A_546 = arith.index_cast %parallel_loop3A_480 : i32 to index
      %parallel_loop3A_547 = arith.constant 96 : index
      %parallel_loop3A_548 = tpu.vector_load %arg12[%parallel_loop3A_546, %parallel_loop3A_547] {strides = array<i32>} : memref<256x128xf32, #tpu.memory_space<vmem>>, vector<1x16xf32>,
      %parallel_loop3A_549 = vector.shape_cast %parallel_loop3A_548 : vector<1x16xf32> to vector<16xf32>
      %parallel_loop3A_550 = arith.addf %parallel_loop3A_549, %parallel_loop3A_126 : vector<16xf32>
      %parallel_loop3A_551 = vector.broadcast %parallel_loop3A_497 : f32 to vector<16xf32>
      %parallel_loop3A_552 = arith.mulf %parallel_loop3A_550, %parallel_loop3A_551 : vector<16xf32>
      %parallel_loop3A_553 = arith.maximumf %parallel_loop3A_470, %parallel_loop3A_552 : vector<16xf32>
      %parallel_loop3A_554 = arith.index_cast %parallel_loop3A_480 : i32 to index
      %parallel_loop3A_555 = arith.constant 112 : index
      %parallel_loop3A_556 = tpu.vector_load %arg12[%parallel_loop3A_554, %parallel_loop3A_555] {strides = array<i32>} : memref<256x128xf32, #tpu.memory_space<vmem>>, vector<1x16xf32>,
      %parallel_loop3A_557 = vector.shape_cast %parallel_loop3A_556 : vector<1x16xf32> to vector<16xf32>
      %parallel_loop3A_558 = arith.addf %parallel_loop3A_557, %parallel_loop3A_130 : vector<16xf32>
      %parallel_loop3A_559 = vector.broadcast %parallel_loop3A_497 : f32 to vector<16xf32>
      %parallel_loop3A_560 = arith.mulf %parallel_loop3A_558, %parallel_loop3A_559 : vector<16xf32>
      %parallel_loop3A_561 = arith.maximumf %parallel_loop3A_478, %parallel_loop3A_560 : vector<16xf32>
      %parallel_loop3A_562 = vector.extract_strided_slice %parallel_loop3A_84 {offsets = [5], sizes = [1], strides = [1]} : vector<16xi32> to vector<1xi32>
      %parallel_loop3A_563 = vector.extract %parallel_loop3A_562[0] : i32 from vector<1xi32>
      %parallel_loop3A_564 = vector.extract_strided_slice %parallel_loop3A_89 {offsets = [5], sizes = [1], strides = [1]} : vector<16xf32> to vector<1xf32>
      %parallel_loop3A_565 = vector.extract %parallel_loop3A_564[0] : f32 from vector<1xf32>
      %parallel_loop3A_566 = arith.index_cast %parallel_loop3A_563 : i32 to index
      %parallel_loop3A_567 = tpu.vector_load %arg13[%parallel_loop3A_566] {strides = array<i32>} : memref<272xf32, #tpu.memory_space<vmem>>, vector<16xf32>,
      %parallel_loop3A_568 = vector.shape_cast %parallel_loop3A_567 : vector<16xf32> to vector<16xf32>
      %parallel_loop3A_569 = vector.extract_strided_slice %parallel_loop3A_568 {offsets = [0], sizes = [1], strides = [1]} : vector<16xf32> to vector<1xf32>
      %parallel_loop3A_570 = vector.extract %parallel_loop3A_569[0] : f32 from vector<1xf32>
      %parallel_loop3A_571 = arith.mulf %parallel_loop3A_570, %parallel_loop3A_98 : f32
      %parallel_loop3A_572 = arith.addf %parallel_loop3A_565, %parallel_loop3A_571 : f32
      %parallel_loop3A_573 = arith.index_cast %parallel_loop3A_563 : i32 to index
      %parallel_loop3A_574 = tpu.vector_load %arg14[%parallel_loop3A_573] {strides = array<i32>} : memref<272xf32, #tpu.memory_space<vmem>>, vector<16xf32>,
      %parallel_loop3A_575 = vector.shape_cast %parallel_loop3A_574 : vector<16xf32> to vector<16xf32>
      %parallel_loop3A_576 = vector.extract_strided_slice %parallel_loop3A_575 {offsets = [0], sizes = [1], strides = [1]} : vector<16xf32> to vector<1xf32>
      %parallel_loop3A_577 = vector.extract %parallel_loop3A_576[0] : f32 from vector<1xf32>
      %parallel_loop3A_578 = arith.mulf %parallel_loop3A_572, %parallel_loop3A_577 : f32
      %parallel_loop3A_579 = arith.constant 5.000000e-01 : f32
      %parallel_loop3A_580 = arith.mulf %parallel_loop3A_578, %parallel_loop3A_579 : f32
      %parallel_loop3A_581 = arith.index_cast %parallel_loop3A_563 : i32 to index
      %parallel_loop3A_582 = arith.constant 0 : index
      %parallel_loop3A_583 = tpu.vector_load %arg12[%parallel_loop3A_581, %parallel_loop3A_582] {strides = array<i32>} : memref<256x128xf32, #tpu.memory_space<vmem>>, vector<1x16xf32>,
      %parallel_loop3A_584 = vector.shape_cast %parallel_loop3A_583 : vector<1x16xf32> to vector<16xf32>
      %parallel_loop3A_585 = arith.addf %parallel_loop3A_584, %parallel_loop3A_102 : vector<16xf32>
      %parallel_loop3A_586 = vector.broadcast %parallel_loop3A_580 : f32 to vector<16xf32>
      %parallel_loop3A_587 = arith.mulf %parallel_loop3A_585, %parallel_loop3A_586 : vector<16xf32>
      %parallel_loop3A_588 = arith.maximumf %parallel_loop3A_505, %parallel_loop3A_587 : vector<16xf32>
      %parallel_loop3A_589 = arith.index_cast %parallel_loop3A_563 : i32 to index
      %parallel_loop3A_590 = arith.constant 16 : index
      %parallel_loop3A_591 = tpu.vector_load %arg12[%parallel_loop3A_589, %parallel_loop3A_590] {strides = array<i32>} : memref<256x128xf32, #tpu.memory_space<vmem>>, vector<1x16xf32>,
      %parallel_loop3A_592 = vector.shape_cast %parallel_loop3A_591 : vector<1x16xf32> to vector<16xf32>
      %parallel_loop3A_593 = arith.addf %parallel_loop3A_592, %parallel_loop3A_106 : vector<16xf32>
      %parallel_loop3A_594 = vector.broadcast %parallel_loop3A_580 : f32 to vector<16xf32>
      %parallel_loop3A_595 = arith.mulf %parallel_loop3A_593, %parallel_loop3A_594 : vector<16xf32>
      %parallel_loop3A_596 = arith.maximumf %parallel_loop3A_513, %parallel_loop3A_595 : vector<16xf32>
      %parallel_loop3A_597 = arith.index_cast %parallel_loop3A_563 : i32 to index
      %parallel_loop3A_598 = arith.constant 32 : index
      %parallel_loop3A_599 = tpu.vector_load %arg12[%parallel_loop3A_597, %parallel_loop3A_598] {strides = array<i32>} : memref<256x128xf32, #tpu.memory_space<vmem>>, vector<1x16xf32>,
      %parallel_loop3A_600 = vector.shape_cast %parallel_loop3A_599 : vector<1x16xf32> to vector<16xf32>
      %parallel_loop3A_601 = arith.addf %parallel_loop3A_600, %parallel_loop3A_110 : vector<16xf32>
      %parallel_loop3A_602 = vector.broadcast %parallel_loop3A_580 : f32 to vector<16xf32>
      %parallel_loop3A_603 = arith.mulf %parallel_loop3A_601, %parallel_loop3A_602 : vector<16xf32>
      %parallel_loop3A_604 = arith.maximumf %parallel_loop3A_521, %parallel_loop3A_603 : vector<16xf32>
      %parallel_loop3A_605 = arith.index_cast %parallel_loop3A_563 : i32 to index
      %parallel_loop3A_606 = arith.constant 48 : index
      %parallel_loop3A_607 = tpu.vector_load %arg12[%parallel_loop3A_605, %parallel_loop3A_606] {strides = array<i32>} : memref<256x128xf32, #tpu.memory_space<vmem>>, vector<1x16xf32>,
      %parallel_loop3A_608 = vector.shape_cast %parallel_loop3A_607 : vector<1x16xf32> to vector<16xf32>
      %parallel_loop3A_609 = arith.addf %parallel_loop3A_608, %parallel_loop3A_114 : vector<16xf32>
      %parallel_loop3A_610 = vector.broadcast %parallel_loop3A_580 : f32 to vector<16xf32>
      %parallel_loop3A_611 = arith.mulf %parallel_loop3A_609, %parallel_loop3A_610 : vector<16xf32>
      %parallel_loop3A_612 = arith.maximumf %parallel_loop3A_529, %parallel_loop3A_611 : vector<16xf32>
      %parallel_loop3A_613 = arith.index_cast %parallel_loop3A_563 : i32 to index
      %parallel_loop3A_614 = arith.constant 64 : index
      %parallel_loop3A_615 = tpu.vector_load %arg12[%parallel_loop3A_613, %parallel_loop3A_614] {strides = array<i32>} : memref<256x128xf32, #tpu.memory_space<vmem>>, vector<1x16xf32>,
      %parallel_loop3A_616 = vector.shape_cast %parallel_loop3A_615 : vector<1x16xf32> to vector<16xf32>
      %parallel_loop3A_617 = arith.addf %parallel_loop3A_616, %parallel_loop3A_118 : vector<16xf32>
      %parallel_loop3A_618 = vector.broadcast %parallel_loop3A_580 : f32 to vector<16xf32>
      %parallel_loop3A_619 = arith.mulf %parallel_loop3A_617, %parallel_loop3A_618 : vector<16xf32>
      %parallel_loop3A_620 = arith.maximumf %parallel_loop3A_537, %parallel_loop3A_619 : vector<16xf32>
      %parallel_loop3A_621 = arith.index_cast %parallel_loop3A_563 : i32 to index
      %parallel_loop3A_622 = arith.constant 80 : index
      %parallel_loop3A_623 = tpu.vector_load %arg12[%parallel_loop3A_621, %parallel_loop3A_622] {strides = array<i32>} : memref<256x128xf32, #tpu.memory_space<vmem>>, vector<1x16xf32>,
      %parallel_loop3A_624 = vector.shape_cast %parallel_loop3A_623 : vector<1x16xf32> to vector<16xf32>
      %parallel_loop3A_625 = arith.addf %parallel_loop3A_624, %parallel_loop3A_122 : vector<16xf32>
      %parallel_loop3A_626 = vector.broadcast %parallel_loop3A_580 : f32 to vector<16xf32>
      %parallel_loop3A_627 = arith.mulf %parallel_loop3A_625, %parallel_loop3A_626 : vector<16xf32>
      %parallel_loop3A_628 = arith.maximumf %parallel_loop3A_545, %parallel_loop3A_627 : vector<16xf32>
      %parallel_loop3A_629 = arith.index_cast %parallel_loop3A_563 : i32 to index
      %parallel_loop3A_630 = arith.constant 96 : index
      %parallel_loop3A_631 = tpu.vector_load %arg12[%parallel_loop3A_629, %parallel_loop3A_630] {strides = array<i32>} : memref<256x128xf32, #tpu.memory_space<vmem>>, vector<1x16xf32>,
      %parallel_loop3A_632 = vector.shape_cast %parallel_loop3A_631 : vector<1x16xf32> to vector<16xf32>
      %parallel_loop3A_633 = arith.addf %parallel_loop3A_632, %parallel_loop3A_126 : vector<16xf32>
      %parallel_loop3A_634 = vector.broadcast %parallel_loop3A_580 : f32 to vector<16xf32>
      %parallel_loop3A_635 = arith.mulf %parallel_loop3A_633, %parallel_loop3A_634 : vector<16xf32>
      %parallel_loop3A_636 = arith.maximumf %parallel_loop3A_553, %parallel_loop3A_635 : vector<16xf32>
      %parallel_loop3A_637 = arith.index_cast %parallel_loop3A_563 : i32 to index
      %parallel_loop3A_638 = arith.constant 112 : index
      %parallel_loop3A_639 = tpu.vector_load %arg12[%parallel_loop3A_637, %parallel_loop3A_638] {strides = array<i32>} : memref<256x128xf32, #tpu.memory_space<vmem>>, vector<1x16xf32>,
      %parallel_loop3A_640 = vector.shape_cast %parallel_loop3A_639 : vector<1x16xf32> to vector<16xf32>
      %parallel_loop3A_641 = arith.addf %parallel_loop3A_640, %parallel_loop3A_130 : vector<16xf32>
      %parallel_loop3A_642 = vector.broadcast %parallel_loop3A_580 : f32 to vector<16xf32>
      %parallel_loop3A_643 = arith.mulf %parallel_loop3A_641, %parallel_loop3A_642 : vector<16xf32>
      %parallel_loop3A_644 = arith.maximumf %parallel_loop3A_561, %parallel_loop3A_643 : vector<16xf32>
      %parallel_loop3A_645 = vector.extract_strided_slice %parallel_loop3A_84 {offsets = [6], sizes = [1], strides = [1]} : vector<16xi32> to vector<1xi32>
      %parallel_loop3A_646 = vector.extract %parallel_loop3A_645[0] : i32 from vector<1xi32>
      %parallel_loop3A_647 = vector.extract_strided_slice %parallel_loop3A_89 {offsets = [6], sizes = [1], strides = [1]} : vector<16xf32> to vector<1xf32>
      %parallel_loop3A_648 = vector.extract %parallel_loop3A_647[0] : f32 from vector<1xf32>
      %parallel_loop3A_649 = arith.index_cast %parallel_loop3A_646 : i32 to index
      %parallel_loop3A_650 = tpu.vector_load %arg13[%parallel_loop3A_649] {strides = array<i32>} : memref<272xf32, #tpu.memory_space<vmem>>, vector<16xf32>,
      %parallel_loop3A_651 = vector.shape_cast %parallel_loop3A_650 : vector<16xf32> to vector<16xf32>
      %parallel_loop3A_652 = vector.extract_strided_slice %parallel_loop3A_651 {offsets = [0], sizes = [1], strides = [1]} : vector<16xf32> to vector<1xf32>
      %parallel_loop3A_653 = vector.extract %parallel_loop3A_652[0] : f32 from vector<1xf32>
      %parallel_loop3A_654 = arith.mulf %parallel_loop3A_653, %parallel_loop3A_98 : f32
      %parallel_loop3A_655 = arith.addf %parallel_loop3A_648, %parallel_loop3A_654 : f32
      %parallel_loop3A_656 = arith.index_cast %parallel_loop3A_646 : i32 to index
      %parallel_loop3A_657 = tpu.vector_load %arg14[%parallel_loop3A_656] {strides = array<i32>} : memref<272xf32, #tpu.memory_space<vmem>>, vector<16xf32>,
      %parallel_loop3A_658 = vector.shape_cast %parallel_loop3A_657 : vector<16xf32> to vector<16xf32>
      %parallel_loop3A_659 = vector.extract_strided_slice %parallel_loop3A_658 {offsets = [0], sizes = [1], strides = [1]} : vector<16xf32> to vector<1xf32>
      %parallel_loop3A_660 = vector.extract %parallel_loop3A_659[0] : f32 from vector<1xf32>
      %parallel_loop3A_661 = arith.mulf %parallel_loop3A_655, %parallel_loop3A_660 : f32
      %parallel_loop3A_662 = arith.constant 5.000000e-01 : f32
      %parallel_loop3A_663 = arith.mulf %parallel_loop3A_661, %parallel_loop3A_662 : f32
      %parallel_loop3A_664 = arith.index_cast %parallel_loop3A_646 : i32 to index
      %parallel_loop3A_665 = arith.constant 0 : index
      %parallel_loop3A_666 = tpu.vector_load %arg12[%parallel_loop3A_664, %parallel_loop3A_665] {strides = array<i32>} : memref<256x128xf32, #tpu.memory_space<vmem>>, vector<1x16xf32>,
      %parallel_loop3A_667 = vector.shape_cast %parallel_loop3A_666 : vector<1x16xf32> to vector<16xf32>
      %parallel_loop3A_668 = arith.addf %parallel_loop3A_667, %parallel_loop3A_102 : vector<16xf32>
      %parallel_loop3A_669 = vector.broadcast %parallel_loop3A_663 : f32 to vector<16xf32>
      %parallel_loop3A_670 = arith.mulf %parallel_loop3A_668, %parallel_loop3A_669 : vector<16xf32>
      %parallel_loop3A_671 = arith.maximumf %parallel_loop3A_588, %parallel_loop3A_670 : vector<16xf32>
      %parallel_loop3A_672 = arith.index_cast %parallel_loop3A_646 : i32 to index
      %parallel_loop3A_673 = arith.constant 16 : index
      %parallel_loop3A_674 = tpu.vector_load %arg12[%parallel_loop3A_672, %parallel_loop3A_673] {strides = array<i32>} : memref<256x128xf32, #tpu.memory_space<vmem>>, vector<1x16xf32>,
      %parallel_loop3A_675 = vector.shape_cast %parallel_loop3A_674 : vector<1x16xf32> to vector<16xf32>
      %parallel_loop3A_676 = arith.addf %parallel_loop3A_675, %parallel_loop3A_106 : vector<16xf32>
      %parallel_loop3A_677 = vector.broadcast %parallel_loop3A_663 : f32 to vector<16xf32>
      %parallel_loop3A_678 = arith.mulf %parallel_loop3A_676, %parallel_loop3A_677 : vector<16xf32>
      %parallel_loop3A_679 = arith.maximumf %parallel_loop3A_596, %parallel_loop3A_678 : vector<16xf32>
      %parallel_loop3A_680 = arith.index_cast %parallel_loop3A_646 : i32 to index
      %parallel_loop3A_681 = arith.constant 32 : index
      %parallel_loop3A_682 = tpu.vector_load %arg12[%parallel_loop3A_680, %parallel_loop3A_681] {strides = array<i32>} : memref<256x128xf32, #tpu.memory_space<vmem>>, vector<1x16xf32>,
      %parallel_loop3A_683 = vector.shape_cast %parallel_loop3A_682 : vector<1x16xf32> to vector<16xf32>
      %parallel_loop3A_684 = arith.addf %parallel_loop3A_683, %parallel_loop3A_110 : vector<16xf32>
      %parallel_loop3A_685 = vector.broadcast %parallel_loop3A_663 : f32 to vector<16xf32>
      %parallel_loop3A_686 = arith.mulf %parallel_loop3A_684, %parallel_loop3A_685 : vector<16xf32>
      %parallel_loop3A_687 = arith.maximumf %parallel_loop3A_604, %parallel_loop3A_686 : vector<16xf32>
      %parallel_loop3A_688 = arith.index_cast %parallel_loop3A_646 : i32 to index
      %parallel_loop3A_689 = arith.constant 48 : index
      %parallel_loop3A_690 = tpu.vector_load %arg12[%parallel_loop3A_688, %parallel_loop3A_689] {strides = array<i32>} : memref<256x128xf32, #tpu.memory_space<vmem>>, vector<1x16xf32>,
      %parallel_loop3A_691 = vector.shape_cast %parallel_loop3A_690 : vector<1x16xf32> to vector<16xf32>
      %parallel_loop3A_692 = arith.addf %parallel_loop3A_691, %parallel_loop3A_114 : vector<16xf32>
      %parallel_loop3A_693 = vector.broadcast %parallel_loop3A_663 : f32 to vector<16xf32>
      %parallel_loop3A_694 = arith.mulf %parallel_loop3A_692, %parallel_loop3A_693 : vector<16xf32>
      %parallel_loop3A_695 = arith.maximumf %parallel_loop3A_612, %parallel_loop3A_694 : vector<16xf32>
      %parallel_loop3A_696 = arith.index_cast %parallel_loop3A_646 : i32 to index
      %parallel_loop3A_697 = arith.constant 64 : index
      %parallel_loop3A_698 = tpu.vector_load %arg12[%parallel_loop3A_696, %parallel_loop3A_697] {strides = array<i32>} : memref<256x128xf32, #tpu.memory_space<vmem>>, vector<1x16xf32>,
      %parallel_loop3A_699 = vector.shape_cast %parallel_loop3A_698 : vector<1x16xf32> to vector<16xf32>
      %parallel_loop3A_700 = arith.addf %parallel_loop3A_699, %parallel_loop3A_118 : vector<16xf32>
      %parallel_loop3A_701 = vector.broadcast %parallel_loop3A_663 : f32 to vector<16xf32>
      %parallel_loop3A_702 = arith.mulf %parallel_loop3A_700, %parallel_loop3A_701 : vector<16xf32>
      %parallel_loop3A_703 = arith.maximumf %parallel_loop3A_620, %parallel_loop3A_702 : vector<16xf32>
      %parallel_loop3A_704 = arith.index_cast %parallel_loop3A_646 : i32 to index
      %parallel_loop3A_705 = arith.constant 80 : index
      %parallel_loop3A_706 = tpu.vector_load %arg12[%parallel_loop3A_704, %parallel_loop3A_705] {strides = array<i32>} : memref<256x128xf32, #tpu.memory_space<vmem>>, vector<1x16xf32>,
      %parallel_loop3A_707 = vector.shape_cast %parallel_loop3A_706 : vector<1x16xf32> to vector<16xf32>
      %parallel_loop3A_708 = arith.addf %parallel_loop3A_707, %parallel_loop3A_122 : vector<16xf32>
      %parallel_loop3A_709 = vector.broadcast %parallel_loop3A_663 : f32 to vector<16xf32>
      %parallel_loop3A_710 = arith.mulf %parallel_loop3A_708, %parallel_loop3A_709 : vector<16xf32>
      %parallel_loop3A_711 = arith.maximumf %parallel_loop3A_628, %parallel_loop3A_710 : vector<16xf32>
      %parallel_loop3A_712 = arith.index_cast %parallel_loop3A_646 : i32 to index
      %parallel_loop3A_713 = arith.constant 96 : index
      %parallel_loop3A_714 = tpu.vector_load %arg12[%parallel_loop3A_712, %parallel_loop3A_713] {strides = array<i32>} : memref<256x128xf32, #tpu.memory_space<vmem>>, vector<1x16xf32>,
      %parallel_loop3A_715 = vector.shape_cast %parallel_loop3A_714 : vector<1x16xf32> to vector<16xf32>
      %parallel_loop3A_716 = arith.addf %parallel_loop3A_715, %parallel_loop3A_126 : vector<16xf32>
      %parallel_loop3A_717 = vector.broadcast %parallel_loop3A_663 : f32 to vector<16xf32>
      %parallel_loop3A_718 = arith.mulf %parallel_loop3A_716, %parallel_loop3A_717 : vector<16xf32>
      %parallel_loop3A_719 = arith.maximumf %parallel_loop3A_636, %parallel_loop3A_718 : vector<16xf32>
      %parallel_loop3A_720 = arith.index_cast %parallel_loop3A_646 : i32 to index
      %parallel_loop3A_721 = arith.constant 112 : index
      %parallel_loop3A_722 = tpu.vector_load %arg12[%parallel_loop3A_720, %parallel_loop3A_721] {strides = array<i32>} : memref<256x128xf32, #tpu.memory_space<vmem>>, vector<1x16xf32>,
      %parallel_loop3A_723 = vector.shape_cast %parallel_loop3A_722 : vector<1x16xf32> to vector<16xf32>
      %parallel_loop3A_724 = arith.addf %parallel_loop3A_723, %parallel_loop3A_130 : vector<16xf32>
      %parallel_loop3A_725 = vector.broadcast %parallel_loop3A_663 : f32 to vector<16xf32>
      %parallel_loop3A_726 = arith.mulf %parallel_loop3A_724, %parallel_loop3A_725 : vector<16xf32>
      %parallel_loop3A_727 = arith.maximumf %parallel_loop3A_644, %parallel_loop3A_726 : vector<16xf32>
      %parallel_loop3A_728 = vector.extract_strided_slice %parallel_loop3A_84 {offsets = [7], sizes = [1], strides = [1]} : vector<16xi32> to vector<1xi32>
      %parallel_loop3A_729 = vector.extract %parallel_loop3A_728[0] : i32 from vector<1xi32>
      %parallel_loop3A_730 = vector.extract_strided_slice %parallel_loop3A_89 {offsets = [7], sizes = [1], strides = [1]} : vector<16xf32> to vector<1xf32>
      %parallel_loop3A_731 = vector.extract %parallel_loop3A_730[0] : f32 from vector<1xf32>
      %parallel_loop3A_732 = arith.index_cast %parallel_loop3A_729 : i32 to index
      %parallel_loop3A_733 = tpu.vector_load %arg13[%parallel_loop3A_732] {strides = array<i32>} : memref<272xf32, #tpu.memory_space<vmem>>, vector<16xf32>,
      %parallel_loop3A_734 = vector.shape_cast %parallel_loop3A_733 : vector<16xf32> to vector<16xf32>
      %parallel_loop3A_735 = vector.extract_strided_slice %parallel_loop3A_734 {offsets = [0], sizes = [1], strides = [1]} : vector<16xf32> to vector<1xf32>
      %parallel_loop3A_736 = vector.extract %parallel_loop3A_735[0] : f32 from vector<1xf32>
      %parallel_loop3A_737 = arith.mulf %parallel_loop3A_736, %parallel_loop3A_98 : f32
      %parallel_loop3A_738 = arith.addf %parallel_loop3A_731, %parallel_loop3A_737 : f32
      %parallel_loop3A_739 = arith.index_cast %parallel_loop3A_729 : i32 to index
      %parallel_loop3A_740 = tpu.vector_load %arg14[%parallel_loop3A_739] {strides = array<i32>} : memref<272xf32, #tpu.memory_space<vmem>>, vector<16xf32>,
      %parallel_loop3A_741 = vector.shape_cast %parallel_loop3A_740 : vector<16xf32> to vector<16xf32>
      %parallel_loop3A_742 = vector.extract_strided_slice %parallel_loop3A_741 {offsets = [0], sizes = [1], strides = [1]} : vector<16xf32> to vector<1xf32>
      %parallel_loop3A_743 = vector.extract %parallel_loop3A_742[0] : f32 from vector<1xf32>
      %parallel_loop3A_744 = arith.mulf %parallel_loop3A_738, %parallel_loop3A_743 : f32
      %parallel_loop3A_745 = arith.constant 5.000000e-01 : f32
      %parallel_loop3A_746 = arith.mulf %parallel_loop3A_744, %parallel_loop3A_745 : f32
      %parallel_loop3A_747 = arith.index_cast %parallel_loop3A_729 : i32 to index
      %parallel_loop3A_748 = arith.constant 0 : index
      %parallel_loop3A_749 = tpu.vector_load %arg12[%parallel_loop3A_747, %parallel_loop3A_748] {strides = array<i32>} : memref<256x128xf32, #tpu.memory_space<vmem>>, vector<1x16xf32>,
      %parallel_loop3A_750 = vector.shape_cast %parallel_loop3A_749 : vector<1x16xf32> to vector<16xf32>
      %parallel_loop3A_751 = arith.addf %parallel_loop3A_750, %parallel_loop3A_102 : vector<16xf32>
      %parallel_loop3A_752 = vector.broadcast %parallel_loop3A_746 : f32 to vector<16xf32>
      %parallel_loop3A_753 = arith.mulf %parallel_loop3A_751, %parallel_loop3A_752 : vector<16xf32>
      %parallel_loop3A_754 = arith.maximumf %parallel_loop3A_671, %parallel_loop3A_753 : vector<16xf32>
      %parallel_loop3A_755 = arith.index_cast %parallel_loop3A_729 : i32 to index
      %parallel_loop3A_756 = arith.constant 16 : index
      %parallel_loop3A_757 = tpu.vector_load %arg12[%parallel_loop3A_755, %parallel_loop3A_756] {strides = array<i32>} : memref<256x128xf32, #tpu.memory_space<vmem>>, vector<1x16xf32>,
      %parallel_loop3A_758 = vector.shape_cast %parallel_loop3A_757 : vector<1x16xf32> to vector<16xf32>
      %parallel_loop3A_759 = arith.addf %parallel_loop3A_758, %parallel_loop3A_106 : vector<16xf32>
      %parallel_loop3A_760 = vector.broadcast %parallel_loop3A_746 : f32 to vector<16xf32>
      %parallel_loop3A_761 = arith.mulf %parallel_loop3A_759, %parallel_loop3A_760 : vector<16xf32>
      %parallel_loop3A_762 = arith.maximumf %parallel_loop3A_679, %parallel_loop3A_761 : vector<16xf32>
      %parallel_loop3A_763 = arith.index_cast %parallel_loop3A_729 : i32 to index
      %parallel_loop3A_764 = arith.constant 32 : index
      %parallel_loop3A_765 = tpu.vector_load %arg12[%parallel_loop3A_763, %parallel_loop3A_764] {strides = array<i32>} : memref<256x128xf32, #tpu.memory_space<vmem>>, vector<1x16xf32>,
      %parallel_loop3A_766 = vector.shape_cast %parallel_loop3A_765 : vector<1x16xf32> to vector<16xf32>
      %parallel_loop3A_767 = arith.addf %parallel_loop3A_766, %parallel_loop3A_110 : vector<16xf32>
      %parallel_loop3A_768 = vector.broadcast %parallel_loop3A_746 : f32 to vector<16xf32>
      %parallel_loop3A_769 = arith.mulf %parallel_loop3A_767, %parallel_loop3A_768 : vector<16xf32>
      %parallel_loop3A_770 = arith.maximumf %parallel_loop3A_687, %parallel_loop3A_769 : vector<16xf32>
      %parallel_loop3A_771 = arith.index_cast %parallel_loop3A_729 : i32 to index
      %parallel_loop3A_772 = arith.constant 48 : index
      %parallel_loop3A_773 = tpu.vector_load %arg12[%parallel_loop3A_771, %parallel_loop3A_772] {strides = array<i32>} : memref<256x128xf32, #tpu.memory_space<vmem>>, vector<1x16xf32>,
      %parallel_loop3A_774 = vector.shape_cast %parallel_loop3A_773 : vector<1x16xf32> to vector<16xf32>
      %parallel_loop3A_775 = arith.addf %parallel_loop3A_774, %parallel_loop3A_114 : vector<16xf32>
      %parallel_loop3A_776 = vector.broadcast %parallel_loop3A_746 : f32 to vector<16xf32>
      %parallel_loop3A_777 = arith.mulf %parallel_loop3A_775, %parallel_loop3A_776 : vector<16xf32>
      %parallel_loop3A_778 = arith.maximumf %parallel_loop3A_695, %parallel_loop3A_777 : vector<16xf32>
      %parallel_loop3A_779 = arith.index_cast %parallel_loop3A_729 : i32 to index
      %parallel_loop3A_780 = arith.constant 64 : index
      %parallel_loop3A_781 = tpu.vector_load %arg12[%parallel_loop3A_779, %parallel_loop3A_780] {strides = array<i32>} : memref<256x128xf32, #tpu.memory_space<vmem>>, vector<1x16xf32>,
      %parallel_loop3A_782 = vector.shape_cast %parallel_loop3A_781 : vector<1x16xf32> to vector<16xf32>
      %parallel_loop3A_783 = arith.addf %parallel_loop3A_782, %parallel_loop3A_118 : vector<16xf32>
      %parallel_loop3A_784 = vector.broadcast %parallel_loop3A_746 : f32 to vector<16xf32>
      %parallel_loop3A_785 = arith.mulf %parallel_loop3A_783, %parallel_loop3A_784 : vector<16xf32>
      %parallel_loop3A_786 = arith.maximumf %parallel_loop3A_703, %parallel_loop3A_785 : vector<16xf32>
      %parallel_loop3A_787 = arith.index_cast %parallel_loop3A_729 : i32 to index
      %parallel_loop3A_788 = arith.constant 80 : index
      %parallel_loop3A_789 = tpu.vector_load %arg12[%parallel_loop3A_787, %parallel_loop3A_788] {strides = array<i32>} : memref<256x128xf32, #tpu.memory_space<vmem>>, vector<1x16xf32>,
      %parallel_loop3A_790 = vector.shape_cast %parallel_loop3A_789 : vector<1x16xf32> to vector<16xf32>
      %parallel_loop3A_791 = arith.addf %parallel_loop3A_790, %parallel_loop3A_122 : vector<16xf32>
      %parallel_loop3A_792 = vector.broadcast %parallel_loop3A_746 : f32 to vector<16xf32>
      %parallel_loop3A_793 = arith.mulf %parallel_loop3A_791, %parallel_loop3A_792 : vector<16xf32>
      %parallel_loop3A_794 = arith.maximumf %parallel_loop3A_711, %parallel_loop3A_793 : vector<16xf32>
      %parallel_loop3A_795 = arith.index_cast %parallel_loop3A_729 : i32 to index
      %parallel_loop3A_796 = arith.constant 96 : index
      %parallel_loop3A_797 = tpu.vector_load %arg12[%parallel_loop3A_795, %parallel_loop3A_796] {strides = array<i32>} : memref<256x128xf32, #tpu.memory_space<vmem>>, vector<1x16xf32>,
      %parallel_loop3A_798 = vector.shape_cast %parallel_loop3A_797 : vector<1x16xf32> to vector<16xf32>
      %parallel_loop3A_799 = arith.addf %parallel_loop3A_798, %parallel_loop3A_126 : vector<16xf32>
      %parallel_loop3A_800 = vector.broadcast %parallel_loop3A_746 : f32 to vector<16xf32>
      %parallel_loop3A_801 = arith.mulf %parallel_loop3A_799, %parallel_loop3A_800 : vector<16xf32>
      %parallel_loop3A_802 = arith.maximumf %parallel_loop3A_719, %parallel_loop3A_801 : vector<16xf32>
      %parallel_loop3A_803 = arith.index_cast %parallel_loop3A_729 : i32 to index
      %parallel_loop3A_804 = arith.constant 112 : index
      %parallel_loop3A_805 = tpu.vector_load %arg12[%parallel_loop3A_803, %parallel_loop3A_804] {strides = array<i32>} : memref<256x128xf32, #tpu.memory_space<vmem>>, vector<1x16xf32>,
      %parallel_loop3A_806 = vector.shape_cast %parallel_loop3A_805 : vector<1x16xf32> to vector<16xf32>
      %parallel_loop3A_807 = arith.addf %parallel_loop3A_806, %parallel_loop3A_130 : vector<16xf32>
      %parallel_loop3A_808 = vector.broadcast %parallel_loop3A_746 : f32 to vector<16xf32>
      %parallel_loop3A_809 = arith.mulf %parallel_loop3A_807, %parallel_loop3A_808 : vector<16xf32>
      %parallel_loop3A_810 = arith.maximumf %parallel_loop3A_727, %parallel_loop3A_809 : vector<16xf32>
      %parallel_loop3A_811 = vector.extract_strided_slice %parallel_loop3A_84 {offsets = [8], sizes = [1], strides = [1]} : vector<16xi32> to vector<1xi32>
      %parallel_loop3A_812 = vector.extract %parallel_loop3A_811[0] : i32 from vector<1xi32>
      %parallel_loop3A_813 = vector.extract_strided_slice %parallel_loop3A_89 {offsets = [8], sizes = [1], strides = [1]} : vector<16xf32> to vector<1xf32>
      %parallel_loop3A_814 = vector.extract %parallel_loop3A_813[0] : f32 from vector<1xf32>
      %parallel_loop3A_815 = arith.index_cast %parallel_loop3A_812 : i32 to index
      %parallel_loop3A_816 = tpu.vector_load %arg13[%parallel_loop3A_815] {strides = array<i32>} : memref<272xf32, #tpu.memory_space<vmem>>, vector<16xf32>,
      %parallel_loop3A_817 = vector.shape_cast %parallel_loop3A_816 : vector<16xf32> to vector<16xf32>
      %parallel_loop3A_818 = vector.extract_strided_slice %parallel_loop3A_817 {offsets = [0], sizes = [1], strides = [1]} : vector<16xf32> to vector<1xf32>
      %parallel_loop3A_819 = vector.extract %parallel_loop3A_818[0] : f32 from vector<1xf32>
      %parallel_loop3A_820 = arith.mulf %parallel_loop3A_819, %parallel_loop3A_98 : f32
      %parallel_loop3A_821 = arith.addf %parallel_loop3A_814, %parallel_loop3A_820 : f32
      %parallel_loop3A_822 = arith.index_cast %parallel_loop3A_812 : i32 to index
      %parallel_loop3A_823 = tpu.vector_load %arg14[%parallel_loop3A_822] {strides = array<i32>} : memref<272xf32, #tpu.memory_space<vmem>>, vector<16xf32>,
      %parallel_loop3A_824 = vector.shape_cast %parallel_loop3A_823 : vector<16xf32> to vector<16xf32>
      %parallel_loop3A_825 = vector.extract_strided_slice %parallel_loop3A_824 {offsets = [0], sizes = [1], strides = [1]} : vector<16xf32> to vector<1xf32>
      %parallel_loop3A_826 = vector.extract %parallel_loop3A_825[0] : f32 from vector<1xf32>
      %parallel_loop3A_827 = arith.mulf %parallel_loop3A_821, %parallel_loop3A_826 : f32
      %parallel_loop3A_828 = arith.constant 5.000000e-01 : f32
      %parallel_loop3A_829 = arith.mulf %parallel_loop3A_827, %parallel_loop3A_828 : f32
      %parallel_loop3A_830 = arith.index_cast %parallel_loop3A_812 : i32 to index
      %parallel_loop3A_831 = arith.constant 0 : index
      %parallel_loop3A_832 = tpu.vector_load %arg12[%parallel_loop3A_830, %parallel_loop3A_831] {strides = array<i32>} : memref<256x128xf32, #tpu.memory_space<vmem>>, vector<1x16xf32>,
      %parallel_loop3A_833 = vector.shape_cast %parallel_loop3A_832 : vector<1x16xf32> to vector<16xf32>
      %parallel_loop3A_834 = arith.addf %parallel_loop3A_833, %parallel_loop3A_102 : vector<16xf32>
      %parallel_loop3A_835 = vector.broadcast %parallel_loop3A_829 : f32 to vector<16xf32>
      %parallel_loop3A_836 = arith.mulf %parallel_loop3A_834, %parallel_loop3A_835 : vector<16xf32>
      %parallel_loop3A_837 = arith.maximumf %parallel_loop3A_754, %parallel_loop3A_836 : vector<16xf32>
      %parallel_loop3A_838 = arith.index_cast %parallel_loop3A_812 : i32 to index
      %parallel_loop3A_839 = arith.constant 16 : index
      %parallel_loop3A_840 = tpu.vector_load %arg12[%parallel_loop3A_838, %parallel_loop3A_839] {strides = array<i32>} : memref<256x128xf32, #tpu.memory_space<vmem>>, vector<1x16xf32>,
      %parallel_loop3A_841 = vector.shape_cast %parallel_loop3A_840 : vector<1x16xf32> to vector<16xf32>
      %parallel_loop3A_842 = arith.addf %parallel_loop3A_841, %parallel_loop3A_106 : vector<16xf32>
      %parallel_loop3A_843 = vector.broadcast %parallel_loop3A_829 : f32 to vector<16xf32>
      %parallel_loop3A_844 = arith.mulf %parallel_loop3A_842, %parallel_loop3A_843 : vector<16xf32>
      %parallel_loop3A_845 = arith.maximumf %parallel_loop3A_762, %parallel_loop3A_844 : vector<16xf32>
      %parallel_loop3A_846 = arith.index_cast %parallel_loop3A_812 : i32 to index
      %parallel_loop3A_847 = arith.constant 32 : index
      %parallel_loop3A_848 = tpu.vector_load %arg12[%parallel_loop3A_846, %parallel_loop3A_847] {strides = array<i32>} : memref<256x128xf32, #tpu.memory_space<vmem>>, vector<1x16xf32>,
      %parallel_loop3A_849 = vector.shape_cast %parallel_loop3A_848 : vector<1x16xf32> to vector<16xf32>
      %parallel_loop3A_850 = arith.addf %parallel_loop3A_849, %parallel_loop3A_110 : vector<16xf32>
      %parallel_loop3A_851 = vector.broadcast %parallel_loop3A_829 : f32 to vector<16xf32>
      %parallel_loop3A_852 = arith.mulf %parallel_loop3A_850, %parallel_loop3A_851 : vector<16xf32>
      %parallel_loop3A_853 = arith.maximumf %parallel_loop3A_770, %parallel_loop3A_852 : vector<16xf32>
      %parallel_loop3A_854 = arith.index_cast %parallel_loop3A_812 : i32 to index
      %parallel_loop3A_855 = arith.constant 48 : index
      %parallel_loop3A_856 = tpu.vector_load %arg12[%parallel_loop3A_854, %parallel_loop3A_855] {strides = array<i32>} : memref<256x128xf32, #tpu.memory_space<vmem>>, vector<1x16xf32>,
      %parallel_loop3A_857 = vector.shape_cast %parallel_loop3A_856 : vector<1x16xf32> to vector<16xf32>
      %parallel_loop3A_858 = arith.addf %parallel_loop3A_857, %parallel_loop3A_114 : vector<16xf32>
      %parallel_loop3A_859 = vector.broadcast %parallel_loop3A_829 : f32 to vector<16xf32>
      %parallel_loop3A_860 = arith.mulf %parallel_loop3A_858, %parallel_loop3A_859 : vector<16xf32>
      %parallel_loop3A_861 = arith.maximumf %parallel_loop3A_778, %parallel_loop3A_860 : vector<16xf32>
      %parallel_loop3A_862 = arith.index_cast %parallel_loop3A_812 : i32 to index
      %parallel_loop3A_863 = arith.constant 64 : index
      %parallel_loop3A_864 = tpu.vector_load %arg12[%parallel_loop3A_862, %parallel_loop3A_863] {strides = array<i32>} : memref<256x128xf32, #tpu.memory_space<vmem>>, vector<1x16xf32>,
      %parallel_loop3A_865 = vector.shape_cast %parallel_loop3A_864 : vector<1x16xf32> to vector<16xf32>
      %parallel_loop3A_866 = arith.addf %parallel_loop3A_865, %parallel_loop3A_118 : vector<16xf32>
      %parallel_loop3A_867 = vector.broadcast %parallel_loop3A_829 : f32 to vector<16xf32>
      %parallel_loop3A_868 = arith.mulf %parallel_loop3A_866, %parallel_loop3A_867 : vector<16xf32>
      %parallel_loop3A_869 = arith.maximumf %parallel_loop3A_786, %parallel_loop3A_868 : vector<16xf32>
      %parallel_loop3A_870 = arith.index_cast %parallel_loop3A_812 : i32 to index
      %parallel_loop3A_871 = arith.constant 80 : index
      %parallel_loop3A_872 = tpu.vector_load %arg12[%parallel_loop3A_870, %parallel_loop3A_871] {strides = array<i32>} : memref<256x128xf32, #tpu.memory_space<vmem>>, vector<1x16xf32>,
      %parallel_loop3A_873 = vector.shape_cast %parallel_loop3A_872 : vector<1x16xf32> to vector<16xf32>
      %parallel_loop3A_874 = arith.addf %parallel_loop3A_873, %parallel_loop3A_122 : vector<16xf32>
      %parallel_loop3A_875 = vector.broadcast %parallel_loop3A_829 : f32 to vector<16xf32>
      %parallel_loop3A_876 = arith.mulf %parallel_loop3A_874, %parallel_loop3A_875 : vector<16xf32>
      %parallel_loop3A_877 = arith.maximumf %parallel_loop3A_794, %parallel_loop3A_876 : vector<16xf32>
      %parallel_loop3A_878 = arith.index_cast %parallel_loop3A_812 : i32 to index
      %parallel_loop3A_879 = arith.constant 96 : index
      %parallel_loop3A_880 = tpu.vector_load %arg12[%parallel_loop3A_878, %parallel_loop3A_879] {strides = array<i32>} : memref<256x128xf32, #tpu.memory_space<vmem>>, vector<1x16xf32>,
      %parallel_loop3A_881 = vector.shape_cast %parallel_loop3A_880 : vector<1x16xf32> to vector<16xf32>
      %parallel_loop3A_882 = arith.addf %parallel_loop3A_881, %parallel_loop3A_126 : vector<16xf32>
      %parallel_loop3A_883 = vector.broadcast %parallel_loop3A_829 : f32 to vector<16xf32>
      %parallel_loop3A_884 = arith.mulf %parallel_loop3A_882, %parallel_loop3A_883 : vector<16xf32>
      %parallel_loop3A_885 = arith.maximumf %parallel_loop3A_802, %parallel_loop3A_884 : vector<16xf32>
      %parallel_loop3A_886 = arith.index_cast %parallel_loop3A_812 : i32 to index
      %parallel_loop3A_887 = arith.constant 112 : index
      %parallel_loop3A_888 = tpu.vector_load %arg12[%parallel_loop3A_886, %parallel_loop3A_887] {strides = array<i32>} : memref<256x128xf32, #tpu.memory_space<vmem>>, vector<1x16xf32>,
      %parallel_loop3A_889 = vector.shape_cast %parallel_loop3A_888 : vector<1x16xf32> to vector<16xf32>
      %parallel_loop3A_890 = arith.addf %parallel_loop3A_889, %parallel_loop3A_130 : vector<16xf32>
      %parallel_loop3A_891 = vector.broadcast %parallel_loop3A_829 : f32 to vector<16xf32>
      %parallel_loop3A_892 = arith.mulf %parallel_loop3A_890, %parallel_loop3A_891 : vector<16xf32>
      %parallel_loop3A_893 = arith.maximumf %parallel_loop3A_810, %parallel_loop3A_892 : vector<16xf32>
      %parallel_loop3A_894 = vector.extract_strided_slice %parallel_loop3A_84 {offsets = [9], sizes = [1], strides = [1]} : vector<16xi32> to vector<1xi32>
      %parallel_loop3A_895 = vector.extract %parallel_loop3A_894[0] : i32 from vector<1xi32>
      %parallel_loop3A_896 = vector.extract_strided_slice %parallel_loop3A_89 {offsets = [9], sizes = [1], strides = [1]} : vector<16xf32> to vector<1xf32>
      %parallel_loop3A_897 = vector.extract %parallel_loop3A_896[0] : f32 from vector<1xf32>
      %parallel_loop3A_898 = arith.index_cast %parallel_loop3A_895 : i32 to index
      %parallel_loop3A_899 = tpu.vector_load %arg13[%parallel_loop3A_898] {strides = array<i32>} : memref<272xf32, #tpu.memory_space<vmem>>, vector<16xf32>,
      %parallel_loop3A_900 = vector.shape_cast %parallel_loop3A_899 : vector<16xf32> to vector<16xf32>
      %parallel_loop3A_901 = vector.extract_strided_slice %parallel_loop3A_900 {offsets = [0], sizes = [1], strides = [1]} : vector<16xf32> to vector<1xf32>
      %parallel_loop3A_902 = vector.extract %parallel_loop3A_901[0] : f32 from vector<1xf32>
      %parallel_loop3A_903 = arith.mulf %parallel_loop3A_902, %parallel_loop3A_98 : f32
      %parallel_loop3A_904 = arith.addf %parallel_loop3A_897, %parallel_loop3A_903 : f32
      %parallel_loop3A_905 = arith.index_cast %parallel_loop3A_895 : i32 to index
      %parallel_loop3A_906 = tpu.vector_load %arg14[%parallel_loop3A_905] {strides = array<i32>} : memref<272xf32, #tpu.memory_space<vmem>>, vector<16xf32>,
      %parallel_loop3A_907 = vector.shape_cast %parallel_loop3A_906 : vector<16xf32> to vector<16xf32>
      %parallel_loop3A_908 = vector.extract_strided_slice %parallel_loop3A_907 {offsets = [0], sizes = [1], strides = [1]} : vector<16xf32> to vector<1xf32>
      %parallel_loop3A_909 = vector.extract %parallel_loop3A_908[0] : f32 from vector<1xf32>
      %parallel_loop3A_910 = arith.mulf %parallel_loop3A_904, %parallel_loop3A_909 : f32
      %parallel_loop3A_911 = arith.constant 5.000000e-01 : f32
      %parallel_loop3A_912 = arith.mulf %parallel_loop3A_910, %parallel_loop3A_911 : f32
      %parallel_loop3A_913 = arith.index_cast %parallel_loop3A_895 : i32 to index
      %parallel_loop3A_914 = arith.constant 0 : index
      %parallel_loop3A_915 = tpu.vector_load %arg12[%parallel_loop3A_913, %parallel_loop3A_914] {strides = array<i32>} : memref<256x128xf32, #tpu.memory_space<vmem>>, vector<1x16xf32>,
      %parallel_loop3A_916 = vector.shape_cast %parallel_loop3A_915 : vector<1x16xf32> to vector<16xf32>
      %parallel_loop3A_917 = arith.addf %parallel_loop3A_916, %parallel_loop3A_102 : vector<16xf32>
      %parallel_loop3A_918 = vector.broadcast %parallel_loop3A_912 : f32 to vector<16xf32>
      %parallel_loop3A_919 = arith.mulf %parallel_loop3A_917, %parallel_loop3A_918 : vector<16xf32>
      %parallel_loop3A_920 = arith.maximumf %parallel_loop3A_837, %parallel_loop3A_919 : vector<16xf32>
      %parallel_loop3A_921 = arith.index_cast %parallel_loop3A_895 : i32 to index
      %parallel_loop3A_922 = arith.constant 16 : index
      %parallel_loop3A_923 = tpu.vector_load %arg12[%parallel_loop3A_921, %parallel_loop3A_922] {strides = array<i32>} : memref<256x128xf32, #tpu.memory_space<vmem>>, vector<1x16xf32>,
      %parallel_loop3A_924 = vector.shape_cast %parallel_loop3A_923 : vector<1x16xf32> to vector<16xf32>
      %parallel_loop3A_925 = arith.addf %parallel_loop3A_924, %parallel_loop3A_106 : vector<16xf32>
      %parallel_loop3A_926 = vector.broadcast %parallel_loop3A_912 : f32 to vector<16xf32>
      %parallel_loop3A_927 = arith.mulf %parallel_loop3A_925, %parallel_loop3A_926 : vector<16xf32>
      %parallel_loop3A_928 = arith.maximumf %parallel_loop3A_845, %parallel_loop3A_927 : vector<16xf32>
      %parallel_loop3A_929 = arith.index_cast %parallel_loop3A_895 : i32 to index
      %parallel_loop3A_930 = arith.constant 32 : index
      %parallel_loop3A_931 = tpu.vector_load %arg12[%parallel_loop3A_929, %parallel_loop3A_930] {strides = array<i32>} : memref<256x128xf32, #tpu.memory_space<vmem>>, vector<1x16xf32>,
      %parallel_loop3A_932 = vector.shape_cast %parallel_loop3A_931 : vector<1x16xf32> to vector<16xf32>
      %parallel_loop3A_933 = arith.addf %parallel_loop3A_932, %parallel_loop3A_110 : vector<16xf32>
      %parallel_loop3A_934 = vector.broadcast %parallel_loop3A_912 : f32 to vector<16xf32>
      %parallel_loop3A_935 = arith.mulf %parallel_loop3A_933, %parallel_loop3A_934 : vector<16xf32>
      %parallel_loop3A_936 = arith.maximumf %parallel_loop3A_853, %parallel_loop3A_935 : vector<16xf32>
      %parallel_loop3A_937 = arith.index_cast %parallel_loop3A_895 : i32 to index
      %parallel_loop3A_938 = arith.constant 48 : index
      %parallel_loop3A_939 = tpu.vector_load %arg12[%parallel_loop3A_937, %parallel_loop3A_938] {strides = array<i32>} : memref<256x128xf32, #tpu.memory_space<vmem>>, vector<1x16xf32>,
      %parallel_loop3A_940 = vector.shape_cast %parallel_loop3A_939 : vector<1x16xf32> to vector<16xf32>
      %parallel_loop3A_941 = arith.addf %parallel_loop3A_940, %parallel_loop3A_114 : vector<16xf32>
      %parallel_loop3A_942 = vector.broadcast %parallel_loop3A_912 : f32 to vector<16xf32>
      %parallel_loop3A_943 = arith.mulf %parallel_loop3A_941, %parallel_loop3A_942 : vector<16xf32>
      %parallel_loop3A_944 = arith.maximumf %parallel_loop3A_861, %parallel_loop3A_943 : vector<16xf32>
      %parallel_loop3A_945 = arith.index_cast %parallel_loop3A_895 : i32 to index
      %parallel_loop3A_946 = arith.constant 64 : index
      %parallel_loop3A_947 = tpu.vector_load %arg12[%parallel_loop3A_945, %parallel_loop3A_946] {strides = array<i32>} : memref<256x128xf32, #tpu.memory_space<vmem>>, vector<1x16xf32>,
      %parallel_loop3A_948 = vector.shape_cast %parallel_loop3A_947 : vector<1x16xf32> to vector<16xf32>
      %parallel_loop3A_949 = arith.addf %parallel_loop3A_948, %parallel_loop3A_118 : vector<16xf32>
      %parallel_loop3A_950 = vector.broadcast %parallel_loop3A_912 : f32 to vector<16xf32>
      %parallel_loop3A_951 = arith.mulf %parallel_loop3A_949, %parallel_loop3A_950 : vector<16xf32>
      %parallel_loop3A_952 = arith.maximumf %parallel_loop3A_869, %parallel_loop3A_951 : vector<16xf32>
      %parallel_loop3A_953 = arith.index_cast %parallel_loop3A_895 : i32 to index
      %parallel_loop3A_954 = arith.constant 80 : index
      %parallel_loop3A_955 = tpu.vector_load %arg12[%parallel_loop3A_953, %parallel_loop3A_954] {strides = array<i32>} : memref<256x128xf32, #tpu.memory_space<vmem>>, vector<1x16xf32>,
      %parallel_loop3A_956 = vector.shape_cast %parallel_loop3A_955 : vector<1x16xf32> to vector<16xf32>
      %parallel_loop3A_957 = arith.addf %parallel_loop3A_956, %parallel_loop3A_122 : vector<16xf32>
      %parallel_loop3A_958 = vector.broadcast %parallel_loop3A_912 : f32 to vector<16xf32>
      %parallel_loop3A_959 = arith.mulf %parallel_loop3A_957, %parallel_loop3A_958 : vector<16xf32>
      %parallel_loop3A_960 = arith.maximumf %parallel_loop3A_877, %parallel_loop3A_959 : vector<16xf32>
      %parallel_loop3A_961 = arith.index_cast %parallel_loop3A_895 : i32 to index
      %parallel_loop3A_962 = arith.constant 96 : index
      %parallel_loop3A_963 = tpu.vector_load %arg12[%parallel_loop3A_961, %parallel_loop3A_962] {strides = array<i32>} : memref<256x128xf32, #tpu.memory_space<vmem>>, vector<1x16xf32>,
      %parallel_loop3A_964 = vector.shape_cast %parallel_loop3A_963 : vector<1x16xf32> to vector<16xf32>
      %parallel_loop3A_965 = arith.addf %parallel_loop3A_964, %parallel_loop3A_126 : vector<16xf32>
      %parallel_loop3A_966 = vector.broadcast %parallel_loop3A_912 : f32 to vector<16xf32>
      %parallel_loop3A_967 = arith.mulf %parallel_loop3A_965, %parallel_loop3A_966 : vector<16xf32>
      %parallel_loop3A_968 = arith.maximumf %parallel_loop3A_885, %parallel_loop3A_967 : vector<16xf32>
      %parallel_loop3A_969 = arith.index_cast %parallel_loop3A_895 : i32 to index
      %parallel_loop3A_970 = arith.constant 112 : index
      %parallel_loop3A_971 = tpu.vector_load %arg12[%parallel_loop3A_969, %parallel_loop3A_970] {strides = array<i32>} : memref<256x128xf32, #tpu.memory_space<vmem>>, vector<1x16xf32>,
      %parallel_loop3A_972 = vector.shape_cast %parallel_loop3A_971 : vector<1x16xf32> to vector<16xf32>
      %parallel_loop3A_973 = arith.addf %parallel_loop3A_972, %parallel_loop3A_130 : vector<16xf32>
      %parallel_loop3A_974 = vector.broadcast %parallel_loop3A_912 : f32 to vector<16xf32>
      %parallel_loop3A_975 = arith.mulf %parallel_loop3A_973, %parallel_loop3A_974 : vector<16xf32>
      %parallel_loop3A_976 = arith.maximumf %parallel_loop3A_893, %parallel_loop3A_975 : vector<16xf32>
      %parallel_loop3A_977 = vector.extract_strided_slice %parallel_loop3A_84 {offsets = [10], sizes = [1], strides = [1]} : vector<16xi32> to vector<1xi32>
      %parallel_loop3A_978 = vector.extract %parallel_loop3A_977[0] : i32 from vector<1xi32>
      %parallel_loop3A_979 = vector.extract_strided_slice %parallel_loop3A_89 {offsets = [10], sizes = [1], strides = [1]} : vector<16xf32> to vector<1xf32>
      %parallel_loop3A_980 = vector.extract %parallel_loop3A_979[0] : f32 from vector<1xf32>
      %parallel_loop3A_981 = arith.index_cast %parallel_loop3A_978 : i32 to index
      %parallel_loop3A_982 = tpu.vector_load %arg13[%parallel_loop3A_981] {strides = array<i32>} : memref<272xf32, #tpu.memory_space<vmem>>, vector<16xf32>,
      %parallel_loop3A_983 = vector.shape_cast %parallel_loop3A_982 : vector<16xf32> to vector<16xf32>
      %parallel_loop3A_984 = vector.extract_strided_slice %parallel_loop3A_983 {offsets = [0], sizes = [1], strides = [1]} : vector<16xf32> to vector<1xf32>
      %parallel_loop3A_985 = vector.extract %parallel_loop3A_984[0] : f32 from vector<1xf32>
      %parallel_loop3A_986 = arith.mulf %parallel_loop3A_985, %parallel_loop3A_98 : f32
      %parallel_loop3A_987 = arith.addf %parallel_loop3A_980, %parallel_loop3A_986 : f32
      %parallel_loop3A_988 = arith.index_cast %parallel_loop3A_978 : i32 to index
      %parallel_loop3A_989 = tpu.vector_load %arg14[%parallel_loop3A_988] {strides = array<i32>} : memref<272xf32, #tpu.memory_space<vmem>>, vector<16xf32>,
      %parallel_loop3A_990 = vector.shape_cast %parallel_loop3A_989 : vector<16xf32> to vector<16xf32>
      %parallel_loop3A_991 = vector.extract_strided_slice %parallel_loop3A_990 {offsets = [0], sizes = [1], strides = [1]} : vector<16xf32> to vector<1xf32>
      %parallel_loop3A_992 = vector.extract %parallel_loop3A_991[0] : f32 from vector<1xf32>
      %parallel_loop3A_993 = arith.mulf %parallel_loop3A_987, %parallel_loop3A_992 : f32
      %parallel_loop3A_994 = arith.constant 5.000000e-01 : f32
      %parallel_loop3A_995 = arith.mulf %parallel_loop3A_993, %parallel_loop3A_994 : f32
      %parallel_loop3A_996 = arith.index_cast %parallel_loop3A_978 : i32 to index
      %parallel_loop3A_997 = arith.constant 0 : index
      %parallel_loop3A_998 = tpu.vector_load %arg12[%parallel_loop3A_996, %parallel_loop3A_997] {strides = array<i32>} : memref<256x128xf32, #tpu.memory_space<vmem>>, vector<1x16xf32>,
      %parallel_loop3A_999 = vector.shape_cast %parallel_loop3A_998 : vector<1x16xf32> to vector<16xf32>
      %parallel_loop3A_1000 = arith.addf %parallel_loop3A_999, %parallel_loop3A_102 : vector<16xf32>
      %parallel_loop3A_1001 = vector.broadcast %parallel_loop3A_995 : f32 to vector<16xf32>
      %parallel_loop3A_1002 = arith.mulf %parallel_loop3A_1000, %parallel_loop3A_1001 : vector<16xf32>
      %parallel_loop3A_1003 = arith.maximumf %parallel_loop3A_920, %parallel_loop3A_1002 : vector<16xf32>
      %parallel_loop3A_1004 = arith.index_cast %parallel_loop3A_978 : i32 to index
      %parallel_loop3A_1005 = arith.constant 16 : index
      %parallel_loop3A_1006 = tpu.vector_load %arg12[%parallel_loop3A_1004, %parallel_loop3A_1005] {strides = array<i32>} : memref<256x128xf32, #tpu.memory_space<vmem>>, vector<1x16xf32>,
      %parallel_loop3A_1007 = vector.shape_cast %parallel_loop3A_1006 : vector<1x16xf32> to vector<16xf32>
      %parallel_loop3A_1008 = arith.addf %parallel_loop3A_1007, %parallel_loop3A_106 : vector<16xf32>
      %parallel_loop3A_1009 = vector.broadcast %parallel_loop3A_995 : f32 to vector<16xf32>
      %parallel_loop3A_1010 = arith.mulf %parallel_loop3A_1008, %parallel_loop3A_1009 : vector<16xf32>
      %parallel_loop3A_1011 = arith.maximumf %parallel_loop3A_928, %parallel_loop3A_1010 : vector<16xf32>
      %parallel_loop3A_1012 = arith.index_cast %parallel_loop3A_978 : i32 to index
      %parallel_loop3A_1013 = arith.constant 32 : index
      %parallel_loop3A_1014 = tpu.vector_load %arg12[%parallel_loop3A_1012, %parallel_loop3A_1013] {strides = array<i32>} : memref<256x128xf32, #tpu.memory_space<vmem>>, vector<1x16xf32>,
      %parallel_loop3A_1015 = vector.shape_cast %parallel_loop3A_1014 : vector<1x16xf32> to vector<16xf32>
      %parallel_loop3A_1016 = arith.addf %parallel_loop3A_1015, %parallel_loop3A_110 : vector<16xf32>
      %parallel_loop3A_1017 = vector.broadcast %parallel_loop3A_995 : f32 to vector<16xf32>
      %parallel_loop3A_1018 = arith.mulf %parallel_loop3A_1016, %parallel_loop3A_1017 : vector<16xf32>
      %parallel_loop3A_1019 = arith.maximumf %parallel_loop3A_936, %parallel_loop3A_1018 : vector<16xf32>
      %parallel_loop3A_1020 = arith.index_cast %parallel_loop3A_978 : i32 to index
      %parallel_loop3A_1021 = arith.constant 48 : index
      %parallel_loop3A_1022 = tpu.vector_load %arg12[%parallel_loop3A_1020, %parallel_loop3A_1021] {strides = array<i32>} : memref<256x128xf32, #tpu.memory_space<vmem>>, vector<1x16xf32>,
      %parallel_loop3A_1023 = vector.shape_cast %parallel_loop3A_1022 : vector<1x16xf32> to vector<16xf32>
      %parallel_loop3A_1024 = arith.addf %parallel_loop3A_1023, %parallel_loop3A_114 : vector<16xf32>
      %parallel_loop3A_1025 = vector.broadcast %parallel_loop3A_995 : f32 to vector<16xf32>
      %parallel_loop3A_1026 = arith.mulf %parallel_loop3A_1024, %parallel_loop3A_1025 : vector<16xf32>
      %parallel_loop3A_1027 = arith.maximumf %parallel_loop3A_944, %parallel_loop3A_1026 : vector<16xf32>
      %parallel_loop3A_1028 = arith.index_cast %parallel_loop3A_978 : i32 to index
      %parallel_loop3A_1029 = arith.constant 64 : index
      %parallel_loop3A_1030 = tpu.vector_load %arg12[%parallel_loop3A_1028, %parallel_loop3A_1029] {strides = array<i32>} : memref<256x128xf32, #tpu.memory_space<vmem>>, vector<1x16xf32>,
      %parallel_loop3A_1031 = vector.shape_cast %parallel_loop3A_1030 : vector<1x16xf32> to vector<16xf32>
      %parallel_loop3A_1032 = arith.addf %parallel_loop3A_1031, %parallel_loop3A_118 : vector<16xf32>
      %parallel_loop3A_1033 = vector.broadcast %parallel_loop3A_995 : f32 to vector<16xf32>
      %parallel_loop3A_1034 = arith.mulf %parallel_loop3A_1032, %parallel_loop3A_1033 : vector<16xf32>
      %parallel_loop3A_1035 = arith.maximumf %parallel_loop3A_952, %parallel_loop3A_1034 : vector<16xf32>
      %parallel_loop3A_1036 = arith.index_cast %parallel_loop3A_978 : i32 to index
      %parallel_loop3A_1037 = arith.constant 80 : index
      %parallel_loop3A_1038 = tpu.vector_load %arg12[%parallel_loop3A_1036, %parallel_loop3A_1037] {strides = array<i32>} : memref<256x128xf32, #tpu.memory_space<vmem>>, vector<1x16xf32>,
      %parallel_loop3A_1039 = vector.shape_cast %parallel_loop3A_1038 : vector<1x16xf32> to vector<16xf32>
      %parallel_loop3A_1040 = arith.addf %parallel_loop3A_1039, %parallel_loop3A_122 : vector<16xf32>
      %parallel_loop3A_1041 = vector.broadcast %parallel_loop3A_995 : f32 to vector<16xf32>
      %parallel_loop3A_1042 = arith.mulf %parallel_loop3A_1040, %parallel_loop3A_1041 : vector<16xf32>
      %parallel_loop3A_1043 = arith.maximumf %parallel_loop3A_960, %parallel_loop3A_1042 : vector<16xf32>
      %parallel_loop3A_1044 = arith.index_cast %parallel_loop3A_978 : i32 to index
      %parallel_loop3A_1045 = arith.constant 96 : index
      %parallel_loop3A_1046 = tpu.vector_load %arg12[%parallel_loop3A_1044, %parallel_loop3A_1045] {strides = array<i32>} : memref<256x128xf32, #tpu.memory_space<vmem>>, vector<1x16xf32>,
      %parallel_loop3A_1047 = vector.shape_cast %parallel_loop3A_1046 : vector<1x16xf32> to vector<16xf32>
      %parallel_loop3A_1048 = arith.addf %parallel_loop3A_1047, %parallel_loop3A_126 : vector<16xf32>
      %parallel_loop3A_1049 = vector.broadcast %parallel_loop3A_995 : f32 to vector<16xf32>
      %parallel_loop3A_1050 = arith.mulf %parallel_loop3A_1048, %parallel_loop3A_1049 : vector<16xf32>
      %parallel_loop3A_1051 = arith.maximumf %parallel_loop3A_968, %parallel_loop3A_1050 : vector<16xf32>
      %parallel_loop3A_1052 = arith.index_cast %parallel_loop3A_978 : i32 to index
      %parallel_loop3A_1053 = arith.constant 112 : index
      %parallel_loop3A_1054 = tpu.vector_load %arg12[%parallel_loop3A_1052, %parallel_loop3A_1053] {strides = array<i32>} : memref<256x128xf32, #tpu.memory_space<vmem>>, vector<1x16xf32>,
      %parallel_loop3A_1055 = vector.shape_cast %parallel_loop3A_1054 : vector<1x16xf32> to vector<16xf32>
      %parallel_loop3A_1056 = arith.addf %parallel_loop3A_1055, %parallel_loop3A_130 : vector<16xf32>
      %parallel_loop3A_1057 = vector.broadcast %parallel_loop3A_995 : f32 to vector<16xf32>
      %parallel_loop3A_1058 = arith.mulf %parallel_loop3A_1056, %parallel_loop3A_1057 : vector<16xf32>
      %parallel_loop3A_1059 = arith.maximumf %parallel_loop3A_976, %parallel_loop3A_1058 : vector<16xf32>
      %parallel_loop3A_1060 = vector.extract_strided_slice %parallel_loop3A_84 {offsets = [11], sizes = [1], strides = [1]} : vector<16xi32> to vector<1xi32>
      %parallel_loop3A_1061 = vector.extract %parallel_loop3A_1060[0] : i32 from vector<1xi32>
      %parallel_loop3A_1062 = vector.extract_strided_slice %parallel_loop3A_89 {offsets = [11], sizes = [1], strides = [1]} : vector<16xf32> to vector<1xf32>
      %parallel_loop3A_1063 = vector.extract %parallel_loop3A_1062[0] : f32 from vector<1xf32>
      %parallel_loop3A_1064 = arith.index_cast %parallel_loop3A_1061 : i32 to index
      %parallel_loop3A_1065 = tpu.vector_load %arg13[%parallel_loop3A_1064] {strides = array<i32>} : memref<272xf32, #tpu.memory_space<vmem>>, vector<16xf32>,
      %parallel_loop3A_1066 = vector.shape_cast %parallel_loop3A_1065 : vector<16xf32> to vector<16xf32>
      %parallel_loop3A_1067 = vector.extract_strided_slice %parallel_loop3A_1066 {offsets = [0], sizes = [1], strides = [1]} : vector<16xf32> to vector<1xf32>
      %parallel_loop3A_1068 = vector.extract %parallel_loop3A_1067[0] : f32 from vector<1xf32>
      %parallel_loop3A_1069 = arith.mulf %parallel_loop3A_1068, %parallel_loop3A_98 : f32
      %parallel_loop3A_1070 = arith.addf %parallel_loop3A_1063, %parallel_loop3A_1069 : f32
      %parallel_loop3A_1071 = arith.index_cast %parallel_loop3A_1061 : i32 to index
      %parallel_loop3A_1072 = tpu.vector_load %arg14[%parallel_loop3A_1071] {strides = array<i32>} : memref<272xf32, #tpu.memory_space<vmem>>, vector<16xf32>,
      %parallel_loop3A_1073 = vector.shape_cast %parallel_loop3A_1072 : vector<16xf32> to vector<16xf32>
      %parallel_loop3A_1074 = vector.extract_strided_slice %parallel_loop3A_1073 {offsets = [0], sizes = [1], strides = [1]} : vector<16xf32> to vector<1xf32>
      %parallel_loop3A_1075 = vector.extract %parallel_loop3A_1074[0] : f32 from vector<1xf32>
      %parallel_loop3A_1076 = arith.mulf %parallel_loop3A_1070, %parallel_loop3A_1075 : f32
      %parallel_loop3A_1077 = arith.constant 5.000000e-01 : f32
      %parallel_loop3A_1078 = arith.mulf %parallel_loop3A_1076, %parallel_loop3A_1077 : f32
      %parallel_loop3A_1079 = arith.index_cast %parallel_loop3A_1061 : i32 to index
      %parallel_loop3A_1080 = arith.constant 0 : index
      %parallel_loop3A_1081 = tpu.vector_load %arg12[%parallel_loop3A_1079, %parallel_loop3A_1080] {strides = array<i32>} : memref<256x128xf32, #tpu.memory_space<vmem>>, vector<1x16xf32>,
      %parallel_loop3A_1082 = vector.shape_cast %parallel_loop3A_1081 : vector<1x16xf32> to vector<16xf32>
      %parallel_loop3A_1083 = arith.addf %parallel_loop3A_1082, %parallel_loop3A_102 : vector<16xf32>
      %parallel_loop3A_1084 = vector.broadcast %parallel_loop3A_1078 : f32 to vector<16xf32>
      %parallel_loop3A_1085 = arith.mulf %parallel_loop3A_1083, %parallel_loop3A_1084 : vector<16xf32>
      %parallel_loop3A_1086 = arith.maximumf %parallel_loop3A_1003, %parallel_loop3A_1085 : vector<16xf32>
      %parallel_loop3A_1087 = arith.index_cast %parallel_loop3A_1061 : i32 to index
      %parallel_loop3A_1088 = arith.constant 16 : index
      %parallel_loop3A_1089 = tpu.vector_load %arg12[%parallel_loop3A_1087, %parallel_loop3A_1088] {strides = array<i32>} : memref<256x128xf32, #tpu.memory_space<vmem>>, vector<1x16xf32>,
      %parallel_loop3A_1090 = vector.shape_cast %parallel_loop3A_1089 : vector<1x16xf32> to vector<16xf32>
      %parallel_loop3A_1091 = arith.addf %parallel_loop3A_1090, %parallel_loop3A_106 : vector<16xf32>
      %parallel_loop3A_1092 = vector.broadcast %parallel_loop3A_1078 : f32 to vector<16xf32>
      %parallel_loop3A_1093 = arith.mulf %parallel_loop3A_1091, %parallel_loop3A_1092 : vector<16xf32>
      %parallel_loop3A_1094 = arith.maximumf %parallel_loop3A_1011, %parallel_loop3A_1093 : vector<16xf32>
      %parallel_loop3A_1095 = arith.index_cast %parallel_loop3A_1061 : i32 to index
      %parallel_loop3A_1096 = arith.constant 32 : index
      %parallel_loop3A_1097 = tpu.vector_load %arg12[%parallel_loop3A_1095, %parallel_loop3A_1096] {strides = array<i32>} : memref<256x128xf32, #tpu.memory_space<vmem>>, vector<1x16xf32>,
      %parallel_loop3A_1098 = vector.shape_cast %parallel_loop3A_1097 : vector<1x16xf32> to vector<16xf32>
      %parallel_loop3A_1099 = arith.addf %parallel_loop3A_1098, %parallel_loop3A_110 : vector<16xf32>
      %parallel_loop3A_1100 = vector.broadcast %parallel_loop3A_1078 : f32 to vector<16xf32>
      %parallel_loop3A_1101 = arith.mulf %parallel_loop3A_1099, %parallel_loop3A_1100 : vector<16xf32>
      %parallel_loop3A_1102 = arith.maximumf %parallel_loop3A_1019, %parallel_loop3A_1101 : vector<16xf32>
      %parallel_loop3A_1103 = arith.index_cast %parallel_loop3A_1061 : i32 to index
      %parallel_loop3A_1104 = arith.constant 48 : index
      %parallel_loop3A_1105 = tpu.vector_load %arg12[%parallel_loop3A_1103, %parallel_loop3A_1104] {strides = array<i32>} : memref<256x128xf32, #tpu.memory_space<vmem>>, vector<1x16xf32>,
      %parallel_loop3A_1106 = vector.shape_cast %parallel_loop3A_1105 : vector<1x16xf32> to vector<16xf32>
      %parallel_loop3A_1107 = arith.addf %parallel_loop3A_1106, %parallel_loop3A_114 : vector<16xf32>
      %parallel_loop3A_1108 = vector.broadcast %parallel_loop3A_1078 : f32 to vector<16xf32>
      %parallel_loop3A_1109 = arith.mulf %parallel_loop3A_1107, %parallel_loop3A_1108 : vector<16xf32>
      %parallel_loop3A_1110 = arith.maximumf %parallel_loop3A_1027, %parallel_loop3A_1109 : vector<16xf32>
      %parallel_loop3A_1111 = arith.index_cast %parallel_loop3A_1061 : i32 to index
      %parallel_loop3A_1112 = arith.constant 64 : index
      %parallel_loop3A_1113 = tpu.vector_load %arg12[%parallel_loop3A_1111, %parallel_loop3A_1112] {strides = array<i32>} : memref<256x128xf32, #tpu.memory_space<vmem>>, vector<1x16xf32>,
      %parallel_loop3A_1114 = vector.shape_cast %parallel_loop3A_1113 : vector<1x16xf32> to vector<16xf32>
      %parallel_loop3A_1115 = arith.addf %parallel_loop3A_1114, %parallel_loop3A_118 : vector<16xf32>
      %parallel_loop3A_1116 = vector.broadcast %parallel_loop3A_1078 : f32 to vector<16xf32>
      %parallel_loop3A_1117 = arith.mulf %parallel_loop3A_1115, %parallel_loop3A_1116 : vector<16xf32>
      %parallel_loop3A_1118 = arith.maximumf %parallel_loop3A_1035, %parallel_loop3A_1117 : vector<16xf32>
      %parallel_loop3A_1119 = arith.index_cast %parallel_loop3A_1061 : i32 to index
      %parallel_loop3A_1120 = arith.constant 80 : index
      %parallel_loop3A_1121 = tpu.vector_load %arg12[%parallel_loop3A_1119, %parallel_loop3A_1120] {strides = array<i32>} : memref<256x128xf32, #tpu.memory_space<vmem>>, vector<1x16xf32>,
      %parallel_loop3A_1122 = vector.shape_cast %parallel_loop3A_1121 : vector<1x16xf32> to vector<16xf32>
      %parallel_loop3A_1123 = arith.addf %parallel_loop3A_1122, %parallel_loop3A_122 : vector<16xf32>
      %parallel_loop3A_1124 = vector.broadcast %parallel_loop3A_1078 : f32 to vector<16xf32>
      %parallel_loop3A_1125 = arith.mulf %parallel_loop3A_1123, %parallel_loop3A_1124 : vector<16xf32>
      %parallel_loop3A_1126 = arith.maximumf %parallel_loop3A_1043, %parallel_loop3A_1125 : vector<16xf32>
      %parallel_loop3A_1127 = arith.index_cast %parallel_loop3A_1061 : i32 to index
      %parallel_loop3A_1128 = arith.constant 96 : index
      %parallel_loop3A_1129 = tpu.vector_load %arg12[%parallel_loop3A_1127, %parallel_loop3A_1128] {strides = array<i32>} : memref<256x128xf32, #tpu.memory_space<vmem>>, vector<1x16xf32>,
      %parallel_loop3A_1130 = vector.shape_cast %parallel_loop3A_1129 : vector<1x16xf32> to vector<16xf32>
      %parallel_loop3A_1131 = arith.addf %parallel_loop3A_1130, %parallel_loop3A_126 : vector<16xf32>
      %parallel_loop3A_1132 = vector.broadcast %parallel_loop3A_1078 : f32 to vector<16xf32>
      %parallel_loop3A_1133 = arith.mulf %parallel_loop3A_1131, %parallel_loop3A_1132 : vector<16xf32>
      %parallel_loop3A_1134 = arith.maximumf %parallel_loop3A_1051, %parallel_loop3A_1133 : vector<16xf32>
      %parallel_loop3A_1135 = arith.index_cast %parallel_loop3A_1061 : i32 to index
      %parallel_loop3A_1136 = arith.constant 112 : index
      %parallel_loop3A_1137 = tpu.vector_load %arg12[%parallel_loop3A_1135, %parallel_loop3A_1136] {strides = array<i32>} : memref<256x128xf32, #tpu.memory_space<vmem>>, vector<1x16xf32>,
      %parallel_loop3A_1138 = vector.shape_cast %parallel_loop3A_1137 : vector<1x16xf32> to vector<16xf32>
      %parallel_loop3A_1139 = arith.addf %parallel_loop3A_1138, %parallel_loop3A_130 : vector<16xf32>
      %parallel_loop3A_1140 = vector.broadcast %parallel_loop3A_1078 : f32 to vector<16xf32>
      %parallel_loop3A_1141 = arith.mulf %parallel_loop3A_1139, %parallel_loop3A_1140 : vector<16xf32>
      %parallel_loop3A_1142 = arith.maximumf %parallel_loop3A_1059, %parallel_loop3A_1141 : vector<16xf32>
      %parallel_loop3A_1143 = vector.extract_strided_slice %parallel_loop3A_84 {offsets = [12], sizes = [1], strides = [1]} : vector<16xi32> to vector<1xi32>
      %parallel_loop3A_1144 = vector.extract %parallel_loop3A_1143[0] : i32 from vector<1xi32>
      %parallel_loop3A_1145 = vector.extract_strided_slice %parallel_loop3A_89 {offsets = [12], sizes = [1], strides = [1]} : vector<16xf32> to vector<1xf32>
      %parallel_loop3A_1146 = vector.extract %parallel_loop3A_1145[0] : f32 from vector<1xf32>
      %parallel_loop3A_1147 = arith.index_cast %parallel_loop3A_1144 : i32 to index
      %parallel_loop3A_1148 = tpu.vector_load %arg13[%parallel_loop3A_1147] {strides = array<i32>} : memref<272xf32, #tpu.memory_space<vmem>>, vector<16xf32>,
      %parallel_loop3A_1149 = vector.shape_cast %parallel_loop3A_1148 : vector<16xf32> to vector<16xf32>
      %parallel_loop3A_1150 = vector.extract_strided_slice %parallel_loop3A_1149 {offsets = [0], sizes = [1], strides = [1]} : vector<16xf32> to vector<1xf32>
      %parallel_loop3A_1151 = vector.extract %parallel_loop3A_1150[0] : f32 from vector<1xf32>
      %parallel_loop3A_1152 = arith.mulf %parallel_loop3A_1151, %parallel_loop3A_98 : f32
      %parallel_loop3A_1153 = arith.addf %parallel_loop3A_1146, %parallel_loop3A_1152 : f32
      %parallel_loop3A_1154 = arith.index_cast %parallel_loop3A_1144 : i32 to index
      %parallel_loop3A_1155 = tpu.vector_load %arg14[%parallel_loop3A_1154] {strides = array<i32>} : memref<272xf32, #tpu.memory_space<vmem>>, vector<16xf32>,
      %parallel_loop3A_1156 = vector.shape_cast %parallel_loop3A_1155 : vector<16xf32> to vector<16xf32>
      %parallel_loop3A_1157 = vector.extract_strided_slice %parallel_loop3A_1156 {offsets = [0], sizes = [1], strides = [1]} : vector<16xf32> to vector<1xf32>
      %parallel_loop3A_1158 = vector.extract %parallel_loop3A_1157[0] : f32 from vector<1xf32>
      %parallel_loop3A_1159 = arith.mulf %parallel_loop3A_1153, %parallel_loop3A_1158 : f32
      %parallel_loop3A_1160 = arith.constant 5.000000e-01 : f32
      %parallel_loop3A_1161 = arith.mulf %parallel_loop3A_1159, %parallel_loop3A_1160 : f32
      %parallel_loop3A_1162 = arith.index_cast %parallel_loop3A_1144 : i32 to index
      %parallel_loop3A_1163 = arith.constant 0 : index
      %parallel_loop3A_1164 = tpu.vector_load %arg12[%parallel_loop3A_1162, %parallel_loop3A_1163] {strides = array<i32>} : memref<256x128xf32, #tpu.memory_space<vmem>>, vector<1x16xf32>,
      %parallel_loop3A_1165 = vector.shape_cast %parallel_loop3A_1164 : vector<1x16xf32> to vector<16xf32>
      %parallel_loop3A_1166 = arith.addf %parallel_loop3A_1165, %parallel_loop3A_102 : vector<16xf32>
      %parallel_loop3A_1167 = vector.broadcast %parallel_loop3A_1161 : f32 to vector<16xf32>
      %parallel_loop3A_1168 = arith.mulf %parallel_loop3A_1166, %parallel_loop3A_1167 : vector<16xf32>
      %parallel_loop3A_1169 = arith.maximumf %parallel_loop3A_1086, %parallel_loop3A_1168 : vector<16xf32>
      %parallel_loop3A_1170 = arith.index_cast %parallel_loop3A_1144 : i32 to index
      %parallel_loop3A_1171 = arith.constant 16 : index
      %parallel_loop3A_1172 = tpu.vector_load %arg12[%parallel_loop3A_1170, %parallel_loop3A_1171] {strides = array<i32>} : memref<256x128xf32, #tpu.memory_space<vmem>>, vector<1x16xf32>,
      %parallel_loop3A_1173 = vector.shape_cast %parallel_loop3A_1172 : vector<1x16xf32> to vector<16xf32>
      %parallel_loop3A_1174 = arith.addf %parallel_loop3A_1173, %parallel_loop3A_106 : vector<16xf32>
      %parallel_loop3A_1175 = vector.broadcast %parallel_loop3A_1161 : f32 to vector<16xf32>
      %parallel_loop3A_1176 = arith.mulf %parallel_loop3A_1174, %parallel_loop3A_1175 : vector<16xf32>
      %parallel_loop3A_1177 = arith.maximumf %parallel_loop3A_1094, %parallel_loop3A_1176 : vector<16xf32>
      %parallel_loop3A_1178 = arith.index_cast %parallel_loop3A_1144 : i32 to index
      %parallel_loop3A_1179 = arith.constant 32 : index
      %parallel_loop3A_1180 = tpu.vector_load %arg12[%parallel_loop3A_1178, %parallel_loop3A_1179] {strides = array<i32>} : memref<256x128xf32, #tpu.memory_space<vmem>>, vector<1x16xf32>,
      %parallel_loop3A_1181 = vector.shape_cast %parallel_loop3A_1180 : vector<1x16xf32> to vector<16xf32>
      %parallel_loop3A_1182 = arith.addf %parallel_loop3A_1181, %parallel_loop3A_110 : vector<16xf32>
      %parallel_loop3A_1183 = vector.broadcast %parallel_loop3A_1161 : f32 to vector<16xf32>
      %parallel_loop3A_1184 = arith.mulf %parallel_loop3A_1182, %parallel_loop3A_1183 : vector<16xf32>
      %parallel_loop3A_1185 = arith.maximumf %parallel_loop3A_1102, %parallel_loop3A_1184 : vector<16xf32>
      %parallel_loop3A_1186 = arith.index_cast %parallel_loop3A_1144 : i32 to index
      %parallel_loop3A_1187 = arith.constant 48 : index
      %parallel_loop3A_1188 = tpu.vector_load %arg12[%parallel_loop3A_1186, %parallel_loop3A_1187] {strides = array<i32>} : memref<256x128xf32, #tpu.memory_space<vmem>>, vector<1x16xf32>,
      %parallel_loop3A_1189 = vector.shape_cast %parallel_loop3A_1188 : vector<1x16xf32> to vector<16xf32>
      %parallel_loop3A_1190 = arith.addf %parallel_loop3A_1189, %parallel_loop3A_114 : vector<16xf32>
      %parallel_loop3A_1191 = vector.broadcast %parallel_loop3A_1161 : f32 to vector<16xf32>
      %parallel_loop3A_1192 = arith.mulf %parallel_loop3A_1190, %parallel_loop3A_1191 : vector<16xf32>
      %parallel_loop3A_1193 = arith.maximumf %parallel_loop3A_1110, %parallel_loop3A_1192 : vector<16xf32>
      %parallel_loop3A_1194 = arith.index_cast %parallel_loop3A_1144 : i32 to index
      %parallel_loop3A_1195 = arith.constant 64 : index
      %parallel_loop3A_1196 = tpu.vector_load %arg12[%parallel_loop3A_1194, %parallel_loop3A_1195] {strides = array<i32>} : memref<256x128xf32, #tpu.memory_space<vmem>>, vector<1x16xf32>,
      %parallel_loop3A_1197 = vector.shape_cast %parallel_loop3A_1196 : vector<1x16xf32> to vector<16xf32>
      %parallel_loop3A_1198 = arith.addf %parallel_loop3A_1197, %parallel_loop3A_118 : vector<16xf32>
      %parallel_loop3A_1199 = vector.broadcast %parallel_loop3A_1161 : f32 to vector<16xf32>
      %parallel_loop3A_1200 = arith.mulf %parallel_loop3A_1198, %parallel_loop3A_1199 : vector<16xf32>
      %parallel_loop3A_1201 = arith.maximumf %parallel_loop3A_1118, %parallel_loop3A_1200 : vector<16xf32>
      %parallel_loop3A_1202 = arith.index_cast %parallel_loop3A_1144 : i32 to index
      %parallel_loop3A_1203 = arith.constant 80 : index
      %parallel_loop3A_1204 = tpu.vector_load %arg12[%parallel_loop3A_1202, %parallel_loop3A_1203] {strides = array<i32>} : memref<256x128xf32, #tpu.memory_space<vmem>>, vector<1x16xf32>,
      %parallel_loop3A_1205 = vector.shape_cast %parallel_loop3A_1204 : vector<1x16xf32> to vector<16xf32>
      %parallel_loop3A_1206 = arith.addf %parallel_loop3A_1205, %parallel_loop3A_122 : vector<16xf32>
      %parallel_loop3A_1207 = vector.broadcast %parallel_loop3A_1161 : f32 to vector<16xf32>
      %parallel_loop3A_1208 = arith.mulf %parallel_loop3A_1206, %parallel_loop3A_1207 : vector<16xf32>
      %parallel_loop3A_1209 = arith.maximumf %parallel_loop3A_1126, %parallel_loop3A_1208 : vector<16xf32>
      %parallel_loop3A_1210 = arith.index_cast %parallel_loop3A_1144 : i32 to index
      %parallel_loop3A_1211 = arith.constant 96 : index
      %parallel_loop3A_1212 = tpu.vector_load %arg12[%parallel_loop3A_1210, %parallel_loop3A_1211] {strides = array<i32>} : memref<256x128xf32, #tpu.memory_space<vmem>>, vector<1x16xf32>,
      %parallel_loop3A_1213 = vector.shape_cast %parallel_loop3A_1212 : vector<1x16xf32> to vector<16xf32>
      %parallel_loop3A_1214 = arith.addf %parallel_loop3A_1213, %parallel_loop3A_126 : vector<16xf32>
      %parallel_loop3A_1215 = vector.broadcast %parallel_loop3A_1161 : f32 to vector<16xf32>
      %parallel_loop3A_1216 = arith.mulf %parallel_loop3A_1214, %parallel_loop3A_1215 : vector<16xf32>
      %parallel_loop3A_1217 = arith.maximumf %parallel_loop3A_1134, %parallel_loop3A_1216 : vector<16xf32>
      %parallel_loop3A_1218 = arith.index_cast %parallel_loop3A_1144 : i32 to index
      %parallel_loop3A_1219 = arith.constant 112 : index
      %parallel_loop3A_1220 = tpu.vector_load %arg12[%parallel_loop3A_1218, %parallel_loop3A_1219] {strides = array<i32>} : memref<256x128xf32, #tpu.memory_space<vmem>>, vector<1x16xf32>,
      %parallel_loop3A_1221 = vector.shape_cast %parallel_loop3A_1220 : vector<1x16xf32> to vector<16xf32>
      %parallel_loop3A_1222 = arith.addf %parallel_loop3A_1221, %parallel_loop3A_130 : vector<16xf32>
      %parallel_loop3A_1223 = vector.broadcast %parallel_loop3A_1161 : f32 to vector<16xf32>
      %parallel_loop3A_1224 = arith.mulf %parallel_loop3A_1222, %parallel_loop3A_1223 : vector<16xf32>
      %parallel_loop3A_1225 = arith.maximumf %parallel_loop3A_1142, %parallel_loop3A_1224 : vector<16xf32>
      %parallel_loop3A_1226 = vector.extract_strided_slice %parallel_loop3A_84 {offsets = [13], sizes = [1], strides = [1]} : vector<16xi32> to vector<1xi32>
      %parallel_loop3A_1227 = vector.extract %parallel_loop3A_1226[0] : i32 from vector<1xi32>
      %parallel_loop3A_1228 = vector.extract_strided_slice %parallel_loop3A_89 {offsets = [13], sizes = [1], strides = [1]} : vector<16xf32> to vector<1xf32>
      %parallel_loop3A_1229 = vector.extract %parallel_loop3A_1228[0] : f32 from vector<1xf32>
      %parallel_loop3A_1230 = arith.index_cast %parallel_loop3A_1227 : i32 to index
      %parallel_loop3A_1231 = tpu.vector_load %arg13[%parallel_loop3A_1230] {strides = array<i32>} : memref<272xf32, #tpu.memory_space<vmem>>, vector<16xf32>,
      %parallel_loop3A_1232 = vector.shape_cast %parallel_loop3A_1231 : vector<16xf32> to vector<16xf32>
      %parallel_loop3A_1233 = vector.extract_strided_slice %parallel_loop3A_1232 {offsets = [0], sizes = [1], strides = [1]} : vector<16xf32> to vector<1xf32>
      %parallel_loop3A_1234 = vector.extract %parallel_loop3A_1233[0] : f32 from vector<1xf32>
      %parallel_loop3A_1235 = arith.mulf %parallel_loop3A_1234, %parallel_loop3A_98 : f32
      %parallel_loop3A_1236 = arith.addf %parallel_loop3A_1229, %parallel_loop3A_1235 : f32
      %parallel_loop3A_1237 = arith.index_cast %parallel_loop3A_1227 : i32 to index
      %parallel_loop3A_1238 = tpu.vector_load %arg14[%parallel_loop3A_1237] {strides = array<i32>} : memref<272xf32, #tpu.memory_space<vmem>>, vector<16xf32>,
      %parallel_loop3A_1239 = vector.shape_cast %parallel_loop3A_1238 : vector<16xf32> to vector<16xf32>
      %parallel_loop3A_1240 = vector.extract_strided_slice %parallel_loop3A_1239 {offsets = [0], sizes = [1], strides = [1]} : vector<16xf32> to vector<1xf32>
      %parallel_loop3A_1241 = vector.extract %parallel_loop3A_1240[0] : f32 from vector<1xf32>
      %parallel_loop3A_1242 = arith.mulf %parallel_loop3A_1236, %parallel_loop3A_1241 : f32
      %parallel_loop3A_1243 = arith.constant 5.000000e-01 : f32
      %parallel_loop3A_1244 = arith.mulf %parallel_loop3A_1242, %parallel_loop3A_1243 : f32
      %parallel_loop3A_1245 = arith.index_cast %parallel_loop3A_1227 : i32 to index
      %parallel_loop3A_1246 = arith.constant 0 : index
      %parallel_loop3A_1247 = tpu.vector_load %arg12[%parallel_loop3A_1245, %parallel_loop3A_1246] {strides = array<i32>} : memref<256x128xf32, #tpu.memory_space<vmem>>, vector<1x16xf32>,
      %parallel_loop3A_1248 = vector.shape_cast %parallel_loop3A_1247 : vector<1x16xf32> to vector<16xf32>
      %parallel_loop3A_1249 = arith.addf %parallel_loop3A_1248, %parallel_loop3A_102 : vector<16xf32>
      %parallel_loop3A_1250 = vector.broadcast %parallel_loop3A_1244 : f32 to vector<16xf32>
      %parallel_loop3A_1251 = arith.mulf %parallel_loop3A_1249, %parallel_loop3A_1250 : vector<16xf32>
      %parallel_loop3A_1252 = arith.maximumf %parallel_loop3A_1169, %parallel_loop3A_1251 : vector<16xf32>
      %parallel_loop3A_1253 = arith.index_cast %parallel_loop3A_1227 : i32 to index
      %parallel_loop3A_1254 = arith.constant 16 : index
      %parallel_loop3A_1255 = tpu.vector_load %arg12[%parallel_loop3A_1253, %parallel_loop3A_1254] {strides = array<i32>} : memref<256x128xf32, #tpu.memory_space<vmem>>, vector<1x16xf32>,
      %parallel_loop3A_1256 = vector.shape_cast %parallel_loop3A_1255 : vector<1x16xf32> to vector<16xf32>
      %parallel_loop3A_1257 = arith.addf %parallel_loop3A_1256, %parallel_loop3A_106 : vector<16xf32>
      %parallel_loop3A_1258 = vector.broadcast %parallel_loop3A_1244 : f32 to vector<16xf32>
      %parallel_loop3A_1259 = arith.mulf %parallel_loop3A_1257, %parallel_loop3A_1258 : vector<16xf32>
      %parallel_loop3A_1260 = arith.maximumf %parallel_loop3A_1177, %parallel_loop3A_1259 : vector<16xf32>
      %parallel_loop3A_1261 = arith.index_cast %parallel_loop3A_1227 : i32 to index
      %parallel_loop3A_1262 = arith.constant 32 : index
      %parallel_loop3A_1263 = tpu.vector_load %arg12[%parallel_loop3A_1261, %parallel_loop3A_1262] {strides = array<i32>} : memref<256x128xf32, #tpu.memory_space<vmem>>, vector<1x16xf32>,
      %parallel_loop3A_1264 = vector.shape_cast %parallel_loop3A_1263 : vector<1x16xf32> to vector<16xf32>
      %parallel_loop3A_1265 = arith.addf %parallel_loop3A_1264, %parallel_loop3A_110 : vector<16xf32>
      %parallel_loop3A_1266 = vector.broadcast %parallel_loop3A_1244 : f32 to vector<16xf32>
      %parallel_loop3A_1267 = arith.mulf %parallel_loop3A_1265, %parallel_loop3A_1266 : vector<16xf32>
      %parallel_loop3A_1268 = arith.maximumf %parallel_loop3A_1185, %parallel_loop3A_1267 : vector<16xf32>
      %parallel_loop3A_1269 = arith.index_cast %parallel_loop3A_1227 : i32 to index
      %parallel_loop3A_1270 = arith.constant 48 : index
      %parallel_loop3A_1271 = tpu.vector_load %arg12[%parallel_loop3A_1269, %parallel_loop3A_1270] {strides = array<i32>} : memref<256x128xf32, #tpu.memory_space<vmem>>, vector<1x16xf32>,
      %parallel_loop3A_1272 = vector.shape_cast %parallel_loop3A_1271 : vector<1x16xf32> to vector<16xf32>
      %parallel_loop3A_1273 = arith.addf %parallel_loop3A_1272, %parallel_loop3A_114 : vector<16xf32>
      %parallel_loop3A_1274 = vector.broadcast %parallel_loop3A_1244 : f32 to vector<16xf32>
      %parallel_loop3A_1275 = arith.mulf %parallel_loop3A_1273, %parallel_loop3A_1274 : vector<16xf32>
      %parallel_loop3A_1276 = arith.maximumf %parallel_loop3A_1193, %parallel_loop3A_1275 : vector<16xf32>
      %parallel_loop3A_1277 = arith.index_cast %parallel_loop3A_1227 : i32 to index
      %parallel_loop3A_1278 = arith.constant 64 : index
      %parallel_loop3A_1279 = tpu.vector_load %arg12[%parallel_loop3A_1277, %parallel_loop3A_1278] {strides = array<i32>} : memref<256x128xf32, #tpu.memory_space<vmem>>, vector<1x16xf32>,
      %parallel_loop3A_1280 = vector.shape_cast %parallel_loop3A_1279 : vector<1x16xf32> to vector<16xf32>
      %parallel_loop3A_1281 = arith.addf %parallel_loop3A_1280, %parallel_loop3A_118 : vector<16xf32>
      %parallel_loop3A_1282 = vector.broadcast %parallel_loop3A_1244 : f32 to vector<16xf32>
      %parallel_loop3A_1283 = arith.mulf %parallel_loop3A_1281, %parallel_loop3A_1282 : vector<16xf32>
      %parallel_loop3A_1284 = arith.maximumf %parallel_loop3A_1201, %parallel_loop3A_1283 : vector<16xf32>
      %parallel_loop3A_1285 = arith.index_cast %parallel_loop3A_1227 : i32 to index
      %parallel_loop3A_1286 = arith.constant 80 : index
      %parallel_loop3A_1287 = tpu.vector_load %arg12[%parallel_loop3A_1285, %parallel_loop3A_1286] {strides = array<i32>} : memref<256x128xf32, #tpu.memory_space<vmem>>, vector<1x16xf32>,
      %parallel_loop3A_1288 = vector.shape_cast %parallel_loop3A_1287 : vector<1x16xf32> to vector<16xf32>
      %parallel_loop3A_1289 = arith.addf %parallel_loop3A_1288, %parallel_loop3A_122 : vector<16xf32>
      %parallel_loop3A_1290 = vector.broadcast %parallel_loop3A_1244 : f32 to vector<16xf32>
      %parallel_loop3A_1291 = arith.mulf %parallel_loop3A_1289, %parallel_loop3A_1290 : vector<16xf32>
      %parallel_loop3A_1292 = arith.maximumf %parallel_loop3A_1209, %parallel_loop3A_1291 : vector<16xf32>
      %parallel_loop3A_1293 = arith.index_cast %parallel_loop3A_1227 : i32 to index
      %parallel_loop3A_1294 = arith.constant 96 : index
      %parallel_loop3A_1295 = tpu.vector_load %arg12[%parallel_loop3A_1293, %parallel_loop3A_1294] {strides = array<i32>} : memref<256x128xf32, #tpu.memory_space<vmem>>, vector<1x16xf32>,
      %parallel_loop3A_1296 = vector.shape_cast %parallel_loop3A_1295 : vector<1x16xf32> to vector<16xf32>
      %parallel_loop3A_1297 = arith.addf %parallel_loop3A_1296, %parallel_loop3A_126 : vector<16xf32>
      %parallel_loop3A_1298 = vector.broadcast %parallel_loop3A_1244 : f32 to vector<16xf32>
      %parallel_loop3A_1299 = arith.mulf %parallel_loop3A_1297, %parallel_loop3A_1298 : vector<16xf32>
      %parallel_loop3A_1300 = arith.maximumf %parallel_loop3A_1217, %parallel_loop3A_1299 : vector<16xf32>
      %parallel_loop3A_1301 = arith.index_cast %parallel_loop3A_1227 : i32 to index
      %parallel_loop3A_1302 = arith.constant 112 : index
      %parallel_loop3A_1303 = tpu.vector_load %arg12[%parallel_loop3A_1301, %parallel_loop3A_1302] {strides = array<i32>} : memref<256x128xf32, #tpu.memory_space<vmem>>, vector<1x16xf32>,
      %parallel_loop3A_1304 = vector.shape_cast %parallel_loop3A_1303 : vector<1x16xf32> to vector<16xf32>
      %parallel_loop3A_1305 = arith.addf %parallel_loop3A_1304, %parallel_loop3A_130 : vector<16xf32>
      %parallel_loop3A_1306 = vector.broadcast %parallel_loop3A_1244 : f32 to vector<16xf32>
      %parallel_loop3A_1307 = arith.mulf %parallel_loop3A_1305, %parallel_loop3A_1306 : vector<16xf32>
      %parallel_loop3A_1308 = arith.maximumf %parallel_loop3A_1225, %parallel_loop3A_1307 : vector<16xf32>
      %parallel_loop3A_1309 = vector.extract_strided_slice %parallel_loop3A_84 {offsets = [14], sizes = [1], strides = [1]} : vector<16xi32> to vector<1xi32>
      %parallel_loop3A_1310 = vector.extract %parallel_loop3A_1309[0] : i32 from vector<1xi32>
      %parallel_loop3A_1311 = vector.extract_strided_slice %parallel_loop3A_89 {offsets = [14], sizes = [1], strides = [1]} : vector<16xf32> to vector<1xf32>
      %parallel_loop3A_1312 = vector.extract %parallel_loop3A_1311[0] : f32 from vector<1xf32>
      %parallel_loop3A_1313 = arith.index_cast %parallel_loop3A_1310 : i32 to index
      %parallel_loop3A_1314 = tpu.vector_load %arg13[%parallel_loop3A_1313] {strides = array<i32>} : memref<272xf32, #tpu.memory_space<vmem>>, vector<16xf32>,
      %parallel_loop3A_1315 = vector.shape_cast %parallel_loop3A_1314 : vector<16xf32> to vector<16xf32>
      %parallel_loop3A_1316 = vector.extract_strided_slice %parallel_loop3A_1315 {offsets = [0], sizes = [1], strides = [1]} : vector<16xf32> to vector<1xf32>
      %parallel_loop3A_1317 = vector.extract %parallel_loop3A_1316[0] : f32 from vector<1xf32>
      %parallel_loop3A_1318 = arith.mulf %parallel_loop3A_1317, %parallel_loop3A_98 : f32
      %parallel_loop3A_1319 = arith.addf %parallel_loop3A_1312, %parallel_loop3A_1318 : f32
      %parallel_loop3A_1320 = arith.index_cast %parallel_loop3A_1310 : i32 to index
      %parallel_loop3A_1321 = tpu.vector_load %arg14[%parallel_loop3A_1320] {strides = array<i32>} : memref<272xf32, #tpu.memory_space<vmem>>, vector<16xf32>,
      %parallel_loop3A_1322 = vector.shape_cast %parallel_loop3A_1321 : vector<16xf32> to vector<16xf32>
      %parallel_loop3A_1323 = vector.extract_strided_slice %parallel_loop3A_1322 {offsets = [0], sizes = [1], strides = [1]} : vector<16xf32> to vector<1xf32>
      %parallel_loop3A_1324 = vector.extract %parallel_loop3A_1323[0] : f32 from vector<1xf32>
      %parallel_loop3A_1325 = arith.mulf %parallel_loop3A_1319, %parallel_loop3A_1324 : f32
      %parallel_loop3A_1326 = arith.constant 5.000000e-01 : f32
      %parallel_loop3A_1327 = arith.mulf %parallel_loop3A_1325, %parallel_loop3A_1326 : f32
      %parallel_loop3A_1328 = arith.index_cast %parallel_loop3A_1310 : i32 to index
      %parallel_loop3A_1329 = arith.constant 0 : index
      %parallel_loop3A_1330 = tpu.vector_load %arg12[%parallel_loop3A_1328, %parallel_loop3A_1329] {strides = array<i32>} : memref<256x128xf32, #tpu.memory_space<vmem>>, vector<1x16xf32>,
      %parallel_loop3A_1331 = vector.shape_cast %parallel_loop3A_1330 : vector<1x16xf32> to vector<16xf32>
      %parallel_loop3A_1332 = arith.addf %parallel_loop3A_1331, %parallel_loop3A_102 : vector<16xf32>
      %parallel_loop3A_1333 = vector.broadcast %parallel_loop3A_1327 : f32 to vector<16xf32>
      %parallel_loop3A_1334 = arith.mulf %parallel_loop3A_1332, %parallel_loop3A_1333 : vector<16xf32>
      %parallel_loop3A_1335 = arith.maximumf %parallel_loop3A_1252, %parallel_loop3A_1334 : vector<16xf32>
      %parallel_loop3A_1336 = arith.index_cast %parallel_loop3A_1310 : i32 to index
      %parallel_loop3A_1337 = arith.constant 16 : index
      %parallel_loop3A_1338 = tpu.vector_load %arg12[%parallel_loop3A_1336, %parallel_loop3A_1337] {strides = array<i32>} : memref<256x128xf32, #tpu.memory_space<vmem>>, vector<1x16xf32>,
      %parallel_loop3A_1339 = vector.shape_cast %parallel_loop3A_1338 : vector<1x16xf32> to vector<16xf32>
      %parallel_loop3A_1340 = arith.addf %parallel_loop3A_1339, %parallel_loop3A_106 : vector<16xf32>
      %parallel_loop3A_1341 = vector.broadcast %parallel_loop3A_1327 : f32 to vector<16xf32>
      %parallel_loop3A_1342 = arith.mulf %parallel_loop3A_1340, %parallel_loop3A_1341 : vector<16xf32>
      %parallel_loop3A_1343 = arith.maximumf %parallel_loop3A_1260, %parallel_loop3A_1342 : vector<16xf32>
      %parallel_loop3A_1344 = arith.index_cast %parallel_loop3A_1310 : i32 to index
      %parallel_loop3A_1345 = arith.constant 32 : index
      %parallel_loop3A_1346 = tpu.vector_load %arg12[%parallel_loop3A_1344, %parallel_loop3A_1345] {strides = array<i32>} : memref<256x128xf32, #tpu.memory_space<vmem>>, vector<1x16xf32>,
      %parallel_loop3A_1347 = vector.shape_cast %parallel_loop3A_1346 : vector<1x16xf32> to vector<16xf32>
      %parallel_loop3A_1348 = arith.addf %parallel_loop3A_1347, %parallel_loop3A_110 : vector<16xf32>
      %parallel_loop3A_1349 = vector.broadcast %parallel_loop3A_1327 : f32 to vector<16xf32>
      %parallel_loop3A_1350 = arith.mulf %parallel_loop3A_1348, %parallel_loop3A_1349 : vector<16xf32>
      %parallel_loop3A_1351 = arith.maximumf %parallel_loop3A_1268, %parallel_loop3A_1350 : vector<16xf32>
      %parallel_loop3A_1352 = arith.index_cast %parallel_loop3A_1310 : i32 to index
      %parallel_loop3A_1353 = arith.constant 48 : index
      %parallel_loop3A_1354 = tpu.vector_load %arg12[%parallel_loop3A_1352, %parallel_loop3A_1353] {strides = array<i32>} : memref<256x128xf32, #tpu.memory_space<vmem>>, vector<1x16xf32>,
      %parallel_loop3A_1355 = vector.shape_cast %parallel_loop3A_1354 : vector<1x16xf32> to vector<16xf32>
      %parallel_loop3A_1356 = arith.addf %parallel_loop3A_1355, %parallel_loop3A_114 : vector<16xf32>
      %parallel_loop3A_1357 = vector.broadcast %parallel_loop3A_1327 : f32 to vector<16xf32>
      %parallel_loop3A_1358 = arith.mulf %parallel_loop3A_1356, %parallel_loop3A_1357 : vector<16xf32>
      %parallel_loop3A_1359 = arith.maximumf %parallel_loop3A_1276, %parallel_loop3A_1358 : vector<16xf32>
      %parallel_loop3A_1360 = arith.index_cast %parallel_loop3A_1310 : i32 to index
      %parallel_loop3A_1361 = arith.constant 64 : index
      %parallel_loop3A_1362 = tpu.vector_load %arg12[%parallel_loop3A_1360, %parallel_loop3A_1361] {strides = array<i32>} : memref<256x128xf32, #tpu.memory_space<vmem>>, vector<1x16xf32>,
      %parallel_loop3A_1363 = vector.shape_cast %parallel_loop3A_1362 : vector<1x16xf32> to vector<16xf32>
      %parallel_loop3A_1364 = arith.addf %parallel_loop3A_1363, %parallel_loop3A_118 : vector<16xf32>
      %parallel_loop3A_1365 = vector.broadcast %parallel_loop3A_1327 : f32 to vector<16xf32>
      %parallel_loop3A_1366 = arith.mulf %parallel_loop3A_1364, %parallel_loop3A_1365 : vector<16xf32>
      %parallel_loop3A_1367 = arith.maximumf %parallel_loop3A_1284, %parallel_loop3A_1366 : vector<16xf32>
      %parallel_loop3A_1368 = arith.index_cast %parallel_loop3A_1310 : i32 to index
      %parallel_loop3A_1369 = arith.constant 80 : index
      %parallel_loop3A_1370 = tpu.vector_load %arg12[%parallel_loop3A_1368, %parallel_loop3A_1369] {strides = array<i32>} : memref<256x128xf32, #tpu.memory_space<vmem>>, vector<1x16xf32>,
      %parallel_loop3A_1371 = vector.shape_cast %parallel_loop3A_1370 : vector<1x16xf32> to vector<16xf32>
      %parallel_loop3A_1372 = arith.addf %parallel_loop3A_1371, %parallel_loop3A_122 : vector<16xf32>
      %parallel_loop3A_1373 = vector.broadcast %parallel_loop3A_1327 : f32 to vector<16xf32>
      %parallel_loop3A_1374 = arith.mulf %parallel_loop3A_1372, %parallel_loop3A_1373 : vector<16xf32>
      %parallel_loop3A_1375 = arith.maximumf %parallel_loop3A_1292, %parallel_loop3A_1374 : vector<16xf32>
      %parallel_loop3A_1376 = arith.index_cast %parallel_loop3A_1310 : i32 to index
      %parallel_loop3A_1377 = arith.constant 96 : index
      %parallel_loop3A_1378 = tpu.vector_load %arg12[%parallel_loop3A_1376, %parallel_loop3A_1377] {strides = array<i32>} : memref<256x128xf32, #tpu.memory_space<vmem>>, vector<1x16xf32>,
      %parallel_loop3A_1379 = vector.shape_cast %parallel_loop3A_1378 : vector<1x16xf32> to vector<16xf32>
      %parallel_loop3A_1380 = arith.addf %parallel_loop3A_1379, %parallel_loop3A_126 : vector<16xf32>
      %parallel_loop3A_1381 = vector.broadcast %parallel_loop3A_1327 : f32 to vector<16xf32>
      %parallel_loop3A_1382 = arith.mulf %parallel_loop3A_1380, %parallel_loop3A_1381 : vector<16xf32>
      %parallel_loop3A_1383 = arith.maximumf %parallel_loop3A_1300, %parallel_loop3A_1382 : vector<16xf32>
      %parallel_loop3A_1384 = arith.index_cast %parallel_loop3A_1310 : i32 to index
      %parallel_loop3A_1385 = arith.constant 112 : index
      %parallel_loop3A_1386 = tpu.vector_load %arg12[%parallel_loop3A_1384, %parallel_loop3A_1385] {strides = array<i32>} : memref<256x128xf32, #tpu.memory_space<vmem>>, vector<1x16xf32>,
      %parallel_loop3A_1387 = vector.shape_cast %parallel_loop3A_1386 : vector<1x16xf32> to vector<16xf32>
      %parallel_loop3A_1388 = arith.addf %parallel_loop3A_1387, %parallel_loop3A_130 : vector<16xf32>
      %parallel_loop3A_1389 = vector.broadcast %parallel_loop3A_1327 : f32 to vector<16xf32>
      %parallel_loop3A_1390 = arith.mulf %parallel_loop3A_1388, %parallel_loop3A_1389 : vector<16xf32>
      %parallel_loop3A_1391 = arith.maximumf %parallel_loop3A_1308, %parallel_loop3A_1390 : vector<16xf32>
      %parallel_loop3A_1392 = vector.extract_strided_slice %parallel_loop3A_84 {offsets = [15], sizes = [1], strides = [1]} : vector<16xi32> to vector<1xi32>
      %parallel_loop3A_1393 = vector.extract %parallel_loop3A_1392[0] : i32 from vector<1xi32>
      %parallel_loop3A_1394 = vector.extract_strided_slice %parallel_loop3A_89 {offsets = [15], sizes = [1], strides = [1]} : vector<16xf32> to vector<1xf32>
      %parallel_loop3A_1395 = vector.extract %parallel_loop3A_1394[0] : f32 from vector<1xf32>
      %parallel_loop3A_1396 = arith.index_cast %parallel_loop3A_1393 : i32 to index
      %parallel_loop3A_1397 = tpu.vector_load %arg13[%parallel_loop3A_1396] {strides = array<i32>} : memref<272xf32, #tpu.memory_space<vmem>>, vector<16xf32>,
      %parallel_loop3A_1398 = vector.shape_cast %parallel_loop3A_1397 : vector<16xf32> to vector<16xf32>
      %parallel_loop3A_1399 = vector.extract_strided_slice %parallel_loop3A_1398 {offsets = [0], sizes = [1], strides = [1]} : vector<16xf32> to vector<1xf32>
      %parallel_loop3A_1400 = vector.extract %parallel_loop3A_1399[0] : f32 from vector<1xf32>
      %parallel_loop3A_1401 = arith.mulf %parallel_loop3A_1400, %parallel_loop3A_98 : f32
      %parallel_loop3A_1402 = arith.addf %parallel_loop3A_1395, %parallel_loop3A_1401 : f32
      %parallel_loop3A_1403 = arith.index_cast %parallel_loop3A_1393 : i32 to index
      %parallel_loop3A_1404 = tpu.vector_load %arg14[%parallel_loop3A_1403] {strides = array<i32>} : memref<272xf32, #tpu.memory_space<vmem>>, vector<16xf32>,
      %parallel_loop3A_1405 = vector.shape_cast %parallel_loop3A_1404 : vector<16xf32> to vector<16xf32>
      %parallel_loop3A_1406 = vector.extract_strided_slice %parallel_loop3A_1405 {offsets = [0], sizes = [1], strides = [1]} : vector<16xf32> to vector<1xf32>
      %parallel_loop3A_1407 = vector.extract %parallel_loop3A_1406[0] : f32 from vector<1xf32>
      %parallel_loop3A_1408 = arith.mulf %parallel_loop3A_1402, %parallel_loop3A_1407 : f32
      %parallel_loop3A_1409 = arith.constant 5.000000e-01 : f32
      %parallel_loop3A_1410 = arith.mulf %parallel_loop3A_1408, %parallel_loop3A_1409 : f32
      %parallel_loop3A_1411 = arith.index_cast %parallel_loop3A_1393 : i32 to index
      %parallel_loop3A_1412 = arith.constant 0 : index
      %parallel_loop3A_1413 = tpu.vector_load %arg12[%parallel_loop3A_1411, %parallel_loop3A_1412] {strides = array<i32>} : memref<256x128xf32, #tpu.memory_space<vmem>>, vector<1x16xf32>,
      %parallel_loop3A_1414 = vector.shape_cast %parallel_loop3A_1413 : vector<1x16xf32> to vector<16xf32>
      %parallel_loop3A_1415 = arith.addf %parallel_loop3A_1414, %parallel_loop3A_102 : vector<16xf32>
      %parallel_loop3A_1416 = vector.broadcast %parallel_loop3A_1410 : f32 to vector<16xf32>
      %parallel_loop3A_1417 = arith.mulf %parallel_loop3A_1415, %parallel_loop3A_1416 : vector<16xf32>
      %parallel_loop3A_1418 = arith.maximumf %parallel_loop3A_1335, %parallel_loop3A_1417 : vector<16xf32>
      %parallel_loop3A_1419 = arith.index_cast %parallel_loop3A_1393 : i32 to index
      %parallel_loop3A_1420 = arith.constant 16 : index
      %parallel_loop3A_1421 = tpu.vector_load %arg12[%parallel_loop3A_1419, %parallel_loop3A_1420] {strides = array<i32>} : memref<256x128xf32, #tpu.memory_space<vmem>>, vector<1x16xf32>,
      %parallel_loop3A_1422 = vector.shape_cast %parallel_loop3A_1421 : vector<1x16xf32> to vector<16xf32>
      %parallel_loop3A_1423 = arith.addf %parallel_loop3A_1422, %parallel_loop3A_106 : vector<16xf32>
      %parallel_loop3A_1424 = vector.broadcast %parallel_loop3A_1410 : f32 to vector<16xf32>
      %parallel_loop3A_1425 = arith.mulf %parallel_loop3A_1423, %parallel_loop3A_1424 : vector<16xf32>
      %parallel_loop3A_1426 = arith.maximumf %parallel_loop3A_1343, %parallel_loop3A_1425 : vector<16xf32>
      %parallel_loop3A_1427 = arith.index_cast %parallel_loop3A_1393 : i32 to index
      %parallel_loop3A_1428 = arith.constant 32 : index
      %parallel_loop3A_1429 = tpu.vector_load %arg12[%parallel_loop3A_1427, %parallel_loop3A_1428] {strides = array<i32>} : memref<256x128xf32, #tpu.memory_space<vmem>>, vector<1x16xf32>,
      %parallel_loop3A_1430 = vector.shape_cast %parallel_loop3A_1429 : vector<1x16xf32> to vector<16xf32>
      %parallel_loop3A_1431 = arith.addf %parallel_loop3A_1430, %parallel_loop3A_110 : vector<16xf32>
      %parallel_loop3A_1432 = vector.broadcast %parallel_loop3A_1410 : f32 to vector<16xf32>
      %parallel_loop3A_1433 = arith.mulf %parallel_loop3A_1431, %parallel_loop3A_1432 : vector<16xf32>
      %parallel_loop3A_1434 = arith.maximumf %parallel_loop3A_1351, %parallel_loop3A_1433 : vector<16xf32>
      %parallel_loop3A_1435 = arith.index_cast %parallel_loop3A_1393 : i32 to index
      %parallel_loop3A_1436 = arith.constant 48 : index
      %parallel_loop3A_1437 = tpu.vector_load %arg12[%parallel_loop3A_1435, %parallel_loop3A_1436] {strides = array<i32>} : memref<256x128xf32, #tpu.memory_space<vmem>>, vector<1x16xf32>,
      %parallel_loop3A_1438 = vector.shape_cast %parallel_loop3A_1437 : vector<1x16xf32> to vector<16xf32>
      %parallel_loop3A_1439 = arith.addf %parallel_loop3A_1438, %parallel_loop3A_114 : vector<16xf32>
      %parallel_loop3A_1440 = vector.broadcast %parallel_loop3A_1410 : f32 to vector<16xf32>
      %parallel_loop3A_1441 = arith.mulf %parallel_loop3A_1439, %parallel_loop3A_1440 : vector<16xf32>
      %parallel_loop3A_1442 = arith.maximumf %parallel_loop3A_1359, %parallel_loop3A_1441 : vector<16xf32>
      %parallel_loop3A_1443 = arith.index_cast %parallel_loop3A_1393 : i32 to index
      %parallel_loop3A_1444 = arith.constant 64 : index
      %parallel_loop3A_1445 = tpu.vector_load %arg12[%parallel_loop3A_1443, %parallel_loop3A_1444] {strides = array<i32>} : memref<256x128xf32, #tpu.memory_space<vmem>>, vector<1x16xf32>,
      %parallel_loop3A_1446 = vector.shape_cast %parallel_loop3A_1445 : vector<1x16xf32> to vector<16xf32>
      %parallel_loop3A_1447 = arith.addf %parallel_loop3A_1446, %parallel_loop3A_118 : vector<16xf32>
      %parallel_loop3A_1448 = vector.broadcast %parallel_loop3A_1410 : f32 to vector<16xf32>
      %parallel_loop3A_1449 = arith.mulf %parallel_loop3A_1447, %parallel_loop3A_1448 : vector<16xf32>
      %parallel_loop3A_1450 = arith.maximumf %parallel_loop3A_1367, %parallel_loop3A_1449 : vector<16xf32>
      %parallel_loop3A_1451 = arith.index_cast %parallel_loop3A_1393 : i32 to index
      %parallel_loop3A_1452 = arith.constant 80 : index
      %parallel_loop3A_1453 = tpu.vector_load %arg12[%parallel_loop3A_1451, %parallel_loop3A_1452] {strides = array<i32>} : memref<256x128xf32, #tpu.memory_space<vmem>>, vector<1x16xf32>,
      %parallel_loop3A_1454 = vector.shape_cast %parallel_loop3A_1453 : vector<1x16xf32> to vector<16xf32>
      %parallel_loop3A_1455 = arith.addf %parallel_loop3A_1454, %parallel_loop3A_122 : vector<16xf32>
      %parallel_loop3A_1456 = vector.broadcast %parallel_loop3A_1410 : f32 to vector<16xf32>
      %parallel_loop3A_1457 = arith.mulf %parallel_loop3A_1455, %parallel_loop3A_1456 : vector<16xf32>
      %parallel_loop3A_1458 = arith.maximumf %parallel_loop3A_1375, %parallel_loop3A_1457 : vector<16xf32>
      %parallel_loop3A_1459 = arith.index_cast %parallel_loop3A_1393 : i32 to index
      %parallel_loop3A_1460 = arith.constant 96 : index
      %parallel_loop3A_1461 = tpu.vector_load %arg12[%parallel_loop3A_1459, %parallel_loop3A_1460] {strides = array<i32>} : memref<256x128xf32, #tpu.memory_space<vmem>>, vector<1x16xf32>,
      %parallel_loop3A_1462 = vector.shape_cast %parallel_loop3A_1461 : vector<1x16xf32> to vector<16xf32>
      %parallel_loop3A_1463 = arith.addf %parallel_loop3A_1462, %parallel_loop3A_126 : vector<16xf32>
      %parallel_loop3A_1464 = vector.broadcast %parallel_loop3A_1410 : f32 to vector<16xf32>
      %parallel_loop3A_1465 = arith.mulf %parallel_loop3A_1463, %parallel_loop3A_1464 : vector<16xf32>
      %parallel_loop3A_1466 = arith.maximumf %parallel_loop3A_1383, %parallel_loop3A_1465 : vector<16xf32>
      %parallel_loop3A_1467 = arith.index_cast %parallel_loop3A_1393 : i32 to index
      %parallel_loop3A_1468 = arith.constant 112 : index
      %parallel_loop3A_1469 = tpu.vector_load %arg12[%parallel_loop3A_1467, %parallel_loop3A_1468] {strides = array<i32>} : memref<256x128xf32, #tpu.memory_space<vmem>>, vector<1x16xf32>,
      %parallel_loop3A_1470 = vector.shape_cast %parallel_loop3A_1469 : vector<1x16xf32> to vector<16xf32>
      %parallel_loop3A_1471 = arith.addf %parallel_loop3A_1470, %parallel_loop3A_130 : vector<16xf32>
      %parallel_loop3A_1472 = vector.broadcast %parallel_loop3A_1410 : f32 to vector<16xf32>
      %parallel_loop3A_1473 = arith.mulf %parallel_loop3A_1471, %parallel_loop3A_1472 : vector<16xf32>
      %parallel_loop3A_1474 = arith.maximumf %parallel_loop3A_1391, %parallel_loop3A_1473 : vector<16xf32>
      %parallel_loop3A_1475 = arith.index_cast %parallel_loop3A_79 : i32 to index
      %parallel_loop3A_1476 = arith.constant 0 : index
      %parallel_loop3A_1477 = tpu.vector_load %arg11[%parallel_loop3A_1475, %parallel_loop3A_1476] {strides = array<i32>} : memref<64x128xf32, #tpu.memory_space<vmem>>, vector<1x16xf32>,
      %parallel_loop3A_1478 = vector.shape_cast %parallel_loop3A_1477 : vector<1x16xf32> to vector<16xf32>
      %parallel_loop3A_1479 = vector.shape_cast %parallel_loop3A_1418 : vector<16xf32> to vector<1x16xf32>
      tpu.vector_store %arg11[%parallel_loop3A_1475, %parallel_loop3A_1476], %parallel_loop3A_1479 {strides = array<i32>} : memref<64x128xf32, #tpu.memory_space<vmem>>, vector<1x16xf32>,
      %parallel_loop3A_1480 = arith.index_cast %parallel_loop3A_79 : i32 to index
      %parallel_loop3A_1481 = arith.constant 16 : index
      %parallel_loop3A_1482 = tpu.vector_load %arg11[%parallel_loop3A_1480, %parallel_loop3A_1481] {strides = array<i32>} : memref<64x128xf32, #tpu.memory_space<vmem>>, vector<1x16xf32>,
      %parallel_loop3A_1483 = vector.shape_cast %parallel_loop3A_1482 : vector<1x16xf32> to vector<16xf32>
      %parallel_loop3A_1484 = vector.shape_cast %parallel_loop3A_1426 : vector<16xf32> to vector<1x16xf32>
      tpu.vector_store %arg11[%parallel_loop3A_1480, %parallel_loop3A_1481], %parallel_loop3A_1484 {strides = array<i32>} : memref<64x128xf32, #tpu.memory_space<vmem>>, vector<1x16xf32>,
      %parallel_loop3A_1485 = arith.index_cast %parallel_loop3A_79 : i32 to index
      %parallel_loop3A_1486 = arith.constant 32 : index
      %parallel_loop3A_1487 = tpu.vector_load %arg11[%parallel_loop3A_1485, %parallel_loop3A_1486] {strides = array<i32>} : memref<64x128xf32, #tpu.memory_space<vmem>>, vector<1x16xf32>,
      %parallel_loop3A_1488 = vector.shape_cast %parallel_loop3A_1487 : vector<1x16xf32> to vector<16xf32>
      %parallel_loop3A_1489 = vector.shape_cast %parallel_loop3A_1434 : vector<16xf32> to vector<1x16xf32>
      tpu.vector_store %arg11[%parallel_loop3A_1485, %parallel_loop3A_1486], %parallel_loop3A_1489 {strides = array<i32>} : memref<64x128xf32, #tpu.memory_space<vmem>>, vector<1x16xf32>,
      %parallel_loop3A_1490 = arith.index_cast %parallel_loop3A_79 : i32 to index
      %parallel_loop3A_1491 = arith.constant 48 : index
      %parallel_loop3A_1492 = tpu.vector_load %arg11[%parallel_loop3A_1490, %parallel_loop3A_1491] {strides = array<i32>} : memref<64x128xf32, #tpu.memory_space<vmem>>, vector<1x16xf32>,
      %parallel_loop3A_1493 = vector.shape_cast %parallel_loop3A_1492 : vector<1x16xf32> to vector<16xf32>
      %parallel_loop3A_1494 = vector.shape_cast %parallel_loop3A_1442 : vector<16xf32> to vector<1x16xf32>
      tpu.vector_store %arg11[%parallel_loop3A_1490, %parallel_loop3A_1491], %parallel_loop3A_1494 {strides = array<i32>} : memref<64x128xf32, #tpu.memory_space<vmem>>, vector<1x16xf32>,
      %parallel_loop3A_1495 = arith.index_cast %parallel_loop3A_79 : i32 to index
      %parallel_loop3A_1496 = arith.constant 64 : index
      %parallel_loop3A_1497 = tpu.vector_load %arg11[%parallel_loop3A_1495, %parallel_loop3A_1496] {strides = array<i32>} : memref<64x128xf32, #tpu.memory_space<vmem>>, vector<1x16xf32>,
      %parallel_loop3A_1498 = vector.shape_cast %parallel_loop3A_1497 : vector<1x16xf32> to vector<16xf32>
      %parallel_loop3A_1499 = vector.shape_cast %parallel_loop3A_1450 : vector<16xf32> to vector<1x16xf32>
      tpu.vector_store %arg11[%parallel_loop3A_1495, %parallel_loop3A_1496], %parallel_loop3A_1499 {strides = array<i32>} : memref<64x128xf32, #tpu.memory_space<vmem>>, vector<1x16xf32>,
      %parallel_loop3A_1500 = arith.index_cast %parallel_loop3A_79 : i32 to index
      %parallel_loop3A_1501 = arith.constant 80 : index
      %parallel_loop3A_1502 = tpu.vector_load %arg11[%parallel_loop3A_1500, %parallel_loop3A_1501] {strides = array<i32>} : memref<64x128xf32, #tpu.memory_space<vmem>>, vector<1x16xf32>,
      %parallel_loop3A_1503 = vector.shape_cast %parallel_loop3A_1502 : vector<1x16xf32> to vector<16xf32>
      %parallel_loop3A_1504 = vector.shape_cast %parallel_loop3A_1458 : vector<16xf32> to vector<1x16xf32>
      tpu.vector_store %arg11[%parallel_loop3A_1500, %parallel_loop3A_1501], %parallel_loop3A_1504 {strides = array<i32>} : memref<64x128xf32, #tpu.memory_space<vmem>>, vector<1x16xf32>,
      %parallel_loop3A_1505 = arith.index_cast %parallel_loop3A_79 : i32 to index
      %parallel_loop3A_1506 = arith.constant 96 : index
      %parallel_loop3A_1507 = tpu.vector_load %arg11[%parallel_loop3A_1505, %parallel_loop3A_1506] {strides = array<i32>} : memref<64x128xf32, #tpu.memory_space<vmem>>, vector<1x16xf32>,
      %parallel_loop3A_1508 = vector.shape_cast %parallel_loop3A_1507 : vector<1x16xf32> to vector<16xf32>
      %parallel_loop3A_1509 = vector.shape_cast %parallel_loop3A_1466 : vector<16xf32> to vector<1x16xf32>
      tpu.vector_store %arg11[%parallel_loop3A_1505, %parallel_loop3A_1506], %parallel_loop3A_1509 {strides = array<i32>} : memref<64x128xf32, #tpu.memory_space<vmem>>, vector<1x16xf32>,
      %parallel_loop3A_1510 = arith.index_cast %parallel_loop3A_79 : i32 to index
      %parallel_loop3A_1511 = arith.constant 112 : index
      %parallel_loop3A_1512 = tpu.vector_load %arg11[%parallel_loop3A_1510, %parallel_loop3A_1511] {strides = array<i32>} : memref<64x128xf32, #tpu.memory_space<vmem>>, vector<1x16xf32>,
      %parallel_loop3A_1513 = vector.shape_cast %parallel_loop3A_1512 : vector<1x16xf32> to vector<16xf32>
      %parallel_loop3A_1514 = vector.shape_cast %parallel_loop3A_1474 : vector<16xf32> to vector<1x16xf32>
      tpu.vector_store %arg11[%parallel_loop3A_1510, %parallel_loop3A_1511], %parallel_loop3A_1514 {strides = array<i32>} : memref<64x128xf32, #tpu.memory_space<vmem>>, vector<1x16xf32>,
    } {sc.loop_unroll_factor = 2 : i64, sc.parallel_access}
    "tpu.region"() ({
      %run_scoped3A = tpu.sem_alloc : memref<!tpu.dma_semaphore, #tpu.memory_space<semaphore_mem>>
      %dma_start3A_79 = arith.constant 0 : i32
      %dma_start3A_80 = tpu.memref_slice %arg7[%mul3A_2, %dma_start3A_79] : memref<2048x128xf32, #tpu.memory_space<hbm>> -> memref<64x128xf32, #tpu.memory_space<hbm>>
      %dma_start3A_81 = arith.constant 0 : i32
      %dma_start3A_82 = tpu.memref_slice %arg7[%mul3A_2, %dma_start3A_81] : memref<2048x128xf32, #tpu.memory_space<hbm>> -> memref<64x128xf32, #tpu.memory_space<hbm>>
      tpu.enqueue_dma source(%arg11 : memref<64x128xf32, #tpu.memory_space<vmem>>) target(%dma_start3A_82 : memref<64x128xf32, #tpu.memory_space<hbm>>) target_semaphore(%run_scoped3A : memref<!tpu.dma_semaphore, #tpu.memory_space<semaphore_mem>>)
      %dma_wait3A_83 = arith.constant 0 : i32
      %dma_wait3A_84 = tpu.memref_slice %arg7[%mul3A_2, %dma_wait3A_83] : memref<2048x128xf32, #tpu.memory_space<hbm>> -> memref<64x128xf32, #tpu.memory_space<hbm>>
      %dma_wait3A_85 = arith.constant 0 : i32
      %dma_wait3A_86 = tpu.memref_slice %arg7[%mul3A_2, %dma_wait3A_85] : memref<2048x128xf32, #tpu.memory_space<hbm>> -> memref<64x128xf32, #tpu.memory_space<hbm>>
      tpu.wait_dma2 semaphore(%run_scoped3A : memref<!tpu.dma_semaphore, #tpu.memory_space<semaphore_mem>>) src(%arg11 : memref<64x128xf32, #tpu.memory_space<vmem>>) dst(%dma_wait3A_86 : memref<64x128xf32, #tpu.memory_space<hbm>>)
      tpu.yield
    }) : () -> ()
    return
  }
}

module attributes {stable_mosaic.version = 14 : i64} {
  func.func @_tc_body(%arg0: i32, %arg1: memref<2x256x128xf32, #tpu.memory_space<vmem>>, %arg2: memref<128x128xf32, #tpu.memory_space<vmem>>, %arg3: memref<128x128xf32, #tpu.memory_space<vmem>>, %arg4: memref<1x128xf32, #tpu.memory_space<vmem>>, %arg5: memref<2x256x128xf32, #tpu.memory_space<vmem>>, %arg6: memref<2x256x128xf32, #tpu.memory_space<vmem>>, %arg7: memref<2x16x256xi32, #tpu.memory_space<vmem>>, %arg8: memref<2x16x256xf32, #tpu.memory_space<vmem>>, %arg9: memref<2x8x256xf32, #tpu.memory_space<vmem>>) attributes {dimension_semantics = [#tpu.dimension_semantics<arbitrary>], iteration_bounds = array<i64: 4>, scalar_prefetch = 0 : i64, scratch_operands = 0 : i64, tpu.core_type = #tpu.core_type<tc>, window_params = [{transform_indices = @transform_0, window_bounds = array<i64: 2, 256, 128>}, {pipeline_mode = #tpu.pipeline_mode<synchronous>, transform_indices = @transform_1, window_bounds = array<i64: 128, 128>}, {pipeline_mode = #tpu.pipeline_mode<synchronous>, transform_indices = @transform_2, window_bounds = array<i64: 128, 128>}, {pipeline_mode = #tpu.pipeline_mode<synchronous>, transform_indices = @transform_3, window_bounds = array<i64: 1, 128>}, {transform_indices = @transform_4, window_bounds = array<i64: 2, 256, 128>}, {transform_indices = @transform_5, window_bounds = array<i64: 2, 256, 128>}, {transform_indices = @transform_6, window_bounds = array<i64: 2, 16, 256>}, {transform_indices = @transform_7, window_bounds = array<i64: 2, 16, 256>}, {transform_indices = @transform_8, window_bounds = array<i64: 2, 8, 256>}]} {
    %get3A = arith.constant 0 : index
    %get3A_0 = arith.constant 0 : index
    %get3A_1 = arith.constant 0 : index
    %get3A_2 = vector.load %arg1[%get3A, %get3A_0, %get3A_1] : memref<2x256x128xf32, #tpu.memory_space<vmem>>, vector<1x256x128xf32>
    %get3A_3 = vector.shape_cast %get3A_2 : vector<1x256x128xf32> to vector<256x128xf32>
    %dot_general3A = arith.constant dense<0.000000e+00> : vector<256x256xf32>
    %dot_general3A_4 = tpu.matmul %get3A_3, %get3A_3, %dot_general3A {dimension_numbers = #tpu.dot_dimension_numbers<[1], [1], [0], [0], [0, 0, 1, 0], [], []>, precision = #tpu.contract_precision<fp32>, transpose_lhs_hint = false} : vector<256x128xf32>, vector<256x128xf32>, vector<256x256xf32> -> vector<256x256xf32>
    %mul3A = arith.mulf %get3A_3, %get3A_3 : vector<256x128xf32>
    %reduce_sum3A = arith.constant dense<0.000000e+00> : vector<256xf32>
    %reduce_sum3A_5 = vector.multi_reduction <add>, %mul3A, %reduce_sum3A [1] : vector<256x128xf32> to vector<256xf32>
    %broadcast_in_dim3A = vector.shape_cast %reduce_sum3A_5 : vector<256xf32> to vector<256x1xf32>
    %iota3A = tpu.iota {dimensions = array<i32: 0>} : vector<256x256xi32>
    %iota3A_6 = tpu.iota {dimensions = array<i32: 1>} : vector<256x256xi32>
    %eq3A = arith.cmpi eq, %iota3A, %iota3A_6 : vector<256x256xi32>
    %jit3A = arith.constant 0.000000e+00 : f32
    %broadcast_in_dim3A_7 = vector.broadcast %jit3A : f32 to vector<256x256xf32>
    %select_n3A = arith.select %eq3A, %dot_general3A_4, %broadcast_in_dim3A_7 : vector<256x256xi1>, vector<256x256xf32>
    %reduce_sum3A_8 = arith.constant dense<0.000000e+00> : vector<256xf32>
    %reduce_sum3A_9 = vector.multi_reduction <add>, %select_n3A, %reduce_sum3A_8 [0] : vector<256x256xf32> to vector<256xf32>
    %broadcast_in_dim3A_10 = vector.shape_cast %reduce_sum3A_9 : vector<256xf32> to vector<1x256xf32>
    %get3A_11 = arith.constant 0 : index
    %get3A_12 = arith.constant 0 : index
    %get3A_13 = vector.load %arg2[%get3A_11, %get3A_12] : memref<128x128xf32, #tpu.memory_space<vmem>>, vector<128x128xf32>
    %dot_general3A_14 = arith.constant dense<0.000000e+00> : vector<256x128xf32>
    %dot_general3A_15 = tpu.matmul %get3A_3, %get3A_13, %dot_general3A_14 {dimension_numbers = #tpu.dot_dimension_numbers<[1], [0], [0], [1], [0, 0, 1, 1], [], []>, precision = #tpu.contract_precision<fp32>, transpose_lhs_hint = false} : vector<256x128xf32>, vector<128x128xf32>, vector<256x128xf32> -> vector<256x128xf32>
    %swap3A = arith.constant 0 : index
    %swap3A_16 = arith.constant 0 : index
    %swap3A_17 = arith.constant 0 : index
    %swap3A_18 = vector.load %arg5[%swap3A, %swap3A_16, %swap3A_17] : memref<2x256x128xf32, #tpu.memory_space<vmem>>, vector<1x256x128xf32>
    %swap3A_19 = vector.shape_cast %swap3A_18 : vector<1x256x128xf32> to vector<256x128xf32>
    %swap3A_20 = vector.shape_cast %dot_general3A_15 : vector<256x128xf32> to vector<1x256x128xf32>
    tpu.vector_store %arg5[%swap3A, %swap3A_16, %swap3A_17], %swap3A_20 {strides = array<i32>} : memref<2x256x128xf32, #tpu.memory_space<vmem>>, vector<1x256x128xf32>,
    %get3A_21 = arith.constant 0 : index
    %get3A_22 = arith.constant 0 : index
    %get3A_23 = vector.load %arg3[%get3A_21, %get3A_22] : memref<128x128xf32, #tpu.memory_space<vmem>>, vector<128x128xf32>
    %dot_general3A_24 = arith.constant dense<0.000000e+00> : vector<256x128xf32>
    %dot_general3A_25 = tpu.matmul %get3A_3, %get3A_23, %dot_general3A_24 {dimension_numbers = #tpu.dot_dimension_numbers<[1], [0], [0], [1], [0, 0, 1, 1], [], []>, precision = #tpu.contract_precision<fp32>, transpose_lhs_hint = false} : vector<256x128xf32>, vector<128x128xf32>, vector<256x128xf32> -> vector<256x128xf32>
    %get3A_26 = arith.constant 0 : index
    %get3A_27 = arith.constant 0 : index
    %get3A_28 = vector.load %arg4[%get3A_26, %get3A_27] : memref<1x128xf32, #tpu.memory_space<vmem>>, vector<1x128xf32>
    %add3A = vector.broadcast %get3A_28 : vector<1x128xf32> to vector<256x128xf32>
    %add3A_29 = arith.addf %dot_general3A_25, %add3A : vector<256x128xf32>
    %swap3A_30 = arith.constant 0 : index
    %swap3A_31 = arith.constant 0 : index
    %swap3A_32 = arith.constant 0 : index
    %swap3A_33 = vector.load %arg6[%swap3A_30, %swap3A_31, %swap3A_32] : memref<2x256x128xf32, #tpu.memory_space<vmem>>, vector<1x256x128xf32>
    %swap3A_34 = vector.shape_cast %swap3A_33 : vector<1x256x128xf32> to vector<256x128xf32>
    %swap3A_35 = vector.shape_cast %add3A_29 : vector<256x128xf32> to vector<1x256x128xf32>
    tpu.vector_store %arg6[%swap3A_30, %swap3A_31, %swap3A_32], %swap3A_35 {strides = array<i32>} : memref<2x256x128xf32, #tpu.memory_space<vmem>>, vector<1x256x128xf32>,
    %mul3A_36 = arith.constant 2.000000e+00 : f32
    %mul3A_37 = vector.broadcast %mul3A_36 : f32 to vector<256x256xf32>
    %mul3A_38 = arith.mulf %mul3A_37, %dot_general3A_4 : vector<256x256xf32>
    %sub3A = vector.broadcast %broadcast_in_dim3A : vector<256x1xf32> to vector<256x256xf32>
    %sub3A_39 = arith.subf %mul3A_38, %sub3A : vector<256x256xf32>
    %sub3A_40 = vector.broadcast %broadcast_in_dim3A_10 : vector<1x256xf32> to vector<256x256xf32>
    %sub3A_41 = arith.subf %sub3A_39, %sub3A_40 : vector<256x256xf32>
    %sqrt3A = math.sqrt %broadcast_in_dim3A_10 : vector<1x256xf32>
    %div3A = arith.constant 1.000000e+00 : f32
    %div3A_42 = vector.broadcast %div3A : f32 to vector<1x256xf32>
    %div3A_43 = arith.divf %div3A_42, %sqrt3A : vector<1x256xf32>
    %reduce_max3A = arith.constant dense<0xFF800000> : vector<256xf32>
    %reduce_max3A_44 = vector.multi_reduction <maximumf>, %sub3A_41, %reduce_max3A [0] : vector<256x256xf32> to vector<256xf32>
    %broadcast_in_dim3A_45 = vector.shape_cast %reduce_max3A_44 : vector<256xf32> to vector<1x256xf32>
    %eq3A_46 = vector.broadcast %broadcast_in_dim3A_45 : vector<1x256xf32> to vector<256x256xf32>
    %eq3A_47 = arith.cmpf oeq, %sub3A_41, %eq3A_46 : vector<256x256xf32>
    %jit3A_48 = arith.constant 1073741824 : i32
    %broadcast_in_dim3A_49 = vector.broadcast %jit3A_48 : i32 to vector<256x256xi32>
    %select_n3A_50 = arith.select %eq3A_47, %iota3A, %broadcast_in_dim3A_49 : vector<256x256xi1>, vector<256x256xi32>
    %reduce_min3A = arith.constant dense<2147483647> : vector<256xi32>
    %reduce_min3A_51 = vector.multi_reduction <minsi>, %select_n3A_50, %reduce_min3A [0] : vector<256x256xi32> to vector<256xi32>
    %broadcast_in_dim3A_52 = vector.shape_cast %reduce_min3A_51 : vector<256xi32> to vector<1x256xi32>
    %add3A_53 = arith.addf %broadcast_in_dim3A_45, %broadcast_in_dim3A_10 : vector<1x256xf32>
    %mul3A_54 = arith.mulf %add3A_53, %div3A_43 : vector<1x256xf32>
    %jit3A_55 = arith.constant 0xFF800000 : f32
    %broadcast_in_dim3A_56 = vector.broadcast %jit3A_55 : f32 to vector<256x256xf32>
    %select_n3A_57 = arith.select %eq3A_47, %broadcast_in_dim3A_56, %sub3A_41 : vector<256x256xi1>, vector<256x256xf32>
    %reduce_max3A_58 = arith.constant dense<0xFF800000> : vector<256xf32>
    %reduce_max3A_59 = vector.multi_reduction <maximumf>, %select_n3A_57, %reduce_max3A_58 [0] : vector<256x256xf32> to vector<256xf32>
    %broadcast_in_dim3A_60 = vector.shape_cast %reduce_max3A_59 : vector<256xf32> to vector<1x256xf32>
    %eq3A_61 = vector.broadcast %broadcast_in_dim3A_60 : vector<1x256xf32> to vector<256x256xf32>
    %eq3A_62 = arith.cmpf oeq, %select_n3A_57, %eq3A_61 : vector<256x256xf32>
    %jit3A_63 = arith.constant 1073741824 : i32
    %broadcast_in_dim3A_64 = vector.broadcast %jit3A_63 : i32 to vector<256x256xi32>
    %select_n3A_65 = arith.select %eq3A_62, %iota3A, %broadcast_in_dim3A_64 : vector<256x256xi1>, vector<256x256xi32>
    %reduce_min3A_66 = arith.constant dense<2147483647> : vector<256xi32>
    %reduce_min3A_67 = vector.multi_reduction <minsi>, %select_n3A_65, %reduce_min3A_66 [0] : vector<256x256xi32> to vector<256xi32>
    %broadcast_in_dim3A_68 = vector.shape_cast %reduce_min3A_67 : vector<256xi32> to vector<1x256xi32>
    %add3A_69 = arith.addf %broadcast_in_dim3A_60, %broadcast_in_dim3A_10 : vector<1x256xf32>
    %mul3A_70 = arith.mulf %add3A_69, %div3A_43 : vector<1x256xf32>
    %jit3A_71 = arith.constant 0xFF800000 : f32
    %broadcast_in_dim3A_72 = vector.broadcast %jit3A_71 : f32 to vector<256x256xf32>
    %select_n3A_73 = arith.select %eq3A_62, %broadcast_in_dim3A_72, %select_n3A_57 : vector<256x256xi1>, vector<256x256xf32>
    %reduce_max3A_74 = arith.constant dense<0xFF800000> : vector<256xf32>
    %reduce_max3A_75 = vector.multi_reduction <maximumf>, %select_n3A_73, %reduce_max3A_74 [0] : vector<256x256xf32> to vector<256xf32>
    %broadcast_in_dim3A_76 = vector.shape_cast %reduce_max3A_75 : vector<256xf32> to vector<1x256xf32>
    %eq3A_77 = vector.broadcast %broadcast_in_dim3A_76 : vector<1x256xf32> to vector<256x256xf32>
    %eq3A_78 = arith.cmpf oeq, %select_n3A_73, %eq3A_77 : vector<256x256xf32>
    %jit3A_79 = arith.constant 1073741824 : i32
    %broadcast_in_dim3A_80 = vector.broadcast %jit3A_79 : i32 to vector<256x256xi32>
    %select_n3A_81 = arith.select %eq3A_78, %iota3A, %broadcast_in_dim3A_80 : vector<256x256xi1>, vector<256x256xi32>
    %reduce_min3A_82 = arith.constant dense<2147483647> : vector<256xi32>
    %reduce_min3A_83 = vector.multi_reduction <minsi>, %select_n3A_81, %reduce_min3A_82 [0] : vector<256x256xi32> to vector<256xi32>
    %broadcast_in_dim3A_84 = vector.shape_cast %reduce_min3A_83 : vector<256xi32> to vector<1x256xi32>
    %add3A_85 = arith.addf %broadcast_in_dim3A_76, %broadcast_in_dim3A_10 : vector<1x256xf32>
    %mul3A_86 = arith.mulf %add3A_85, %div3A_43 : vector<1x256xf32>
    %jit3A_87 = arith.constant 0xFF800000 : f32
    %broadcast_in_dim3A_88 = vector.broadcast %jit3A_87 : f32 to vector<256x256xf32>
    %select_n3A_89 = arith.select %eq3A_78, %broadcast_in_dim3A_88, %select_n3A_73 : vector<256x256xi1>, vector<256x256xf32>
    %reduce_max3A_90 = arith.constant dense<0xFF800000> : vector<256xf32>
    %reduce_max3A_91 = vector.multi_reduction <maximumf>, %select_n3A_89, %reduce_max3A_90 [0] : vector<256x256xf32> to vector<256xf32>
    %broadcast_in_dim3A_92 = vector.shape_cast %reduce_max3A_91 : vector<256xf32> to vector<1x256xf32>
    %eq3A_93 = vector.broadcast %broadcast_in_dim3A_92 : vector<1x256xf32> to vector<256x256xf32>
    %eq3A_94 = arith.cmpf oeq, %select_n3A_89, %eq3A_93 : vector<256x256xf32>
    %jit3A_95 = arith.constant 1073741824 : i32
    %broadcast_in_dim3A_96 = vector.broadcast %jit3A_95 : i32 to vector<256x256xi32>
    %select_n3A_97 = arith.select %eq3A_94, %iota3A, %broadcast_in_dim3A_96 : vector<256x256xi1>, vector<256x256xi32>
    %reduce_min3A_98 = arith.constant dense<2147483647> : vector<256xi32>
    %reduce_min3A_99 = vector.multi_reduction <minsi>, %select_n3A_97, %reduce_min3A_98 [0] : vector<256x256xi32> to vector<256xi32>
    %broadcast_in_dim3A_100 = vector.shape_cast %reduce_min3A_99 : vector<256xi32> to vector<1x256xi32>
    %add3A_101 = arith.addf %broadcast_in_dim3A_92, %broadcast_in_dim3A_10 : vector<1x256xf32>
    %mul3A_102 = arith.mulf %add3A_101, %div3A_43 : vector<1x256xf32>
    %jit3A_103 = arith.constant 0xFF800000 : f32
    %broadcast_in_dim3A_104 = vector.broadcast %jit3A_103 : f32 to vector<256x256xf32>
    %select_n3A_105 = arith.select %eq3A_94, %broadcast_in_dim3A_104, %select_n3A_89 : vector<256x256xi1>, vector<256x256xf32>
    %reduce_max3A_106 = arith.constant dense<0xFF800000> : vector<256xf32>
    %reduce_max3A_107 = vector.multi_reduction <maximumf>, %select_n3A_105, %reduce_max3A_106 [0] : vector<256x256xf32> to vector<256xf32>
    %broadcast_in_dim3A_108 = vector.shape_cast %reduce_max3A_107 : vector<256xf32> to vector<1x256xf32>
    %eq3A_109 = vector.broadcast %broadcast_in_dim3A_108 : vector<1x256xf32> to vector<256x256xf32>
    %eq3A_110 = arith.cmpf oeq, %select_n3A_105, %eq3A_109 : vector<256x256xf32>
    %jit3A_111 = arith.constant 1073741824 : i32
    %broadcast_in_dim3A_112 = vector.broadcast %jit3A_111 : i32 to vector<256x256xi32>
    %select_n3A_113 = arith.select %eq3A_110, %iota3A, %broadcast_in_dim3A_112 : vector<256x256xi1>, vector<256x256xi32>
    %reduce_min3A_114 = arith.constant dense<2147483647> : vector<256xi32>
    %reduce_min3A_115 = vector.multi_reduction <minsi>, %select_n3A_113, %reduce_min3A_114 [0] : vector<256x256xi32> to vector<256xi32>
    %broadcast_in_dim3A_116 = vector.shape_cast %reduce_min3A_115 : vector<256xi32> to vector<1x256xi32>
    %add3A_117 = arith.addf %broadcast_in_dim3A_108, %broadcast_in_dim3A_10 : vector<1x256xf32>
    %mul3A_118 = arith.mulf %add3A_117, %div3A_43 : vector<1x256xf32>
    %jit3A_119 = arith.constant 0xFF800000 : f32
    %broadcast_in_dim3A_120 = vector.broadcast %jit3A_119 : f32 to vector<256x256xf32>
    %select_n3A_121 = arith.select %eq3A_110, %broadcast_in_dim3A_120, %select_n3A_105 : vector<256x256xi1>, vector<256x256xf32>
    %reduce_max3A_122 = arith.constant dense<0xFF800000> : vector<256xf32>
    %reduce_max3A_123 = vector.multi_reduction <maximumf>, %select_n3A_121, %reduce_max3A_122 [0] : vector<256x256xf32> to vector<256xf32>
    %broadcast_in_dim3A_124 = vector.shape_cast %reduce_max3A_123 : vector<256xf32> to vector<1x256xf32>
    %eq3A_125 = vector.broadcast %broadcast_in_dim3A_124 : vector<1x256xf32> to vector<256x256xf32>
    %eq3A_126 = arith.cmpf oeq, %select_n3A_121, %eq3A_125 : vector<256x256xf32>
    %jit3A_127 = arith.constant 1073741824 : i32
    %broadcast_in_dim3A_128 = vector.broadcast %jit3A_127 : i32 to vector<256x256xi32>
    %select_n3A_129 = arith.select %eq3A_126, %iota3A, %broadcast_in_dim3A_128 : vector<256x256xi1>, vector<256x256xi32>
    %reduce_min3A_130 = arith.constant dense<2147483647> : vector<256xi32>
    %reduce_min3A_131 = vector.multi_reduction <minsi>, %select_n3A_129, %reduce_min3A_130 [0] : vector<256x256xi32> to vector<256xi32>
    %broadcast_in_dim3A_132 = vector.shape_cast %reduce_min3A_131 : vector<256xi32> to vector<1x256xi32>
    %add3A_133 = arith.addf %broadcast_in_dim3A_124, %broadcast_in_dim3A_10 : vector<1x256xf32>
    %mul3A_134 = arith.mulf %add3A_133, %div3A_43 : vector<1x256xf32>
    %jit3A_135 = arith.constant 0xFF800000 : f32
    %broadcast_in_dim3A_136 = vector.broadcast %jit3A_135 : f32 to vector<256x256xf32>
    %select_n3A_137 = arith.select %eq3A_126, %broadcast_in_dim3A_136, %select_n3A_121 : vector<256x256xi1>, vector<256x256xf32>
    %reduce_max3A_138 = arith.constant dense<0xFF800000> : vector<256xf32>
    %reduce_max3A_139 = vector.multi_reduction <maximumf>, %select_n3A_137, %reduce_max3A_138 [0] : vector<256x256xf32> to vector<256xf32>
    %broadcast_in_dim3A_140 = vector.shape_cast %reduce_max3A_139 : vector<256xf32> to vector<1x256xf32>
    %eq3A_141 = vector.broadcast %broadcast_in_dim3A_140 : vector<1x256xf32> to vector<256x256xf32>
    %eq3A_142 = arith.cmpf oeq, %select_n3A_137, %eq3A_141 : vector<256x256xf32>
    %jit3A_143 = arith.constant 1073741824 : i32
    %broadcast_in_dim3A_144 = vector.broadcast %jit3A_143 : i32 to vector<256x256xi32>
    %select_n3A_145 = arith.select %eq3A_142, %iota3A, %broadcast_in_dim3A_144 : vector<256x256xi1>, vector<256x256xi32>
    %reduce_min3A_146 = arith.constant dense<2147483647> : vector<256xi32>
    %reduce_min3A_147 = vector.multi_reduction <minsi>, %select_n3A_145, %reduce_min3A_146 [0] : vector<256x256xi32> to vector<256xi32>
    %broadcast_in_dim3A_148 = vector.shape_cast %reduce_min3A_147 : vector<256xi32> to vector<1x256xi32>
    %add3A_149 = arith.addf %broadcast_in_dim3A_140, %broadcast_in_dim3A_10 : vector<1x256xf32>
    %mul3A_150 = arith.mulf %add3A_149, %div3A_43 : vector<1x256xf32>
    %jit3A_151 = arith.constant 0xFF800000 : f32
    %broadcast_in_dim3A_152 = vector.broadcast %jit3A_151 : f32 to vector<256x256xf32>
    %select_n3A_153 = arith.select %eq3A_142, %broadcast_in_dim3A_152, %select_n3A_137 : vector<256x256xi1>, vector<256x256xf32>
    %reduce_max3A_154 = arith.constant dense<0xFF800000> : vector<256xf32>
    %reduce_max3A_155 = vector.multi_reduction <maximumf>, %select_n3A_153, %reduce_max3A_154 [0] : vector<256x256xf32> to vector<256xf32>
    %broadcast_in_dim3A_156 = vector.shape_cast %reduce_max3A_155 : vector<256xf32> to vector<1x256xf32>
    %eq3A_157 = vector.broadcast %broadcast_in_dim3A_156 : vector<1x256xf32> to vector<256x256xf32>
    %eq3A_158 = arith.cmpf oeq, %select_n3A_153, %eq3A_157 : vector<256x256xf32>
    %jit3A_159 = arith.constant 1073741824 : i32
    %broadcast_in_dim3A_160 = vector.broadcast %jit3A_159 : i32 to vector<256x256xi32>
    %select_n3A_161 = arith.select %eq3A_158, %iota3A, %broadcast_in_dim3A_160 : vector<256x256xi1>, vector<256x256xi32>
    %reduce_min3A_162 = arith.constant dense<2147483647> : vector<256xi32>
    %reduce_min3A_163 = vector.multi_reduction <minsi>, %select_n3A_161, %reduce_min3A_162 [0] : vector<256x256xi32> to vector<256xi32>
    %broadcast_in_dim3A_164 = vector.shape_cast %reduce_min3A_163 : vector<256xi32> to vector<1x256xi32>
    %add3A_165 = arith.addf %broadcast_in_dim3A_156, %broadcast_in_dim3A_10 : vector<1x256xf32>
    %mul3A_166 = arith.mulf %add3A_165, %div3A_43 : vector<1x256xf32>
    %jit3A_167 = arith.constant 0xFF800000 : f32
    %broadcast_in_dim3A_168 = vector.broadcast %jit3A_167 : f32 to vector<256x256xf32>
    %select_n3A_169 = arith.select %eq3A_158, %broadcast_in_dim3A_168, %select_n3A_153 : vector<256x256xi1>, vector<256x256xf32>
    %reduce_max3A_170 = arith.constant dense<0xFF800000> : vector<256xf32>
    %reduce_max3A_171 = vector.multi_reduction <maximumf>, %select_n3A_169, %reduce_max3A_170 [0] : vector<256x256xf32> to vector<256xf32>
    %broadcast_in_dim3A_172 = vector.shape_cast %reduce_max3A_171 : vector<256xf32> to vector<1x256xf32>
    %eq3A_173 = vector.broadcast %broadcast_in_dim3A_172 : vector<1x256xf32> to vector<256x256xf32>
    %eq3A_174 = arith.cmpf oeq, %select_n3A_169, %eq3A_173 : vector<256x256xf32>
    %jit3A_175 = arith.constant 1073741824 : i32
    %broadcast_in_dim3A_176 = vector.broadcast %jit3A_175 : i32 to vector<256x256xi32>
    %select_n3A_177 = arith.select %eq3A_174, %iota3A, %broadcast_in_dim3A_176 : vector<256x256xi1>, vector<256x256xi32>
    %reduce_min3A_178 = arith.constant dense<2147483647> : vector<256xi32>
    %reduce_min3A_179 = vector.multi_reduction <minsi>, %select_n3A_177, %reduce_min3A_178 [0] : vector<256x256xi32> to vector<256xi32>
    %broadcast_in_dim3A_180 = vector.shape_cast %reduce_min3A_179 : vector<256xi32> to vector<1x256xi32>
    %add3A_181 = arith.addf %broadcast_in_dim3A_172, %broadcast_in_dim3A_10 : vector<1x256xf32>
    %mul3A_182 = arith.mulf %add3A_181, %div3A_43 : vector<1x256xf32>
    %jit3A_183 = arith.constant 0xFF800000 : f32
    %broadcast_in_dim3A_184 = vector.broadcast %jit3A_183 : f32 to vector<256x256xf32>
    %select_n3A_185 = arith.select %eq3A_174, %broadcast_in_dim3A_184, %select_n3A_169 : vector<256x256xi1>, vector<256x256xf32>
    %reduce_max3A_186 = arith.constant dense<0xFF800000> : vector<256xf32>
    %reduce_max3A_187 = vector.multi_reduction <maximumf>, %select_n3A_185, %reduce_max3A_186 [0] : vector<256x256xf32> to vector<256xf32>
    %broadcast_in_dim3A_188 = vector.shape_cast %reduce_max3A_187 : vector<256xf32> to vector<1x256xf32>
    %eq3A_189 = vector.broadcast %broadcast_in_dim3A_188 : vector<1x256xf32> to vector<256x256xf32>
    %eq3A_190 = arith.cmpf oeq, %select_n3A_185, %eq3A_189 : vector<256x256xf32>
    %jit3A_191 = arith.constant 1073741824 : i32
    %broadcast_in_dim3A_192 = vector.broadcast %jit3A_191 : i32 to vector<256x256xi32>
    %select_n3A_193 = arith.select %eq3A_190, %iota3A, %broadcast_in_dim3A_192 : vector<256x256xi1>, vector<256x256xi32>
    %reduce_min3A_194 = arith.constant dense<2147483647> : vector<256xi32>
    %reduce_min3A_195 = vector.multi_reduction <minsi>, %select_n3A_193, %reduce_min3A_194 [0] : vector<256x256xi32> to vector<256xi32>
    %broadcast_in_dim3A_196 = vector.shape_cast %reduce_min3A_195 : vector<256xi32> to vector<1x256xi32>
    %add3A_197 = arith.addf %broadcast_in_dim3A_188, %broadcast_in_dim3A_10 : vector<1x256xf32>
    %mul3A_198 = arith.mulf %add3A_197, %div3A_43 : vector<1x256xf32>
    %jit3A_199 = arith.constant 0xFF800000 : f32
    %broadcast_in_dim3A_200 = vector.broadcast %jit3A_199 : f32 to vector<256x256xf32>
    %select_n3A_201 = arith.select %eq3A_190, %broadcast_in_dim3A_200, %select_n3A_185 : vector<256x256xi1>, vector<256x256xf32>
    %reduce_max3A_202 = arith.constant dense<0xFF800000> : vector<256xf32>
    %reduce_max3A_203 = vector.multi_reduction <maximumf>, %select_n3A_201, %reduce_max3A_202 [0] : vector<256x256xf32> to vector<256xf32>
    %broadcast_in_dim3A_204 = vector.shape_cast %reduce_max3A_203 : vector<256xf32> to vector<1x256xf32>
    %eq3A_205 = vector.broadcast %broadcast_in_dim3A_204 : vector<1x256xf32> to vector<256x256xf32>
    %eq3A_206 = arith.cmpf oeq, %select_n3A_201, %eq3A_205 : vector<256x256xf32>
    %jit3A_207 = arith.constant 1073741824 : i32
    %broadcast_in_dim3A_208 = vector.broadcast %jit3A_207 : i32 to vector<256x256xi32>
    %select_n3A_209 = arith.select %eq3A_206, %iota3A, %broadcast_in_dim3A_208 : vector<256x256xi1>, vector<256x256xi32>
    %reduce_min3A_210 = arith.constant dense<2147483647> : vector<256xi32>
    %reduce_min3A_211 = vector.multi_reduction <minsi>, %select_n3A_209, %reduce_min3A_210 [0] : vector<256x256xi32> to vector<256xi32>
    %broadcast_in_dim3A_212 = vector.shape_cast %reduce_min3A_211 : vector<256xi32> to vector<1x256xi32>
    %add3A_213 = arith.addf %broadcast_in_dim3A_204, %broadcast_in_dim3A_10 : vector<1x256xf32>
    %mul3A_214 = arith.mulf %add3A_213, %div3A_43 : vector<1x256xf32>
    %jit3A_215 = arith.constant 0xFF800000 : f32
    %broadcast_in_dim3A_216 = vector.broadcast %jit3A_215 : f32 to vector<256x256xf32>
    %select_n3A_217 = arith.select %eq3A_206, %broadcast_in_dim3A_216, %select_n3A_201 : vector<256x256xi1>, vector<256x256xf32>
    %reduce_max3A_218 = arith.constant dense<0xFF800000> : vector<256xf32>
    %reduce_max3A_219 = vector.multi_reduction <maximumf>, %select_n3A_217, %reduce_max3A_218 [0] : vector<256x256xf32> to vector<256xf32>
    %broadcast_in_dim3A_220 = vector.shape_cast %reduce_max3A_219 : vector<256xf32> to vector<1x256xf32>
    %eq3A_221 = vector.broadcast %broadcast_in_dim3A_220 : vector<1x256xf32> to vector<256x256xf32>
    %eq3A_222 = arith.cmpf oeq, %select_n3A_217, %eq3A_221 : vector<256x256xf32>
    %jit3A_223 = arith.constant 1073741824 : i32
    %broadcast_in_dim3A_224 = vector.broadcast %jit3A_223 : i32 to vector<256x256xi32>
    %select_n3A_225 = arith.select %eq3A_222, %iota3A, %broadcast_in_dim3A_224 : vector<256x256xi1>, vector<256x256xi32>
    %reduce_min3A_226 = arith.constant dense<2147483647> : vector<256xi32>
    %reduce_min3A_227 = vector.multi_reduction <minsi>, %select_n3A_225, %reduce_min3A_226 [0] : vector<256x256xi32> to vector<256xi32>
    %broadcast_in_dim3A_228 = vector.shape_cast %reduce_min3A_227 : vector<256xi32> to vector<1x256xi32>
    %add3A_229 = arith.addf %broadcast_in_dim3A_220, %broadcast_in_dim3A_10 : vector<1x256xf32>
    %mul3A_230 = arith.mulf %add3A_229, %div3A_43 : vector<1x256xf32>
    %jit3A_231 = arith.constant 0xFF800000 : f32
    %broadcast_in_dim3A_232 = vector.broadcast %jit3A_231 : f32 to vector<256x256xf32>
    %select_n3A_233 = arith.select %eq3A_222, %broadcast_in_dim3A_232, %select_n3A_217 : vector<256x256xi1>, vector<256x256xf32>
    %reduce_max3A_234 = arith.constant dense<0xFF800000> : vector<256xf32>
    %reduce_max3A_235 = vector.multi_reduction <maximumf>, %select_n3A_233, %reduce_max3A_234 [0] : vector<256x256xf32> to vector<256xf32>
    %broadcast_in_dim3A_236 = vector.shape_cast %reduce_max3A_235 : vector<256xf32> to vector<1x256xf32>
    %eq3A_237 = vector.broadcast %broadcast_in_dim3A_236 : vector<1x256xf32> to vector<256x256xf32>
    %eq3A_238 = arith.cmpf oeq, %select_n3A_233, %eq3A_237 : vector<256x256xf32>
    %jit3A_239 = arith.constant 1073741824 : i32
    %broadcast_in_dim3A_240 = vector.broadcast %jit3A_239 : i32 to vector<256x256xi32>
    %select_n3A_241 = arith.select %eq3A_238, %iota3A, %broadcast_in_dim3A_240 : vector<256x256xi1>, vector<256x256xi32>
    %reduce_min3A_242 = arith.constant dense<2147483647> : vector<256xi32>
    %reduce_min3A_243 = vector.multi_reduction <minsi>, %select_n3A_241, %reduce_min3A_242 [0] : vector<256x256xi32> to vector<256xi32>
    %broadcast_in_dim3A_244 = vector.shape_cast %reduce_min3A_243 : vector<256xi32> to vector<1x256xi32>
    %add3A_245 = arith.addf %broadcast_in_dim3A_236, %broadcast_in_dim3A_10 : vector<1x256xf32>
    %mul3A_246 = arith.mulf %add3A_245, %div3A_43 : vector<1x256xf32>
    %jit3A_247 = arith.constant 0xFF800000 : f32
    %broadcast_in_dim3A_248 = vector.broadcast %jit3A_247 : f32 to vector<256x256xf32>
    %select_n3A_249 = arith.select %eq3A_238, %broadcast_in_dim3A_248, %select_n3A_233 : vector<256x256xi1>, vector<256x256xf32>
    %reduce_max3A_250 = arith.constant dense<0xFF800000> : vector<256xf32>
    %reduce_max3A_251 = vector.multi_reduction <maximumf>, %select_n3A_249, %reduce_max3A_250 [0] : vector<256x256xf32> to vector<256xf32>
    %broadcast_in_dim3A_252 = vector.shape_cast %reduce_max3A_251 : vector<256xf32> to vector<1x256xf32>
    %eq3A_253 = vector.broadcast %broadcast_in_dim3A_252 : vector<1x256xf32> to vector<256x256xf32>
    %eq3A_254 = arith.cmpf oeq, %select_n3A_249, %eq3A_253 : vector<256x256xf32>
    %jit3A_255 = arith.constant 1073741824 : i32
    %broadcast_in_dim3A_256 = vector.broadcast %jit3A_255 : i32 to vector<256x256xi32>
    %select_n3A_257 = arith.select %eq3A_254, %iota3A, %broadcast_in_dim3A_256 : vector<256x256xi1>, vector<256x256xi32>
    %reduce_min3A_258 = arith.constant dense<2147483647> : vector<256xi32>
    %reduce_min3A_259 = vector.multi_reduction <minsi>, %select_n3A_257, %reduce_min3A_258 [0] : vector<256x256xi32> to vector<256xi32>
    %broadcast_in_dim3A_260 = vector.shape_cast %reduce_min3A_259 : vector<256xi32> to vector<1x256xi32>
    %add3A_261 = arith.addf %broadcast_in_dim3A_252, %broadcast_in_dim3A_10 : vector<1x256xf32>
    %mul3A_262 = arith.mulf %add3A_261, %div3A_43 : vector<1x256xf32>
    %jit3A_263 = arith.constant 0xFF800000 : f32
    %broadcast_in_dim3A_264 = vector.broadcast %jit3A_263 : f32 to vector<256x256xf32>
    %select_n3A_265 = arith.select %eq3A_254, %broadcast_in_dim3A_264, %select_n3A_249 : vector<256x256xi1>, vector<256x256xf32>
    %reduce_max3A_266 = arith.constant dense<0xFF800000> : vector<256xf32>
    %reduce_max3A_267 = vector.multi_reduction <maximumf>, %select_n3A_265, %reduce_max3A_266 [0] : vector<256x256xf32> to vector<256xf32>
    %broadcast_in_dim3A_268 = vector.shape_cast %reduce_max3A_267 : vector<256xf32> to vector<1x256xf32>
    %eq3A_269 = vector.broadcast %broadcast_in_dim3A_268 : vector<1x256xf32> to vector<256x256xf32>
    %eq3A_270 = arith.cmpf oeq, %select_n3A_265, %eq3A_269 : vector<256x256xf32>
    %jit3A_271 = arith.constant 1073741824 : i32
    %broadcast_in_dim3A_272 = vector.broadcast %jit3A_271 : i32 to vector<256x256xi32>
    %select_n3A_273 = arith.select %eq3A_270, %iota3A, %broadcast_in_dim3A_272 : vector<256x256xi1>, vector<256x256xi32>
    %reduce_min3A_274 = arith.constant dense<2147483647> : vector<256xi32>
    %reduce_min3A_275 = vector.multi_reduction <minsi>, %select_n3A_273, %reduce_min3A_274 [0] : vector<256x256xi32> to vector<256xi32>
    %broadcast_in_dim3A_276 = vector.shape_cast %reduce_min3A_275 : vector<256xi32> to vector<1x256xi32>
    %add3A_277 = arith.addf %broadcast_in_dim3A_268, %broadcast_in_dim3A_10 : vector<1x256xf32>
    %mul3A_278 = arith.mulf %add3A_277, %div3A_43 : vector<1x256xf32>
    %jit3A_279 = arith.constant 0xFF800000 : f32
    %broadcast_in_dim3A_280 = vector.broadcast %jit3A_279 : f32 to vector<256x256xf32>
    %select_n3A_281 = arith.select %eq3A_270, %broadcast_in_dim3A_280, %select_n3A_265 : vector<256x256xi1>, vector<256x256xf32>
    %reduce_max3A_282 = arith.constant dense<0xFF800000> : vector<256xf32>
    %reduce_max3A_283 = vector.multi_reduction <maximumf>, %select_n3A_281, %reduce_max3A_282 [0] : vector<256x256xf32> to vector<256xf32>
    %broadcast_in_dim3A_284 = vector.shape_cast %reduce_max3A_283 : vector<256xf32> to vector<1x256xf32>
    %eq3A_285 = vector.broadcast %broadcast_in_dim3A_284 : vector<1x256xf32> to vector<256x256xf32>
    %eq3A_286 = arith.cmpf oeq, %select_n3A_281, %eq3A_285 : vector<256x256xf32>
    %jit3A_287 = arith.constant 1073741824 : i32
    %broadcast_in_dim3A_288 = vector.broadcast %jit3A_287 : i32 to vector<256x256xi32>
    %select_n3A_289 = arith.select %eq3A_286, %iota3A, %broadcast_in_dim3A_288 : vector<256x256xi1>, vector<256x256xi32>
    %reduce_min3A_290 = arith.constant dense<2147483647> : vector<256xi32>
    %reduce_min3A_291 = vector.multi_reduction <minsi>, %select_n3A_289, %reduce_min3A_290 [0] : vector<256x256xi32> to vector<256xi32>
    %broadcast_in_dim3A_292 = vector.shape_cast %reduce_min3A_291 : vector<256xi32> to vector<1x256xi32>
    %add3A_293 = arith.addf %broadcast_in_dim3A_284, %broadcast_in_dim3A_10 : vector<1x256xf32>
    %mul3A_294 = arith.mulf %add3A_293, %div3A_43 : vector<1x256xf32>
    %concatenate3A = tpu.concatenate %broadcast_in_dim3A_52, %broadcast_in_dim3A_68, %broadcast_in_dim3A_84, %broadcast_in_dim3A_100, %broadcast_in_dim3A_116, %broadcast_in_dim3A_132, %broadcast_in_dim3A_148, %broadcast_in_dim3A_164, %broadcast_in_dim3A_180, %broadcast_in_dim3A_196, %broadcast_in_dim3A_212, %broadcast_in_dim3A_228, %broadcast_in_dim3A_244, %broadcast_in_dim3A_260, %broadcast_in_dim3A_276, %broadcast_in_dim3A_292 in 0 : vector<1x256xi32>, vector<1x256xi32>, vector<1x256xi32>, vector<1x256xi32>, vector<1x256xi32>, vector<1x256xi32>, vector<1x256xi32>, vector<1x256xi32>, vector<1x256xi32>, vector<1x256xi32>, vector<1x256xi32>, vector<1x256xi32>, vector<1x256xi32>, vector<1x256xi32>, vector<1x256xi32>, vector<1x256xi32> -> vector<16x256xi32>
    %swap3A_295 = arith.constant 0 : index
    %swap3A_296 = arith.constant 0 : index
    %swap3A_297 = arith.constant 0 : index
    %swap3A_298 = vector.load %arg7[%swap3A_295, %swap3A_296, %swap3A_297] : memref<2x16x256xi32, #tpu.memory_space<vmem>>, vector<1x16x256xi32>
    %swap3A_299 = vector.shape_cast %swap3A_298 : vector<1x16x256xi32> to vector<16x256xi32>
    %swap3A_300 = vector.shape_cast %concatenate3A : vector<16x256xi32> to vector<1x16x256xi32>
    tpu.vector_store %arg7[%swap3A_295, %swap3A_296, %swap3A_297], %swap3A_300 {strides = array<i32>} : memref<2x16x256xi32, #tpu.memory_space<vmem>>, vector<1x16x256xi32>,
    %concatenate3A_301 = tpu.concatenate %mul3A_54, %mul3A_70, %mul3A_86, %mul3A_102, %mul3A_118, %mul3A_134, %mul3A_150, %mul3A_166, %mul3A_182, %mul3A_198, %mul3A_214, %mul3A_230, %mul3A_246, %mul3A_262, %mul3A_278, %mul3A_294 in 0 : vector<1x256xf32>, vector<1x256xf32>, vector<1x256xf32>, vector<1x256xf32>, vector<1x256xf32>, vector<1x256xf32>, vector<1x256xf32>, vector<1x256xf32>, vector<1x256xf32>, vector<1x256xf32>, vector<1x256xf32>, vector<1x256xf32>, vector<1x256xf32>, vector<1x256xf32>, vector<1x256xf32>, vector<1x256xf32> -> vector<16x256xf32>
    %swap3A_302 = arith.constant 0 : index
    %swap3A_303 = arith.constant 0 : index
    %swap3A_304 = arith.constant 0 : index
    %swap3A_305 = vector.load %arg8[%swap3A_302, %swap3A_303, %swap3A_304] : memref<2x16x256xf32, #tpu.memory_space<vmem>>, vector<1x16x256xf32>
    %swap3A_306 = vector.shape_cast %swap3A_305 : vector<1x16x256xf32> to vector<16x256xf32>
    %swap3A_307 = vector.shape_cast %concatenate3A_301 : vector<16x256xf32> to vector<1x16x256xf32>
    tpu.vector_store %arg8[%swap3A_302, %swap3A_303, %swap3A_304], %swap3A_307 {strides = array<i32>} : memref<2x16x256xf32, #tpu.memory_space<vmem>>, vector<1x16x256xf32>,
    %broadcast_in_dim3A_308 = arith.constant 0.000000e+00 : f32
    %broadcast_in_dim3A_309 = vector.broadcast %broadcast_in_dim3A_308 : f32 to vector<1x256xf32>
    %concatenate3A_310 = tpu.concatenate %broadcast_in_dim3A_10, %div3A_43, %broadcast_in_dim3A_309, %broadcast_in_dim3A_309, %broadcast_in_dim3A_309, %broadcast_in_dim3A_309, %broadcast_in_dim3A_309, %broadcast_in_dim3A_309 in 0 : vector<1x256xf32>, vector<1x256xf32>, vector<1x256xf32>, vector<1x256xf32>, vector<1x256xf32>, vector<1x256xf32>, vector<1x256xf32>, vector<1x256xf32> -> vector<8x256xf32>
    %swap3A_311 = arith.constant 0 : index
    %swap3A_312 = arith.constant 0 : index
    %swap3A_313 = arith.constant 0 : index
    %swap3A_314 = vector.load %arg9[%swap3A_311, %swap3A_312, %swap3A_313] : memref<2x8x256xf32, #tpu.memory_space<vmem>>, vector<1x8x256xf32>
    %swap3A_315 = vector.shape_cast %swap3A_314 : vector<1x8x256xf32> to vector<8x256xf32>
    %swap3A_316 = vector.shape_cast %concatenate3A_310 : vector<8x256xf32> to vector<1x8x256xf32>
    tpu.vector_store %arg9[%swap3A_311, %swap3A_312, %swap3A_313], %swap3A_316 {strides = array<i32>} : memref<2x8x256xf32, #tpu.memory_space<vmem>>, vector<1x8x256xf32>,
    %get3A_317 = arith.constant 1 : index
    %get3A_318 = arith.constant 0 : index
    %get3A_319 = arith.constant 0 : index
    %get3A_320 = vector.load %arg1[%get3A_317, %get3A_318, %get3A_319] : memref<2x256x128xf32, #tpu.memory_space<vmem>>, vector<1x256x128xf32>
    %get3A_321 = vector.shape_cast %get3A_320 : vector<1x256x128xf32> to vector<256x128xf32>
    %dot_general3A_322 = arith.constant dense<0.000000e+00> : vector<256x256xf32>
    %dot_general3A_323 = tpu.matmul %get3A_321, %get3A_321, %dot_general3A_322 {dimension_numbers = #tpu.dot_dimension_numbers<[1], [1], [0], [0], [0, 0, 1, 0], [], []>, precision = #tpu.contract_precision<fp32>, transpose_lhs_hint = false} : vector<256x128xf32>, vector<256x128xf32>, vector<256x256xf32> -> vector<256x256xf32>
    %mul3A_324 = arith.mulf %get3A_321, %get3A_321 : vector<256x128xf32>
    %reduce_sum3A_325 = arith.constant dense<0.000000e+00> : vector<256xf32>
    %reduce_sum3A_326 = vector.multi_reduction <add>, %mul3A_324, %reduce_sum3A_325 [1] : vector<256x128xf32> to vector<256xf32>
    %broadcast_in_dim3A_327 = vector.shape_cast %reduce_sum3A_326 : vector<256xf32> to vector<256x1xf32>
    %iota3A_328 = tpu.iota {dimensions = array<i32: 0>} : vector<256x256xi32>
    %iota3A_329 = tpu.iota {dimensions = array<i32: 1>} : vector<256x256xi32>
    %eq3A_330 = arith.cmpi eq, %iota3A_328, %iota3A_329 : vector<256x256xi32>
    %jit3A_331 = arith.constant 0.000000e+00 : f32
    %broadcast_in_dim3A_332 = vector.broadcast %jit3A_331 : f32 to vector<256x256xf32>
    %select_n3A_333 = arith.select %eq3A_330, %dot_general3A_323, %broadcast_in_dim3A_332 : vector<256x256xi1>, vector<256x256xf32>
    %reduce_sum3A_334 = arith.constant dense<0.000000e+00> : vector<256xf32>
    %reduce_sum3A_335 = vector.multi_reduction <add>, %select_n3A_333, %reduce_sum3A_334 [0] : vector<256x256xf32> to vector<256xf32>
    %broadcast_in_dim3A_336 = vector.shape_cast %reduce_sum3A_335 : vector<256xf32> to vector<1x256xf32>
    %get3A_337 = arith.constant 0 : index
    %get3A_338 = arith.constant 0 : index
    %get3A_339 = vector.load %arg2[%get3A_337, %get3A_338] : memref<128x128xf32, #tpu.memory_space<vmem>>, vector<128x128xf32>
    %dot_general3A_340 = arith.constant dense<0.000000e+00> : vector<256x128xf32>
    %dot_general3A_341 = tpu.matmul %get3A_321, %get3A_339, %dot_general3A_340 {dimension_numbers = #tpu.dot_dimension_numbers<[1], [0], [0], [1], [0, 0, 1, 1], [], []>, precision = #tpu.contract_precision<fp32>, transpose_lhs_hint = false} : vector<256x128xf32>, vector<128x128xf32>, vector<256x128xf32> -> vector<256x128xf32>
    %swap3A_342 = arith.constant 1 : index
    %swap3A_343 = arith.constant 0 : index
    %swap3A_344 = arith.constant 0 : index
    %swap3A_345 = vector.load %arg5[%swap3A_342, %swap3A_343, %swap3A_344] : memref<2x256x128xf32, #tpu.memory_space<vmem>>, vector<1x256x128xf32>
    %swap3A_346 = vector.shape_cast %swap3A_345 : vector<1x256x128xf32> to vector<256x128xf32>
    %swap3A_347 = vector.shape_cast %dot_general3A_341 : vector<256x128xf32> to vector<1x256x128xf32>
    tpu.vector_store %arg5[%swap3A_342, %swap3A_343, %swap3A_344], %swap3A_347 {strides = array<i32>} : memref<2x256x128xf32, #tpu.memory_space<vmem>>, vector<1x256x128xf32>,
    %get3A_348 = arith.constant 0 : index
    %get3A_349 = arith.constant 0 : index
    %get3A_350 = vector.load %arg3[%get3A_348, %get3A_349] : memref<128x128xf32, #tpu.memory_space<vmem>>, vector<128x128xf32>
    %dot_general3A_351 = arith.constant dense<0.000000e+00> : vector<256x128xf32>
    %dot_general3A_352 = tpu.matmul %get3A_321, %get3A_350, %dot_general3A_351 {dimension_numbers = #tpu.dot_dimension_numbers<[1], [0], [0], [1], [0, 0, 1, 1], [], []>, precision = #tpu.contract_precision<fp32>, transpose_lhs_hint = false} : vector<256x128xf32>, vector<128x128xf32>, vector<256x128xf32> -> vector<256x128xf32>
    %get3A_353 = arith.constant 0 : index
    %get3A_354 = arith.constant 0 : index
    %get3A_355 = vector.load %arg4[%get3A_353, %get3A_354] : memref<1x128xf32, #tpu.memory_space<vmem>>, vector<1x128xf32>
    %add3A_356 = vector.broadcast %get3A_355 : vector<1x128xf32> to vector<256x128xf32>
    %add3A_357 = arith.addf %dot_general3A_352, %add3A_356 : vector<256x128xf32>
    %swap3A_358 = arith.constant 1 : index
    %swap3A_359 = arith.constant 0 : index
    %swap3A_360 = arith.constant 0 : index
    %swap3A_361 = vector.load %arg6[%swap3A_358, %swap3A_359, %swap3A_360] : memref<2x256x128xf32, #tpu.memory_space<vmem>>, vector<1x256x128xf32>
    %swap3A_362 = vector.shape_cast %swap3A_361 : vector<1x256x128xf32> to vector<256x128xf32>
    %swap3A_363 = vector.shape_cast %add3A_357 : vector<256x128xf32> to vector<1x256x128xf32>
    tpu.vector_store %arg6[%swap3A_358, %swap3A_359, %swap3A_360], %swap3A_363 {strides = array<i32>} : memref<2x256x128xf32, #tpu.memory_space<vmem>>, vector<1x256x128xf32>,
    %mul3A_364 = arith.constant 2.000000e+00 : f32
    %mul3A_365 = vector.broadcast %mul3A_364 : f32 to vector<256x256xf32>
    %mul3A_366 = arith.mulf %mul3A_365, %dot_general3A_323 : vector<256x256xf32>
    %sub3A_367 = vector.broadcast %broadcast_in_dim3A_327 : vector<256x1xf32> to vector<256x256xf32>
    %sub3A_368 = arith.subf %mul3A_366, %sub3A_367 : vector<256x256xf32>
    %sub3A_369 = vector.broadcast %broadcast_in_dim3A_336 : vector<1x256xf32> to vector<256x256xf32>
    %sub3A_370 = arith.subf %sub3A_368, %sub3A_369 : vector<256x256xf32>
    %sqrt3A_371 = math.sqrt %broadcast_in_dim3A_336 : vector<1x256xf32>
    %div3A_372 = arith.constant 1.000000e+00 : f32
    %div3A_373 = vector.broadcast %div3A_372 : f32 to vector<1x256xf32>
    %div3A_374 = arith.divf %div3A_373, %sqrt3A_371 : vector<1x256xf32>
    %reduce_max3A_375 = arith.constant dense<0xFF800000> : vector<256xf32>
    %reduce_max3A_376 = vector.multi_reduction <maximumf>, %sub3A_370, %reduce_max3A_375 [0] : vector<256x256xf32> to vector<256xf32>
    %broadcast_in_dim3A_377 = vector.shape_cast %reduce_max3A_376 : vector<256xf32> to vector<1x256xf32>
    %eq3A_378 = vector.broadcast %broadcast_in_dim3A_377 : vector<1x256xf32> to vector<256x256xf32>
    %eq3A_379 = arith.cmpf oeq, %sub3A_370, %eq3A_378 : vector<256x256xf32>
    %jit3A_380 = arith.constant 1073741824 : i32
    %broadcast_in_dim3A_381 = vector.broadcast %jit3A_380 : i32 to vector<256x256xi32>
    %select_n3A_382 = arith.select %eq3A_379, %iota3A_328, %broadcast_in_dim3A_381 : vector<256x256xi1>, vector<256x256xi32>
    %reduce_min3A_383 = arith.constant dense<2147483647> : vector<256xi32>
    %reduce_min3A_384 = vector.multi_reduction <minsi>, %select_n3A_382, %reduce_min3A_383 [0] : vector<256x256xi32> to vector<256xi32>
    %broadcast_in_dim3A_385 = vector.shape_cast %reduce_min3A_384 : vector<256xi32> to vector<1x256xi32>
    %add3A_386 = arith.addf %broadcast_in_dim3A_377, %broadcast_in_dim3A_336 : vector<1x256xf32>
    %mul3A_387 = arith.mulf %add3A_386, %div3A_374 : vector<1x256xf32>
    %jit3A_388 = arith.constant 0xFF800000 : f32
    %broadcast_in_dim3A_389 = vector.broadcast %jit3A_388 : f32 to vector<256x256xf32>
    %select_n3A_390 = arith.select %eq3A_379, %broadcast_in_dim3A_389, %sub3A_370 : vector<256x256xi1>, vector<256x256xf32>
    %reduce_max3A_391 = arith.constant dense<0xFF800000> : vector<256xf32>
    %reduce_max3A_392 = vector.multi_reduction <maximumf>, %select_n3A_390, %reduce_max3A_391 [0] : vector<256x256xf32> to vector<256xf32>
    %broadcast_in_dim3A_393 = vector.shape_cast %reduce_max3A_392 : vector<256xf32> to vector<1x256xf32>
    %eq3A_394 = vector.broadcast %broadcast_in_dim3A_393 : vector<1x256xf32> to vector<256x256xf32>
    %eq3A_395 = arith.cmpf oeq, %select_n3A_390, %eq3A_394 : vector<256x256xf32>
    %jit3A_396 = arith.constant 1073741824 : i32
    %broadcast_in_dim3A_397 = vector.broadcast %jit3A_396 : i32 to vector<256x256xi32>
    %select_n3A_398 = arith.select %eq3A_395, %iota3A_328, %broadcast_in_dim3A_397 : vector<256x256xi1>, vector<256x256xi32>
    %reduce_min3A_399 = arith.constant dense<2147483647> : vector<256xi32>
    %reduce_min3A_400 = vector.multi_reduction <minsi>, %select_n3A_398, %reduce_min3A_399 [0] : vector<256x256xi32> to vector<256xi32>
    %broadcast_in_dim3A_401 = vector.shape_cast %reduce_min3A_400 : vector<256xi32> to vector<1x256xi32>
    %add3A_402 = arith.addf %broadcast_in_dim3A_393, %broadcast_in_dim3A_336 : vector<1x256xf32>
    %mul3A_403 = arith.mulf %add3A_402, %div3A_374 : vector<1x256xf32>
    %jit3A_404 = arith.constant 0xFF800000 : f32
    %broadcast_in_dim3A_405 = vector.broadcast %jit3A_404 : f32 to vector<256x256xf32>
    %select_n3A_406 = arith.select %eq3A_395, %broadcast_in_dim3A_405, %select_n3A_390 : vector<256x256xi1>, vector<256x256xf32>
    %reduce_max3A_407 = arith.constant dense<0xFF800000> : vector<256xf32>
    %reduce_max3A_408 = vector.multi_reduction <maximumf>, %select_n3A_406, %reduce_max3A_407 [0] : vector<256x256xf32> to vector<256xf32>
    %broadcast_in_dim3A_409 = vector.shape_cast %reduce_max3A_408 : vector<256xf32> to vector<1x256xf32>
    %eq3A_410 = vector.broadcast %broadcast_in_dim3A_409 : vector<1x256xf32> to vector<256x256xf32>
    %eq3A_411 = arith.cmpf oeq, %select_n3A_406, %eq3A_410 : vector<256x256xf32>
    %jit3A_412 = arith.constant 1073741824 : i32
    %broadcast_in_dim3A_413 = vector.broadcast %jit3A_412 : i32 to vector<256x256xi32>
    %select_n3A_414 = arith.select %eq3A_411, %iota3A_328, %broadcast_in_dim3A_413 : vector<256x256xi1>, vector<256x256xi32>
    %reduce_min3A_415 = arith.constant dense<2147483647> : vector<256xi32>
    %reduce_min3A_416 = vector.multi_reduction <minsi>, %select_n3A_414, %reduce_min3A_415 [0] : vector<256x256xi32> to vector<256xi32>
    %broadcast_in_dim3A_417 = vector.shape_cast %reduce_min3A_416 : vector<256xi32> to vector<1x256xi32>
    %add3A_418 = arith.addf %broadcast_in_dim3A_409, %broadcast_in_dim3A_336 : vector<1x256xf32>
    %mul3A_419 = arith.mulf %add3A_418, %div3A_374 : vector<1x256xf32>
    %jit3A_420 = arith.constant 0xFF800000 : f32
    %broadcast_in_dim3A_421 = vector.broadcast %jit3A_420 : f32 to vector<256x256xf32>
    %select_n3A_422 = arith.select %eq3A_411, %broadcast_in_dim3A_421, %select_n3A_406 : vector<256x256xi1>, vector<256x256xf32>
    %reduce_max3A_423 = arith.constant dense<0xFF800000> : vector<256xf32>
    %reduce_max3A_424 = vector.multi_reduction <maximumf>, %select_n3A_422, %reduce_max3A_423 [0] : vector<256x256xf32> to vector<256xf32>
    %broadcast_in_dim3A_425 = vector.shape_cast %reduce_max3A_424 : vector<256xf32> to vector<1x256xf32>
    %eq3A_426 = vector.broadcast %broadcast_in_dim3A_425 : vector<1x256xf32> to vector<256x256xf32>
    %eq3A_427 = arith.cmpf oeq, %select_n3A_422, %eq3A_426 : vector<256x256xf32>
    %jit3A_428 = arith.constant 1073741824 : i32
    %broadcast_in_dim3A_429 = vector.broadcast %jit3A_428 : i32 to vector<256x256xi32>
    %select_n3A_430 = arith.select %eq3A_427, %iota3A_328, %broadcast_in_dim3A_429 : vector<256x256xi1>, vector<256x256xi32>
    %reduce_min3A_431 = arith.constant dense<2147483647> : vector<256xi32>
    %reduce_min3A_432 = vector.multi_reduction <minsi>, %select_n3A_430, %reduce_min3A_431 [0] : vector<256x256xi32> to vector<256xi32>
    %broadcast_in_dim3A_433 = vector.shape_cast %reduce_min3A_432 : vector<256xi32> to vector<1x256xi32>
    %add3A_434 = arith.addf %broadcast_in_dim3A_425, %broadcast_in_dim3A_336 : vector<1x256xf32>
    %mul3A_435 = arith.mulf %add3A_434, %div3A_374 : vector<1x256xf32>
    %jit3A_436 = arith.constant 0xFF800000 : f32
    %broadcast_in_dim3A_437 = vector.broadcast %jit3A_436 : f32 to vector<256x256xf32>
    %select_n3A_438 = arith.select %eq3A_427, %broadcast_in_dim3A_437, %select_n3A_422 : vector<256x256xi1>, vector<256x256xf32>
    %reduce_max3A_439 = arith.constant dense<0xFF800000> : vector<256xf32>
    %reduce_max3A_440 = vector.multi_reduction <maximumf>, %select_n3A_438, %reduce_max3A_439 [0] : vector<256x256xf32> to vector<256xf32>
    %broadcast_in_dim3A_441 = vector.shape_cast %reduce_max3A_440 : vector<256xf32> to vector<1x256xf32>
    %eq3A_442 = vector.broadcast %broadcast_in_dim3A_441 : vector<1x256xf32> to vector<256x256xf32>
    %eq3A_443 = arith.cmpf oeq, %select_n3A_438, %eq3A_442 : vector<256x256xf32>
    %jit3A_444 = arith.constant 1073741824 : i32
    %broadcast_in_dim3A_445 = vector.broadcast %jit3A_444 : i32 to vector<256x256xi32>
    %select_n3A_446 = arith.select %eq3A_443, %iota3A_328, %broadcast_in_dim3A_445 : vector<256x256xi1>, vector<256x256xi32>
    %reduce_min3A_447 = arith.constant dense<2147483647> : vector<256xi32>
    %reduce_min3A_448 = vector.multi_reduction <minsi>, %select_n3A_446, %reduce_min3A_447 [0] : vector<256x256xi32> to vector<256xi32>
    %broadcast_in_dim3A_449 = vector.shape_cast %reduce_min3A_448 : vector<256xi32> to vector<1x256xi32>
    %add3A_450 = arith.addf %broadcast_in_dim3A_441, %broadcast_in_dim3A_336 : vector<1x256xf32>
    %mul3A_451 = arith.mulf %add3A_450, %div3A_374 : vector<1x256xf32>
    %jit3A_452 = arith.constant 0xFF800000 : f32
    %broadcast_in_dim3A_453 = vector.broadcast %jit3A_452 : f32 to vector<256x256xf32>
    %select_n3A_454 = arith.select %eq3A_443, %broadcast_in_dim3A_453, %select_n3A_438 : vector<256x256xi1>, vector<256x256xf32>
    %reduce_max3A_455 = arith.constant dense<0xFF800000> : vector<256xf32>
    %reduce_max3A_456 = vector.multi_reduction <maximumf>, %select_n3A_454, %reduce_max3A_455 [0] : vector<256x256xf32> to vector<256xf32>
    %broadcast_in_dim3A_457 = vector.shape_cast %reduce_max3A_456 : vector<256xf32> to vector<1x256xf32>
    %eq3A_458 = vector.broadcast %broadcast_in_dim3A_457 : vector<1x256xf32> to vector<256x256xf32>
    %eq3A_459 = arith.cmpf oeq, %select_n3A_454, %eq3A_458 : vector<256x256xf32>
    %jit3A_460 = arith.constant 1073741824 : i32
    %broadcast_in_dim3A_461 = vector.broadcast %jit3A_460 : i32 to vector<256x256xi32>
    %select_n3A_462 = arith.select %eq3A_459, %iota3A_328, %broadcast_in_dim3A_461 : vector<256x256xi1>, vector<256x256xi32>
    %reduce_min3A_463 = arith.constant dense<2147483647> : vector<256xi32>
    %reduce_min3A_464 = vector.multi_reduction <minsi>, %select_n3A_462, %reduce_min3A_463 [0] : vector<256x256xi32> to vector<256xi32>
    %broadcast_in_dim3A_465 = vector.shape_cast %reduce_min3A_464 : vector<256xi32> to vector<1x256xi32>
    %add3A_466 = arith.addf %broadcast_in_dim3A_457, %broadcast_in_dim3A_336 : vector<1x256xf32>
    %mul3A_467 = arith.mulf %add3A_466, %div3A_374 : vector<1x256xf32>
    %jit3A_468 = arith.constant 0xFF800000 : f32
    %broadcast_in_dim3A_469 = vector.broadcast %jit3A_468 : f32 to vector<256x256xf32>
    %select_n3A_470 = arith.select %eq3A_459, %broadcast_in_dim3A_469, %select_n3A_454 : vector<256x256xi1>, vector<256x256xf32>
    %reduce_max3A_471 = arith.constant dense<0xFF800000> : vector<256xf32>
    %reduce_max3A_472 = vector.multi_reduction <maximumf>, %select_n3A_470, %reduce_max3A_471 [0] : vector<256x256xf32> to vector<256xf32>
    %broadcast_in_dim3A_473 = vector.shape_cast %reduce_max3A_472 : vector<256xf32> to vector<1x256xf32>
    %eq3A_474 = vector.broadcast %broadcast_in_dim3A_473 : vector<1x256xf32> to vector<256x256xf32>
    %eq3A_475 = arith.cmpf oeq, %select_n3A_470, %eq3A_474 : vector<256x256xf32>
    %jit3A_476 = arith.constant 1073741824 : i32
    %broadcast_in_dim3A_477 = vector.broadcast %jit3A_476 : i32 to vector<256x256xi32>
    %select_n3A_478 = arith.select %eq3A_475, %iota3A_328, %broadcast_in_dim3A_477 : vector<256x256xi1>, vector<256x256xi32>
    %reduce_min3A_479 = arith.constant dense<2147483647> : vector<256xi32>
    %reduce_min3A_480 = vector.multi_reduction <minsi>, %select_n3A_478, %reduce_min3A_479 [0] : vector<256x256xi32> to vector<256xi32>
    %broadcast_in_dim3A_481 = vector.shape_cast %reduce_min3A_480 : vector<256xi32> to vector<1x256xi32>
    %add3A_482 = arith.addf %broadcast_in_dim3A_473, %broadcast_in_dim3A_336 : vector<1x256xf32>
    %mul3A_483 = arith.mulf %add3A_482, %div3A_374 : vector<1x256xf32>
    %jit3A_484 = arith.constant 0xFF800000 : f32
    %broadcast_in_dim3A_485 = vector.broadcast %jit3A_484 : f32 to vector<256x256xf32>
    %select_n3A_486 = arith.select %eq3A_475, %broadcast_in_dim3A_485, %select_n3A_470 : vector<256x256xi1>, vector<256x256xf32>
    %reduce_max3A_487 = arith.constant dense<0xFF800000> : vector<256xf32>
    %reduce_max3A_488 = vector.multi_reduction <maximumf>, %select_n3A_486, %reduce_max3A_487 [0] : vector<256x256xf32> to vector<256xf32>
    %broadcast_in_dim3A_489 = vector.shape_cast %reduce_max3A_488 : vector<256xf32> to vector<1x256xf32>
    %eq3A_490 = vector.broadcast %broadcast_in_dim3A_489 : vector<1x256xf32> to vector<256x256xf32>
    %eq3A_491 = arith.cmpf oeq, %select_n3A_486, %eq3A_490 : vector<256x256xf32>
    %jit3A_492 = arith.constant 1073741824 : i32
    %broadcast_in_dim3A_493 = vector.broadcast %jit3A_492 : i32 to vector<256x256xi32>
    %select_n3A_494 = arith.select %eq3A_491, %iota3A_328, %broadcast_in_dim3A_493 : vector<256x256xi1>, vector<256x256xi32>
    %reduce_min3A_495 = arith.constant dense<2147483647> : vector<256xi32>
    %reduce_min3A_496 = vector.multi_reduction <minsi>, %select_n3A_494, %reduce_min3A_495 [0] : vector<256x256xi32> to vector<256xi32>
    %broadcast_in_dim3A_497 = vector.shape_cast %reduce_min3A_496 : vector<256xi32> to vector<1x256xi32>
    %add3A_498 = arith.addf %broadcast_in_dim3A_489, %broadcast_in_dim3A_336 : vector<1x256xf32>
    %mul3A_499 = arith.mulf %add3A_498, %div3A_374 : vector<1x256xf32>
    %jit3A_500 = arith.constant 0xFF800000 : f32
    %broadcast_in_dim3A_501 = vector.broadcast %jit3A_500 : f32 to vector<256x256xf32>
    %select_n3A_502 = arith.select %eq3A_491, %broadcast_in_dim3A_501, %select_n3A_486 : vector<256x256xi1>, vector<256x256xf32>
    %reduce_max3A_503 = arith.constant dense<0xFF800000> : vector<256xf32>
    %reduce_max3A_504 = vector.multi_reduction <maximumf>, %select_n3A_502, %reduce_max3A_503 [0] : vector<256x256xf32> to vector<256xf32>
    %broadcast_in_dim3A_505 = vector.shape_cast %reduce_max3A_504 : vector<256xf32> to vector<1x256xf32>
    %eq3A_506 = vector.broadcast %broadcast_in_dim3A_505 : vector<1x256xf32> to vector<256x256xf32>
    %eq3A_507 = arith.cmpf oeq, %select_n3A_502, %eq3A_506 : vector<256x256xf32>
    %jit3A_508 = arith.constant 1073741824 : i32
    %broadcast_in_dim3A_509 = vector.broadcast %jit3A_508 : i32 to vector<256x256xi32>
    %select_n3A_510 = arith.select %eq3A_507, %iota3A_328, %broadcast_in_dim3A_509 : vector<256x256xi1>, vector<256x256xi32>
    %reduce_min3A_511 = arith.constant dense<2147483647> : vector<256xi32>
    %reduce_min3A_512 = vector.multi_reduction <minsi>, %select_n3A_510, %reduce_min3A_511 [0] : vector<256x256xi32> to vector<256xi32>
    %broadcast_in_dim3A_513 = vector.shape_cast %reduce_min3A_512 : vector<256xi32> to vector<1x256xi32>
    %add3A_514 = arith.addf %broadcast_in_dim3A_505, %broadcast_in_dim3A_336 : vector<1x256xf32>
    %mul3A_515 = arith.mulf %add3A_514, %div3A_374 : vector<1x256xf32>
    %jit3A_516 = arith.constant 0xFF800000 : f32
    %broadcast_in_dim3A_517 = vector.broadcast %jit3A_516 : f32 to vector<256x256xf32>
    %select_n3A_518 = arith.select %eq3A_507, %broadcast_in_dim3A_517, %select_n3A_502 : vector<256x256xi1>, vector<256x256xf32>
    %reduce_max3A_519 = arith.constant dense<0xFF800000> : vector<256xf32>
    %reduce_max3A_520 = vector.multi_reduction <maximumf>, %select_n3A_518, %reduce_max3A_519 [0] : vector<256x256xf32> to vector<256xf32>
    %broadcast_in_dim3A_521 = vector.shape_cast %reduce_max3A_520 : vector<256xf32> to vector<1x256xf32>
    %eq3A_522 = vector.broadcast %broadcast_in_dim3A_521 : vector<1x256xf32> to vector<256x256xf32>
    %eq3A_523 = arith.cmpf oeq, %select_n3A_518, %eq3A_522 : vector<256x256xf32>
    %jit3A_524 = arith.constant 1073741824 : i32
    %broadcast_in_dim3A_525 = vector.broadcast %jit3A_524 : i32 to vector<256x256xi32>
    %select_n3A_526 = arith.select %eq3A_523, %iota3A_328, %broadcast_in_dim3A_525 : vector<256x256xi1>, vector<256x256xi32>
    %reduce_min3A_527 = arith.constant dense<2147483647> : vector<256xi32>
    %reduce_min3A_528 = vector.multi_reduction <minsi>, %select_n3A_526, %reduce_min3A_527 [0] : vector<256x256xi32> to vector<256xi32>
    %broadcast_in_dim3A_529 = vector.shape_cast %reduce_min3A_528 : vector<256xi32> to vector<1x256xi32>
    %add3A_530 = arith.addf %broadcast_in_dim3A_521, %broadcast_in_dim3A_336 : vector<1x256xf32>
    %mul3A_531 = arith.mulf %add3A_530, %div3A_374 : vector<1x256xf32>
    %jit3A_532 = arith.constant 0xFF800000 : f32
    %broadcast_in_dim3A_533 = vector.broadcast %jit3A_532 : f32 to vector<256x256xf32>
    %select_n3A_534 = arith.select %eq3A_523, %broadcast_in_dim3A_533, %select_n3A_518 : vector<256x256xi1>, vector<256x256xf32>
    %reduce_max3A_535 = arith.constant dense<0xFF800000> : vector<256xf32>
    %reduce_max3A_536 = vector.multi_reduction <maximumf>, %select_n3A_534, %reduce_max3A_535 [0] : vector<256x256xf32> to vector<256xf32>
    %broadcast_in_dim3A_537 = vector.shape_cast %reduce_max3A_536 : vector<256xf32> to vector<1x256xf32>
    %eq3A_538 = vector.broadcast %broadcast_in_dim3A_537 : vector<1x256xf32> to vector<256x256xf32>
    %eq3A_539 = arith.cmpf oeq, %select_n3A_534, %eq3A_538 : vector<256x256xf32>
    %jit3A_540 = arith.constant 1073741824 : i32
    %broadcast_in_dim3A_541 = vector.broadcast %jit3A_540 : i32 to vector<256x256xi32>
    %select_n3A_542 = arith.select %eq3A_539, %iota3A_328, %broadcast_in_dim3A_541 : vector<256x256xi1>, vector<256x256xi32>
    %reduce_min3A_543 = arith.constant dense<2147483647> : vector<256xi32>
    %reduce_min3A_544 = vector.multi_reduction <minsi>, %select_n3A_542, %reduce_min3A_543 [0] : vector<256x256xi32> to vector<256xi32>
    %broadcast_in_dim3A_545 = vector.shape_cast %reduce_min3A_544 : vector<256xi32> to vector<1x256xi32>
    %add3A_546 = arith.addf %broadcast_in_dim3A_537, %broadcast_in_dim3A_336 : vector<1x256xf32>
    %mul3A_547 = arith.mulf %add3A_546, %div3A_374 : vector<1x256xf32>
    %jit3A_548 = arith.constant 0xFF800000 : f32
    %broadcast_in_dim3A_549 = vector.broadcast %jit3A_548 : f32 to vector<256x256xf32>
    %select_n3A_550 = arith.select %eq3A_539, %broadcast_in_dim3A_549, %select_n3A_534 : vector<256x256xi1>, vector<256x256xf32>
    %reduce_max3A_551 = arith.constant dense<0xFF800000> : vector<256xf32>
    %reduce_max3A_552 = vector.multi_reduction <maximumf>, %select_n3A_550, %reduce_max3A_551 [0] : vector<256x256xf32> to vector<256xf32>
    %broadcast_in_dim3A_553 = vector.shape_cast %reduce_max3A_552 : vector<256xf32> to vector<1x256xf32>
    %eq3A_554 = vector.broadcast %broadcast_in_dim3A_553 : vector<1x256xf32> to vector<256x256xf32>
    %eq3A_555 = arith.cmpf oeq, %select_n3A_550, %eq3A_554 : vector<256x256xf32>
    %jit3A_556 = arith.constant 1073741824 : i32
    %broadcast_in_dim3A_557 = vector.broadcast %jit3A_556 : i32 to vector<256x256xi32>
    %select_n3A_558 = arith.select %eq3A_555, %iota3A_328, %broadcast_in_dim3A_557 : vector<256x256xi1>, vector<256x256xi32>
    %reduce_min3A_559 = arith.constant dense<2147483647> : vector<256xi32>
    %reduce_min3A_560 = vector.multi_reduction <minsi>, %select_n3A_558, %reduce_min3A_559 [0] : vector<256x256xi32> to vector<256xi32>
    %broadcast_in_dim3A_561 = vector.shape_cast %reduce_min3A_560 : vector<256xi32> to vector<1x256xi32>
    %add3A_562 = arith.addf %broadcast_in_dim3A_553, %broadcast_in_dim3A_336 : vector<1x256xf32>
    %mul3A_563 = arith.mulf %add3A_562, %div3A_374 : vector<1x256xf32>
    %jit3A_564 = arith.constant 0xFF800000 : f32
    %broadcast_in_dim3A_565 = vector.broadcast %jit3A_564 : f32 to vector<256x256xf32>
    %select_n3A_566 = arith.select %eq3A_555, %broadcast_in_dim3A_565, %select_n3A_550 : vector<256x256xi1>, vector<256x256xf32>
    %reduce_max3A_567 = arith.constant dense<0xFF800000> : vector<256xf32>
    %reduce_max3A_568 = vector.multi_reduction <maximumf>, %select_n3A_566, %reduce_max3A_567 [0] : vector<256x256xf32> to vector<256xf32>
    %broadcast_in_dim3A_569 = vector.shape_cast %reduce_max3A_568 : vector<256xf32> to vector<1x256xf32>
    %eq3A_570 = vector.broadcast %broadcast_in_dim3A_569 : vector<1x256xf32> to vector<256x256xf32>
    %eq3A_571 = arith.cmpf oeq, %select_n3A_566, %eq3A_570 : vector<256x256xf32>
    %jit3A_572 = arith.constant 1073741824 : i32
    %broadcast_in_dim3A_573 = vector.broadcast %jit3A_572 : i32 to vector<256x256xi32>
    %select_n3A_574 = arith.select %eq3A_571, %iota3A_328, %broadcast_in_dim3A_573 : vector<256x256xi1>, vector<256x256xi32>
    %reduce_min3A_575 = arith.constant dense<2147483647> : vector<256xi32>
    %reduce_min3A_576 = vector.multi_reduction <minsi>, %select_n3A_574, %reduce_min3A_575 [0] : vector<256x256xi32> to vector<256xi32>
    %broadcast_in_dim3A_577 = vector.shape_cast %reduce_min3A_576 : vector<256xi32> to vector<1x256xi32>
    %add3A_578 = arith.addf %broadcast_in_dim3A_569, %broadcast_in_dim3A_336 : vector<1x256xf32>
    %mul3A_579 = arith.mulf %add3A_578, %div3A_374 : vector<1x256xf32>
    %jit3A_580 = arith.constant 0xFF800000 : f32
    %broadcast_in_dim3A_581 = vector.broadcast %jit3A_580 : f32 to vector<256x256xf32>
    %select_n3A_582 = arith.select %eq3A_571, %broadcast_in_dim3A_581, %select_n3A_566 : vector<256x256xi1>, vector<256x256xf32>
    %reduce_max3A_583 = arith.constant dense<0xFF800000> : vector<256xf32>
    %reduce_max3A_584 = vector.multi_reduction <maximumf>, %select_n3A_582, %reduce_max3A_583 [0] : vector<256x256xf32> to vector<256xf32>
    %broadcast_in_dim3A_585 = vector.shape_cast %reduce_max3A_584 : vector<256xf32> to vector<1x256xf32>
    %eq3A_586 = vector.broadcast %broadcast_in_dim3A_585 : vector<1x256xf32> to vector<256x256xf32>
    %eq3A_587 = arith.cmpf oeq, %select_n3A_582, %eq3A_586 : vector<256x256xf32>
    %jit3A_588 = arith.constant 1073741824 : i32
    %broadcast_in_dim3A_589 = vector.broadcast %jit3A_588 : i32 to vector<256x256xi32>
    %select_n3A_590 = arith.select %eq3A_587, %iota3A_328, %broadcast_in_dim3A_589 : vector<256x256xi1>, vector<256x256xi32>
    %reduce_min3A_591 = arith.constant dense<2147483647> : vector<256xi32>
    %reduce_min3A_592 = vector.multi_reduction <minsi>, %select_n3A_590, %reduce_min3A_591 [0] : vector<256x256xi32> to vector<256xi32>
    %broadcast_in_dim3A_593 = vector.shape_cast %reduce_min3A_592 : vector<256xi32> to vector<1x256xi32>
    %add3A_594 = arith.addf %broadcast_in_dim3A_585, %broadcast_in_dim3A_336 : vector<1x256xf32>
    %mul3A_595 = arith.mulf %add3A_594, %div3A_374 : vector<1x256xf32>
    %jit3A_596 = arith.constant 0xFF800000 : f32
    %broadcast_in_dim3A_597 = vector.broadcast %jit3A_596 : f32 to vector<256x256xf32>
    %select_n3A_598 = arith.select %eq3A_587, %broadcast_in_dim3A_597, %select_n3A_582 : vector<256x256xi1>, vector<256x256xf32>
    %reduce_max3A_599 = arith.constant dense<0xFF800000> : vector<256xf32>
    %reduce_max3A_600 = vector.multi_reduction <maximumf>, %select_n3A_598, %reduce_max3A_599 [0] : vector<256x256xf32> to vector<256xf32>
    %broadcast_in_dim3A_601 = vector.shape_cast %reduce_max3A_600 : vector<256xf32> to vector<1x256xf32>
    %eq3A_602 = vector.broadcast %broadcast_in_dim3A_601 : vector<1x256xf32> to vector<256x256xf32>
    %eq3A_603 = arith.cmpf oeq, %select_n3A_598, %eq3A_602 : vector<256x256xf32>
    %jit3A_604 = arith.constant 1073741824 : i32
    %broadcast_in_dim3A_605 = vector.broadcast %jit3A_604 : i32 to vector<256x256xi32>
    %select_n3A_606 = arith.select %eq3A_603, %iota3A_328, %broadcast_in_dim3A_605 : vector<256x256xi1>, vector<256x256xi32>
    %reduce_min3A_607 = arith.constant dense<2147483647> : vector<256xi32>
    %reduce_min3A_608 = vector.multi_reduction <minsi>, %select_n3A_606, %reduce_min3A_607 [0] : vector<256x256xi32> to vector<256xi32>
    %broadcast_in_dim3A_609 = vector.shape_cast %reduce_min3A_608 : vector<256xi32> to vector<1x256xi32>
    %add3A_610 = arith.addf %broadcast_in_dim3A_601, %broadcast_in_dim3A_336 : vector<1x256xf32>
    %mul3A_611 = arith.mulf %add3A_610, %div3A_374 : vector<1x256xf32>
    %jit3A_612 = arith.constant 0xFF800000 : f32
    %broadcast_in_dim3A_613 = vector.broadcast %jit3A_612 : f32 to vector<256x256xf32>
    %select_n3A_614 = arith.select %eq3A_603, %broadcast_in_dim3A_613, %select_n3A_598 : vector<256x256xi1>, vector<256x256xf32>
    %reduce_max3A_615 = arith.constant dense<0xFF800000> : vector<256xf32>
    %reduce_max3A_616 = vector.multi_reduction <maximumf>, %select_n3A_614, %reduce_max3A_615 [0] : vector<256x256xf32> to vector<256xf32>
    %broadcast_in_dim3A_617 = vector.shape_cast %reduce_max3A_616 : vector<256xf32> to vector<1x256xf32>
    %eq3A_618 = vector.broadcast %broadcast_in_dim3A_617 : vector<1x256xf32> to vector<256x256xf32>
    %eq3A_619 = arith.cmpf oeq, %select_n3A_614, %eq3A_618 : vector<256x256xf32>
    %jit3A_620 = arith.constant 1073741824 : i32
    %broadcast_in_dim3A_621 = vector.broadcast %jit3A_620 : i32 to vector<256x256xi32>
    %select_n3A_622 = arith.select %eq3A_619, %iota3A_328, %broadcast_in_dim3A_621 : vector<256x256xi1>, vector<256x256xi32>
    %reduce_min3A_623 = arith.constant dense<2147483647> : vector<256xi32>
    %reduce_min3A_624 = vector.multi_reduction <minsi>, %select_n3A_622, %reduce_min3A_623 [0] : vector<256x256xi32> to vector<256xi32>
    %broadcast_in_dim3A_625 = vector.shape_cast %reduce_min3A_624 : vector<256xi32> to vector<1x256xi32>
    %add3A_626 = arith.addf %broadcast_in_dim3A_617, %broadcast_in_dim3A_336 : vector<1x256xf32>
    %mul3A_627 = arith.mulf %add3A_626, %div3A_374 : vector<1x256xf32>
    %concatenate3A_628 = tpu.concatenate %broadcast_in_dim3A_385, %broadcast_in_dim3A_401, %broadcast_in_dim3A_417, %broadcast_in_dim3A_433, %broadcast_in_dim3A_449, %broadcast_in_dim3A_465, %broadcast_in_dim3A_481, %broadcast_in_dim3A_497, %broadcast_in_dim3A_513, %broadcast_in_dim3A_529, %broadcast_in_dim3A_545, %broadcast_in_dim3A_561, %broadcast_in_dim3A_577, %broadcast_in_dim3A_593, %broadcast_in_dim3A_609, %broadcast_in_dim3A_625 in 0 : vector<1x256xi32>, vector<1x256xi32>, vector<1x256xi32>, vector<1x256xi32>, vector<1x256xi32>, vector<1x256xi32>, vector<1x256xi32>, vector<1x256xi32>, vector<1x256xi32>, vector<1x256xi32>, vector<1x256xi32>, vector<1x256xi32>, vector<1x256xi32>, vector<1x256xi32>, vector<1x256xi32>, vector<1x256xi32> -> vector<16x256xi32>
    %swap3A_629 = arith.constant 1 : index
    %swap3A_630 = arith.constant 0 : index
    %swap3A_631 = arith.constant 0 : index
    %swap3A_632 = vector.load %arg7[%swap3A_629, %swap3A_630, %swap3A_631] : memref<2x16x256xi32, #tpu.memory_space<vmem>>, vector<1x16x256xi32>
    %swap3A_633 = vector.shape_cast %swap3A_632 : vector<1x16x256xi32> to vector<16x256xi32>
    %swap3A_634 = vector.shape_cast %concatenate3A_628 : vector<16x256xi32> to vector<1x16x256xi32>
    tpu.vector_store %arg7[%swap3A_629, %swap3A_630, %swap3A_631], %swap3A_634 {strides = array<i32>} : memref<2x16x256xi32, #tpu.memory_space<vmem>>, vector<1x16x256xi32>,
    %concatenate3A_635 = tpu.concatenate %mul3A_387, %mul3A_403, %mul3A_419, %mul3A_435, %mul3A_451, %mul3A_467, %mul3A_483, %mul3A_499, %mul3A_515, %mul3A_531, %mul3A_547, %mul3A_563, %mul3A_579, %mul3A_595, %mul3A_611, %mul3A_627 in 0 : vector<1x256xf32>, vector<1x256xf32>, vector<1x256xf32>, vector<1x256xf32>, vector<1x256xf32>, vector<1x256xf32>, vector<1x256xf32>, vector<1x256xf32>, vector<1x256xf32>, vector<1x256xf32>, vector<1x256xf32>, vector<1x256xf32>, vector<1x256xf32>, vector<1x256xf32>, vector<1x256xf32>, vector<1x256xf32> -> vector<16x256xf32>
    %swap3A_636 = arith.constant 1 : index
    %swap3A_637 = arith.constant 0 : index
    %swap3A_638 = arith.constant 0 : index
    %swap3A_639 = vector.load %arg8[%swap3A_636, %swap3A_637, %swap3A_638] : memref<2x16x256xf32, #tpu.memory_space<vmem>>, vector<1x16x256xf32>
    %swap3A_640 = vector.shape_cast %swap3A_639 : vector<1x16x256xf32> to vector<16x256xf32>
    %swap3A_641 = vector.shape_cast %concatenate3A_635 : vector<16x256xf32> to vector<1x16x256xf32>
    tpu.vector_store %arg8[%swap3A_636, %swap3A_637, %swap3A_638], %swap3A_641 {strides = array<i32>} : memref<2x16x256xf32, #tpu.memory_space<vmem>>, vector<1x16x256xf32>,
    %broadcast_in_dim3A_642 = arith.constant 0.000000e+00 : f32
    %broadcast_in_dim3A_643 = vector.broadcast %broadcast_in_dim3A_642 : f32 to vector<1x256xf32>
    %concatenate3A_644 = tpu.concatenate %broadcast_in_dim3A_336, %div3A_374, %broadcast_in_dim3A_643, %broadcast_in_dim3A_643, %broadcast_in_dim3A_643, %broadcast_in_dim3A_643, %broadcast_in_dim3A_643, %broadcast_in_dim3A_643 in 0 : vector<1x256xf32>, vector<1x256xf32>, vector<1x256xf32>, vector<1x256xf32>, vector<1x256xf32>, vector<1x256xf32>, vector<1x256xf32>, vector<1x256xf32> -> vector<8x256xf32>
    %swap3A_645 = arith.constant 1 : index
    %swap3A_646 = arith.constant 0 : index
    %swap3A_647 = arith.constant 0 : index
    %swap3A_648 = vector.load %arg9[%swap3A_645, %swap3A_646, %swap3A_647] : memref<2x8x256xf32, #tpu.memory_space<vmem>>, vector<1x8x256xf32>
    %swap3A_649 = vector.shape_cast %swap3A_648 : vector<1x8x256xf32> to vector<8x256xf32>
    %swap3A_650 = vector.shape_cast %concatenate3A_644 : vector<8x256xf32> to vector<1x8x256xf32>
    tpu.vector_store %arg9[%swap3A_645, %swap3A_646, %swap3A_647], %swap3A_650 {strides = array<i32>} : memref<2x8x256xf32, #tpu.memory_space<vmem>>, vector<1x8x256xf32>,
    return
  }
  func.func @transform_0(%arg0: i32) -> (i32, i32, i32) {
    %c0_i32 = arith.constant 0 : i32
    %c0_i32_0 = arith.constant 0 : i32
    %c0_i32_1 = arith.constant 0 : i32
    return %arg0, %c0_i32, %c0_i32_0 : i32, i32, i32
  }
  func.func @transform_1(%arg0: i32) -> (i32, i32) {
    %c0_i32 = arith.constant 0 : i32
    %c0_i32_0 = arith.constant 0 : i32
    %c0_i32_1 = arith.constant 0 : i32
    return %c0_i32, %c0_i32_0 : i32, i32
  }
  func.func @transform_2(%arg0: i32) -> (i32, i32) {
    %c0_i32 = arith.constant 0 : i32
    %c0_i32_0 = arith.constant 0 : i32
    %c0_i32_1 = arith.constant 0 : i32
    return %c0_i32, %c0_i32_0 : i32, i32
  }
  func.func @transform_3(%arg0: i32) -> (i32, i32) {
    %c0_i32 = arith.constant 0 : i32
    %c0_i32_0 = arith.constant 0 : i32
    %c0_i32_1 = arith.constant 0 : i32
    return %c0_i32, %c0_i32_0 : i32, i32
  }
  func.func @transform_4(%arg0: i32) -> (i32, i32, i32) {
    %c0_i32 = arith.constant 0 : i32
    %c0_i32_0 = arith.constant 0 : i32
    %c0_i32_1 = arith.constant 0 : i32
    return %arg0, %c0_i32, %c0_i32_0 : i32, i32, i32
  }
  func.func @transform_5(%arg0: i32) -> (i32, i32, i32) {
    %c0_i32 = arith.constant 0 : i32
    %c0_i32_0 = arith.constant 0 : i32
    %c0_i32_1 = arith.constant 0 : i32
    return %arg0, %c0_i32, %c0_i32_0 : i32, i32, i32
  }
  func.func @transform_6(%arg0: i32) -> (i32, i32, i32) {
    %c0_i32 = arith.constant 0 : i32
    %c0_i32_0 = arith.constant 0 : i32
    %c0_i32_1 = arith.constant 0 : i32
    return %arg0, %c0_i32, %c0_i32_0 : i32, i32, i32
  }
  func.func @transform_7(%arg0: i32) -> (i32, i32, i32) {
    %c0_i32 = arith.constant 0 : i32
    %c0_i32_0 = arith.constant 0 : i32
    %c0_i32_1 = arith.constant 0 : i32
    return %arg0, %c0_i32, %c0_i32_0 : i32, i32, i32
  }
  func.func @transform_8(%arg0: i32) -> (i32, i32, i32) {
    %c0_i32 = arith.constant 0 : i32
    %c0_i32_0 = arith.constant 0 : i32
    %c0_i32_1 = arith.constant 0 : i32
    return %arg0, %c0_i32, %c0_i32_0 : i32, i32, i32
  }
}

</mosaic_0001>

<sc_bundles>
// kernel: kernel.4.cloned.1.call-start
scs
__scs_entry_jumppad:
0x0: {  	(pc) =	sbr.rel $0x88, $3  }
0x1: {  	(tag) =	ssettag $0x0;
	lr =	simm.s32 $0x1  }
0x2: {  	[smem:$0x3F9E] =	sst lr;
	_ =	strace $0xD0000000  }
0x3: {  	_ = 	snop  }
0x4: {  	_ = 	snop  }
0x5: {  	_ = 	snop  }
0x6: {  	_ = 	snop  }
0x7: {  	_ = 	snop  }
__scs_overlays_trampoline_lowered:
0x8: {  	[smem:$0x3FAD] =	sst s0  }
0x9: {  	[smem:$0x3FAE] =	sst s1  }
0xa: {  	[smem:$0x3FAF] =	sst s2  }
0xb: {  	[smem:$0x3FB0] =	sst s3  }
0xc: {  	[smem:$0x3FB1] =	sst s4  }
0xd: {  	[smem:$0x3FB2] =	sst s5  }
0xe: {  	[smem:$0x3FB3] =	sst s6  }
0xf: {  	[smem:$0x3FB4] =	sst s7  }
0x10: {  	[smem:$0x3FB5] =	sst s8  }
0x11: {  	[smem:$0x3FB6] =	sst s9;
	s0 =	simm.s32 @!p0 $0x0  }
0x12: {  	s1 =	sld [smem:$0x3F9C];
	s0 =	simm.s32 @p0 $0x1  }
0x13: {  	[smem:$0x3FB7] =	sst s0;
	s0 =	simm.s32 @!p1 $0x0  }
0x14: {  	s2 =	sld [smem:$0x3F9B];
	s0 =	simm.s32 @p1 $0x1  }
0x15: {  	[smem:$0x3FB8] =	sst s0;
	s0 =	simm.s32 @!p2 $0x0  }
0x16: {  	s3 =	sld [smem:$0x3FDB];
	s0 =	simm.s32 @p2 $0x1  }
0x17: {  	s4 =	simm.s32 $0x1BF5;
	[smem:$0x3FBA] =	sst s0  }
0x18: {  	s0 =	sld [smem:$0x3F9D];
	_ =	swait.ge [sflag:s4], $0x0  }
0x19: {  	s7 =	sld [smem:$0x3F9E]  }
0x1a: {  	s8 =	sadd.s32 $0xFFFFE003, lr  }
0x1b: {  	s9 =	sadd.s32 $0xFFFFFEF7, lr;
	s5 =	simm.s32 $0xFFFFFFFF;
	p2 =	slt.u32 s8, $0xFFFFF086  }
0x1c: {  	p1 =	slt.u32 s9, $0xF7A;
	s5 =	simm.s32 @!p2 $0x0  }
0x1d: {  	s5 =	simm.s32 @p1 $0x1;
	p0 =	seq.s32 s7, s2  }
0x1e: {  	s7 =	smul.u32 @!p0 $0xF7A, s2;
	p2 =	seq.s32 @!p0 s5, $0x0  }
0x1f: {  	s9 =	smul.u32 $0xF7A, s1;
	s8 =	simm.s32 @!p0 $0x1BF5;
	p2 =	por !p2, p0  }
0x20: {  	[sflag:s8] =	ssyncset.s32 @!p0 $0xFFFFF086;
	s6 =	sadd.s32 @!p0 s3, s7;
	s7 =	simm.s32 @!p0 $0x108  }
0x21: {  	s3 =	sadd.s32 s3, s9;
	s6 =	sadd.s32 @!p0 $0x88, s6;
	s7 =	simm.s32 @p2 $0x1082  }
0x22: {  	[simem:s7], [sflag:s8] =	dma.local @!p0 [hbm:s6], $0xF7A  }
0x23: {  	s9 =	sor.u32 $0xD0000000, s2;
	s6 =	simm.s32 $0x108;
	_ =	swait.ge @!p0 [sflag:s8], $0x0  }
0x24: {  	s3 =	sadd.s32 $0x88, s3;
	s6 =	simm.s32 @!p1 $0x1082;
	[sflag:s4] =	ssyncset.s32 $0xFFFFF086  }
0x25: {  	[simem:s6], [sflag:s4] =	dma.local [hbm:s3], $0xF7A  }
0x26: {  	[smem:$0x3F9E] =	sst s1;
	(tag) =	ssettag s2;
	_ =	strace s9  }
0x27: {  	s1 =	sld [smem:$0x3FAE]  }
0x28: {  	s2 =	sld [smem:$0x3FAF]  }
0x29: {  	s4 =	sld [smem:$0x3FB1]  }
0x2a: {  	p0 =	seq.s32 s5, $0x0;
	s5 =	sld [smem:$0x3FB2]  }
0x2b: {  	s6 =	sld [smem:$0x3FB3]  }
0x2c: {  	s7 =	sld [smem:$0x3FB4]  }
0x2d: {  	s3 =	simm.s32 $0x108;
	s8 =	sld [smem:$0x3FB5]  }
0x2e: {  	s3 =	simm.s32 @!p0 $0x1082;
	s9 =	sld [smem:$0x3FB6]  }
0x2f: {  	lr =	sadd.s32 s0, s3;
	s0 =	sld [smem:$0x3FAD]  }
0x30: {  	s3 =	sld [smem:$0x3FB0]  }
0x31: {  	[smem:$0x3FB9] =	sst s10  }
0x32: {  	s10 =	sld [smem:$0x3FB7];
	_ =	sdelay $0x3  }
0x33: {  	p0 =	seq.s32 s10, $0x1;
	s10 =	sld [smem:$0x3FB9];
	_ =	sdelay $0x3  }
0x34: {  	[smem:$0x3FB9] =	sst s10  }
0x35: {  	s10 =	sld [smem:$0x3FB8];
	_ =	sdelay $0x3  }
0x36: {  	p1 =	seq.s32 s10, $0x1;
	s10 =	sld [smem:$0x3FB9];
	_ =	sdelay $0x3  }
0x37: {  	[smem:$0x3FB9] =	sst s10  }
0x38: {  	s10 =	sld [smem:$0x3FBA]  }
0x39: {  	_ = 	snop;
	(pc) =	sbr.ind lr, $3  }
0x3a: {  	_ = 	snop  }
0x3b: {  	_ = 	snop  }
0x3c: {  	p2 =	seq.s32 s10, $0x1;
	s10 =	sld [smem:$0x3FB9]  }
0x3d: {  	_ =	shalt  }
0x3e: {  	_ =	shalt  }
0x3f: {  	_ =	shalt  }
0x40: {  	_ =	shalt  }
0x41: {  	_ =	shalt  }
0x42: {  	_ =	shalt  }
0x43: {  	_ =	shalt  }
0x44: {  	_ =	shalt  }
0x45: {  	_ =	shalt  }
0x46: {  	_ =	shalt  }
0x47: {  	_ =	shalt  }
0x48: {  	_ =	shalt  }
0x49: {  	_ =	shalt  }
0x4a: {  	_ =	shalt  }
0x4b: {  	_ =	shalt  }
0x4c: {  	_ =	shalt  }
0x4d: {  	_ =	shalt  }
0x4e: {  	_ =	shalt  }
0x4f: {  	_ =	shalt  }
0x50: {  	_ =	shalt  }
0x51: {  	_ =	shalt  }
0x52: {  	_ =	shalt  }
0x53: {  	_ =	shalt  }
0x54: {  	_ =	shalt  }
0x55: {  	_ =	shalt  }
0x56: {  	_ =	shalt  }
0x57: {  	_ =	shalt  }
0x58: {  	_ =	shalt  }
0x59: {  	_ =	shalt  }
0x5a: {  	_ =	shalt  }
0x5b: {  	_ =	shalt  }
0x5c: {  	_ =	shalt  }
0x5d: {  	_ =	shalt  }
0x5e: {  	_ =	shalt  }
0x5f: {  	_ =	shalt  }
0x60: {  	_ =	shalt  }
0x61: {  	_ =	shalt  }
0x62: {  	_ =	shalt  }
0x63: {  	_ =	shalt  }
0x64: {  	_ =	shalt  }
0x65: {  	_ =	shalt  }
0x66: {  	_ =	shalt  }
0x67: {  	_ =	shalt  }
0x68: {  	_ =	shalt  }
0x69: {  	_ =	shalt  }
0x6a: {  	_ =	shalt  }
0x6b: {  	_ =	shalt  }
0x6c: {  	_ =	shalt  }
0x6d: {  	_ =	shalt  }
0x6e: {  	_ =	shalt  }
0x6f: {  	_ =	shalt  }
0x70: {  	_ =	shalt  }
0x71: {  	_ =	shalt  }
0x72: {  	_ =	shalt  }
0x73: {  	_ =	shalt  }
0x74: {  	_ =	shalt  }
0x75: {  	_ =	shalt  }
0x76: {  	_ =	shalt  }
0x77: {  	_ =	shalt  }
0x78: {  	_ =	shalt  }
0x79: {  	_ =	shalt  }
0x7a: {  	_ =	shalt  }
0x7b: {  	_ =	shalt  }
0x7c: {  	_ =	shalt  }
0x7d: {  	_ =	shalt  }
0x7e: {  	_ =	shalt  }
0x7f: {  	_ =	shalt  }
0x80: {  	_ =	shalt  }
0x81: {  	_ =	shalt  }
0x82: {  	_ =	shalt  }
0x83: {  	_ =	shalt  }
0x84: {  	_ =	shalt  }
0x85: {  	_ =	shalt  }
0x86: {  	_ =	shalt  }
0x87: {  	_ =	shalt  }
.Lfunc_end0:
.L_simem_size_0:
called_computation_lowered:
.L_overlay_start_0:
0x88: {  	s2 =	sld [smem:$0x3FD9]  }
0x89: {  	s3 =	sld [smem:$0x3FFE];
	_ =	sdelay $0x1  }
0x8a: {  	s1 =	srdreg.scid  }
0x8b: {  	s0 =	sand.u32 $0x1, s1  }
0x8c: {  	s17 =	sshll.u32 s0, $0xA;
	s2 =	sadd.s32 s3, s2  }
0x8d: {  	s2 =	sadd.s32 s2, s17  }
0x8e: {  	[smem:$0x3FC5] =	sst s2  }
0x8f: {  	_ = 	snop  }
0x90: {  	s2 =	sld [smem:$0x3FD0];
	(tm) =	ssettm $0x1  }
0x91: {  	s18 =	sld [smem:$0x3FFB];
	_ =	sdelay $0x3  }
0x92: {  	_ =	strace s18  }
0x93: {  	s3 =	sld [smem:$0x3FFC];
	_ =	sdelay $0x3  }
0x94: {  	_ =	strace s3  }
0x95: {  	s3 =	sld [smem:$0x3FFD];
	_ =	sdelay $0x3  }
0x96: {  	_ =	strace s3  }
0x97: {  	_ =	strace $0x8FFFFFFF  }
0x98: {  	s19 =	sld [smem:$0x3FDB];
	_ =	sdelay $0x1  }
0x99: {  	s4 =	simm.s32 $_scs_section_size  }
0x9a: {  	s5 =	simm.s32 $_size__tile_overlayer_lowered;
	s6 =	simm.s32 $_tile_overlayer_lowered  }
0x9b: {  	s22 =	simm.s32 $0x1BFF;
	s21 =	sshll.u32 s6, $0x1;
	s3 =	sadd.s32 s4, s19  }
0x9c: {  	s7 =	simm.s32 $0x0;
	s20 =	sshll.u32 s5, $0x1;
	s5 =	sadd.s32 s21, s3  }
0x9d: {  	[timem:s7], [sflag:s22] =	dma.local [hbm:s5], s20  }
0x9e: {  	_ =	swait.ge [sflag:s22], s20  }
0x9f: {  	s4 =	ssub.s32 $0x0, s20;
	[sflag:s22] =	ssyncset.done $0x0  }
0xa0: {  	[sflag:s22] =	ssyncadd.s32 s4;
	_ =	sdelay $0x1  }
0xa1: {  	s23 =	simm.s32 $0x1B8B  }
0xa2: {  	_ =	swait.ge [sflag:s23], $0x1  }
0xa3: {  	[sflag:s23] =	ssyncset.done $0x0  }
0xa4: {  	s25 =	simm.s32 $0x1B8E;
	s24 =	sld [smem:$0x3FFE];
	[sflag:s23] =	ssyncadd.s32 $0xFFFFFFFF  }
0xa5: {  	s26 =	simm.s32 $execute0_lowered;
	[smem:$0x3FD2] =	sst s25  }
0xa6: {  	s5 =	sshll.u32 s26, $0x1;
	_ =	strace $0x80000046;
	[dreg:$0x1] =	wrdreg $0xFFFFFFFF  }
0xa7: {  	s28 =	simm.s32 $_size_execute0_lowered;
	s3 =	sadd.s32 s3, s5;
	[dreg:$0x0] =	wrdreg $0x0  }
0xa8: {  	s5 =	sshll.u32 s28, $0x1;
	[dreg:$0x2] =	wrdreg s3  }
0xa9: {  	[dreg:$0x3] =	wrdreg s5  }
0xaa: {  	[dreg:$0x4] =	wrdreg $0xC0  }
0xab: {  	_ =	task [dreg:s7], $0x5FFFF  }
0xac: {  	[dreg:$0x1] =	wrdreg $0xFFFFFFFF  }
0xad: {  	[dreg:$0x0] =	wrdreg $0x60  }
0xae: {  	[dreg:$0x2] =	wrdreg s24  }
0xaf: {  	[dreg:$0x3] =	wrdreg s2  }
0xb0: {  	[dreg:$0x4] =	wrdreg $0x9  }
0xb1: {  	_ =	task.clear_ibuf [dreg:s7], $0x5FFFF;
	_ =	strace $0x90000046  }
0xb2: {  	s29 =	simm.s32 $0x9;
	_ =	strace $0x80000048  }
0xb3: {  	_ =	swait.ge [sflag:s29], $0x1  }
0xb4: {  	[sflag:s29] =	ssyncadd.s32 $0xFFFFFFFF  }
0xb5: {  	_ =	strace $0x90000048  }
0xb6: {  	_ =	sfence  }
0xb7: {  	s30 =	sld [smem:$0x0];
	_ =	sdelay $0x2  }
0xb8: {  	s31 =	sshll.u32 s1, $0xD;
	s1 =	sshrl.u32 s1, $0x2  }
0xb9: {  	s3 =	sand.u32 $0x4000, s31;
	s1 =	sadd.s32 s1, s30  }
0xba: {  	s0 =	sor.u32 s3, s0;
	s1 =	sshll.u32 s1, $0x11  }
0xbb: {  	s0 =	sor.u32 s1, s0  }
0xbc: {  	s0 =	sadd.s32 $0x8F2B, s0  }
0xbd: {  	[sflag:s0] =	ssyncadd.remote.s32 $0x1  }
0xbe: {  	_ =	sfence.sel $0xFFFF  }
0xbf: {  	[dreg:$0x0] =	wrdreg $0xFFFFFFFF;
	(pc) =	sbr.abs _section_cstart, $3  }
0xc0: {  	[dreg:$0x1] =	wrdreg $0xFFFFFFFF  }
0xc1: {  	_ =	task.clear_ibuf [dreg:s7], $0x2FFFF;
	_ =	strace $0x9FFFFFFF  }
0xc2: {  	(tm) =	ssettm $0x7FFFFFFF  }
0xc3: {  	_ =	shalt  }
tec
execute0_lowered:
.L_overlay_start_1:
0x0: {  	(tag) =	ssettag $0x1  }
0x1: {  	s0 =	rddreg [dreg:$0x0]  }
0x2: {  	s1 =	rddreg [dreg:$0x1]  }
0x3: {  	s8 =	stileid.u32;
	s2 =	srdreg.scid;
	s11 =	simm.s32 $0x0  }
0x4: {  	s2 =	sand.u32 $0x1, s2;
	s3 =	sshll.u32 s8, $0x1;
	s4 =	sshrl.u32 s8, $0x1  }
0x5: {  	[smem:$0x7FF] =	sst s11;
	s8 =	sshll.u32 s8, $0x7;
	s3 =	sor.u32 s2, s3  }
0x6: {  	s5 =	sshll.u32 s4, $0xC;
	_ =	strace $0x80000047;
	s9 =	sshll.u32 s2, $0x6  }
0x7: {  	s4 =	sshll.u32 s4, $0x8;
	s10 =	ssub.s32 $0x2, s2;
	s2 =	sshll.u32 s2, $0x8  }
0x8: {  	s6 =	sshll.u32 s3, $0xA;
	s5 =	sadd.s32 s5, s0;
	s3 =	sshll.u32 s3, $0x7  }
0x9: {  	s8 =	sor.u32 s9, s8;
	s22 =	sshrl.u32 s10, $0x1;
	s7 =	sadd.s32 s6, s0  }
0xa: {  	s3 =	sadd.s32 s3, s0;
	s8 =	ssub.s32 s8, s4;
	s5 =	sadd.s32 $0x1000, s5  }
0xb: {  	s0 =	sadd.s32 s4, s0;
	s29 =	sadd.s32 s1, s6;
	[dreg:$0x3] =	wrdreg s5  }
0xc: {  	s23 =	ssub.s32 s10, s22;
	s25 =	sadd.s32 $0x11800, s3;
	[dreg:$0x9] =	wrdreg s29  }
0xd: {  	s8 =	sshll.u32 s8, $0x2;
	s3 =	sadd.s32 $0x12800, s3;
	[dreg:$0x4] =	wrdreg s25  }
0xe: {  	s26 =	sadd.s32 $0x9000, s7;
	s24 =	sand.u32 $0xFFFFFE00, s8;
	[dreg:$0x5] =	wrdreg s3  }
0xf: {  	s28 =	sadd.s32 $0x11000, s0;
	[dreg:$0x6] =	wrdreg s26;
	s2 =	sor.u32 s2, s24  }
0x10: {  	s0 =	sadd.s32 $0x11020, s0;
	[dreg:$0x7] =	wrdreg s28;
	s2 =	sor.u32 $0x4, s2  }
0x11: {  	s31 =	smax.u32 s23, $0x1;
	[dreg:$0x8] =	wrdreg s0;
	s30 =	sshra.s32 s2, $0x2  }
0x12: {  	[dreg:$0xa] =	wrdreg s31;
	s0 =	sadd.s32 $0xC980, s30  }
0x13: {  	s2 =	simm.s32 $0x0;
	[dreg:$0xb] =	wrdreg s0  }
.LBB2_1:
0x14: {  	[dreg:$0xc] =	wrdreg s2  }
0x15: {  	s0 =	rddreg [dreg:$0x3];
	s1 =	simm.s32 $0x4800  }
0x16: {  	[tilespmem:s1], [sflag:$0x1] =	stream.linear.gather [hbm4b:s0+s11], $0x8000, $0x38;
	[tilespmem:$0xCB00] =	vst v63  }
0x17: {  	s20 =	rddreg [dreg:$0x4]  }
0x18: {  	[tilespmem:s11], [sflag:$0x2] =	stream.linear.gather [hbm4b:s20+s11], $0x400, $0x38;
	[tilespmem:$0xCB00] =	vst v63  }
0x19: {  	s21 =	rddreg [dreg:$0x5];
	s22 =	simm.s32 $0x400  }
0x1a: {  	[tilespmem:s22], [sflag:$0x2] =	stream.linear.gather [hbm4b:s21+s11], $0x400, $0x38;
	[tilespmem:$0xCB00] =	vst v63  }
0x1b: {  	s23 =	rddreg [dreg:$0x6];
	s24 =	simm.s32 $0x800  }
0x1c: {  	[tilespmem:s24], [sflag:$0x2] =	stream.linear.gather [hbm4b:s23+s11], $0x2000, $0x38;
	[tilespmem:$0xCB00] =	vst v63  }
0x1d: {  	s25 =	rddreg [dreg:$0x7];
	s26 =	simm.s32 $0xC800  }
0x1e: {  	[tilespmem:s26], [sflag:$0x2] =	stream.linear.gather [hbm4b:s25+s11], $0x100, $0x38;
	[tilespmem:$0xCB00] =	vst v63  }
0x1f: {  	s28 =	rddreg [dreg:$0x8];
	s29 =	simm.s32 $0xC980;
	s30 =	simm.s32 $0x2  }
0x20: {  	[tilespmem:s29], [sflag:$0x2] =	stream.linear.gather [hbm4b:s28+s11], $0x100, $0x38;
	[tilespmem:$0xCB00] =	vst v63  }
0x21: {  	_ =	swait.ge [sflag:s30], $0x400  }
0x22: {  	[sflag:s30] =	ssyncset.done $0x0  }
0x23: {  	[sflag:s30] =	ssyncadd.s32 $0xFFFFFC00  }
0x24: {  	_ =	swait.ge [sflag:s30], $0x400  }
0x25: {  	[sflag:s30] =	ssyncset.done $0x0  }
0x26: {  	[sflag:s30] =	ssyncadd.s32 $0xFFFFFC00  }
0x27: {  	_ =	swait.ge [sflag:s30], $0x2000  }
0x28: {  	[sflag:s30] =	ssyncset.done $0x0  }
0x29: {  	[sflag:s30] =	ssyncadd.s32 $0xFFFFE000  }
0x2a: {  	_ =	swait.ge [sflag:s30], $0x100  }
0x2b: {  	[sflag:s30] =	ssyncset.done $0x0  }
0x2c: {  	[sflag:s30] =	ssyncadd.s32 $0xFFFFFF00  }
0x2d: {  	_ =	swait.ge [sflag:s30], $0x100  }
0x2e: {  	[sflag:s30] =	ssyncset.done $0x0  }
0x2f: {  	s31 =	simm.s32 $0x1;
	[sflag:s30] =	ssyncadd.s32 $0xFFFFFF00  }
0x30: {  	s2 =	simm.s32 $0x10;
	s0 =	simm.s32 $0xFFFFFFFE;
	_ =	swait.ge [sflag:s31], $0x8000  }
0x31: {  	s1 =	simm.s32 $0x410;
	s26 =	simm.s32 $0x880;
	[sflag:s31] =	ssyncset.done $0x0  }
0x32: {  	s11 =	simm.s32 $0x2880;
	s3 =	rddreg [dreg:$0xb];
	[sflag:s31] =	ssyncadd.s32 $0xFFFF8000  }
.LBB2_2:
0x33: {  	v0 =	vld [tilespmem:s3+$0xFFFFFFFF]  }
0x34: {  	v1 =	vld [tilespmem:s2+$0xFFFFFFF0];
	_ =	sdelay $0x3  }
0x35: {  	(v2sf) =	vpush v0, $0x0  }
0x36: {  	(v2sf) =	vpush v1, $0x0;
	_ =	sdelay $0xd  }
0x37: {  	s19 =	spop (v2sf)  }
0x38: {  	v0 =	vld [tilespmem:s1+$0xFFFFFFF0];
	s29 =	spop (v2sf)  }
0x39: {  	v2 =	vld [tilespmem:s29+$0xC800]  }
0x3a: {  	v3 =	vld [tilespmem:s29+$0xC980];
	_ =	sdelay $0x2  }
0x3b: {  	(v2sf) =	vpush v0, $0x0  }
0x3c: {  	(v2sf) =	vpush v2, $0x0  }
0x3d: {  	(v2sf) =	vpush v3, $0x0  }
0x3e: {  	(v2sf) =	vpush v1, $0x1;
	_ =	sdelay $0xb  }
0x3f: {  	s9 =	spop (v2sf)  }
0x40: {  	s6 =	spop (v2sf)  }
0x41: {  	s10 =	spop (v2sf)  }
0x42: {  	s30 =	spop (v2sf)  }
0x43: {  	v57 =	vld [tilespmem:s30+$0xC800]  }
0x44: {  	v58 =	vld [tilespmem:s30+$0xC980];
	_ =	sdelay $0x2  }
0x45: {  	(v2sf) =	vpush v0, $0x1  }
0x46: {  	(v2sf) =	vpush v57, $0x0  }
0x47: {  	(v2sf) =	vpush v58, $0x0  }
0x48: {  	(v2sf) =	vpush v1, $0x2;
	_ =	sdelay $0xb  }
0x49: {  	[dreg:$0x10] =	wrdreg s3;
	s7 =	spop (v2sf)  }
0x4a: {  	[dreg:$0xf] =	wrdreg s2;
	s4 =	spop (v2sf)  }
0x4b: {  	[dreg:$0xe] =	wrdreg s1;
	s13 =	spop (v2sf)  }
0x4c: {  	[dreg:$0xd] =	wrdreg s0;
	s31 =	spop (v2sf)  }
0x4d: {  	v2 =	vld [tilespmem:s31+$0xC800]  }
0x4e: {  	v59 =	vld [tilespmem:s31+$0xC980];
	_ =	sdelay $0x2  }
0x4f: {  	(v2sf) =	vpush v0, $0x2  }
0x50: {  	(v2sf) =	vpush v2, $0x0  }
0x51: {  	(v2sf) =	vpush v59, $0x0  }
0x52: {  	(v2sf) =	vpush v1, $0x3;
	_ =	sdelay $0xb  }
0x53: {  	s5 =	spop (v2sf)  }
0x54: {  	s16 =	spop (v2sf)  }
0x55: {  	s8 =	spop (v2sf)  }
0x56: {  	s12 =	spop (v2sf)  }
0x57: {  	v60 =	vld [tilespmem:s12+$0xC800]  }
0x58: {  	v61 =	vld [tilespmem:s12+$0xC980];
	_ =	sdelay $0x2  }
0x59: {  	(v2sf) =	vpush v0, $0x3  }
0x5a: {  	(v2sf) =	vpush v60, $0x0  }
0x5b: {  	(v2sf) =	vpush v61, $0x0  }
0x5c: {  	(v2sf) =	vpush v1, $0x4;
	_ =	sdelay $0xb  }
0x5d: {  	[smem:$0x7D3] =	sst s5;
	s5 =	spop (v2sf)  }
0x5e: {  	s14 =	spop (v2sf)  }
0x5f: {  	s15 =	spop (v2sf)  }
0x60: {  	s17 =	spop (v2sf)  }
0x61: {  	v10 =	vld [tilespmem:s17+$0xC800]  }
0x62: {  	v11 =	vld [tilespmem:s17+$0xC980];
	_ =	sdelay $0x2  }
0x63: {  	(v2sf) =	vpush v0, $0x4  }
0x64: {  	(v2sf) =	vpush v10, $0x0  }
0x65: {  	(v2sf) =	vpush v11, $0x0  }
0x66: {  	(v2sf) =	vpush v1, $0x5;
	_ =	sdelay $0xb  }
0x67: {  	s22 =	spop (v2sf)  }
0x68: {  	[smem:$0x7D7] =	sst s15;
	s15 =	spop (v2sf)  }
0x69: {  	s25 =	spop (v2sf)  }
0x6a: {  	s28 =	spop (v2sf)  }
0x6b: {  	v62 =	vld [tilespmem:s28+$0xC800]  }
0x6c: {  	v63 =	vld [tilespmem:s28+$0xC980];
	_ =	sdelay $0x2  }
0x6d: {  	(v2sf) =	vpush v0, $0x5  }
0x6e: {  	(v2sf) =	vpush v62, $0x0  }
0x6f: {  	(v2sf) =	vpush v63, $0x0  }
0x70: {  	(v2sf) =	vpush v1, $0x6;
	_ =	sdelay $0xb  }
0x71: {  	s0 =	sshll.u32 s29, $0x9;
	s29 =	sshll.u32 s17, $0x9;
	s17 =	spop (v2sf)  }
0x72: {  	[smem:$0x7D5] =	sst s14;
	s14 =	spop (v2sf)  }
0x73: {  	s1 =	sshll.u32 s30, $0x9;
	s20 =	sshll.u32 s31, $0x9;
	s31 =	spop (v2sf)  }
0x74: {  	s18 =	sshra.s32 s1, $0x2;
	s1 =	sshll.u32 s28, $0x9;
	s28 =	spop (v2sf)  }
0x75: {  	v59 =	vld [tilespmem:s28+$0xC800]  }
0x76: {  	v60 =	vld [tilespmem:s28+$0xC980];
	_ =	sdelay $0x2  }
0x77: {  	(v2sf) =	vpush v0, $0x6  }
0x78: {  	(v2sf) =	vpush v59, $0x0  }
0x79: {  	(v2sf) =	vpush v60, $0x0  }
0x7a: {  	(v2sf) =	vpush v1, $0x7;
	_ =	sdelay $0x5  }
0x7b: {  	s23 =	sshll.u32 s12, $0x9  }
0x7c: {  	s24 =	sshra.s32 s23, $0x2  }
0x7d: {  	v29 =	vld [tilespmem:s24+$0x4800]  }
0x7e: {  	v30 =	vld [tilespmem:s24+$0x4810]  }
0x7f: {  	v31 =	vld [tilespmem:s24+$0x4820]  }
0x80: {  	v28 =	vld [tilespmem:s24+$0x4830]  }
0x81: {  	s21 =	sshra.s32 s20, $0x2;
	v12 =	vld [tilespmem:s24+$0x4840];
	s20 =	sshra.s32 s1, $0x2;
	s1 =	spop (v2sf)  }
0x82: {  	v16 =	vld [tilespmem:s24+$0x4850];
	[smem:$0x7D8] =	sst s22;
	s22 =	spop (v2sf)  }
0x83: {  	v17 =	vld [tilespmem:s24+$0x4860];
	s2 =	spop (v2sf)  }
0x84: {  	v18 =	vld [tilespmem:s24+$0x4870];
	s24 =	spop (v2sf)  }
0x85: {  	v61 =	vld [tilespmem:s24+$0xC800]  }
0x86: {  	v62 =	vld [tilespmem:s24+$0xC980];
	_ =	sdelay $0x2  }
0x87: {  	(v2sf) =	vpush v0, $0x7  }
0x88: {  	(v2sf) =	vpush v61, $0x0  }
0x89: {  	(v2sf) =	vpush v62, $0x0  }
0x8a: {  	(v2sf) =	vpush v1, $0x8;
	_ =	sdelay $0x7  }
0x8b: {  	v24 =	vld [tilespmem:s18+$0x4800]  }
0x8c: {  	v26 =	vld [tilespmem:s18+$0x4810]  }
0x8d: {  	v44 =	vld [tilespmem:s18+$0x4820]  }
0x8e: {  	v45 =	vld [tilespmem:s18+$0x4830]  }
0x8f: {  	v42 =	vld [tilespmem:s18+$0x4840];
	s3 =	spop (v2sf)  }
0x90: {  	v43 =	vld [tilespmem:s18+$0x4850];
	[smem:$0x7D6] =	sst s5;
	s5 =	spop (v2sf)  }
0x91: {  	v41 =	vld [tilespmem:s18+$0x4860];
	[smem:$0x7D4] =	sst s8;
	s8 =	spop (v2sf)  }
0x92: {  	v40 =	vld [tilespmem:s18+$0x4870];
	s18 =	spop (v2sf)  }
0x93: {  	v63 =	vld [tilespmem:s18+$0xC800]  }
0x94: {  	[tilespmem:$0x1F710] =	vst v12;
	v12 =	vld [tilespmem:s18+$0xC980];
	_ =	sdelay $0x2  }
0x95: {  	(v2sf) =	vpush v0, $0x8  }
0x96: {  	(v2sf) =	vpush v63, $0x0  }
0x97: {  	(v2sf) =	vpush v12, $0x0  }
0x98: {  	v14 =	vld [tilespmem:s21+$0x4800];
	(v2sf) =	vpush v1, $0x9  }
0x99: {  	v38 =	vld [tilespmem:s21+$0x4810]  }
0x9a: {  	v35 =	vld [tilespmem:s21+$0x4830]  }
0x9b: {  	v36 =	vld [tilespmem:s21+$0x4840]  }
0x9c: {  	v32 =	vld [tilespmem:s21+$0x4850]  }
0x9d: {  	v34 =	vld [tilespmem:s21+$0x4860]  }
0x9e: {  	v33 =	vld [tilespmem:s21+$0x4870]  }
0x9f: {  	v2 =	vld [tilespmem:s21+$0x4820];
	s30 =	sshra.s32 s29, $0x2  }
0xa0: {  	v19 =	vld [tilespmem:s30+$0x4800]  }
0xa1: {  	v20 =	vld [tilespmem:s30+$0x4810]  }
0xa2: {  	v21 =	vld [tilespmem:s30+$0x4820]  }
0xa3: {  	v22 =	vld [tilespmem:s30+$0x4830]  }
0xa4: {  	v23 =	vld [tilespmem:s30+$0x4840];
	s12 =	spop (v2sf)  }
0xa5: {  	v37 =	vld [tilespmem:s30+$0x4850];
	s21 =	spop (v2sf)  }
0xa6: {  	v39 =	vld [tilespmem:s30+$0x4860];
	s23 =	spop (v2sf)  }
0xa7: {  	v46 =	vld [tilespmem:s30+$0x4870];
	s30 =	spop (v2sf)  }
0xa8: {  	v15 =	vld [tilespmem:s30+$0xC800]  }
0xa9: {  	[tilespmem:$0x1F720] =	vst v16;
	v16 =	vld [tilespmem:s30+$0xC980];
	_ =	sdelay $0x2  }
0xaa: {  	(v2sf) =	vpush v0, $0x9  }
0xab: {  	(v2sf) =	vpush v15, $0x0  }
0xac: {  	(v2sf) =	vpush v16, $0x0  }
0xad: {  	(v2sf) =	vpush v1, $0xA;
	_ =	sdelay $0xb  }
0xae: {  	[smem:$0x7D9] =	sst s25;
	s25 =	spop (v2sf)  }
0xaf: {  	s29 =	spop (v2sf)  }
0xb0: {  	[smem:$0x7DA] =	sst s31;
	s31 =	spop (v2sf)  }
0xb1: {  	[smem:$0x7E4] =	sst s25;
	s25 =	spop (v2sf)  }
0xb2: {  	[tilespmem:$0x1F730] =	vst v17;
	v17 =	vld [tilespmem:s25+$0xC800]  }
0xb3: {  	[tilespmem:$0x1F740] =	vst v18;
	v18 =	vld [tilespmem:s25+$0xC980];
	_ =	sdelay $0x2  }
0xb4: {  	(v2sf) =	vpush v0, $0xA  }
0xb5: {  	(v2sf) =	vpush v17, $0x0  }
0xb6: {  	(v2sf) =	vpush v18, $0x0  }
0xb7: {  	(v2sf) =	vpush v1, $0xB;
	_ =	sdelay $0x6  }
0xb8: {  	s0 =	sshra.s32 s0, $0x2  }
0xb9: {  	v53 =	vld [tilespmem:s0+$0x4800]  }
0xba: {  	v54 =	vld [tilespmem:s0+$0x4810]  }
0xbb: {  	v55 =	vld [tilespmem:s0+$0x4820]  }
0xbc: {  	v52 =	vld [tilespmem:s0+$0x4830]  }
0xbd: {  	v25 =	vld [tilespmem:s0+$0x4840];
	[smem:$0x7DB] =	sst s1;
	s1 =	spop (v2sf)  }
0xbe: {  	v27 =	vld [tilespmem:s0+$0x4850];
	[smem:$0x7DC] =	sst s2;
	s2 =	spop (v2sf)  }
0xbf: {  	v48 =	vld [tilespmem:s0+$0x4860];
	[smem:$0x7DE] =	sst s3;
	s3 =	spop (v2sf)  }
0xc0: {  	v49 =	vld [tilespmem:s0+$0x4870];
	s0 =	spop (v2sf)  }
0xc1: {  	[tilespmem:$0x1F750] =	vst v19;
	v19 =	vld [tilespmem:s0+$0xC800]  }
0xc2: {  	[tilespmem:$0x1F760] =	vst v20;
	v20 =	vld [tilespmem:s0+$0xC980];
	_ =	sdelay $0x2  }
0xc3: {  	(v2sf) =	vpush v0, $0xB  }
0xc4: {  	(v2sf) =	vpush v19, $0x0  }
0xc5: {  	(v2sf) =	vpush v20, $0x0  }
0xc6: {  	(v2sf) =	vpush v1, $0xC;
	_ =	sdelay $0xb  }
0xc7: {  	[smem:$0x7DD] =	sst s5;
	s5 =	spop (v2sf)  }
0xc8: {  	[smem:$0x7DF] =	sst s8;
	s8 =	spop (v2sf)  }
0xc9: {  	[smem:$0x7E1] =	sst s12;
	s12 =	spop (v2sf)  }
0xca: {  	[smem:$0x7E7] =	sst s1;
	s1 =	spop (v2sf)  }
0xcb: {  	[tilespmem:$0x1F770] =	vst v21;
	v21 =	vld [tilespmem:s1+$0xC800]  }
0xcc: {  	[tilespmem:$0x1F780] =	vst v22;
	v22 =	vld [tilespmem:s1+$0xC980];
	_ =	sdelay $0x2  }
0xcd: {  	(v2sf) =	vpush v0, $0xC  }
0xce: {  	(v2sf) =	vpush v21, $0x0  }
0xcf: {  	(v2sf) =	vpush v22, $0x0  }
0xd0: {  	(v2sf) =	vpush v1, $0xD;
	_ =	sdelay $0xb  }
0xd1: {  	[smem:$0x7E0] =	sst s21;
	s21 =	spop (v2sf)  }
0xd2: {  	[smem:$0x7E2] =	sst s23;
	s23 =	spop (v2sf)  }
0xd3: {  	[smem:$0x7E3] =	sst s29;
	s29 =	spop (v2sf)  }
0xd4: {  	[smem:$0x7E6] =	sst s2;
	s2 =	spop (v2sf)  }
0xd5: {  	[tilespmem:$0x1F790] =	vst v23;
	v23 =	vld [tilespmem:s2+$0xC800]  }
0xd6: {  	[tilespmem:$0x1F7A0] =	vst v37;
	v37 =	vld [tilespmem:s2+$0xC980];
	_ =	sdelay $0x2  }
0xd7: {  	(v2sf) =	vpush v0, $0xD  }
0xd8: {  	(v2sf) =	vpush v23, $0x0  }
0xd9: {  	(v2sf) =	vpush v37, $0x0  }
0xda: {  	(v2sf) =	vpush v1, $0xE;
	_ =	sdelay $0xb  }
0xdb: {  	[smem:$0x7E5] =	sst s31;
	s31 =	spop (v2sf)  }
0xdc: {  	[smem:$0x7EA] =	sst s5;
	s5 =	spop (v2sf)  }
0xdd: {  	[smem:$0x7E9] =	sst s8;
	s8 =	spop (v2sf)  }
0xde: {  	[smem:$0x7EC] =	sst s23;
	s23 =	spop (v2sf)  }
0xdf: {  	[tilespmem:$0x1F7B0] =	vst v39;
	v39 =	vld [tilespmem:s23+$0xC800]  }
0xe0: {  	[tilespmem:$0x1F7C0] =	vst v46;
	v46 =	vld [tilespmem:s23+$0xC980];
	_ =	sdelay $0x2  }
0xe1: {  	(v2sf) =	vpush v0, $0xE  }
0xe2: {  	(v2sf) =	vpush v39, $0x0  }
0xe3: {  	(v2sf) =	vpush v46, $0x0  }
0xe4: {  	(v2sf) =	vpush v1, $0xF;
	_ =	sdelay $0xa  }
0xe5: {  	v47 =	vld [tilespmem:s20+$0x4800];
	[smem:$0x7EB] =	sst s12  }
0xe6: {  	v50 =	vld [tilespmem:s20+$0x4810];
	[smem:$0x7ED] =	sst s21;
	s12 =	spop (v2sf)  }
0xe7: {  	v51 =	vld [tilespmem:s20+$0x4820];
	[smem:$0x7EE] =	sst s29;
	s21 =	spop (v2sf)  }
0xe8: {  	[smem:$0x7F0] =	sst s31;
	s29 =	spop (v2sf)  }
0xe9: {  	[smem:$0x7F1] =	sst s8;
	s8 =	spop (v2sf)  }
0xea: {  	[tilespmem:$0x1F7D0] =	vst v47;
	s31 =	rddreg [dreg:$0x10];
	v47 =	vld [tilespmem:s8+$0xC800]  }
0xeb: {  	[tilespmem:$0x1F7E0] =	vst v50;
	[smem:$0x7EF] =	sst s5;
	v50 =	vld [tilespmem:s8+$0xC980]  }
0xec: {  	[tilespmem:$0x1F7F0] =	vst v51;
	v51 =	vld [tilespmem:s31+$0x0];
	s5 =	rddreg [dreg:$0xf]  }
0xed: {  	v37 =	vld [tilespmem:s5+$0x0]  }
0xee: {  	(v2sf) =	vpush v0, $0xF  }
0xef: {  	(v2sf) =	vpush v47, $0x0  }
0xf0: {  	(v2sf) =	vpush v50, $0x0  }
0xf1: {  	(v2sf) =	vpush v51, $0x0  }
0xf2: {  	(v2sf) =	vpush v37, $0x0;
	_ =	sdelay $0x9  }
0xf3: {  	s31 =	rddreg [dreg:$0xe]  }
0xf4: {  	v56 =	vld [tilespmem:s20+$0x4830];
	[smem:$0x7F3] =	sst s12;
	s12 =	spop (v2sf)  }
0xf5: {  	v57 =	vld [tilespmem:s20+$0x4840];
	[smem:$0x7F2] =	sst s21;
	s21 =	spop (v2sf)  }
0xf6: {  	[smem:$0x7F4] =	sst s29;
	s29 =	spop (v2sf)  }
0xf7: {  	[smem:$0x7F8] =	sst s29;
	s29 =	spop (v2sf)  }
0xf8: {  	v39 =	vld [tilespmem:s31+$0x0];
	[smem:$0x7F5] =	sst s21;
	s21 =	spop (v2sf)  }
0xf9: {  	[tilespmem:$0x1F800] =	vst v56;
	v56 =	vld [tilespmem:s21+$0xC800]  }
0xfa: {  	[tilespmem:$0x1F810] =	vst v57;
	v57 =	vld [tilespmem:s21+$0xC980];
	_ =	sdelay $0x2  }
0xfb: {  	(v2sf) =	vpush v39, $0x0  }
0xfc: {  	(v2sf) =	vpush v56, $0x0  }
0xfd: {  	(v2sf) =	vpush v57, $0x0  }
0xfe: {  	(v2sf) =	vpush v37, $0x1;
	_ =	sdelay $0xa  }
0xff: {  	v58 =	vld [tilespmem:s20+$0x4850]  }
0x100: {  	s5 =	spop (v2sf)  }
0x101: {  	[smem:$0x7F6] =	sst s12;
	s12 =	spop (v2sf)  }
0x102: {  	s31 =	spop (v2sf)  }
0x103: {  	[smem:$0x7FA] =	sst s31;
	s31 =	spop (v2sf)  }
0x104: {  	[tilespmem:$0x1F820] =	vst v58;
	v58 =	vld [tilespmem:s31+$0xC800]  }
0x105: {  	v59 =	vld [tilespmem:s31+$0xC980];
	_ =	sdelay $0x2  }
0x106: {  	(v2sf) =	vpush v39, $0x1  }
0x107: {  	(v2sf) =	vpush v58, $0x0  }
0x108: {  	(v2sf) =	vpush v59, $0x0  }
0x109: {  	(v2sf) =	vpush v37, $0x2;
	_ =	sdelay $0xb  }
0x10a: {  	[smem:$0x7F9] =	sst s5;
	s5 =	spop (v2sf)  }
0x10b: {  	[smem:$0x7F7] =	sst s12;
	s12 =	spop (v2sf)  }
0x10c: {  	[smem:$0x7FC] =	sst s5;
	s5 =	spop (v2sf)  }
0x10d: {  	[smem:$0x7E8] =	sst s3;
	s3 =	spop (v2sf)  }
0x10e: {  	v60 =	vld [tilespmem:s3+$0xC800]  }
0x10f: {  	v61 =	vld [tilespmem:s3+$0xC980];
	_ =	sdelay $0x2  }
0x110: {  	(v2sf) =	vpush v39, $0x2  }
0x111: {  	(v2sf) =	vpush v60, $0x0  }
0x112: {  	(v2sf) =	vpush v61, $0x0  }
0x113: {  	(v2sf) =	vpush v37, $0x3;
	_ =	sdelay $0xb  }
0x114: {  	[smem:$0x7FB] =	sst s12;
	s12 =	spop (v2sf)  }
0x115: {  	[dreg:$0x1d] =	wrdreg s12;
	s12 =	spop (v2sf)  }
0x116: {  	[dreg:$0x1f] =	wrdreg s12;
	s12 =	spop (v2sf)  }
0x117: {  	[smem:$0x7FD] =	sst s5;
	s5 =	spop (v2sf)  }
0x118: {  	v62 =	vld [tilespmem:s5+$0xC800]  }
0x119: {  	v63 =	vld [tilespmem:s5+$0xC980];
	_ =	sdelay $0x2  }
0x11a: {  	(v2sf) =	vpush v39, $0x3  }
0x11b: {  	(v2sf) =	vpush v62, $0x0  }
0x11c: {  	(v2sf) =	vpush v63, $0x0  }
0x11d: {  	(v2sf) =	vpush v37, $0x4;
	_ =	sdelay $0xb  }
0x11e: {  	[dreg:$0x1a] =	wrdreg s12;
	s12 =	spop (v2sf)  }
0x11f: {  	[dreg:$0x19] =	wrdreg s12;
	s12 =	spop (v2sf)  }
0x120: {  	[dreg:$0x1b] =	wrdreg s12;
	s12 =	spop (v2sf)  }
0x121: {  	[dreg:$0x18] =	wrdreg s12;
	s12 =	spop (v2sf)  }
0x122: {  	v0 =	vld [tilespmem:s12+$0xC800]  }
0x123: {  	v1 =	vld [tilespmem:s12+$0xC980];
	_ =	sdelay $0x2  }
0x124: {  	(v2sf) =	vpush v39, $0x4  }
0x125: {  	(v2sf) =	vpush v0, $0x0  }
0x126: {  	(v2sf) =	vpush v1, $0x0  }
0x127: {  	(v2sf) =	vpush v37, $0x5;
	_ =	sdelay $0x1  }
0x128: {  	v9 =	vld [tilespmem:s26+$0xFFFFFF80]  }
0x129: {  	v7 =	vld [tilespmem:s26+$0xFFFFFF90]  }
0x12a: {  	v3 =	vld [tilespmem:s26+$0xFFFFFFA0]  }
0x12b: {  	v4 =	vld [tilespmem:s26+$0xFFFFFFB0]  }
0x12c: {  	v5 =	vld [tilespmem:s26+$0xFFFFFFC0]  }
0x12d: {  	v8 =	vld [tilespmem:s26+$0xFFFFFFD0]  }
0x12e: {  	v6 =	vld [tilespmem:s26+$0xFFFFFFE0]  }
0x12f: {  	v13 =	vld [tilespmem:s26+$0xFFFFFFF0]  }
0x130: {  	v11 =	vld [tilespmem:s20+$0x4860];
	s28 =	sshll.u32 s28, $0x9  }
0x131: {  	v10 =	vld [tilespmem:s20+$0x4870];
	s20 =	sshra.s32 s28, $0x2  }
0x132: {  	v15 =	vld [tilespmem:s20+$0x4800];
	[dreg:$0x15] =	wrdreg s12;
	s12 =	spop (v2sf)  }
0x133: {  	v16 =	vld [tilespmem:s20+$0x4810];
	[dreg:$0x11] =	wrdreg s12;
	s12 =	spop (v2sf)  }
0x134: {  	v17 =	vld [tilespmem:s20+$0x4860];
	[dreg:$0x12] =	wrdreg s12;
	s12 =	spop (v2sf)  }
0x135: {  	v18 =	vld [tilespmem:s20+$0x4830];
	s28 =	spop (v2sf)  }
0x136: {  	v21 =	vld [tilespmem:s28+$0xC800]  }
0x137: {  	v22 =	vld [tilespmem:s28+$0xC980]  }
0x138: {  	v19 =	vld [tilespmem:s20+$0x4850]  }
0x139: {  	v20 =	vld [tilespmem:s20+$0x4820]  }
0x13a: {  	s6 =	smul.f32 s6, s19;
	s24 =	sshll.u32 s24, $0x9;
	v23 =	vld [tilespmem:s20+$0x4840];
	(v2sf) =	vpush v39, $0x5  }
0x13b: {  	v46 =	vld [tilespmem:s20+$0x4870];
	[dreg:$0x14] =	wrdreg s12;
	s12 =	sshra.s32 s24, $0x2;
	(v2sf) =	vpush v21, $0x0  }
0x13c: {  	s6 =	sadd.f32 s6, s9;
	v47 =	vld [tilespmem:s12+$0x4800];
	(v2sf) =	vpush v22, $0x0  }
0x13d: {  	v63 =	vld [tilespmem:s12+$0x4830];
	(v2sf) =	vpush v37, $0x6  }
0x13e: {  	s6 =	smul.f32 s6, s10;
	v51 =	vld [tilespmem:s12+$0x4840]  }
0x13f: {  	v61 =	vld [tilespmem:s12+$0x4850]  }
0x140: {  	s6 =	smul.f32 $5.000000000e-01, s6;
	s18 =	sshll.u32 s18, $0x9;
	v62 =	vld [tilespmem:s12+$0x4860]  }
0x141: {  	s4 =	smul.f32 s4, s19;
	v0 =	vadd.f32 v53, v9;
	s24 =	sshra.s32 s18, $0x2;
	v60 =	vld [tilespmem:s12+$0x4870]  }
0x142: {  	v1 =	vadd.f32 v55, v3;
	v12 =	vld [tilespmem:s24+$0x4840]  }
0x143: {  	s4 =	sadd.f32 s4, s7;
	v0 =	vmul.f32 s6, v0;
	v59 =	vld [tilespmem:s24+$0x4800]  }
0x144: {  	v50 =	vadd.f32 v54, v7;
	v1 =	vmul.f32 s6, v1;
	v57 =	vld [tilespmem:s24+$0x4810]  }
0x145: {  	s4 =	smul.f32 s4, s13;
	v54 =	vadd.f32 v52, v4;
	[tilespmem:$0x1F850] =	vst v0;
	v58 =	vld [tilespmem:s24+$0x4820]  }
0x146: {  	v50 =	vmul.f32 s6, v50;
	[tilespmem:$0x1F890] =	vst v1;
	v1 =	vadd.f32 v25, v5;
	v25 =	vadd.f32 v27, v8;
	v56 =	vld [tilespmem:s24+$0x4830]  }
0x147: {  	s4 =	smul.f32 $5.000000000e-01, s4;
	s20 =	sld [smem:$0x7D3];
	v0 =	vmul.f32 s6, v54;
	v53 =	vld [tilespmem:s24+$0x4850];
	[tilespmem:$0x1F830] =	vst v12;
	v12 =	vadd.f32 v48, v6  }
0x148: {  	[tilespmem:$0x1F870] =	vst v50;
	s18 =	smul.f32 s16, s19;
	v50 =	vld [tilespmem:s24+$0x4860];
	v48 =	vadd.f32 v49, v13;
	v49 =	vmul.f32 s6, v25  }
0x149: {  	v24 =	vadd.f32 v24, v9;
	s10 =	sld [smem:$0x7D4];
	[tilespmem:$0x1F8A0] =	vst v0;
	v55 =	vld [tilespmem:s24+$0x4870];
	s24 =	spop (v2sf);
	v0 =	vmul.f32 s6, v12;
	v12 =	vadd.f32 v26, v7  }
0x14a: {  	v1 =	vmul.f32 s6, v1;
	v21 =	vld [tilespmem:s12+$0x4810];
	[tilespmem:$0x1F8F0] =	vst v49;
	v52 =	vmul.f32 s6, v48;
	s6 =	sadd.f32 s18, s20;
	v48 =	vadd.f32 v45, v4;
	s13 =	spop (v2sf)  }
0x14b: {  	v27 =	vmul.f32 s4, v24;
	v22 =	vld [tilespmem:s12+$0x4820];
	s12 =	sshll.u32 s30, $0x9;
	v49 =	vadd.f32 v42, v5;
	[tilespmem:$0x1F900] =	vst v0;
	v0 =	vmul.f32 s4, v12;
	s30 =	spop (v2sf)  }
0x14c: {  	v24 =	vadd.f32 v44, v3;
	v45 =	vadd.f32 v41, v6;
	s6 =	smul.f32 s6, s10;
	v44 =	vmul.f32 s4, v48;
	s16 =	spop (v2sf)  }
0x14d: {  	v12 =	vadd.f32 v43, v8;
	[tilespmem:$0x1F880] =	vst v0;
	v0 =	vmul.f32 s4, v49;
	v49 =	vadd.f32 v40, v13;
	v26 =	vld [tilespmem:s16+$0xC800]  }
0x14e: {  	s7 =	sshra.s32 s12, $0x2;
	v42 =	vmul.f32 s4, v24;
	s12 =	sld [smem:$0x7D5];
	v24 =	vadd.f32 v14, v9;
	[tilespmem:$0x1F8C0] =	vst v44;
	v44 =	vmul.f32 s4, v45;
	s6 =	smul.f32 $5.000000000e-01, s6;
	v43 =	vld [tilespmem:s16+$0xC980]  }
0x14f: {  	v48 =	vmul.f32 s4, v12;
	[tilespmem:$0x1F8E0] =	vst v0;
	v0 =	vmul.f32 s4, v49;
	[dreg:$0x13] =	wrdreg s13  }
0x150: {  	v45 =	vadd.f32 v38, v7;
	v12 =	vadd.f32 v2, v3;
	[tilespmem:$0x1F920] =	vst v44;
	v49 =	vmul.f32 s6, v24;
	s13 =	sld [smem:$0x7D6]  }
0x151: {  	s9 =	smul.f32 s12, s19;
	v44 =	vadd.f32 v36, v5;
	[tilespmem:$0x1F940] =	vst v0;
	(v2sf) =	vpush v39, $0x6  }
0x152: {  	s18 =	sshll.u32 s25, $0x9;
	s25 =	sld [smem:$0x7D7];
	[tilespmem:$0x1F950] =	vst v49;
	v0 =	vmul.f32 s6, v45;
	v49 =	vadd.f32 v32, v8;
	(v2sf) =	vpush v26, $0x0  }
0x153: {  	v45 =	vmul.f32 s6, v12;
	s4 =	sadd.f32 s9, s13;
	(v2sf) =	vpush v43, $0x0;
	v43 =	vadd.f32 v35, v4  }
0x154: {  	v36 =	vmul.f32 s6, v44;
	[tilespmem:$0x1F960] =	vst v0;
	v44 =	vmul.f32 s6, v49  }
0x155: {  	v12 =	vadd.f32 v34, v6;
	[tilespmem:$0x1F970] =	vst v45;
	s4 =	smul.f32 s4, s25;
	v0 =	vmul.f32 s6, v43;
	v43 =	vadd.f32 v33, v13  }
0x156: {  	[tilespmem:$0x1F9A0] =	vst v44;
	v44 =	vld [tilespmem:$0x1F710]  }
0x157: {  	v45 =	vmul.f32 s6, v12;
	v12 =	vadd.f32 v30, v7;
	s4 =	smul.f32 $5.000000000e-01, s4;
	[tilespmem:$0x1F980] =	vst v0;
	v0 =	vmul.f32 s6, v43  }
0x158: {  	[tilespmem:$0x1F840] =	vst v55;
	v55 =	vld [tilespmem:s7+$0x4800]  }
0x159: {  	v54 =	vld [tilespmem:s7+$0x4810];
	s12 =	sld [smem:$0x7D8];
	[tilespmem:$0x1F9C0] =	vst v0;
	v0 =	vmul.f32 s4, v12  }
0x15a: {  	s10 =	smul.f32 s15, s19;
	[tilespmem:$0x1F9B0] =	vst v45;
	v45 =	vld [tilespmem:$0x1F720]  }
0x15b: {  	s13 =	sld [smem:$0x7D9];
	[tilespmem:$0x1F9E0] =	vst v0;
	v0 =	vadd.f32 v44, v5;
	v44 =	vld [tilespmem:$0x1F750]  }
0x15c: {  	v41 =	vld [tilespmem:s7+$0x4830];
	s6 =	sadd.f32 s10, s12  }
0x15d: {  	v14 =	vld [tilespmem:s7+$0x4850];
	[tilespmem:$0x1F930] =	vst v52;
	v49 =	vadd.f32 v29, v9  }
0x15e: {  	v52 =	vld [tilespmem:s7+$0x4820];
	[tilespmem:$0x1F8B0] =	vst v42;
	s6 =	smul.f32 s6, s13  }
0x15f: {  	v42 =	vld [tilespmem:s7+$0x4870];
	v34 =	vadd.f32 v31, v3;
	[tilespmem:$0x1F990] =	vst v36;
	v36 =	vmul.f32 s4, v49;
	v49 =	vadd.f32 v45, v8  }
0x160: {  	v31 =	vld [tilespmem:$0x1F730];
	v43 =	vadd.f32 v28, v4;
	s6 =	smul.f32 $5.000000000e-01, s6;
	v45 =	vadd.f32 v44, v9  }
0x161: {  	[tilespmem:$0x1F9D0] =	vst v36;
	v36 =	vmul.f32 s4, v49;
	v49 =	vld [tilespmem:$0x1F760]  }
0x162: {  	[tilespmem:$0x1F860] =	vst v27;
	v25 =	vmul.f32 s4, v43;
	v43 =	vld [tilespmem:$0x1F740];
	v44 =	vmul.f32 s6, v45  }
0x163: {  	[tilespmem:$0x1FA20] =	vst v36;
	v36 =	vld [tilespmem:$0x1F780]  }
0x164: {  	v12 =	vmul.f32 s4, v34;
	[tilespmem:$0x1FA50] =	vst v44;
	v44 =	vld [tilespmem:$0x1F7B0]  }
0x165: {  	[tilespmem:$0x1FA00] =	vst v25;
	v25 =	vld [tilespmem:$0x1F770];
	v0 =	vmul.f32 s4, v0  }
0x166: {  	s20 =	sshra.s32 s18, $0x2;
	[tilespmem:$0x1F9F0] =	vst v12;
	v12 =	vadd.f32 v49, v7;
	v49 =	vld [tilespmem:$0x1F790]  }
0x167: {  	v27 =	vld [tilespmem:s20+$0x4870];
	[tilespmem:$0x1FA10] =	vst v0;
	v0 =	vadd.f32 v43, v13  }
0x168: {  	v40 =	vld [tilespmem:s7+$0x4840];
	v43 =	vadd.f32 v36, v4  }
0x169: {  	v38 =	vld [tilespmem:s20+$0x4800];
	v0 =	vmul.f32 s4, v0;
	v24 =	vadd.f32 v44, v6  }
0x16a: {  	s14 =	smul.f32 s14, s19;
	[tilespmem:$0x1F8D0] =	vst v1;
	v34 =	vadd.f32 v31, v6;
	v36 =	vmul.f32 s6, v43;
	v43 =	vld [tilespmem:$0x1F7A0];
	v45 =	vmul.f32 s6, v12  }
0x16b: {  	v12 =	vadd.f32 v49, v5;
	v49 =	vld [tilespmem:$0x1F7D0];
	[tilespmem:$0x1FA40] =	vst v0;
	v0 =	vadd.f32 v25, v3;
	v24 =	vmul.f32 s6, v24  }
0x16c: {  	s15 =	sadd.f32 s14, s17;
	v1 =	vmul.f32 s4, v34;
	[tilespmem:$0x1FA60] =	vst v45;
	v45 =	vld [tilespmem:$0x1F7C0]  }
0x16d: {  	s17 =	sld [smem:$0x7DA];
	v0 =	vmul.f32 s6, v0;
	[tilespmem:$0x1FAB0] =	vst v24;
	v24 =	vld [tilespmem:$0x1F7F0]  }
0x16e: {  	[tilespmem:$0x1FA30] =	vst v1;
	v1 =	vmul.f32 s6, v12;
	v12 =	vld [tilespmem:$0x1F7E0]  }
0x16f: {  	v32 =	vld [tilespmem:s20+$0x4830];
	[tilespmem:$0x1FA70] =	vst v0;
	v0 =	vadd.f32 v43, v8  }
0x170: {  	v30 =	vld [tilespmem:s20+$0x4840];
	s4 =	smul.f32 s15, s17  }
0x171: {  	v29 =	vld [tilespmem:s20+$0x4850];
	v43 =	vadd.f32 v45, v13;
	v0 =	vmul.f32 s6, v0  }
0x172: {  	v35 =	vld [tilespmem:s20+$0x4810];
	s4 =	smul.f32 $5.000000000e-01, s4;
	v24 =	vadd.f32 v24, v3  }
0x173: {  	v33 =	vld [tilespmem:s20+$0x4820];
	v44 =	vadd.f32 v12, v7;
	[tilespmem:$0x1FAA0] =	vst v0;
	v0 =	vadd.f32 v49, v9;
	v49 =	vmul.f32 s6, v43  }
0x174: {  	[tilespmem:$0x1FA90] =	vst v1;
	v1 =	vmul.f32 s4, v24;
	v24 =	vld [tilespmem:$0x1F810]  }
0x175: {  	(v2sf) =	vpush v37, $0x7;
	v44 =	vmul.f32 s4, v44;
	[tilespmem:$0x1FAC0] =	vst v49;
	v49 =	vld [tilespmem:$0x1F800]  }
0x176: {  	v28 =	vld [tilespmem:s20+$0x4860];
	s20 =	sld [smem:$0x7DB]  }
0x177: {  	s0 =	sshll.u32 s0, $0x9;
	s18 =	smul.f32 s22, s19;
	[tilespmem:$0x1FAE0] =	vst v44;
	v44 =	vld [tilespmem:$0x1F820]  }
0x178: {  	s0 =	sshra.s32 s0, $0x2;
	[tilespmem:$0x1F910] =	vst v48;
	v48 =	vld [tilespmem:s7+$0x4860];
	s9 =	sld [smem:$0x7DC];
	v0 =	vmul.f32 s4, v0  }
0x179: {  	v26 =	vld [tilespmem:s0+$0x4810];
	s6 =	sadd.f32 s18, s20;
	[tilespmem:$0x1FAF0] =	vst v1;
	v1 =	vadd.f32 v24, v5  }
0x17a: {  	s1 =	sshll.u32 s1, $0x9;
	v31 =	vld [tilespmem:s0+$0x4800];
	[tilespmem:$0x1FAD0] =	vst v0;
	v0 =	vadd.f32 v49, v4  }
0x17b: {  	s22 =	sshra.s32 s1, $0x2;
	v34 =	vld [tilespmem:s0+$0x4830];
	s1 =	smul.f32 s6, s9;
	v1 =	vmul.f32 s4, v1  }
0x17c: {  	v25 =	vld [tilespmem:s0+$0x4820];
	[tilespmem:$0x1FA80] =	vst v36;
	v2 =	vadd.f32 v44, v8;
	v0 =	vmul.f32 s4, v0  }
0x17d: {  	v36 =	vld [tilespmem:s0+$0x4840];
	s1 =	smul.f32 $5.000000000e-01, s1;
	[tilespmem:$0x1FB10] =	vst v1;
	v1 =	vadd.f32 v15, v9  }
0x17e: {  	v45 =	vld [tilespmem:s0+$0x4850];
	[tilespmem:$0x1FB00] =	vst v0;
	v0 =	vadd.f32 v11, v6;
	v11 =	vmul.f32 s4, v2  }
0x17f: {  	s10 =	sld [smem:$0x7DD];
	v12 =	vld [tilespmem:s0+$0x4860];
	v2 =	vadd.f32 v18, v4;
	v18 =	vadd.f32 v19, v8;
	v1 =	vmul.f32 s1, v1  }
0x180: {  	v10 =	vadd.f32 v10, v13;
	v43 =	vld [tilespmem:s0+$0x4870];
	[tilespmem:$0x1FB20] =	vst v11;
	v0 =	vmul.f32 s4, v0  }
0x181: {  	s14 =	sld [smem:$0x7DE];
	s25 =	spop (v2sf);
	v49 =	vld [tilespmem:s22+$0x4800];
	v18 =	vmul.f32 s1, v18;
	[tilespmem:$0x1FB50] =	vst v1;
	v1 =	vadd.f32 v20, v3  }
0x182: {  	s12 =	spop (v2sf);
	s6 =	smul.f32 s10, s19;
	v44 =	vld [tilespmem:s22+$0x4810];
	[tilespmem:$0x1FB30] =	vst v0;
	v15 =	vmul.f32 s4, v10  }
0x183: {  	s15 =	sld [smem:$0x7DF];
	s13 =	spop (v2sf);
	v11 =	vld [tilespmem:s22+$0x4830];
	v0 =	vadd.f32 v16, v7;
	v16 =	vadd.f32 v23, v5;
	[tilespmem:$0x1FBA0] =	vst v18;
	v23 =	vmul.f32 s1, v1  }
0x184: {  	v24 =	vld [tilespmem:s22+$0x4820];
	s4 =	sadd.f32 s6, s14;
	s6 =	spop (v2sf);
	[tilespmem:$0x1FB40] =	vst v15;
	v20 =	vmul.f32 s1, v2  }
0x185: {  	v0 =	vmul.f32 s1, v0;
	v15 =	vld [tilespmem:s6+$0xC800];
	[tilespmem:$0x1FB70] =	vst v23;
	v23 =	vadd.f32 v17, v6  }
0x186: {  	v19 =	vld [tilespmem:s6+$0xC980];
	[tilespmem:$0x1FB80] =	vst v20;
	v20 =	vadd.f32 v46, v13;
	v17 =	vmul.f32 s1, v16  }
0x187: {  	s17 =	sld [smem:$0x7E0];
	v10 =	vld [tilespmem:s22+$0x4840];
	[tilespmem:$0x1FB60] =	vst v0;
	s4 =	smul.f32 s4, s15;
	v2 =	vmul.f32 s1, v23  }
0x188: {  	s2 =	sshll.u32 s2, $0x9;
	(v2sf) =	vpush v39, $0x7;
	[dreg:$0x17] =	wrdreg s12;
	v0 =	vld [tilespmem:s22+$0x4850];
	[tilespmem:$0x1FB90] =	vst v17;
	v17 =	vmul.f32 s1, v20  }
0x189: {  	s2 =	sshra.s32 s2, $0x2;
	[dreg:$0x16] =	wrdreg s13;
	s4 =	smul.f32 $5.000000000e-01, s4;
	v1 =	vld [tilespmem:s22+$0x4870];
	v46 =	vadd.f32 v21, v7;
	v23 =	vadd.f32 v47, v9;
	[tilespmem:$0x1FBB0] =	vst v2  }
0x18a: {  	s18 =	sld [smem:$0x7E1];
	(v2sf) =	vpush v15, $0x0;
	v15 =	vld [tilespmem:s2+$0x4800];
	v47 =	vadd.f32 v22, v3;
	[tilespmem:$0x1FBC0] =	vst v17  }
0x18b: {  	s0 =	smul.f32 s17, s19;
	v16 =	vld [tilespmem:s22+$0x4860];
	v20 =	vadd.f32 v63, v4;
	v2 =	vmul.f32 s4, v23;
	(v2sf) =	vpush v19, $0x0  }
0x18c: {  	v18 =	vmul.f32 s4, v46;
	s20 =	sld [smem:$0x7E2]  }
0x18d: {  	s0 =	sadd.f32 s0, s18;
	v20 =	vmul.f32 s4, v20;
	[tilespmem:$0x1FBD0] =	vst v2;
	v2 =	vmul.f32 s4, v47;
	v47 =	vadd.f32 v62, v6  }
0x18e: {  	v63 =	vadd.f32 v51, v5;
	[tilespmem:$0x1FBE0] =	vst v18  }
0x18f: {  	v46 =	vadd.f32 v61, v8;
	[tilespmem:$0x1FC00] =	vst v20;
	s22 =	sld [smem:$0x7E3];
	v62 =	vmul.f32 s4, v47;
	s0 =	smul.f32 s0, s20  }
0x190: {  	v61 =	vadd.f32 v60, v13;
	v51 =	vmul.f32 s4, v63;
	[tilespmem:$0x1FBF0] =	vst v2  }
0x191: {  	v63 =	vadd.f32 v59, v9;
	s7 =	sld [smem:$0x7E4];
	v2 =	vmul.f32 s4, v46;
	[tilespmem:$0x1FC30] =	vst v62;
	v62 =	vld [tilespmem:$0x1F830];
	s0 =	smul.f32 $5.000000000e-01, s0  }
0x192: {  	v59 =	vadd.f32 v57, v7;
	[tilespmem:$0x1FC10] =	vst v51;
	v51 =	vmul.f32 s4, v61;
	s1 =	smul.f32 s22, s19  }
0x193: {  	v60 =	vadd.f32 v58, v3;
	v17 =	vld [tilespmem:s2+$0x4810];
	s12 =	sld [smem:$0x7E5];
	[tilespmem:$0x1FC20] =	vst v2;
	v2 =	vmul.f32 s0, v63  }
0x194: {  	v18 =	vld [tilespmem:s2+$0x4820];
	v61 =	vadd.f32 v56, v4;
	[tilespmem:$0x1FC40] =	vst v51;
	s1 =	sadd.f32 s1, s7;
	v46 =	vmul.f32 s0, v59  }
0x195: {  	v19 =	vld [tilespmem:s2+$0x4830];
	v63 =	vadd.f32 v53, v8;
	v47 =	vmul.f32 s0, v60;
	[tilespmem:$0x1FC50] =	vst v2  }
0x196: {  	v20 =	vld [tilespmem:s2+$0x4840];
	s1 =	smul.f32 s1, s12;
	[tilespmem:$0x1FC60] =	vst v46;
	v46 =	vadd.f32 v62, v5;
	v2 =	vmul.f32 s0, v61  }
0x197: {  	v58 =	vadd.f32 v50, v6;
	v21 =	vld [tilespmem:s2+$0x4850];
	[tilespmem:$0x1FC70] =	vst v47;
	v59 =	vmul.f32 s0, v63  }
0x198: {  	v54 =	vadd.f32 v54, v7;
	s13 =	sld [smem:$0x7E6];
	v60 =	vld [tilespmem:$0x1F840];
	s1 =	smul.f32 $5.000000000e-01, s1;
	[tilespmem:$0x1FC80] =	vst v2;
	v46 =	vmul.f32 s0, v46  }
0x199: {  	s9 =	sshll.u32 s23, $0x9;
	v23 =	vld [tilespmem:s2+$0x4860];
	v63 =	vadd.f32 v41, v4;
	[tilespmem:$0x1FCA0] =	vst v59;
	v2 =	vmul.f32 s0, v58  }
0x19a: {  	s10 =	sshra.s32 s9, $0x2;
	v22 =	vld [tilespmem:s2+$0x4870];
	s14 =	sld [smem:$0x7E7];
	v61 =	vadd.f32 v55, v9;
	v55 =	vmul.f32 s1, v54;
	[tilespmem:$0x1FC90] =	vst v46  }
0x19b: {  	v42 =	vadd.f32 v42, v13;
	v50 =	vld [tilespmem:s10+$0x4820];
	s4 =	smul.f32 s13, s19;
	v57 =	vmul.f32 s1, v63;
	v58 =	vadd.f32 v14, v8;
	[tilespmem:$0x1FCB0] =	vst v2  }
0x19c: {  	(v2sf) =	vpush v37, $0x8;
	s15 =	sld [smem:$0x7E8];
	v56 =	vadd.f32 v40, v5;
	v40 =	vld [tilespmem:s10+$0x4850];
	v2 =	vmul.f32 s1, v61;
	[tilespmem:$0x1FCE0] =	vst v55  }
0x19d: {  	v51 =	vld [tilespmem:s10+$0x4810];
	s4 =	sadd.f32 s4, s14;
	v46 =	vadd.f32 v60, v13;
	[tilespmem:$0x1FD00] =	vst v57;
	v60 =	vmul.f32 s1, v58  }
0x19e: {  	v53 =	vld [tilespmem:s10+$0x4800];
	v61 =	vmul.f32 s1, v42;
	[tilespmem:$0x1FCD0] =	vst v2  }
0x19f: {  	s18 =	sshll.u32 s8, $0x9;
	v47 =	vld [tilespmem:s10+$0x4830];
	v62 =	vadd.f32 v52, v3;
	v46 =	vmul.f32 s0, v46;
	s0 =	smul.f32 s4, s15;
	[tilespmem:$0x1FD20] =	vst v60  }
0x1a0: {  	s17 =	sld [smem:$0x7E9];
	s20 =	sshra.s32 s18, $0x2;
	v41 =	vld [tilespmem:s10+$0x4840];
	v59 =	vadd.f32 v48, v6;
	v2 =	vmul.f32 s1, v56;
	[tilespmem:$0x1FD40] =	vst v61  }
0x1a1: {  	v38 =	vadd.f32 v38, v9;
	v52 =	vld [tilespmem:s20+$0x4860];
	[tilespmem:$0x1FCC0] =	vst v46;
	v46 =	vmul.f32 s1, v62;
	s0 =	smul.f32 $5.000000000e-01, s0  }
0x1a2: {  	v35 =	vadd.f32 v35, v7;
	s23 =	sld [smem:$0x7EA];
	v14 =	vld [tilespmem:s10+$0x4870];
	[tilespmem:$0x1FD10] =	vst v2;
	v2 =	vmul.f32 s1, v59  }
0x1a3: {  	v32 =	vadd.f32 v32, v4;
	v48 =	vld [tilespmem:s20+$0x4800];
	s4 =	smul.f32 s17, s19;
	v62 =	vadd.f32 v33, v3;
	[tilespmem:$0x1FCF0] =	vst v46;
	v38 =	vmul.f32 s0, v38  }
0x1a4: {  	v29 =	vadd.f32 v29, v8;
	s8 =	sld [smem:$0x7EB];
	v63 =	vadd.f32 v30, v5;
	v30 =	vld [tilespmem:s20+$0x4830];
	[tilespmem:$0x1FD30] =	vst v2;
	v35 =	vmul.f32 s0, v35  }
0x1a5: {  	v28 =	vadd.f32 v28, v6;
	v57 =	vadd.f32 v36, v5;
	v36 =	vld [tilespmem:s20+$0x4870];
	s4 =	sadd.f32 s4, s23;
	v2 =	vmul.f32 s0, v62;
	[tilespmem:$0x1FD50] =	vst v38  }
0x1a6: {  	v42 =	vadd.f32 v25, v3;
	v25 =	vadd.f32 v23, v6;
	v23 =	vld [tilespmem:$0x1F850];
	v32 =	vmul.f32 s0, v32;
	[tilespmem:$0x1FD60] =	vst v35  }
0x1a7: {  	s13 =	sld [smem:$0x7ED];
	v56 =	vld [tilespmem:s20+$0x4850];
	s1 =	smul.f32 s4, s8;
	v29 =	vmul.f32 s0, v29;
	[tilespmem:$0x1FD70] =	vst v2  }
0x1a8: {  	v27 =	vadd.f32 v27, v13;
	s23 =	spop (v2sf);
	v46 =	vld [tilespmem:s10+$0x4860];
	s10 =	sld [smem:$0x7EC];
	v28 =	vmul.f32 s0, v28;
	[tilespmem:$0x1FD80] =	vst v32  }
0x1a9: {  	v33 =	vld [tilespmem:s20+$0x4810];
	s9 =	spop (v2sf);
	s1 =	smul.f32 $5.000000000e-01, s1;
	v2 =	vmul.f32 s0, v63;
	[tilespmem:$0x1FDA0] =	vst v29;
	v38 =	vadd.f32 v31, v9  }
0x1aa: {  	v26 =	vadd.f32 v26, v7;
	s18 =	sld [smem:$0x7EF];
	s12 =	spop (v2sf);
	v27 =	vmul.f32 s0, v27;
	v35 =	vld [tilespmem:s20+$0x4820];
	[tilespmem:$0x1FDB0] =	vst v28  }
0x1ab: {  	v54 =	vadd.f32 v34, v4;
	s22 =	spop (v2sf);
	v32 =	vld [tilespmem:s20+$0x4840];
	s4 =	smul.f32 s10, s19;
	[tilespmem:$0x1FD90] =	vst v2;
	v2 =	vmul.f32 s1, v38  }
0x1ac: {  	s14 =	sshll.u32 s21, $0x9;
	s15 =	sld [smem:$0x7EE];
	v61 =	vadd.f32 v12, v6;
	v12 =	vadd.f32 v43, v13;
	[tilespmem:$0x1FDC0] =	vst v27;
	v55 =	vld [tilespmem:s22+$0xC800];
	v26 =	vmul.f32 s1, v26  }
0x1ad: {  	v11 =	vadd.f32 v11, v4;
	s17 =	sshra.s32 s14, $0x2;
	v59 =	vld [tilespmem:s22+$0xC980];
	v60 =	vmul.f32 s1, v54;
	s0 =	sadd.f32 s4, s13;
	[tilespmem:$0x1FDD0] =	vst v2  }
0x1ae: {  	v58 =	vadd.f32 v45, v8;
	v45 =	vadd.f32 v44, v7;
	v31 =	vld [tilespmem:s17+$0x4810];
	v43 =	vmul.f32 s1, v12;
	[tilespmem:$0x1FDE0] =	vst v26  }
0x1af: {  	v38 =	vadd.f32 v49, v9;
	v49 =	vadd.f32 v24, v3;
	v24 =	vld [tilespmem:s17+$0x4830];
	v2 =	vmul.f32 s1, v42;
	[tilespmem:$0x1FE00] =	vst v60;
	s0 =	smul.f32 s0, s15  }
0x1b0: {  	(v2sf) =	vpush v39, $0x8;
	s20 =	sld [smem:$0x7F0];
	v27 =	vadd.f32 v53, v9;
	v62 =	vmul.f32 s1, v57;
	s4 =	smul.f32 s18, s19;
	v42 =	vld [tilespmem:s17+$0x4800];
	[tilespmem:$0x1FE40] =	vst v43  }
0x1b1: {  	v63 =	vmul.f32 s1, v58;
	v58 =	vadd.f32 v15, v9;
	v43 =	vld [tilespmem:s17+$0x4820];
	[tilespmem:$0x1FDF0] =	vst v2;
	v2 =	vmul.f32 s1, v61;
	s0 =	smul.f32 $5.000000000e-01, s0  }
0x1b2: {  	s21 =	sld [smem:$0x7F1];
	s7 =	sshll.u32 s31, $0x9;
	[tilespmem:$0x1FE10] =	vst v62;
	v26 =	vadd.f32 v22, v13;
	v22 =	vadd.f32 v48, v9;
	v9 =	vld [tilespmem:s26+$0x10]  }
0x1b3: {  	(v2sf) =	vpush v55, $0x0;
	v55 =	vadd.f32 v16, v6;
	v16 =	vld [tilespmem:s17+$0x4850];
	s1 =	sadd.f32 s4, s20;
	s4 =	sshra.s32 s7, $0x2;
	[tilespmem:$0x1FE30] =	vst v2;
	v2 =	vmul.f32 s0, v38  }
0x1b4: {  	v10 =	vadd.f32 v10, v5;
	v0 =	vadd.f32 v0, v8;
	[tilespmem:$0x1FE20] =	vst v63;
	v15 =	vld [tilespmem:s4+$0x4800];
	v54 =	vmul.f32 s0, v45  }
0x1b5: {  	[dreg:$0x1e] =	wrdreg s9;
	(v2sf) =	vpush v59, $0x0;
	v59 =	vadd.f32 v17, v7;
	v17 =	vld [tilespmem:s4+$0x4810];
	v11 =	vmul.f32 s0, v11;
	[tilespmem:$0x1FE50] =	vst v2  }
0x1b6: {  	s8 =	sld [smem:$0x7F2];
	v60 =	vadd.f32 v18, v3;
	v18 =	vld [tilespmem:s4+$0x4820];
	s1 =	smul.f32 s1, s21;
	v10 =	vmul.f32 s0, v10;
	[tilespmem:$0x1FE60] =	vst v54  }
0x1b7: {  	v1 =	vadd.f32 v1, v13;
	s9 =	sld [smem:$0x7F3];
	v61 =	vadd.f32 v19, v4;
	v19 =	vld [tilespmem:s4+$0x4830];
	v0 =	vmul.f32 s0, v0;
	[tilespmem:$0x1FE80] =	vst v11  }
0x1b8: {  	[dreg:$0x1c] =	wrdreg s12;
	v12 =	vadd.f32 v21, v8;
	v21 =	vld [tilespmem:s4+$0x4840];
	v57 =	vmul.f32 s0, v55;
	s1 =	smul.f32 $5.000000000e-01, s1;
	[tilespmem:$0x1FE90] =	vst v10  }
0x1b9: {  	s12 =	sld [smem:$0x7F5];
	s2 =	smul.f32 s8, s19;
	v38 =	vld [tilespmem:s17+$0x4840];
	v1 =	vmul.f32 s0, v1;
	[tilespmem:$0x1FEA0] =	vst v0  }
0x1ba: {  	s10 =	sld [smem:$0x7F4];
	v44 =	vadd.f32 v33, v7;
	v63 =	vadd.f32 v20, v5;
	v55 =	vld [tilespmem:s4+$0x4870];
	[tilespmem:$0x1FEB0] =	vst v57;
	v0 =	vmul.f32 s1, v58  }
0x1bb: {  	v33 =	vadd.f32 v31, v9;
	v31 =	vld [tilespmem:$0x1F870];
	v2 =	vmul.f32 s0, v49;
	[tilespmem:$0x1FEC0] =	vst v1;
	s0 =	sadd.f32 s2, s9;
	v1 =	vmul.f32 s1, v59  }
0x1bc: {  	v30 =	vadd.f32 v30, v4;
	v29 =	vadd.f32 v51, v7;
	v10 =	vld [tilespmem:s17+$0x4860];
	v28 =	vmul.f32 s1, v25;
	[tilespmem:$0x1FED0] =	vst v0  }
0x1bd: {  	v51 =	vadd.f32 v41, v5;
	s13 =	sld [smem:$0x7F6];
	(v2sf) =	vpush v37, $0x9;
	v11 =	vld [tilespmem:s17+$0x4870];
	s0 =	smul.f32 s0, s10;
	[tilespmem:$0x1FEE0] =	vst v1;
	v1 =	vmul.f32 s1, v63  }
0x1be: {  	s14 =	sld [smem:$0x7F7];
	v53 =	vadd.f32 v40, v8;
	v8 =	vadd.f32 v56, v8;
	s2 =	smul.f32 s12, s19;
	v54 =	vld [tilespmem:s4+$0x4860];
	v0 =	vmul.f32 s1, v61;
	[tilespmem:$0x1FF30] =	vst v28  }
0x1bf: {  	v48 =	vadd.f32 v35, v3;
	s15 =	sld [smem:$0x7F8];
	v5 =	vadd.f32 v32, v5;
	v25 =	vld [tilespmem:s26+$0x60];
	s0 =	smul.f32 $5.000000000e-01, s0;
	[tilespmem:$0x1FF10] =	vst v1;
	v1 =	vmul.f32 s1, v26  }
0x1c0: {  	v62 =	vmul.f32 s1, v60;
	v59 =	vadd.f32 v14, v13;
	v14 =	vld [tilespmem:s26+$0x70];
	[tilespmem:$0x1FF00] =	vst v0;
	v0 =	vmul.f32 s1, v12;
	s1 =	sadd.f32 s2, s13  }
0x1c1: {  	v45 =	vadd.f32 v50, v3;
	v50 =	vadd.f32 v47, v4;
	s19 =	sshll.u32 s3, $0x9;
	v28 =	vld [tilespmem:s26+$0x30];
	[tilespmem:$0x1FF40] =	vst v1;
	v1 =	vmul.f32 s0, v29  }
0x1c2: {  	s8 =	sld [smem:$0x7FC];
	v7 =	vadd.f32 v52, v6;
	v57 =	vadd.f32 v46, v6;
	s31 =	sshra.s32 s19, $0x2;
	[tilespmem:$0x1FE70] =	vst v2;
	v12 =	vld [tilespmem:s26+$0x0];
	v49 =	vmul.f32 s0, v27;
	s1 =	smul.f32 s1, s15  }
0x1c3: {  	s17 =	sld [smem:$0x7F9];
	v13 =	vadd.f32 v36, v13;
	v20 =	vld [tilespmem:s31+$0x4800];
	s2 =	smul.f32 s14, s29;
	v2 =	vmul.f32 s0, v45;
	[tilespmem:$0x1FF60] =	vst v1;
	v1 =	vmul.f32 s0, v50  }
0x1c4: {  	s21 =	sld [smem:$0x7FB];
	v60 =	vadd.f32 v17, v9;
	v26 =	vld [tilespmem:s26+$0x40];
	v58 =	vmul.f32 s0, v51;
	v61 =	vmul.f32 s0, v53;
	[tilespmem:$0x1FF20] =	vst v0;
	s1 =	smul.f32 $5.000000000e-01, s1  }
0x1c5: {  	s18 =	sld [smem:$0x7FA];
	v4 =	vmul.f32 s0, v57;
	v11 =	vadd.f32 v11, v14;
	v0 =	vld [tilespmem:s4+$0x4850];
	[tilespmem:$0x1FF80] =	vst v1;
	v1 =	vmul.f32 s0, v59  }
0x1c6: {  	s2 =	sadd.f32 s2, s17;
	v29 =	vld [tilespmem:s26+$0x20];
	v35 =	vadd.f32 v24, v28;
	v63 =	vmul.f32 s1, v22;
	v27 =	vmul.f32 s1, v44  }
0x1c7: {  	s3 =	smul.f32 s21, s29;
	[tilespmem:$0x1FEF0] =	vst v62;
	v57 =	vadd.f32 v15, v12;
	v15 =	vld [tilespmem:s31+$0x4830];
	v59 =	vmul.f32 s1, v48;
	v62 =	vmul.f32 s1, v30  }
0x1c8: {  	s9 =	sld [smem:$0x7FD];
	[tilespmem:$0x1FF90] =	vst v58;
	v32 =	vadd.f32 v42, v12;
	s0 =	smul.f32 s2, s18;
	v56 =	vmul.f32 s1, v5;
	v53 =	vmul.f32 s1, v13;
	v13 =	vld [tilespmem:s31+$0x4820]  }
0x1c9: {  	v40 =	vadd.f32 v38, v26;
	s18 =	spop (v2sf);
	v58 =	vmul.f32 s1, v8;
	v52 =	vmul.f32 s1, v7;
	s1 =	sadd.f32 s3, s8;
	[tilespmem:$0x1FFC0] =	vst v27;
	v27 =	vld [tilespmem:s26+$0x50]  }
0x1ca: {  	v6 =	vadd.f32 v21, v26;
	v5 =	vadd.f32 v19, v28;
	v19 =	vld [tilespmem:s31+$0x4860];
	s20 =	spop (v2sf);
	s2 =	smul.f32 $5.000000000e-01, s0  }
0x1cb: {  	v7 =	vadd.f32 v54, v25;
	v30 =	vld [tilespmem:$0x1F860];
	v34 =	vadd.f32 v43, v29;
	s0 =	spop (v2sf);
	s1 =	smul.f32 s1, s9  }
0x1cc: {  	v43 =	vadd.f32 v10, v25;
	v10 =	vld [tilespmem:s31+$0x4810];
	s4 =	spop (v2sf);
	v51 =	vmul.f32 s2, v32;
	v50 =	vmul.f32 s2, v33  }
0x1cd: {  	s12 =	sshll.u32 s5, $0x9;
	[tilespmem:$0x1FF50] =	vst v49;
	v22 =	vadd.f32 v55, v14;
	v36 =	vld [tilespmem:s4+$0xC800];
	v48 =	vmul.f32 s2, v34;
	v49 =	vmul.f32 s2, v35;
	s1 =	smul.f32 $5.000000000e-01, s1  }
0x1ce: {  	s3 =	sshra.s32 s12, $0x2;
	v41 =	vld [tilespmem:s4+$0xC980];
	v46 =	vmul.f32 s2, v40;
	v45 =	vmul.f32 s2, v43;
	v16 =	vadd.f32 v16, v27  }
0x1cf: {  	s10 =	rddreg [dreg:$0x1f];
	[tilespmem:$0x1FFA0] =	vst v4;
	v4 =	vadd.f32 v18, v29;
	v55 =	vld [tilespmem:s3+$0x4820];
	v44 =	vmul.f32 s2, v11;
	v43 =	vmul.f32 s1, v57  }
0x1d0: {  	s13 =	rddreg [dreg:$0x1d];
	v42 =	vmul.f32 s1, v60;
	v60 =	vld [tilespmem:$0x1F880];
	v0 =	vadd.f32 v0, v27;
	v47 =	vmul.f32 s2, v16;
	s2 =	smul.f32 s10, s29  }
0x1d1: {  	s15 =	rddreg [dreg:$0x1b];
	[tilespmem:$0x1FFB0] =	vst v1;
	(v2sf) =	vpush v39, $0x9;
	v1 =	vld [tilespmem:s3+$0x4850];
	v40 =	vmul.f32 s1, v5;
	v34 =	vmul.f32 s1, v6  }
0x1d2: {  	v38 =	vmul.f32 s1, v22;
	v57 =	vld [tilespmem:s3+$0x4830];
	(v2sf) =	vpush v36, $0x0;
	v35 =	vmul.f32 s1, v0;
	s2 =	sadd.f32 s2, s13  }
0x1d3: {  	s14 =	rddreg [dreg:$0x1a];
	v16 =	vld [tilespmem:s31+$0x4840];
	v36 =	vmul.f32 s1, v7;
	(v2sf) =	vpush v41, $0x0;
	v41 =	vmul.f32 s1, v4;
	s1 =	smul.f32 s15, s29  }
0x1d4: {  	s17 =	rddreg [dreg:$0x19];
	v54 =	vld [tilespmem:s3+$0x4800];
	v32 =	vmax.f32 v31, $0.0e+00;
	v33 =	vadd.f32 v20, v12;
	s2 =	smul.f32 s2, s14  }
0x1d5: {  	v31 =	vadd.f32 v19, v25;
	v10 =	vadd.f32 v10, v9;
	v6 =	vmax.f32 v32, v60;
	v60 =	vld [tilespmem:s3+$0x4840];
	s1 =	sadd.f32 s1, s17  }
0x1d6: {  	s19 =	rddreg [dreg:$0x18];
	v24 =	vmax.f32 v23, $0.0e+00;
	v5 =	vadd.f32 v15, v28;
	v55 =	vadd.f32 v55, v29;
	v0 =	vld [tilespmem:s3+$0x4860];
	s2 =	smul.f32 $5.000000000e-01, s2  }
0x1d7: {  	v21 =	vld [tilespmem:s31+$0x4870];
	v11 =	vadd.f32 v1, v27;
	v7 =	vmax.f32 v24, v30;
	v4 =	vadd.f32 v13, v29;
	s1 =	smul.f32 s1, s19  }
0x1d8: {  	[tilespmem:$0x1FF70] =	vst v2;
	v2 =	vld [tilespmem:s3+$0x4810];
	v8 =	vadd.f32 v57, v28;
	v17 =	vadd.f32 v16, v26;
	v32 =	vmul.f32 s2, v10  }
0x1d9: {  	v15 =	vld [tilespmem:$0x1F890];
	s1 =	smul.f32 $5.000000000e-01, s1;
	v22 =	vmul.f32 s2, v4;
	v23 =	vmul.f32 s2, v5;
	v5 =	vadd.f32 v54, v12  }
0x1da: {  	v24 =	vmul.f32 s2, v17;
	v4 =	vld [tilespmem:s3+$0x4870];
	v17 =	vmul.f32 s2, v31;
	v10 =	vadd.f32 v60, v26  }
0x1db: {  	v13 =	vadd.f32 v0, v25;
	v57 =	vmul.f32 s1, v11;
	v20 =	vmul.f32 s1, v5;
	v5 =	vld [tilespmem:$0x1F8B0]  }
0x1dc: {  	v31 =	vmul.f32 s1, v55;
	v55 =	vmul.f32 s1, v10;
	v10 =	vld [tilespmem:$0x1F8D0]  }
0x1dd: {  	[tilespmem:$0x1FFD0] =	vst v57;
	v57 =	vmul.f32 s1, v13;
	v13 =	vld [tilespmem:$0x1F8E0]  }
0x1de: {  	v16 =	vmax.f32 v15, $0.0e+00;
	v15 =	vld [tilespmem:$0x1F8F0];
	v30 =	vmul.f32 s2, v33;
	v33 =	vadd.f32 v21, v14  }
0x1df: {  	v60 =	vld [tilespmem:$0x1F8A0]  }
0x1e0: {  	v54 =	vmul.f32 s2, v33;
	v33 =	vmul.f32 s1, v8;
	v8 =	vld [tilespmem:$0x1F8C0];
	v21 =	vadd.f32 v4, v14  }
0x1e1: {  	v3 =	vmax.f32 v16, v5;
	v11 =	vmax.f32 v10, $0.0e+00;
	v16 =	vld [tilespmem:$0x1F900]  }
0x1e2: {  	v4 =	vmul.f32 s1, v21;
	v21 =	vmax.f32 v11, v13;
	v13 =	vld [tilespmem:$0x1F920]  }
0x1e3: {  	v2 =	vadd.f32 v2, v9;
	(v2sf) =	vpush v37, $0xA;
	_ =	sdelay $0x1  }
0x1e4: {  	v19 =	vmul.f32 s1, v2;
	v0 =	vmax.f32 v60, $0.0e+00;
	v60 =	vld [tilespmem:$0x1F910]  }
0x1e5: {  	v2 =	vmax.f32 v0, v8;
	v0 =	vmax.f32 v15, $0.0e+00;
	v15 =	vld [tilespmem:$0x1F930];
	v1 =	vmax.f32 v16, $0.0e+00  }
0x1e6: {  	v1 =	vmax.f32 v1, v13;
	v13 =	vld [tilespmem:$0x1F940];
	_ =	sdelay $0x2  }
0x1e7: {  	v18 =	vld [tilespmem:s31+$0x4850]  }
0x1e8: {  	v16 =	vmax.f32 v15, $0.0e+00  }
0x1e9: {  	v0 =	vmax.f32 v0, v60;
	v60 =	vmax.f32 v16, v13;
	v16 =	vld [tilespmem:$0x1F960];
	_ =	sdelay $0x2  }
0x1ea: {  	v18 =	vadd.f32 v18, v27;
	s7 =	spop (v2sf);
	v15 =	vld [tilespmem:$0x1F950]  }
0x1eb: {  	s3 =	spop (v2sf)  }
0x1ec: {  	v18 =	vmul.f32 s2, v18;
	s2 =	spop (v2sf);
	v6 =	vmax.f32 v6, v16;
	v16 =	vld [tilespmem:$0x1F990]  }
0x1ed: {  	s8 =	spop (v2sf)  }
0x1ee: {  	v5 =	vld [tilespmem:s8+$0xC800]  }
0x1ef: {  	v7 =	vmax.f32 v7, v15;
	v15 =	vld [tilespmem:$0x1F980]  }
0x1f0: {  	v13 =	vld [tilespmem:$0x1F970]  }
0x1f1: {  	v21 =	vmax.f32 v21, v16;
	v16 =	vld [tilespmem:$0x1F9C0];
	_ =	sdelay $0x2  }
0x1f2: {  	v2 =	vmax.f32 v2, v15;
	v15 =	vld [tilespmem:$0x1F9B0]  }
0x1f3: {  	(v2sf) =	vpush v39, $0xA;
	v3 =	vmax.f32 v3, v13;
	v13 =	vld [tilespmem:$0x1F9A0]  }
0x1f4: {  	(v2sf) =	vpush v5, $0x0;
	v5 =	vmax.f32 v60, v16;
	v16 =	vld [tilespmem:$0x1FA20]  }
0x1f5: {  	v8 =	vld [tilespmem:$0x1F9D0]  }
0x1f6: {  	[tilespmem:$0x1FFE0] =	vst v4;
	v4 =	vld [tilespmem:s8+$0xC980]  }
0x1f7: {  	v1 =	vmax.f32 v1, v15;
	v15 =	vld [tilespmem:$0x1FA10]  }
0x1f8: {  	v11 =	vld [tilespmem:$0x1F9F0];
	v0 =	vmax.f32 v0, v13  }
0x1f9: {  	v0 =	vmax.f32 v0, v16;
	v16 =	vld [tilespmem:$0x1FA70]  }
0x1fa: {  	v10 =	vld [tilespmem:$0x1F9E0]  }
0x1fb: {  	v13 =	vld [tilespmem:$0x1FA00]  }
0x1fc: {  	(v2sf) =	vpush v4, $0x0;
	v4 =	vmax.f32 v7, v8;
	v7 =	vmax.f32 v21, v15;
	v21 =	vld [tilespmem:$0x1FA30]  }
0x1fd: {  	v3 =	vmax.f32 v3, v11;
	v60 =	vld [tilespmem:$0x1FA40]  }
0x1fe: {  	v3 =	vmax.f32 v3, v16;
	v16 =	vld [tilespmem:$0x1FAC0]  }
0x1ff: {  	v15 =	vld [tilespmem:$0x1FA60]  }
0x200: {  	v2 =	vmax.f32 v2, v13;
	v13 =	vld [tilespmem:$0x1FA50]  }
0x201: {  	v1 =	vmax.f32 v1, v21;
	v21 =	vld [tilespmem:$0x1FA80]  }
0x202: {  	v5 =	vmax.f32 v5, v60;
	v60 =	vld [tilespmem:$0x1FA90]  }
0x203: {  	v6 =	vmax.f32 v6, v10;
	v5 =	vmax.f32 v5, v16;
	v16 =	vld [tilespmem:$0x1FB10]  }
0x204: {  	v6 =	vmax.f32 v6, v15;
	v15 =	vld [tilespmem:$0x1FAB0]  }
0x205: {  	v4 =	vmax.f32 v4, v13;
	v13 =	vld [tilespmem:$0x1FAA0]  }
0x206: {  	v2 =	vmax.f32 v2, v21;
	v21 =	vld [tilespmem:$0x1FAD0]  }
0x207: {  	v7 =	vmax.f32 v7, v60;
	v60 =	vld [tilespmem:$0x1FAE0]  }
0x208: {  	v7 =	vmax.f32 v7, v16;
	v16 =	vld [tilespmem:$0x1FB60]  }
0x209: {  	v1 =	vmax.f32 v1, v15;
	v15 =	vld [tilespmem:$0x1FB00]  }
0x20a: {  	v0 =	vmax.f32 v0, v13;
	v13 =	vld [tilespmem:$0x1FAF0]  }
0x20b: {  	v4 =	vmax.f32 v4, v21;
	v21 =	vld [tilespmem:$0x1FB20]  }
0x20c: {  	v6 =	vmax.f32 v6, v60;
	v60 =	vld [tilespmem:$0x1FB30]  }
0x20d: {  	v6 =	vmax.f32 v6, v16;
	v16 =	vld [tilespmem:$0x1FBB0]  }
0x20e: {  	v2 =	vmax.f32 v2, v15;
	v15 =	vld [tilespmem:$0x1FB50]  }
0x20f: {  	v3 =	vmax.f32 v3, v13;
	v13 =	vld [tilespmem:$0x1FB40]  }
0x210: {  	v0 =	vmax.f32 v0, v21;
	v21 =	vld [tilespmem:$0x1FB70]  }
0x211: {  	v1 =	vmax.f32 v1, v60;
	v60 =	vld [tilespmem:$0x1FB80]  }
0x212: {  	v1 =	vmax.f32 v1, v16;
	v16 =	vld [tilespmem:$0x1FC00]  }
0x213: {  	v4 =	vmax.f32 v4, v15;
	v15 =	vld [tilespmem:$0x1FBA0]  }
0x214: {  	v5 =	vmax.f32 v5, v13;
	v13 =	vld [tilespmem:$0x1FB90]  }
0x215: {  	v3 =	vmax.f32 v3, v21;
	v21 =	vld [tilespmem:$0x1FBC0]  }
0x216: {  	v2 =	vmax.f32 v2, v60;
	v60 =	vld [tilespmem:$0x1FBD0]  }
0x217: {  	v2 =	vmax.f32 v2, v16;
	v16 =	vld [tilespmem:$0x1FC50]  }
0x218: {  	v0 =	vmax.f32 v0, v15;
	v15 =	vld [tilespmem:$0x1FBF0]  }
0x219: {  	v7 =	vmax.f32 v7, v13;
	v13 =	vld [tilespmem:$0x1FBE0]  }
0x21a: {  	v5 =	vmax.f32 v5, v21;
	v21 =	vld [tilespmem:$0x1FC10]  }
0x21b: {  	v4 =	vmax.f32 v4, v60;
	v60 =	vld [tilespmem:$0x1FC20]  }
0x21c: {  	v4 =	vmax.f32 v4, v16;
	v16 =	vld [tilespmem:$0x1FCA0]  }
0x21d: {  	v3 =	vmax.f32 v3, v15;
	v15 =	vld [tilespmem:$0x1FC40]  }
0x21e: {  	v6 =	vmax.f32 v6, v13;
	v13 =	vld [tilespmem:$0x1FC30]  }
0x21f: {  	v7 =	vmax.f32 v7, v21;
	v21 =	vld [tilespmem:$0x1FC60]  }
0x220: {  	v0 =	vmax.f32 v0, v60;
	v60 =	vld [tilespmem:$0x1FC70]  }
0x221: {  	v0 =	vmax.f32 v0, v16;
	v16 =	vld [tilespmem:$0x1FCF0];
	_ =	sdelay $0x1  }
0x222: {  	v5 =	vmax.f32 v5, v15;
	v15 =	vld [tilespmem:$0x1FC90]  }
0x223: {  	v1 =	vmax.f32 v1, v13;
	v13 =	vld [tilespmem:$0x1FC80]  }
0x224: {  	v6 =	vmax.f32 v6, v21;
	v21 =	vld [tilespmem:$0x1FCB0];
	v3 =	vmax.f32 v3, v60  }
0x225: {  	(v2sf) =	vpush v37, $0xB;
	v3 =	vmax.f32 v3, v16;
	v16 =	vld [tilespmem:$0x1FD30];
	_ =	sdelay $0x2  }
0x226: {  	v7 =	vmax.f32 v7, v15;
	v15 =	vld [tilespmem:$0x1FCE0]  }
0x227: {  	v2 =	vmax.f32 v2, v13;
	v13 =	vld [tilespmem:$0x1FCD0];
	v1 =	vmax.f32 v1, v21  }
0x228: {  	v1 =	vmax.f32 v1, v16;
	v16 =	vld [tilespmem:$0x1FD60];
	_ =	sdelay $0x2  }
0x229: {  	v6 =	vmax.f32 v6, v15;
	v15 =	vld [tilespmem:$0x1FD20]  }
0x22a: {  	v4 =	vmax.f32 v4, v13;
	v13 =	vld [tilespmem:$0x1FD10]  }
0x22b: {  	v6 =	vmax.f32 v6, v16;
	v16 =	vld [tilespmem:$0x1FD90];
	_ =	sdelay $0x1  }
0x22c: {  	s12 =	spop (v2sf);
	v60 =	vld [tilespmem:$0x1FCC0]  }
0x22d: {  	s1 =	spop (v2sf);
	v0 =	vmax.f32 v0, v15;
	v15 =	vld [tilespmem:$0x1FD50]  }
0x22e: {  	s9 =	spop (v2sf);
	v7 =	vmax.f32 v7, v13;
	v13 =	vld [tilespmem:$0x1FD40]  }
0x22f: {  	s10 =	spop (v2sf);
	v7 =	vmax.f32 v7, v16;
	v16 =	vld [tilespmem:$0x1FDC0]  }
0x230: {  	v21 =	vld [tilespmem:s10+$0xC800]  }
0x231: {  	v5 =	vmax.f32 v5, v60;
	v60 =	vld [tilespmem:$0x1FD00]  }
0x232: {  	v4 =	vmax.f32 v4, v15;
	v15 =	vld [tilespmem:$0x1FD80]  }
0x233: {  	v5 =	vmax.f32 v5, v13;
	v13 =	vld [tilespmem:$0x1FD70]  }
0x234: {  	v5 =	vmax.f32 v5, v16;
	v16 =	vld [tilespmem:$0x1FE00]  }
0x235: {  	(v2sf) =	vpush v39, $0xB  }
0x236: {  	(v2sf) =	vpush v21, $0x0;
	v21 =	vld [tilespmem:$0x1FDD0]  }
0x237: {  	v2 =	vmax.f32 v2, v60;
	v60 =	vld [tilespmem:s10+$0xC980]  }
0x238: {  	v2 =	vmax.f32 v2, v15;
	v3 =	vmax.f32 v3, v13;
	v13 =	vld [tilespmem:$0x1FDA0]  }
0x239: {  	v2 =	vmax.f32 v2, v16;
	v16 =	vld [tilespmem:$0x1FE50];
	_ =	sdelay $0x1  }
0x23a: {  	v4 =	vmax.f32 v4, v21;
	v21 =	vld [tilespmem:$0x1FE10]  }
0x23b: {  	(v2sf) =	vpush v60, $0x0;
	v60 =	vld [tilespmem:$0x1FE20]  }
0x23c: {  	v0 =	vmax.f32 v0, v13;
	v13 =	vld [tilespmem:$0x1FDE0]  }
0x23d: {  	v4 =	vmax.f32 v4, v16;
	v16 =	vld [tilespmem:$0x1FEA0];
	_ =	sdelay $0x1  }
0x23e: {  	v15 =	vld [tilespmem:$0x1FDB0]  }
0x23f: {  	v7 =	vmax.f32 v7, v21;
	v21 =	vld [tilespmem:$0x1FE60]  }
0x240: {  	v0 =	vmax.f32 v0, v60;
	v6 =	vmax.f32 v6, v13;
	v13 =	vld [tilespmem:$0x1FE30]  }
0x241: {  	v0 =	vmax.f32 v0, v16;
	v16 =	vld [tilespmem:$0x1FEE0];
	_ =	sdelay $0x2  }
0x242: {  	v1 =	vmax.f32 v1, v15  }
0x243: {  	v6 =	vmax.f32 v6, v21;
	v1 =	vmax.f32 v1, v13;
	v13 =	vld [tilespmem:$0x1FE80]  }
0x244: {  	v6 =	vmax.f32 v6, v16;
	v16 =	vld [tilespmem:$0x1FF00];
	_ =	sdelay $0x2  }
0x245: {  	v15 =	vld [tilespmem:$0x1FDF0]  }
0x246: {  	v60 =	vld [tilespmem:$0x1FE70];
	v2 =	vmax.f32 v2, v13  }
0x247: {  	v2 =	vmax.f32 v2, v16;
	v16 =	vld [tilespmem:$0x1FF20];
	_ =	sdelay $0x2  }
0x248: {  	v3 =	vmax.f32 v3, v15;
	v15 =	vld [tilespmem:$0x1FE40]  }
0x249: {  	v3 =	vmax.f32 v3, v60;
	v60 =	vld [tilespmem:$0x1FEB0]  }
0x24a: {  	v0 =	vmax.f32 v0, v16;
	v16 =	vld [tilespmem:$0x1FF30];
	_ =	sdelay $0x2  }
0x24b: {  	v5 =	vmax.f32 v5, v15;
	v15 =	vld [tilespmem:$0x1FE90]  }
0x24c: {  	v1 =	vmax.f32 v1, v60;
	v13 =	vld [tilespmem:$0x1FEC0]  }
0x24d: {  	v1 =	vmax.f32 v1, v16;
	v16 =	vld [tilespmem:$0x1FF40];
	_ =	sdelay $0x3  }
0x24e: {  	v7 =	vmax.f32 v7, v15;
	v15 =	vld [tilespmem:$0x1FED0];
	v5 =	vmax.f32 v5, v13  }
0x24f: {  	(v2sf) =	vpush v37, $0xC;
	v5 =	vmax.f32 v5, v16;
	v16 =	vld [tilespmem:$0x1FF50]  }
0x250: {  	s6 =	sshll.u32 s6, $0x9  }
0x251: {  	s6 =	sshra.s32 s6, $0x2;
	v46 =	vmax.f32 v46, $0.0e+00  }
0x252: {  	v34 =	vmax.f32 v46, v34;
	v46 =	vld [tilespmem:s6+$0x4800]  }
0x253: {  	s28 =	sshll.u32 s28, $0x9;
	v49 =	vmax.f32 v49, $0.0e+00;
	v4 =	vmax.f32 v4, v15;
	v8 =	vmax.f32 v0, v61;
	v0 =	vld [tilespmem:$0x1FFA0]  }
0x254: {  	v40 =	vmax.f32 v49, v40;
	s31 =	sshra.s32 s28, $0x2;
	v4 =	vmax.f32 v4, v16;
	v16 =	vld [tilespmem:$0x1FF60]  }
0x255: {  	v23 =	vmax.f32 v40, v23;
	v40 =	vld [tilespmem:s31+$0x4870];
	v24 =	vmax.f32 v34, v24  }
0x256: {  	v24 =	vmax.f32 v24, v55;
	v55 =	vld [tilespmem:$0x1FFD0]  }
0x257: {  	s21 =	rddreg [dreg:$0x15];
	v13 =	vld [tilespmem:$0x1FEF0]  }
0x258: {  	s5 =	sshll.u32 s21, $0x9;
	v1 =	vmax.f32 v1, v0;
	v0 =	vld [tilespmem:$0x1FFB0]  }
0x259: {  	s5 =	sshra.s32 s5, $0x2;
	v6 =	vmax.f32 v6, v16;
	v16 =	vld [tilespmem:$0x1FF70]  }
0x25a: {  	v10 =	vld [tilespmem:s5+$0x4840]  }
0x25b: {  	v11 =	vld [tilespmem:s5+$0x4850];
	s14 =	spop (v2sf)  }
0x25c: {  	s17 =	spop (v2sf);
	v21 =	vld [tilespmem:s5+$0x4800]  }
0x25d: {  	s13 =	spop (v2sf);
	v3 =	vmax.f32 v3, v13;
	v0 =	vmax.f32 v5, v0;
	v5 =	vmax.f32 v4, v63;
	v63 =	vld [tilespmem:$0x1FFC0]  }
0x25e: {  	v48 =	vmax.f32 v48, $0.0e+00;
	s15 =	spop (v2sf);
	v3 =	vmax.f32 v3, v16;
	v16 =	vld [tilespmem:$0x1FF80]  }
0x25f: {  	v41 =	vmax.f32 v48, v41;
	v48 =	vld [tilespmem:s15+$0xC980]  }
0x260: {  	v13 =	vld [tilespmem:$0x1FF10]  }
0x261: {  	v61 =	vld [tilespmem:s5+$0x4860]  }
0x262: {  	v4 =	vmax.f32 v6, v63;
	v63 =	vmax.f32 v3, v59;
	v3 =	vmax.f32 v1, v52;
	v52 =	vld [tilespmem:s31+$0x4840]  }
0x263: {  	v2 =	vmax.f32 v2, v16;
	v16 =	vld [tilespmem:$0x1FF90]  }
0x264: {  	v47 =	vmax.f32 v47, $0.0e+00;
	v60 =	vld [tilespmem:s5+$0x4810]  }
0x265: {  	v44 =	vmax.f32 v44, $0.0e+00;
	v35 =	vmax.f32 v47, v35;
	v15 =	vld [tilespmem:s5+$0x4820]  }
0x266: {  	v38 =	vmax.f32 v44, v38;
	v34 =	vmax.f32 v35, v18;
	v7 =	vmax.f32 v7, v13;
	v13 =	vld [tilespmem:s5+$0x4830]  }
0x267: {  	v35 =	vmax.f32 v38, v54;
	v54 =	vadd.f32 v61, v25;
	v0 =	vmax.f32 v0, v53;
	v1 =	vld [tilespmem:s31+$0x4810]  }
0x268: {  	v59 =	vmax.f32 v2, v62;
	v62 =	vld [tilespmem:s31+$0x4800];
	v61 =	vadd.f32 v52, v26;
	v7 =	vmax.f32 v7, v16  }
0x269: {  	v52 =	vld [tilespmem:s6+$0x4840];
	v6 =	vmax.f32 v7, v56;
	v7 =	vmax.f32 v8, v58;
	v58 =	vmax.f32 v51, $0.0e+00  }
0x26a: {  	[tilespmem:$0x1FFF0] =	vst v0;
	v0 =	vmax.f32 v58, v43;
	v58 =	vld [tilespmem:s15+$0xC800]  }
0x26b: {  	v45 =	vmax.f32 v45, $0.0e+00;
	v16 =	vld [tilespmem:s5+$0x4870]  }
0x26c: {  	s21 =	rddreg [dreg:$0x12];
	v36 =	vmax.f32 v45, v36;
	v22 =	vmax.f32 v41, v22;
	v56 =	vmax.f32 v50, $0.0e+00;
	v50 =	vld [tilespmem:s31+$0x4820]  }
0x26d: {  	s19 =	smul.f32 s21, s29;
	v17 =	vmax.f32 v36, v17;
	v22 =	vmax.f32 v22, v31;
	v40 =	vadd.f32 v40, v14;
	v51 =	vld [tilespmem:s31+$0x4830]  }
0x26e: {  	s16 =	sshll.u32 s16, $0x9;
	s28 =	rddreg [dreg:$0x11];
	(v2sf) =	vpush v39, $0xC;
	v8 =	vmax.f32 v56, v42;
	v0 =	vmax.f32 v0, v30;
	v30 =	vld [tilespmem:s31+$0x4850]  }
0x26f: {  	s19 =	sadd.f32 s19, s28;
	v10 =	vadd.f32 v10, v26;
	v8 =	vmax.f32 v8, v32;
	v32 =	vld [tilespmem:s31+$0x4860];
	s31 =	sshra.s32 s16, $0x2;
	(v2sf) =	vpush v58, $0x0  }
0x270: {  	s21 =	rddreg [dreg:$0x14];
	v23 =	vmax.f32 v23, v33;
	v11 =	vadd.f32 v11, v27;
	v18 =	vld [tilespmem:s31+$0x4800];
	(v2sf) =	vpush v48, $0x0  }
0x271: {  	s28 =	rddreg [dreg:$0x13];
	v49 =	vadd.f32 v21, v12;
	s16 =	smul.f32 s19, s21;
	v8 =	vmax.f32 v8, v19;
	v19 =	vld [tilespmem:s31+$0x4810];
	(v2sf) =	vpush v37, $0xD  }
0x272: {  	v17 =	vmax.f32 v17, v57;
	v15 =	vadd.f32 v15, v29;
	v13 =	vadd.f32 v13, v28;
	s19 =	smul.f32 s28, s29;
	v21 =	vld [tilespmem:s31+$0x4820]  }
0x273: {  	v34 =	vmax.f32 v34, v55;
	v53 =	vadd.f32 v60, v9;
	v1 =	vadd.f32 v1, v9;
	v33 =	vld [tilespmem:s31+$0x4830];
	s16 =	smul.f32 $5.000000000e-01, s16  }
0x274: {  	v56 =	vadd.f32 v62, v12;
	v0 =	vmax.f32 v0, v20;
	v20 =	vld [tilespmem:s31+$0x4840];
	s19 =	sadd.f32 s19, s24;
	v16 =	vadd.f32 v16, v14  }
0x275: {  	v38 =	vld [tilespmem:s31+$0x4850];
	v60 =	vadd.f32 v51, v28;
	v36 =	vmul.f32 s16, v49;
	v31 =	vmul.f32 s16, v53  }
0x276: {  	v42 =	vld [tilespmem:s31+$0x4860];
	s19 =	smul.f32 s19, s30;
	v15 =	vmul.f32 s16, v15;
	v13 =	vmul.f32 s16, v13;
	s30 =	rddreg [dreg:$0x17];
	v58 =	vadd.f32 v50, v29  }
0x277: {  	v43 =	vld [tilespmem:s31+$0x4870];
	v10 =	vmul.f32 s16, v10;
	s21 =	smul.f32 s30, s29;
	v30 =	vadd.f32 v30, v27;
	v32 =	vadd.f32 v32, v25  }
0x278: {  	v51 =	vld [tilespmem:s6+$0x4830];
	v11 =	vmul.f32 s16, v11;
	v18 =	vadd.f32 v18, v12;
	v19 =	vadd.f32 v19, v9  }
0x279: {  	v41 =	vmul.f32 s16, v54;
	v50 =	vld [tilespmem:s6+$0x4820];
	v62 =	vadd.f32 v21, v29;
	v2 =	vadd.f32 v33, v28;
	s21 =	sadd.f32 s21, s25  }
0x27a: {  	s24 =	rddreg [dreg:$0x16];
	v16 =	vmul.f32 s16, v16;
	v53 =	vld [tilespmem:s6+$0x4850];
	s31 =	smul.f32 $5.000000000e-01, s19;
	v20 =	vadd.f32 v20, v26;
	v38 =	vadd.f32 v38, v27  }
0x27b: {  	s28 =	sshll.u32 s22, $0x9;
	v48 =	vld [tilespmem:s6+$0x4810];
	v42 =	vadd.f32 v42, v25;
	v0 =	vmax.f32 v0, v36;
	v8 =	vmax.f32 v8, v31;
	s16 =	smul.f32 s21, s24  }
0x27c: {  	s20 =	smul.f32 s20, s29;
	s22 =	sshra.s32 s28, $0x2;
	v33 =	vld [tilespmem:s6+$0x4870];
	v15 =	vmax.f32 v22, v15;
	v13 =	vmax.f32 v23, v13;
	v44 =	vmul.f32 s31, v56  }
0x27d: {  	v31 =	vld [tilespmem:s22+$0x4820];
	v10 =	vmax.f32 v24, v10;
	v1 =	vmul.f32 s31, v1;
	v45 =	vmul.f32 s31, v58;
	s25 =	smul.f32 $5.000000000e-01, s16;
	s16 =	spop (v2sf)  }
0x27e: {  	s18 =	sadd.f32 s20, s18;
	v22 =	vld [tilespmem:s22+$0x4830];
	v11 =	vmax.f32 v34, v11;
	v47 =	vmul.f32 s31, v60;
	v49 =	vmul.f32 s31, v61;
	s19 =	spop (v2sf)  }
0x27f: {  	v17 =	vmax.f32 v17, v41;
	v30 =	vmul.f32 s31, v30;
	v32 =	vmul.f32 s31, v32;
	v56 =	vld [tilespmem:s6+$0x4860];
	s6 =	spop (v2sf)  }
0x280: {  	s0 =	smul.f32 s18, s0;
	v24 =	vld [tilespmem:s22+$0x4850];
	v40 =	vmul.f32 s31, v40;
	v55 =	vadd.f32 v53, v27;
	v54 =	vmul.f32 s25, v18;
	s5 =	spop (v2sf)  }
0x281: {  	s3 =	smul.f32 s3, s29;
	s30 =	rddreg [dreg:$0x1e];
	v0 =	vmax.f32 v0, v44;
	v18 =	vmul.f32 s25, v20;
	v20 =	vmul.f32 s25, v42;
	v42 =	vld [tilespmem:s5+$0xC800]  }
0x282: {  	s4 =	sshll.u32 s4, $0x9;
	s21 =	smul.f32 s30, s29;
	v1 =	vmax.f32 v8, v1;
	v45 =	vmax.f32 v15, v45;
	v36 =	vmax.f32 v10, v49;
	v57 =	vld [tilespmem:s5+$0xC980]  }
0x283: {  	s4 =	sshra.s32 s4, $0x2;
	s3 =	sadd.f32 s3, s7;
	v15 =	vld [tilespmem:s22+$0x4860];
	v30 =	vmax.f32 v11, v30;
	v32 =	vmax.f32 v17, v32;
	v17 =	vadd.f32 v51, v28  }
0x284: {  	s0 =	smul.f32 $5.000000000e-01, s0;
	v51 =	vld [tilespmem:s4+$0x4850];
	(v2sf) =	vpush v39, $0xD;
	s21 =	sadd.f32 s21, s23;
	v61 =	vmul.f32 s25, v2;
	v2 =	vadd.f32 v43, v14  }
0x285: {  	s1 =	smul.f32 s1, s29;
	v23 =	vld [tilespmem:s22+$0x4840];
	s31 =	rddreg [dreg:$0x1c];
	v24 =	vadd.f32 v24, v27;
	v19 =	vmul.f32 s25, v19;
	v58 =	vmul.f32 s25, v62  }
0x286: {  	v34 =	vld [tilespmem:s22+$0x4870];
	v38 =	vmul.f32 s25, v38;
	s21 =	smul.f32 s21, s31;
	v21 =	vmul.f32 s25, v2;
	(v2sf) =	vpush v42, $0x0  }
0x287: {  	s2 =	smul.f32 s3, s2;
	v62 =	vld [tilespmem:$0x1FFE0];
	v8 =	vmax.f32 v45, v58;
	v58 =	vadd.f32 v48, v9;
	(v2sf) =	vpush v57, $0x0  }
0x288: {  	s1 =	sadd.f32 s1, s12;
	v43 =	vld [tilespmem:s22+$0x4810];
	v41 =	vmax.f32 v0, v54;
	s21 =	smul.f32 $5.000000000e-01, s21;
	v54 =	vadd.f32 v52, v26;
	(v2sf) =	vpush v37, $0xE  }
0x289: {  	s10 =	sshll.u32 s10, $0x9;
	v60 =	vld [tilespmem:s22+$0x4800];
	s23 =	smul.f32 $5.000000000e-01, s2;
	v15 =	vadd.f32 v15, v25;
	v51 =	vadd.f32 v51, v27;
	v18 =	vmax.f32 v36, v18  }
0x28a: {  	s1 =	smul.f32 s1, s9;
	s31 =	sshra.s32 s10, $0x2;
	v45 =	vld [tilespmem:s4+$0x4830];
	v30 =	vmax.f32 v30, v38;
	v49 =	vmul.f32 s21, v17;
	v52 =	vmul.f32 s21, v55  }
0x28b: {  	s9 =	smul.f32 s17, s29;
	v36 =	vld [tilespmem:s31+$0x4800];
	v20 =	vmax.f32 v32, v20;
	v15 =	vmul.f32 s0, v15;
	v51 =	vmul.f32 s23, v51  }
0x28c: {  	s8 =	sshll.u32 s8, $0x9;
	v32 =	vld [tilespmem:s31+$0x4810];
	v35 =	vmax.f32 v35, v62;
	v62 =	vadd.f32 v50, v29;
	v50 =	vmul.f32 s21, v54  }
0x28d: {  	s22 =	sshra.s32 s8, $0x2;
	s8 =	sadd.f32 s9, s14;
	v48 =	vld [tilespmem:s4+$0x4840];
	v11 =	vadd.f32 v43, v9;
	v16 =	vmax.f32 v35, v16;
	v35 =	vmax.f32 v13, v47  }
0x28e: {  	v13 =	vld [tilespmem:s4+$0x4800];
	v30 =	vmax.f32 v30, v52;
	v40 =	vmax.f32 v16, v40;
	v47 =	vmul.f32 s21, v62  }
0x28f: {  	s8 =	smul.f32 s8, s13;
	v55 =	vld [tilespmem:s22+$0x4820];
	v62 =	vadd.f32 v60, v12;
	v11 =	vmul.f32 s0, v11;
	v60 =	vadd.f32 v23, v26  }
0x290: {  	v23 =	vld [tilespmem:s22+$0x4810];
	v35 =	vmax.f32 v35, v61;
	v18 =	vmax.f32 v18, v50;
	v36 =	vadd.f32 v36, v12  }
0x291: {  	s8 =	smul.f32 $5.000000000e-01, s8;
	v16 =	vld [tilespmem:s4+$0x4810];
	v32 =	vadd.f32 v32, v9;
	v21 =	vmax.f32 v40, v21;
	v35 =	vmax.f32 v35, v49  }
0x292: {  	v54 =	vmul.f32 s0, v62;
	v62 =	vadd.f32 v34, v14;
	v42 =	vmax.f32 v1, v19;
	v19 =	vld [tilespmem:s4+$0x4820]  }
0x293: {  	v8 =	vmax.f32 v8, v47;
	v47 =	vld [tilespmem:s31+$0x4870];
	v36 =	vmul.f32 s8, v36;
	v0 =	vadd.f32 v13, v12  }
0x294: {  	v55 =	vadd.f32 v55, v29;
	v32 =	vmul.f32 s8, v32;
	v13 =	vmul.f32 s0, v24;
	s24 =	spop (v2sf)  }
0x295: {  	v24 =	vadd.f32 v45, v28;
	v23 =	vadd.f32 v23, v9;
	v17 =	vmul.f32 s23, v0;
	s25 =	spop (v2sf)  }
0x296: {  	s1 =	smul.f32 $5.000000000e-01, s1;
	v0 =	vadd.f32 v48, v26;
	v1 =	vmul.f32 s0, v60;
	v60 =	vadd.f32 v16, v9;
	s28 =	spop (v2sf)  }
0x297: {  	v48 =	vld [tilespmem:s22+$0x4860];
	v24 =	vmul.f32 s23, v24;
	v16 =	vmul.f32 s0, v62;
	v62 =	vadd.f32 v19, v29;
	s30 =	spop (v2sf)  }
0x298: {  	v23 =	vmul.f32 s1, v23;
	v47 =	vadd.f32 v47, v14;
	v19 =	vmul.f32 s23, v60;
	v60 =	vld [tilespmem:s30+$0xC800]  }
0x299: {  	v57 =	vadd.f32 v46, v12;
	v46 =	vmul.f32 s21, v58;
	v34 =	vmul.f32 s23, v62;
	v62 =	vld [tilespmem:s30+$0xC980]  }
0x29a: {  	v61 =	vld [tilespmem:s22+$0x4870];
	v58 =	vadd.f32 v33, v14;
	v45 =	vmul.f32 s23, v0;
	v47 =	vmul.f32 s8, v47  }
0x29b: {  	v33 =	vld [tilespmem:s4+$0x4860];
	v1 =	vmax.f32 v18, v1;
	v44 =	vmul.f32 s21, v57;
	v57 =	vadd.f32 v56, v25  }
0x29c: {  	v43 =	vmul.f32 s21, v58;
	v58 =	vadd.f32 v22, v28;
	v22 =	vld [tilespmem:s22+$0x4800];
	(v2sf) =	vpush v39, $0xE  }
0x29d: {  	v56 =	vld [tilespmem:s22+$0x4830];
	v40 =	vmax.f32 v42, v46;
	v1 =	vmax.f32 v1, v45;
	(v2sf) =	vpush v60, $0x0  }
0x29e: {  	v42 =	vld [tilespmem:s31+$0x4830];
	v48 =	vadd.f32 v48, v25;
	v11 =	vmax.f32 v40, v11;
	(v2sf) =	vpush v62, $0x0  }
0x29f: {  	v46 =	vld [tilespmem:s31+$0x4860];
	v53 =	vmul.f32 s21, v57;
	v57 =	vadd.f32 v31, v29;
	(v2sf) =	vpush v37, $0xF  }
0x2a0: {  	v31 =	vld [tilespmem:s4+$0x4870];
	v2 =	vmul.f32 s0, v58;
	v0 =	vmax.f32 v41, v44;
	v21 =	vmax.f32 v21, v43  }
0x2a1: {  	s10 =	sshll.u32 s15, $0x9;
	v41 =	vld [tilespmem:s31+$0x4820];
	v43 =	vmul.f32 s1, v55;
	v33 =	vadd.f32 v33, v25;
	v38 =	vmax.f32 v0, v54  }
0x2a2: {  	s12 =	sshra.s32 s10, $0x2;
	s14 =	smul.f32 s19, s29;
	v44 =	vld [tilespmem:s31+$0x4840];
	v48 =	vmul.f32 s1, v48;
	v10 =	vmul.f32 s0, v57;
	v20 =	vmax.f32 v20, v53  }
0x2a3: {  	v54 =	vld [tilespmem:s12+$0x4810];
	v2 =	vmax.f32 v35, v2;
	v35 =	vmax.f32 v30, v13;
	v11 =	vmax.f32 v11, v19  }
0x2a4: {  	s9 =	sadd.f32 s14, s16;
	v0 =	vld [tilespmem:s12+$0x4800];
	v33 =	vmul.f32 s23, v33;
	v22 =	vadd.f32 v22, v12;
	v56 =	vadd.f32 v56, v28  }
0x2a5: {  	s5 =	sshll.u32 s5, $0x9;
	v58 =	vld [tilespmem:s22+$0x4850];
	v42 =	vadd.f32 v42, v28;
	v46 =	vadd.f32 v46, v25;
	v13 =	vmax.f32 v20, v15  }
0x2a6: {  	s5 =	sshra.s32 s5, $0x2;
	s15 =	smul.f32 s9, s6;
	v57 =	vld [tilespmem:s22+$0x4840];
	v2 =	vmax.f32 v2, v24;
	v11 =	vmax.f32 v11, v23;
	v8 =	vmax.f32 v8, v10  }
0x2a7: {  	v10 =	vmax.f32 v35, v51;
	v35 =	vld [tilespmem:s5+$0x4810];
	v11 =	vmax.f32 v11, v32;
	v31 =	vadd.f32 v31, v14  }
0x2a8: {  	s9 =	smul.f32 $5.000000000e-01, s15;
	v49 =	vmul.f32 s1, v56;
	v56 =	vld [tilespmem:s12+$0x4820];
	v41 =	vadd.f32 v41, v29;
	v54 =	vadd.f32 v54, v9  }
0x2a9: {  	v22 =	vmul.f32 s1, v22;
	v44 =	vadd.f32 v44, v26;
	v53 =	vadd.f32 v0, v12;
	v0 =	vld [tilespmem:s12+$0x4870];
	s0 =	sshll.u32 s30, $0x9  }
0x2aa: {  	v42 =	vmul.f32 s8, v42;
	v2 =	vmax.f32 v2, v49;
	v49 =	vld [tilespmem:s5+$0x4870];
	v54 =	vmul.f32 s9, v54;
	s20 =	sshra.s32 s0, $0x2  }
0x2ab: {  	v46 =	vmul.f32 s8, v46;
	v8 =	vmax.f32 v8, v34;
	s4 =	smul.f32 s25, s29;
	s16 =	spop (v2sf);
	v51 =	vld [tilespmem:s20+$0x4810];
	v62 =	vadd.f32 v58, v27  }
0x2ac: {  	v13 =	vmax.f32 v13, v33;
	v8 =	vmax.f32 v8, v43;
	v11 =	vmax.f32 v11, v54;
	v54 =	vld [tilespmem:s20+$0x4840];
	s17 =	spop (v2sf)  }
0x2ad: {  	s2 =	sadd.f32 s4, s24;
	v60 =	vadd.f32 v57, v26;
	v57 =	vld [tilespmem:s12+$0x4830];
	v52 =	vmul.f32 s1, v62;
	v62 =	vadd.f32 v61, v14;
	s18 =	spop (v2sf)  }
0x2ae: {  	v13 =	vmax.f32 v13, v48;
	v31 =	vmul.f32 s23, v31;
	v41 =	vmul.f32 s8, v41;
	v58 =	vld [tilespmem:s12+$0x4840];
	s19 =	spop (v2sf)  }
0x2af: {  	v56 =	vadd.f32 v56, v29;
	s2 =	smul.f32 s2, s28;
	v55 =	vmul.f32 s1, v62;
	v62 =	vadd.f32 v0, v14;
	v0 =	vld [tilespmem:s19+$0xC800]  }
0x2b0: {  	v44 =	vmul.f32 s8, v44;
	v13 =	vmax.f32 v13, v46;
	v53 =	vmul.f32 s9, v53;
	v37 =	vld [tilespmem:s31+$0x4850]  }
0x2b1: {  	v18 =	vadd.f32 v35, v9;
	v56 =	vmul.f32 s9, v56;
	s2 =	smul.f32 $5.000000000e-01, s2;
	v50 =	vmul.f32 s1, v60;
	v60 =	vld [tilespmem:s12+$0x4850]  }
0x2b2: {  	v2 =	vmax.f32 v2, v42;
	v8 =	vmax.f32 v8, v41;
	v23 =	vadd.f32 v49, v14;
	v61 =	vld [tilespmem:s12+$0x4860]  }
0x2b3: {  	v8 =	vmax.f32 v8, v56;
	v18 =	vmul.f32 s2, v18;
	(v2sf) =	vpush v39, $0xF;
	v34 =	vld [tilespmem:s19+$0xC980]  }
0x2b4: {  	v23 =	vmul.f32 s2, v23;
	v33 =	vadd.f32 v54, v26;
	v39 =	vld [tilespmem:s5+$0x4830];
	(v2sf) =	vpush v0, $0x0  }
0x2b5: {  	v11 =	vmax.f32 v11, v18;
	v1 =	vmax.f32 v1, v50;
	v50 =	vld [tilespmem:s20+$0x4800];
	v57 =	vadd.f32 v57, v28  }
0x2b6: {  	v10 =	vmax.f32 v10, v52;
	v1 =	vmax.f32 v1, v44;
	v58 =	vadd.f32 v58, v26  }
0x2b7: {  	v30 =	vld [tilespmem:s5+$0x4800];
	v37 =	vadd.f32 v37, v27;
	v60 =	vadd.f32 v60, v27;
	v57 =	vmul.f32 s9, v57  }
0x2b8: {  	v45 =	vld [tilespmem:s5+$0x4850];
	v61 =	vadd.f32 v61, v25;
	v58 =	vmul.f32 s9, v58;
	(v2sf) =	vpush v34, $0x0  }
0x2b9: {  	v43 =	vld [tilespmem:s5+$0x4840];
	v20 =	vadd.f32 v39, v28;
	v37 =	vmul.f32 s8, v37;
	v40 =	vmul.f32 s9, v60  }
0x2ba: {  	v48 =	vld [tilespmem:s5+$0x4860];
	v2 =	vmax.f32 v2, v57;
	v56 =	vadd.f32 v50, v12;
	v57 =	vadd.f32 v51, v9  }
0x2bb: {  	v52 =	vld [tilespmem:s20+$0x4820];
	v60 =	vmul.f32 s9, v61;
	v61 =	vmul.f32 s9, v62;
	v62 =	vmax.f32 v21, v16  }
0x2bc: {  	v21 =	vmax.f32 v38, v17;
	v38 =	vld [tilespmem:s5+$0x4820];
	v17 =	vadd.f32 v30, v12;
	v20 =	vmul.f32 s2, v20  }
0x2bd: {  	v1 =	vmax.f32 v1, v58;
	v15 =	vmax.f32 v62, v31;
	v16 =	vmax.f32 v21, v22;
	v31 =	vld [tilespmem:s20+$0x4870];
	s21 =	smul.f32 s17, s29  }
0x2be: {  	v10 =	vmax.f32 v10, v37;
	v15 =	vmax.f32 v15, v55;
	v16 =	vmax.f32 v16, v36;
	v55 =	vld [tilespmem:s20+$0x4850]  }
0x2bf: {  	v21 =	vadd.f32 v43, v26;
	v15 =	vmax.f32 v15, v47;
	v16 =	vmax.f32 v16, v53;
	v53 =	vld [tilespmem:s20+$0x4830];
	s0 =	sadd.f32 s21, s16;
	s24 =	sshll.u32 s19, $0x9  }
0x2c0: {  	v22 =	vadd.f32 v48, v25;
	v62 =	vadd.f32 v52, v29;
	v15 =	vmax.f32 v15, v61;
	v61 =	vld [tilespmem:s20+$0x4860];
	s4 =	sshra.s32 s24, $0x2  }
0x2c1: {  	v17 =	vmul.f32 s2, v17;
	v10 =	vmax.f32 v10, v40;
	v21 =	vmul.f32 s2, v21;
	s0 =	smul.f32 s0, s18;
	v58 =	vld [tilespmem:s4+$0x4800]  }
0x2c2: {  	v13 =	vmax.f32 v13, v60;
	v22 =	vmul.f32 s2, v22;
	v19 =	vadd.f32 v38, v29;
	s22 =	spop (v2sf);
	v60 =	vld [tilespmem:s4+$0x4810]  }
0x2c3: {  	v2 =	vmax.f32 v2, v20;
	v16 =	vmax.f32 v16, v17;
	v1 =	vmax.f32 v1, v21;
	v37 =	vld [tilespmem:s4+$0x4830];
	s0 =	smul.f32 $5.000000000e-01, s0;
	s23 =	spop (v2sf)  }
0x2c4: {  	v13 =	vmax.f32 v13, v22;
	v51 =	vadd.f32 v31, v14;
	v19 =	vmul.f32 s2, v19;
	v38 =	vld [tilespmem:s4+$0x4840];
	s1 =	smul.f32 s23, s29  }
0x2c5: {  	v15 =	vmax.f32 v15, v23;
	v17 =	vadd.f32 v55, v27;
	v30 =	vadd.f32 v53, v28;
	v40 =	vld [tilespmem:s4+$0x4850]  }
0x2c6: {  	v8 =	vmax.f32 v8, v19;
	v43 =	vadd.f32 v61, v25;
	v42 =	vld [tilespmem:s4+$0x4860];
	v18 =	vmul.f32 s0, v56;
	s1 =	sadd.f32 s1, s22  }
0x2c7: {  	[tilespmem:s11+$0xFFFFFF80] =	vst v5;
	v0 =	vadd.f32 v45, v27;
	v19 =	vmul.f32 s0, v57;
	v34 =	vld [tilespmem:s4+$0x4820];
	v35 =	vmul.f32 s0, v62;
	s28 =	spop (v2sf)  }
0x2c8: {  	[tilespmem:s11+$0xFFFFFF90] =	vst v4;
	v36 =	vmul.f32 s0, v30;
	v39 =	vmul.f32 s0, v17;
	v12 =	vadd.f32 v58, v12;
	s1 =	smul.f32 s1, s28  }
0x2c9: {  	[tilespmem:s11+$0xFFFFFFD0] =	vst v7;
	v49 =	vld [tilespmem:$0x1FFF0];
	v7 =	vmul.f32 s0, v43;
	v9 =	vadd.f32 v60, v9;
	v48 =	vadd.f32 v37, v28  }
0x2ca: {  	[tilespmem:s11+$0xFFFFFFA0] =	vst v63;
	v0 =	vmul.f32 s2, v0;
	v50 =	vadd.f32 v38, v26;
	v52 =	vadd.f32 v40, v27;
	s1 =	smul.f32 $5.000000000e-01, s1  }
0x2cb: {  	[tilespmem:s11+$0xFFFFFFE0] =	vst v3;
	v45 =	vld [tilespmem:s4+$0x4870];
	v55 =	vadd.f32 v42, v25;
	v58 =	vmul.f32 s0, v51;
	v32 =	vmax.f32 v16, v18  }
0x2cc: {  	[tilespmem:s11+$0xFFFFFFB0] =	vst v59;
	v11 =	vmax.f32 v11, v19;
	v44 =	vadd.f32 v34, v29;
	v41 =	vmul.f32 s1, v12  }
0x2cd: {  	[tilespmem:s11+$0xFFFFFFC0] =	vst v6;
	v16 =	vmul.f32 s0, v33;
	v4 =	vmax.f32 v8, v35;
	v9 =	vmul.f32 s1, v9  }
0x2ce: {  	[tilespmem:s11+$0xFFFFFFF0] =	vst v49;
	v2 =	vmax.f32 v2, v36;
	v8 =	vmul.f32 s1, v44;
	v46 =	vmax.f32 v32, v41  }
0x2cf: {  	s30 =	rddreg [dreg:$0xd];
	v0 =	vmax.f32 v10, v0;
	v6 =	vmul.f32 s1, v48;
	v47 =	vmax.f32 v11, v9;
	[tilespmem:s11+$0x0] =	vst v46  }
0x2d0: {  	s0 =	sadd.s32 $0x2, s30;
	v57 =	vadd.f32 v45, v14;
	v54 =	vmul.f32 s1, v50;
	v53 =	vmax.f32 v4, v8;
	[tilespmem:s11+$0x10] =	vst v47  }
0x2d1: {  	p0 =	slt.u32 s0, $0x3E;
	v1 =	vmax.f32 v1, v16;
	v56 =	vmul.f32 s1, v52;
	v2 =	vmax.f32 v2, v6;
	[tilespmem:s11+$0x20] =	vst v53  }
.Ltmp0:
0x2d2: {  	v0 =	vmax.f32 v0, v39;
	v61 =	vmul.f32 s1, v57;
	v1 =	vmax.f32 v1, v54;
	[tilespmem:s11+$0x30] =	vst v2;
	(pc) =	sbr.rel @p0 .LBB2_2-.Ltmp0, $4  }
0x2d3: {  	s25 =	rddreg [dreg:$0x10];
	v62 =	vmax.f32 v15, v58;
	v59 =	vmul.f32 s1, v55;
	v0 =	vmax.f32 v0, v56;
	[tilespmem:s11+$0x40] =	vst v1  }
0x2d4: {  	s31 =	rddreg [dreg:$0xe];
	v60 =	vmax.f32 v13, v7;
	v63 =	vmax.f32 v62, v61;
	[tilespmem:s11+$0x50] =	vst v0  }
0x2d5: {  	s26 =	sadd.s32 $0x100, s26;
	s3 =	sadd.s32 $0x2, s25;
	s29 =	rddreg [dreg:$0xf];
	v2 =	vmax.f32 v60, v59;
	[tilespmem:s11+$0x70] =	vst v63  }
0x2d6: {  	s2 =	sadd.s32 $0x20, s29;
	s1 =	sadd.s32 $0x20, s31;
	[tilespmem:s11+$0x60] =	vst v2;
	s11 =	sadd.s32 $0x100, s11  }
0x2d7: {  	s11 =	simm.s32 $0x0  }
0x2d8: {  	s0 =	rddreg [dreg:$0x9];
	s1 =	simm.s32 $0x2800;
	s30 =	simm.s32 $0x3  }
0x2d9: {  	[hbm4b:s0+s11] =	stream.linear.scatter [tilespmem:s1], [sflag:$0x3], $0x2000, $0x38;
	[tilespmem:$0xCB00] =	vst v63  }
0x2da: {  	_ =	swait.ge [sflag:s30], $0x2000  }
0x2db: {  	s2 =	rddreg [dreg:$0xc]  }
0x2dc: {  	s31 =	rddreg [dreg:$0xa];
	s2 =	sadd.s32 $0x1, s2  }
0x2dd: {  	p0 =	sne.s32 s2, s31  }
.Ltmp1:
0x2de: {  	_ = 	snop;
	(pc) =	sbr.rel @p0 .LBB2_1-.Ltmp1, $3  }
0x2df: {  	_ =	sdelay $0x1  }
0x2e0: {  	[sflag:s30] =	ssyncset.done $0x0  }
0x2e1: {  	[sflag:s30] =	ssyncadd.s32 $0xFFFFE000  }
0x2e2: {  	_ =	sfence.sel $0x180000  }
0x2e3: {  	[bflag:$0x0] =	sbarrier.arrive $0xFFFF  }
0x2e4: {  	_ =	strace $0x90000047  }
0x2e5: {  	s0 =	stileid.u32;
	[bflag:$0x2] =	sbarrier.arrive $0xFFFF  }
0x2e6: {  	p0 =	sne.s32 s0, $0x0;
	s0 =	rddreg [dreg:$0x2]  }
0x2e7: {  	s0 =	sadd.s32 @!p0 $0x100000, s0  }
0x2e8: {  	[sflag:s0] =	ssyncadd.tile.s32 @!p0 $0x1;
	_ =	shalt  }
.Lfunc_end2:
_tile_overlayer_lowered:
.L_overlay_start_2:
0x2e9: {  	(tag) =	ssettag $0x2  }
0x2ea: {  	s0 =	rddreg [dreg:$0x0];
	s2 =	stileid.u32  }
0x2eb: {  	s1 =	rddreg [dreg:$0x1];
	p0 =	sne.s32 s2, $0x0  }
0x2ec: {  	s3 =	rddreg [dreg:$0x2];
	[bflag:$0x3] =	sbarrier.arrive $0xFFFF;
	s2 =	simm.s32 @!p0 $0x1C03  }
0x2ed: {  	[timem:s3], [sflag:s2] =	dma.local @!p0 [hbm:s0], s1  }
0x2ee: {  	s0 =	simm.s32 @!p0 $0x3  }
0x2ef: {  	_ =	swait.ge @!p0 [sflag:s0], s1  }
0x2f0: {  	s1 =	ssub.s32 @!p0 $0x0, s1;
	[sflag:s0] =	ssyncset.done @!p0 $0x0  }
0x2f1: {  	[sflag:s0] =	ssyncadd.s32 @!p0 s1  }
0x2f2: {  	[bflag:$0x3] =	sbarrier.arrive $0xFFFF  }
0x2f3: {  	_ =	shalt  }

</sc_bundles>
